<compile_context>
chip_gen: v7x
topology: tpu7x:2x2x1
jax: 0.10.2.dev20260603
libtpu: 0.0.44.dev20260713+nightly
codegen_flags: <defaults>
</compile_context>

<pallas_src>
import functools

import jax
import jax.numpy as jnp
import numpy as np
from jax import lax
from jax.experimental import pallas as pl
from jax.experimental.pallas import tpu as pltpu
from jax.experimental.pallas import tpu_sc as plsc

N = 10000
D_FEAT = 128
E = 320000
D_EDGE = 16
STATE_DIM = 128
HIDDEN = 256
N_OUT = 10
MAX_ITER = 5
THR = np.float32(0.01)

NC = 2
NS = 16
NW = NC * NS
EW = E // NW
C = 125
NCH = EW // C
N_PAD = 10240
ROWS_T = N_PAD // NS

TILE = 400
NT = N // TILE

@functools.lru_cache(maxsize=None)
def _sc_mesh():
    return plsc.VectorSubcoreMesh(core_axis_name="c", subcore_axis_name="s",
                                  num_cores=NC, num_subcores=NS)


def _seg_state_body(state_hbm, src3_hbm, dst3_hbm, zeros_hbm, out_hbm,
                    idx_s0, idx_s1, idx_d0, idx_d1, rows, acc,
                    sem0, sem1, isem0, isem1):
    c = lax.axis_index("c")
    s = lax.axis_index("s")
    w = c * NS + s

    pltpu.sync_copy(zeros_hbm, acc.at[pl.ds(s * ROWS_T, ROWS_T)])
    plsc.subcore_barrier()

    gsems = (sem0, sem1)
    isems = (isem0, isem1)
    idx_ss = (idx_s0, idx_s1)
    idx_ds = (idx_d0, idx_d1)

    def loads(i, b):
        pltpu.async_copy(src3_hbm.at[w, i], idx_ss[b], isems[b])
        pltpu.async_copy(dst3_hbm.at[w, i], idx_ds[b], isems[b])

    def wait_loads(i, b):
        pltpu.make_async_copy(src3_hbm.at[w, i], idx_ss[b], isems[b]).wait()
        pltpu.make_async_copy(dst3_hbm.at[w, i], idx_ds[b], isems[b]).wait()

    def gather(b):
        pltpu.async_copy(state_hbm.at[idx_ss[b]], rows.at[b], gsems[b])

    def wait_gather(b):
        pltpu.make_async_copy(state_hbm.at[idx_ss[b]], rows.at[b],
                              gsems[b]).wait()

    def scatter(b):
        pltpu.sync_copy(rows.at[b], acc.at[idx_ds[b]], add=True)

    loads(0, 0)
    wait_loads(0, 0)
    gather(0)
    loads(1, 1)

    def pair(g, carry):
        i0 = 2 * g
        wait_loads(i0 + 1, 1)
        gather(1)
        wait_gather(0)
        scatter(0)
        loads(i0 + 2, 0)
        wait_loads(i0 + 2, 0)
        gather(0)
        wait_gather(1)
        scatter(1)
        loads(i0 + 3, 1)
        return carry

    lax.fori_loop(0, NCH // 2 - 1, pair, 0)
    wait_loads(NCH - 1, 1)
    gather(1)
    wait_gather(0)
    scatter(0)
    wait_gather(1)
    scatter(1)

    plsc.subcore_barrier()
    pltpu.sync_copy(acc.at[pl.ds(s * ROWS_T, ROWS_T)],
                    out_hbm.at[c, pl.ds(s * ROWS_T, ROWS_T)])


@functools.lru_cache(maxsize=None)
def _get_seg_state():
    return pl.kernel(
        _seg_state_body,
        out_type=jax.ShapeDtypeStruct((NC, N_PAD, STATE_DIM), jnp.float32),
        mesh=_sc_mesh(),
        scratch_types=[
            pltpu.VMEM((C,), jnp.int32),
            pltpu.VMEM((C,), jnp.int32),
            pltpu.VMEM((C,), jnp.int32),
            pltpu.VMEM((C,), jnp.int32),
            pltpu.VMEM((2, C, STATE_DIM), jnp.float32),
            pltpu.VMEM_SHARED((N_PAD, STATE_DIM), jnp.float32),
            pltpu.SemaphoreType.DMA,
            pltpu.SemaphoreType.DMA,
            pltpu.SemaphoreType.DMA,
            pltpu.SemaphoreType.DMA,
        ],
    )


def _dot(a, b):
    return jnp.dot(a, b, preferred_element_type=jnp.float32)


def _base_body(nodes, aggn, agga, st0, w1a, w1d, w1e, b1,
               base_out, flags_out):
    x = _dot(nodes[...], w1a[...])
    x = x + _dot(aggn[0] + aggn[1], w1d[...])
    x = x + _dot(agga[0] + agga[1], w1e[...])
    base_out[...] = x + b1[...]
    s = st0[...]
    so = jnp.ones_like(s)
    d = jnp.sqrt(jnp.sum(jnp.square(s - so), axis=1))
    nn = jnp.sqrt(jnp.sum(jnp.square(so), axis=1))
    fl = jnp.any(d > THR * nn)
    flags_out[0, 0, :] = jnp.where(fl, 1.0, 0.0) * jnp.ones((128,), jnp.float32)


_base = pl.pallas_call(
    _base_body,
    grid=(NT,),
    in_specs=[
        pl.BlockSpec((TILE, D_FEAT), lambda i: (i, 0)),
        pl.BlockSpec((NC, TILE, D_FEAT), lambda i: (0, i, 0)),
        pl.BlockSpec((NC, TILE, STATE_DIM), lambda i: (0, i, 0)),
        pl.BlockSpec((TILE, STATE_DIM), lambda i: (i, 0)),
        pl.BlockSpec((D_FEAT, HIDDEN), lambda i: (0, 0)),
        pl.BlockSpec((D_FEAT, HIDDEN), lambda i: (0, 0)),
        pl.BlockSpec((STATE_DIM, HIDDEN), lambda i: (0, 0)),
        pl.BlockSpec((1, HIDDEN), lambda i: (0, 0)),
    ],
    out_specs=[
        pl.BlockSpec((TILE, HIDDEN), lambda i: (i, 0)),
        pl.BlockSpec((1, 1, 128), lambda i: (i, 0, 0)),
    ],
    out_shape=[
        jax.ShapeDtypeStruct((N, HIDDEN), jnp.float32),
        jax.ShapeDtypeStruct((NT, 1, 128), jnp.float32),
    ],
)


def _mlp_body(base, state, so_in, aggs, flags_in, w1b, w1c, w2, b2,
              s_out, so_out, flags_out):
    cont = jnp.max(flags_in[...]) > 0.5
    ag = aggs[0] + aggs[1]
    h = jnp.tanh(base[...] + _dot(state[...], w1b[...]) + _dot(ag, w1c[...]))
    sn = jnp.tanh(_dot(h, w2[...]) + b2[...])
    s_new = jnp.where(cont, sn, state[...])
    so_new = jnp.where(cont, state[...], so_in[...])
    s_out[...] = s_new
    so_out[...] = so_new
    d = jnp.sqrt(jnp.sum(jnp.square(s_new - so_new), axis=1))
    nn = jnp.sqrt(jnp.sum(jnp.square(so_new), axis=1))
    fl = jnp.any(d > THR * nn)
    flags_out[0, 0, :] = jnp.where(fl, 1.0, 0.0) * jnp.ones((128,), jnp.float32)


_mlp = pl.pallas_call(
    _mlp_body,
    grid=(NT,),
    in_specs=[
        pl.BlockSpec((TILE, HIDDEN), lambda i: (i, 0)),
        pl.BlockSpec((TILE, STATE_DIM), lambda i: (i, 0)),
        pl.BlockSpec((TILE, STATE_DIM), lambda i: (i, 0)),
        pl.BlockSpec((NC, TILE, STATE_DIM), lambda i: (0, i, 0)),
        pl.BlockSpec((NT, 1, 128), lambda i: (0, 0, 0)),
        pl.BlockSpec((STATE_DIM, HIDDEN), lambda i: (0, 0)),
        pl.BlockSpec((STATE_DIM, HIDDEN), lambda i: (0, 0)),
        pl.BlockSpec((HIDDEN, STATE_DIM), lambda i: (0, 0)),
        pl.BlockSpec((1, STATE_DIM), lambda i: (0, 0)),
    ],
    out_specs=[
        pl.BlockSpec((TILE, STATE_DIM), lambda i: (i, 0)),
        pl.BlockSpec((TILE, STATE_DIM), lambda i: (i, 0)),
        pl.BlockSpec((1, 1, 128), lambda i: (i, 0, 0)),
    ],
    out_shape=[
        jax.ShapeDtypeStruct((N, STATE_DIM), jnp.float32),
        jax.ShapeDtypeStruct((N, STATE_DIM), jnp.float32),
        jax.ShapeDtypeStruct((NT, 1, 128), jnp.float32),
    ],
)


def _out_body(nodes, state, u1a, u1b, c1, u2p, c2p, out_ref):
    h = jnp.tanh(_dot(nodes[...], u1a[...]) + _dot(state[...], u1b[...])
                 + c1[...])
    out_ref[...] = _dot(h, u2p[...]) + c2p[...]


_outnet = pl.pallas_call(
    _out_body,
    grid=(NT,),
    in_specs=[
        pl.BlockSpec((TILE, D_FEAT), lambda i: (i, 0)),
        pl.BlockSpec((TILE, STATE_DIM), lambda i: (i, 0)),
        pl.BlockSpec((D_FEAT, HIDDEN), lambda i: (0, 0)),
        pl.BlockSpec((STATE_DIM, HIDDEN), lambda i: (0, 0)),
        pl.BlockSpec((1, HIDDEN), lambda i: (0, 0)),
        pl.BlockSpec((HIDDEN, 128), lambda i: (0, 0)),
        pl.BlockSpec((1, 128), lambda i: (0, 0)),
    ],
    out_specs=pl.BlockSpec((TILE, 128), lambda i: (i, 0)),
    out_shape=jax.ShapeDtypeStruct((N, 128), jnp.float32),
)


def kernel(nodes, arc_labels, edge_index, set_mask, output_mask, state_init,
           W1, b1, W2, b2, U1, c1, U2, c2):
    src3 = edge_index[0].reshape(NW, NCH, C)
    dst3 = edge_index[1].reshape(NW, NCH, C)
    arcsP = jnp.pad(arc_labels, ((0, 0), (0, STATE_DIM - D_EDGE)))
    eid3 = jnp.arange(E, dtype=jnp.int32).reshape(NW, NCH, C)
    zn = jnp.zeros((ROWS_T, D_FEAT), jnp.float32)

    aggn = _get_seg_state()(nodes, src3, dst3, zn)
    agga = _get_seg_state()(arcsP, eid3, dst3, zn)

    w1a = W1[0:128]
    w1b = W1[128:256]
    w1c = W1[256:384]
    w1d = W1[384:512]
    w1e = jnp.pad(W1[512:528], ((0, STATE_DIM - D_EDGE), (0, 0)))
    b1r = b1.reshape(1, HIDDEN)
    b2r = b2.reshape(1, STATE_DIM)

    base, flags = _base(nodes, aggn, agga, state_init, w1a, w1d, w1e, b1r)

    state = state_init
    state_old = jnp.ones_like(state_init)
    k = jnp.asarray(0.0, jnp.float32)
    for _ in range(MAX_ITER):
        cont = jnp.max(flags) > 0.5
        k = k + jnp.where(cont, 1.0, 0.0).astype(jnp.float32)
        aggs = _get_seg_state()(state, src3, dst3, zn)
        state, state_old, flags = _mlp(base, state, state_old, aggs, flags,
                                       w1b, w1c, W2, b2r)

    maskf = jnp.logical_and(set_mask, output_mask).astype(jnp.float32)[:, None]
    mn = nodes * maskf
    ms = state * maskf
    u1a = U1[0:128]
    u1b = U1[128:256]
    c1r = c1.reshape(1, HIDDEN)
    u2p = jnp.zeros((HIDDEN, 128), jnp.float32).at[:, :N_OUT].set(U2)
    c2p = jnp.zeros((1, 128), jnp.float32).at[0, :N_OUT].set(c2)
    outp = _outnet(mn, ms, u1a, u1b, c1r, u2p, c2p)
    out = outp[:, :N_OUT]
    return k, state, out

# --- scband reference (transcript-rebuilt; emitter-appended) ---
"""Pipeline reference for scband-gnnnode-based-20091857011096 (READ-ONLY COPY).

The authoritative reference and input builder live on the scoring server;
editing this copy changes nothing except your own understanding.
"""

import jax, jax.numpy as jnp
import numpy as np

N = 10000
D_FEAT = 128
E = 320000
D_EDGE = 16
STATE_DIM = 128
HIDDEN_S = 256
HIDDEN_O = 256
N_OUT = 10
MAX_ITER = 5
THRESHOLD = 0.01
# net_state input: [nodes | state | aggregated_states | aggregated_nodes | aggregated_arcs]
INP_STATE = D_FEAT + STATE_DIM + STATE_DIM + D_FEAT + D_EDGE  # 528
INP_OUT = D_FEAT + STATE_DIM  # 256


def setup_inputs(seed: int = 0) -> dict:
    key = jax.random.key(seed)
    ks = jax.random.split(key, 12)
    nodes = jax.random.normal(ks[0], (N, D_FEAT), dtype=jnp.float32)
    arc_labels = jax.random.normal(ks[1], (E, D_EDGE), dtype=jnp.float32)
    edge_index = jax.random.randint(ks[2], (2, E), 0, N, dtype=jnp.int32)
    set_mask = jnp.ones((N,), dtype=bool)
    output_mask = jnp.ones((N,), dtype=bool)
    # state_t0 in GNNkeras: tf.random.normal((N, state_vect_dim), stddev=0.1)
    state_init = 0.1 * jax.random.normal(ks[3], (N, STATE_DIM), dtype=jnp.float32)
    # net_state MLP params (Dense(256, tanh) -> Dense(128, tanh))
    W1 = jax.random.normal(ks[4], (INP_STATE, HIDDEN_S), dtype=jnp.float32) / np.sqrt(INP_STATE)
    b1 = jnp.zeros((HIDDEN_S,), dtype=jnp.float32)
    W2 = jax.random.normal(ks[5], (HIDDEN_S, STATE_DIM), dtype=jnp.float32) / np.sqrt(HIDDEN_S)
    b2 = jnp.zeros((STATE_DIM,), dtype=jnp.float32)
    # net_output MLP params (Dense(256, tanh) -> Dense(10))
    U1 = jax.random.normal(ks[6], (INP_OUT, HIDDEN_O), dtype=jnp.float32) / np.sqrt(INP_OUT)
    c1 = jnp.zeros((HIDDEN_O,), dtype=jnp.float32)
    U2 = jax.random.normal(ks[7], (HIDDEN_O, N_OUT), dtype=jnp.float32) / np.sqrt(HIDDEN_O)
    c2 = jnp.zeros((N_OUT,), dtype=jnp.float32)
    return {"nodes": nodes, "arc_labels": arc_labels, "edge_index": edge_index,
            "set_mask": set_mask, "output_mask": output_mask, "state_init": state_init,
            "W1": W1, "b1": b1, "W2": W2, "b2": b2,
            "U1": U1, "c1": c1, "U2": U2, "c2": c2}


def reference(nodes, arc_labels, edge_index, set_mask, output_mask, state_init,
              W1, b1, W2, b2, U1, c1, U2, c2):
    src = edge_index[0]
    dst = edge_index[1]

    def net_state(x):
        return jnp.tanh(jnp.tanh(x @ W1 + b1) @ W2 + b2)

    def net_output(x):
        return jnp.tanh(x @ U1 + c1) @ U2 + c2

    # aggregated_component (constant across iterations):
    # transposed_adjacency @ nodes  -> sum of source-node labels into each dst node
    aggregated_nodes = jax.ops.segment_sum(nodes[src], dst, num_segments=N)
    # transposed_arcnode @ arcs[:,2:] -> sum of incoming arc labels into each dst node
    aggregated_arcs = jax.ops.segment_sum(arc_labels, dst, num_segments=N)
    aggregated_component = jnp.concatenate([aggregated_nodes, aggregated_arcs], axis=1)

    state = state_init
    state_old = jnp.ones_like(state)
    k = jnp.asarray(0.0, dtype=jnp.float32)

    # tf.while_loop(condition, convergence, ...) unrolled to MAX_ITER steps with
    # the convergence condition gating updates (identical semantics since the
    # loop can run at most max_iteration times).
    for _ in range(MAX_ITER):
        out_distance = jnp.sqrt(jnp.sum(jnp.square(state - state_old), axis=1))
        state_norm = jnp.sqrt(jnp.sum(jnp.square(state_old), axis=1))
        cont = jnp.any(out_distance > THRESHOLD * state_norm)
        # convergence step
        node_components = jnp.concatenate([nodes, state], axis=1)  # state_vect_dim > 0
        aggregated_states = jax.ops.segment_sum(state[src], dst, num_segments=N)
        inp_state = jnp.concatenate([node_components, aggregated_states, aggregated_component], axis=1)
        state_new = net_state(inp_state)
        state_old = jnp.where(cont, state, state_old)
        state = jnp.where(cont, state_new, state)
        k = k + jnp.where(cont, 1.0, 0.0)

    # apply_filters: concat node labels to converged state, mask by set & output masks.
    # Masks are all-True here, so row selection is the identity; use where to keep
    # a static shape.
    mask = jnp.logical_and(set_mask, output_mask)
    filtered = jnp.concatenate([nodes, state], axis=1)
    filtered = jnp.where(mask[:, None], filtered, 0.0)
    out = net_output(filtered)
    return k, state, out


if False:  # reference __main__ guard neutralized (emitter)
    inp = setup_inputs()
    k, state, out = reference(**inp)
    print(k, state.shape, out.shape)

if __name__ == "__main__":
    import jax
    _d = setup_inputs()
    print(jax.jit(kernel)(*tuple(_d.values())))

</pallas_src>

<mosaic_0001>
#map = affine_map<(d0, d1) -> (0, 0)>
#map1 = affine_map<(d0, d1) -> (0, 0, 0)>
module attributes {stable_mosaic.version = 14 : i64} {
  func.func @_seg_state_body(%arg0: i32, %arg1: i32, %arg2: memref<320000x128xf32, #tpu.memory_space<hbm>>, %arg3: memref<32x80x125xi32, #tpu.memory_space<hbm>>, %arg4: memref<32x80x125xi32, #tpu.memory_space<hbm>>, %arg5: memref<640x128xf32, #tpu.memory_space<hbm>>, %arg6: memref<2x10240x128xf32, #tpu.memory_space<hbm>>, %arg7: memref<125xi32, #tpu.memory_space<vmem>>, %arg8: memref<125xi32, #tpu.memory_space<vmem>>, %arg9: memref<125xi32, #tpu.memory_space<vmem>>, %arg10: memref<125xi32, #tpu.memory_space<vmem>>, %arg11: memref<2x125x128xf32, #tpu.memory_space<vmem>>, %arg12: memref<10240x128xf32, #tpu.memory_space<vmem_shared>>, %arg13: memref<!tpu.dma_semaphore, #tpu.memory_space<semaphore_mem>>, %arg14: memref<!tpu.dma_semaphore, #tpu.memory_space<semaphore_mem>>, %arg15: memref<!tpu.dma_semaphore, #tpu.memory_space<semaphore_mem>>, %arg16: memref<!tpu.dma_semaphore, #tpu.memory_space<semaphore_mem>>) attributes {dimension_semantics = [#tpu.dimension_semantics<core_parallel>, #tpu.dimension_semantics<subcore_parallel>], iteration_bounds = array<i64: 2, 16>, scalar_prefetch = 0 : i64, scratch_operands = 10 : i64, tpu.core_type = #tpu.core_type<sc_vector_subcore>, window_params = [{transform_indices = #map}, {transform_indices = #map1}, {transform_indices = #map1}, {transform_indices = #map}, {transform_indices = #map1}]} {
    %mul3A = arith.constant 16 : i32
    %mul3A_0 = arith.muli %arg0, %mul3A : i32
    %add3A = arith.addi %mul3A_0, %arg1 : i32
    %mul3A_1 = arith.constant 640 : i32
    %mul3A_2 = arith.muli %arg1, %mul3A_1 : i32
    "tpu.region"() ({
      %run_scoped3A_100 = tpu.sem_alloc : memref<!tpu.dma_semaphore, #tpu.memory_space<semaphore_mem>>
      %dma_start3A_101 = arith.constant 0 : i32
      %dma_start3A_102 = tpu.memref_slice %arg12[%mul3A_2, %dma_start3A_101] : memref<10240x128xf32, #tpu.memory_space<vmem_shared>> -> memref<640x128xf32, #tpu.memory_space<vmem_shared>>
      tpu.enqueue_dma source(%arg5 : memref<640x128xf32, #tpu.memory_space<hbm>>) target(%dma_start3A_102 : memref<640x128xf32, #tpu.memory_space<vmem_shared>>) target_semaphore(%run_scoped3A_100 : memref<!tpu.dma_semaphore, #tpu.memory_space<semaphore_mem>>)
      %dma_wait3A_103 = arith.constant 0 : i32
      %dma_wait3A_104 = tpu.memref_slice %arg12[%mul3A_2, %dma_wait3A_103] : memref<10240x128xf32, #tpu.memory_space<vmem_shared>> -> memref<640x128xf32, #tpu.memory_space<vmem_shared>>
      tpu.wait_dma2 semaphore(%run_scoped3A_100 : memref<!tpu.dma_semaphore, #tpu.memory_space<semaphore_mem>>) src(%arg5 : memref<640x128xf32, #tpu.memory_space<hbm>>) dst(%dma_wait3A_104 : memref<640x128xf32, #tpu.memory_space<vmem_shared>>)
      tpu.yield
    }) : () -> ()
    %barrier3A = arith.constant 0 : index
    tpu.barrier barrier_id(%barrier3A)
    %dma_start3A = arith.constant 0 : i32
    %dma_start3A_3 = arith.constant 0 : i32
    %dma_start3A_4 = tpu.memref_slice %arg3[%add3A, %dma_start3A, %dma_start3A_3] : memref<32x80x125xi32, #tpu.memory_space<hbm>> -> memref<1x1x125xi32, #tpu.memory_space<hbm>>
    %dma_start3A_5 = tpu.memref_squeeze %dma_start3A_4 : memref<1x1x125xi32, #tpu.memory_space<hbm>> -> memref<125xi32, #tpu.memory_space<hbm>>
    %dma_start3A_6 = arith.constant 0 : i32
    %dma_start3A_7 = tpu.memref_slice %arg3[%add3A, %dma_start3A, %dma_start3A_6] : memref<32x80x125xi32, #tpu.memory_space<hbm>> -> memref<1x1x125xi32, #tpu.memory_space<hbm>>
    %dma_start3A_8 = tpu.memref_squeeze %dma_start3A_7 : memref<1x1x125xi32, #tpu.memory_space<hbm>> -> memref<125xi32, #tpu.memory_space<hbm>>
    tpu.enqueue_dma source(%dma_start3A_8 : memref<125xi32, #tpu.memory_space<hbm>>) target(%arg7 : memref<125xi32, #tpu.memory_space<vmem>>) target_semaphore(%arg15 : memref<!tpu.dma_semaphore, #tpu.memory_space<semaphore_mem>>)
    %dma_start3A_9 = arith.constant 0 : i32
    %dma_start3A_10 = arith.constant 0 : i32
    %dma_start3A_11 = tpu.memref_slice %arg4[%add3A, %dma_start3A_9, %dma_start3A_10] : memref<32x80x125xi32, #tpu.memory_space<hbm>> -> memref<1x1x125xi32, #tpu.memory_space<hbm>>
    %dma_start3A_12 = tpu.memref_squeeze %dma_start3A_11 : memref<1x1x125xi32, #tpu.memory_space<hbm>> -> memref<125xi32, #tpu.memory_space<hbm>>
    %dma_start3A_13 = arith.constant 0 : i32
    %dma_start3A_14 = tpu.memref_slice %arg4[%add3A, %dma_start3A_9, %dma_start3A_13] : memref<32x80x125xi32, #tpu.memory_space<hbm>> -> memref<1x1x125xi32, #tpu.memory_space<hbm>>
    %dma_start3A_15 = tpu.memref_squeeze %dma_start3A_14 : memref<1x1x125xi32, #tpu.memory_space<hbm>> -> memref<125xi32, #tpu.memory_space<hbm>>
    tpu.enqueue_dma source(%dma_start3A_15 : memref<125xi32, #tpu.memory_space<hbm>>) target(%arg9 : memref<125xi32, #tpu.memory_space<vmem>>) target_semaphore(%arg15 : memref<!tpu.dma_semaphore, #tpu.memory_space<semaphore_mem>>)
    %dma_wait3A = arith.constant 0 : i32
    %dma_wait3A_16 = arith.constant 0 : i32
    %dma_wait3A_17 = tpu.memref_slice %arg3[%add3A, %dma_wait3A, %dma_wait3A_16] : memref<32x80x125xi32, #tpu.memory_space<hbm>> -> memref<1x1x125xi32, #tpu.memory_space<hbm>>
    %dma_wait3A_18 = tpu.memref_squeeze %dma_wait3A_17 : memref<1x1x125xi32, #tpu.memory_space<hbm>> -> memref<125xi32, #tpu.memory_space<hbm>>
    %dma_wait3A_19 = arith.constant 0 : i32
    %dma_wait3A_20 = tpu.memref_slice %arg3[%add3A, %dma_wait3A, %dma_wait3A_19] : memref<32x80x125xi32, #tpu.memory_space<hbm>> -> memref<1x1x125xi32, #tpu.memory_space<hbm>>
    %dma_wait3A_21 = tpu.memref_squeeze %dma_wait3A_20 : memref<1x1x125xi32, #tpu.memory_space<hbm>> -> memref<125xi32, #tpu.memory_space<hbm>>
    tpu.wait_dma2 semaphore(%arg15 : memref<!tpu.dma_semaphore, #tpu.memory_space<semaphore_mem>>) src(%dma_wait3A_21 : memref<125xi32, #tpu.memory_space<hbm>>) dst(%arg7 : memref<125xi32, #tpu.memory_space<vmem>>)
    %dma_wait3A_22 = arith.constant 0 : i32
    %dma_wait3A_23 = arith.constant 0 : i32
    %dma_wait3A_24 = tpu.memref_slice %arg4[%add3A, %dma_wait3A_22, %dma_wait3A_23] : memref<32x80x125xi32, #tpu.memory_space<hbm>> -> memref<1x1x125xi32, #tpu.memory_space<hbm>>
    %dma_wait3A_25 = tpu.memref_squeeze %dma_wait3A_24 : memref<1x1x125xi32, #tpu.memory_space<hbm>> -> memref<125xi32, #tpu.memory_space<hbm>>
    %dma_wait3A_26 = arith.constant 0 : i32
    %dma_wait3A_27 = tpu.memref_slice %arg4[%add3A, %dma_wait3A_22, %dma_wait3A_26] : memref<32x80x125xi32, #tpu.memory_space<hbm>> -> memref<1x1x125xi32, #tpu.memory_space<hbm>>
    %dma_wait3A_28 = tpu.memref_squeeze %dma_wait3A_27 : memref<1x1x125xi32, #tpu.memory_space<hbm>> -> memref<125xi32, #tpu.memory_space<hbm>>
    tpu.wait_dma2 semaphore(%arg15 : memref<!tpu.dma_semaphore, #tpu.memory_space<semaphore_mem>>) src(%dma_wait3A_28 : memref<125xi32, #tpu.memory_space<hbm>>) dst(%arg9 : memref<125xi32, #tpu.memory_space<vmem>>)
    %dma_start3A_29 = arith.constant 0 : i32
    %dma_start3A_30 = arith.constant 0 : i32
    %dma_start3A_31 = arith.constant 0 : i32
    %dma_start3A_32 = tpu.memref_slice %arg11[%dma_start3A_29, %dma_start3A_30, %dma_start3A_31] : memref<2x125x128xf32, #tpu.memory_space<vmem>> -> memref<1x125x128xf32, #tpu.memory_space<vmem>>
    %dma_start3A_33 = tpu.memref_squeeze %dma_start3A_32 : memref<1x125x128xf32, #tpu.memory_space<vmem>> -> memref<125x128xf32, #tpu.memory_space<vmem>>
    %dma_start3A_34 = arith.constant 0 : i32
    %dma_start3A_35 = arith.constant 0 : i32
    %dma_start3A_36 = tpu.memref_slice %arg2[%dma_start3A_34, %dma_start3A_35] : memref<320000x128xf32, #tpu.memory_space<hbm>> -> memref<320000x128xf32, #tpu.memory_space<hbm>>
    tpu.enqueue_indirect_dma source(%dma_start3A_36 : memref<320000x128xf32, #tpu.memory_space<hbm>>) target(%dma_start3A_33 : memref<125x128xf32, #tpu.memory_space<vmem>>) offsets(%arg7 : memref<125xi32, #tpu.memory_space<vmem>>) semaphore(%arg13 : memref<!tpu.dma_semaphore, #tpu.memory_space<semaphore_mem>>)
    %dma_start3A_37 = arith.constant 1 : i32
    %dma_start3A_38 = arith.constant 0 : i32
    %dma_start3A_39 = tpu.memref_slice %arg3[%add3A, %dma_start3A_37, %dma_start3A_38] : memref<32x80x125xi32, #tpu.memory_space<hbm>> -> memref<1x1x125xi32, #tpu.memory_space<hbm>>
    %dma_start3A_40 = tpu.memref_squeeze %dma_start3A_39 : memref<1x1x125xi32, #tpu.memory_space<hbm>> -> memref<125xi32, #tpu.memory_space<hbm>>
    %dma_start3A_41 = arith.constant 0 : i32
    %dma_start3A_42 = tpu.memref_slice %arg3[%add3A, %dma_start3A_37, %dma_start3A_41] : memref<32x80x125xi32, #tpu.memory_space<hbm>> -> memref<1x1x125xi32, #tpu.memory_space<hbm>>
    %dma_start3A_43 = tpu.memref_squeeze %dma_start3A_42 : memref<1x1x125xi32, #tpu.memory_space<hbm>> -> memref<125xi32, #tpu.memory_space<hbm>>
    tpu.enqueue_dma source(%dma_start3A_43 : memref<125xi32, #tpu.memory_space<hbm>>) target(%arg8 : memref<125xi32, #tpu.memory_space<vmem>>) target_semaphore(%arg16 : memref<!tpu.dma_semaphore, #tpu.memory_space<semaphore_mem>>)
    %dma_start3A_44 = arith.constant 1 : i32
    %dma_start3A_45 = arith.constant 0 : i32
    %dma_start3A_46 = tpu.memref_slice %arg4[%add3A, %dma_start3A_44, %dma_start3A_45] : memref<32x80x125xi32, #tpu.memory_space<hbm>> -> memref<1x1x125xi32, #tpu.memory_space<hbm>>
    %dma_start3A_47 = tpu.memref_squeeze %dma_start3A_46 : memref<1x1x125xi32, #tpu.memory_space<hbm>> -> memref<125xi32, #tpu.memory_space<hbm>>
    %dma_start3A_48 = arith.constant 0 : i32
    %dma_start3A_49 = tpu.memref_slice %arg4[%add3A, %dma_start3A_44, %dma_start3A_48] : memref<32x80x125xi32, #tpu.memory_space<hbm>> -> memref<1x1x125xi32, #tpu.memory_space<hbm>>
    %dma_start3A_50 = tpu.memref_squeeze %dma_start3A_49 : memref<1x1x125xi32, #tpu.memory_space<hbm>> -> memref<125xi32, #tpu.memory_space<hbm>>
    tpu.enqueue_dma source(%dma_start3A_50 : memref<125xi32, #tpu.memory_space<hbm>>) target(%arg10 : memref<125xi32, #tpu.memory_space<vmem>>) target_semaphore(%arg16 : memref<!tpu.dma_semaphore, #tpu.memory_space<semaphore_mem>>)
    %scan3A = arith.constant 0 : i32
    %scan3A_51 = arith.constant 0 : i32
    %scan3A_52 = arith.constant 39 : i32
    %scan3A_53 = arith.addi %scan3A_51, %scan3A_52 : i32
    %scan3A_54 = arith.constant 1 : i32
    scf.for %scan3A_100 = %scan3A_51 to %scan3A_53 step %scan3A_54  : i32 {
      %mul3A_101 = arith.constant 2 : i32
      %mul3A_102 = arith.muli %mul3A_101, %scan3A_100 : i32
      %add3A_103 = arith.constant 1 : i32
      %add3A_104 = arith.addi %mul3A_102, %add3A_103 : i32
      %dma_wait3A_105 = arith.constant 0 : i32
      %dma_wait3A_106 = tpu.memref_slice %arg3[%add3A, %add3A_104, %dma_wait3A_105] : memref<32x80x125xi32, #tpu.memory_space<hbm>> -> memref<1x1x125xi32, #tpu.memory_space<hbm>>
      %dma_wait3A_107 = tpu.memref_squeeze %dma_wait3A_106 : memref<1x1x125xi32, #tpu.memory_space<hbm>> -> memref<125xi32, #tpu.memory_space<hbm>>
      %dma_wait3A_108 = arith.constant 0 : i32
      %dma_wait3A_109 = tpu.memref_slice %arg3[%add3A, %add3A_104, %dma_wait3A_108] : memref<32x80x125xi32, #tpu.memory_space<hbm>> -> memref<1x1x125xi32, #tpu.memory_space<hbm>>
      %dma_wait3A_110 = tpu.memref_squeeze %dma_wait3A_109 : memref<1x1x125xi32, #tpu.memory_space<hbm>> -> memref<125xi32, #tpu.memory_space<hbm>>
      tpu.wait_dma2 semaphore(%arg16 : memref<!tpu.dma_semaphore, #tpu.memory_space<semaphore_mem>>) src(%dma_wait3A_110 : memref<125xi32, #tpu.memory_space<hbm>>) dst(%arg8 : memref<125xi32, #tpu.memory_space<vmem>>)
      %dma_wait3A_111 = arith.constant 0 : i32
      %dma_wait3A_112 = tpu.memref_slice %arg4[%add3A, %add3A_104, %dma_wait3A_111] : memref<32x80x125xi32, #tpu.memory_space<hbm>> -> memref<1x1x125xi32, #tpu.memory_space<hbm>>
      %dma_wait3A_113 = tpu.memref_squeeze %dma_wait3A_112 : memref<1x1x125xi32, #tpu.memory_space<hbm>> -> memref<125xi32, #tpu.memory_space<hbm>>
      %dma_wait3A_114 = arith.constant 0 : i32
      %dma_wait3A_115 = tpu.memref_slice %arg4[%add3A, %add3A_104, %dma_wait3A_114] : memref<32x80x125xi32, #tpu.memory_space<hbm>> -> memref<1x1x125xi32, #tpu.memory_space<hbm>>
      %dma_wait3A_116 = tpu.memref_squeeze %dma_wait3A_115 : memref<1x1x125xi32, #tpu.memory_space<hbm>> -> memref<125xi32, #tpu.memory_space<hbm>>
      tpu.wait_dma2 semaphore(%arg16 : memref<!tpu.dma_semaphore, #tpu.memory_space<semaphore_mem>>) src(%dma_wait3A_116 : memref<125xi32, #tpu.memory_space<hbm>>) dst(%arg10 : memref<125xi32, #tpu.memory_space<vmem>>)
      %dma_start3A_117 = arith.constant 1 : i32
      %dma_start3A_118 = arith.constant 0 : i32
      %dma_start3A_119 = arith.constant 0 : i32
      %dma_start3A_120 = tpu.memref_slice %arg11[%dma_start3A_117, %dma_start3A_118, %dma_start3A_119] : memref<2x125x128xf32, #tpu.memory_space<vmem>> -> memref<1x125x128xf32, #tpu.memory_space<vmem>>
      %dma_start3A_121 = tpu.memref_squeeze %dma_start3A_120 : memref<1x125x128xf32, #tpu.memory_space<vmem>> -> memref<125x128xf32, #tpu.memory_space<vmem>>
      %dma_start3A_122 = arith.constant 0 : i32
      %dma_start3A_123 = arith.constant 0 : i32
      %dma_start3A_124 = tpu.memref_slice %arg2[%dma_start3A_122, %dma_start3A_123] : memref<320000x128xf32, #tpu.memory_space<hbm>> -> memref<320000x128xf32, #tpu.memory_space<hbm>>
      tpu.enqueue_indirect_dma source(%dma_start3A_124 : memref<320000x128xf32, #tpu.memory_space<hbm>>) target(%dma_start3A_121 : memref<125x128xf32, #tpu.memory_space<vmem>>) offsets(%arg8 : memref<125xi32, #tpu.memory_space<vmem>>) semaphore(%arg14 : memref<!tpu.dma_semaphore, #tpu.memory_space<semaphore_mem>>)
      %dma_wait3A_125 = arith.constant 0 : i32
      %dma_wait3A_126 = arith.constant 0 : i32
      %dma_wait3A_127 = arith.constant 0 : i32
      %dma_wait3A_128 = tpu.memref_slice %arg11[%dma_wait3A_125, %dma_wait3A_126, %dma_wait3A_127] : memref<2x125x128xf32, #tpu.memory_space<vmem>> -> memref<1x125x128xf32, #tpu.memory_space<vmem>>
      %dma_wait3A_129 = tpu.memref_squeeze %dma_wait3A_128 : memref<1x125x128xf32, #tpu.memory_space<vmem>> -> memref<125x128xf32, #tpu.memory_space<vmem>>
      %dma_wait3A_130 = arith.constant 0 : i32
      %dma_wait3A_131 = arith.constant 0 : i32
      %dma_wait3A_132 = tpu.memref_slice %arg2[%dma_wait3A_130, %dma_wait3A_131] : memref<320000x128xf32, #tpu.memory_space<hbm>> -> memref<320000x128xf32, #tpu.memory_space<hbm>>
      tpu.wait_indirect_dma semaphore(%arg13 : memref<!tpu.dma_semaphore, #tpu.memory_space<semaphore_mem>>) src(%dma_wait3A_132 : memref<320000x128xf32, #tpu.memory_space<hbm>>) dst(%dma_wait3A_129 : memref<125x128xf32, #tpu.memory_space<vmem>>)
      %run_scoped3A_133 = arith.constant 0 : i32
      "tpu.region"() ({
        %run_scoped3A_193 = tpu.sem_alloc : memref<!tpu.dma_semaphore, #tpu.memory_space<semaphore_mem>>
        %dma_start3A_194 = arith.constant 0 : i32
        %dma_start3A_195 = arith.constant 0 : i32
        %dma_start3A_196 = tpu.memref_slice %arg11[%run_scoped3A_133, %dma_start3A_194, %dma_start3A_195] : memref<2x125x128xf32, #tpu.memory_space<vmem>> -> memref<1x125x128xf32, #tpu.memory_space<vmem>>
        %dma_start3A_197 = tpu.memref_squeeze %dma_start3A_196 : memref<1x125x128xf32, #tpu.memory_space<vmem>> -> memref<125x128xf32, #tpu.memory_space<vmem>>
        %dma_start3A_198 = arith.constant 0 : i32
        %dma_start3A_199 = arith.constant 0 : i32
        %dma_start3A_200 = tpu.memref_slice %arg12[%dma_start3A_198, %dma_start3A_199] : memref<10240x128xf32, #tpu.memory_space<vmem_shared>> -> memref<10240x128xf32, #tpu.memory_space<vmem_shared>>
        tpu.enqueue_indirect_dma source(%dma_start3A_197 : memref<125x128xf32, #tpu.memory_space<vmem>>) target(%dma_start3A_200 : memref<10240x128xf32, #tpu.memory_space<vmem_shared>>) offsets(%arg9 : memref<125xi32, #tpu.memory_space<vmem>>) semaphore(%run_scoped3A_193 : memref<!tpu.dma_semaphore, #tpu.memory_space<semaphore_mem>>) {add = true}
        %dma_wait3A_201 = arith.constant 0 : i32
        %dma_wait3A_202 = arith.constant 0 : i32
        %dma_wait3A_203 = tpu.memref_slice %arg11[%run_scoped3A_133, %dma_wait3A_201, %dma_wait3A_202] : memref<2x125x128xf32, #tpu.memory_space<vmem>> -> memref<1x125x128xf32, #tpu.memory_space<vmem>>
        %dma_wait3A_204 = tpu.memref_squeeze %dma_wait3A_203 : memref<1x125x128xf32, #tpu.memory_space<vmem>> -> memref<125x128xf32, #tpu.memory_space<vmem>>
        %dma_wait3A_205 = arith.constant 0 : i32
        %dma_wait3A_206 = arith.constant 0 : i32
        %dma_wait3A_207 = tpu.memref_slice %arg12[%dma_wait3A_205, %dma_wait3A_206] : memref<10240x128xf32, #tpu.memory_space<vmem_shared>> -> memref<10240x128xf32, #tpu.memory_space<vmem_shared>>
        tpu.wait_indirect_dma semaphore(%run_scoped3A_193 : memref<!tpu.dma_semaphore, #tpu.memory_space<semaphore_mem>>) src(%dma_wait3A_204 : memref<125x128xf32, #tpu.memory_space<vmem>>) dst(%dma_wait3A_207 : memref<10240x128xf32, #tpu.memory_space<vmem_shared>>)
        tpu.yield
      }) : () -> ()
      %add3A_134 = arith.constant 2 : i32
      %add3A_135 = arith.addi %mul3A_102, %add3A_134 : i32
      %dma_start3A_136 = arith.constant 0 : i32
      %dma_start3A_137 = tpu.memref_slice %arg3[%add3A, %add3A_135, %dma_start3A_136] : memref<32x80x125xi32, #tpu.memory_space<hbm>> -> memref<1x1x125xi32, #tpu.memory_space<hbm>>
      %dma_start3A_138 = tpu.memref_squeeze %dma_start3A_137 : memref<1x1x125xi32, #tpu.memory_space<hbm>> -> memref<125xi32, #tpu.memory_space<hbm>>
      %dma_start3A_139 = arith.constant 0 : i32
      %dma_start3A_140 = tpu.memref_slice %arg3[%add3A, %add3A_135, %dma_start3A_139] : memref<32x80x125xi32, #tpu.memory_space<hbm>> -> memref<1x1x125xi32, #tpu.memory_space<hbm>>
      %dma_start3A_141 = tpu.memref_squeeze %dma_start3A_140 : memref<1x1x125xi32, #tpu.memory_space<hbm>> -> memref<125xi32, #tpu.memory_space<hbm>>
      tpu.enqueue_dma source(%dma_start3A_141 : memref<125xi32, #tpu.memory_space<hbm>>) target(%arg7 : memref<125xi32, #tpu.memory_space<vmem>>) target_semaphore(%arg15 : memref<!tpu.dma_semaphore, #tpu.memory_space<semaphore_mem>>)
      %dma_start3A_142 = arith.constant 0 : i32
      %dma_start3A_143 = tpu.memref_slice %arg4[%add3A, %add3A_135, %dma_start3A_142] : memref<32x80x125xi32, #tpu.memory_space<hbm>> -> memref<1x1x125xi32, #tpu.memory_space<hbm>>
      %dma_start3A_144 = tpu.memref_squeeze %dma_start3A_143 : memref<1x1x125xi32, #tpu.memory_space<hbm>> -> memref<125xi32, #tpu.memory_space<hbm>>
      %dma_start3A_145 = arith.constant 0 : i32
      %dma_start3A_146 = tpu.memref_slice %arg4[%add3A, %add3A_135, %dma_start3A_145] : memref<32x80x125xi32, #tpu.memory_space<hbm>> -> memref<1x1x125xi32, #tpu.memory_space<hbm>>
      %dma_start3A_147 = tpu.memref_squeeze %dma_start3A_146 : memref<1x1x125xi32, #tpu.memory_space<hbm>> -> memref<125xi32, #tpu.memory_space<hbm>>
      tpu.enqueue_dma source(%dma_start3A_147 : memref<125xi32, #tpu.memory_space<hbm>>) target(%arg9 : memref<125xi32, #tpu.memory_space<vmem>>) target_semaphore(%arg15 : memref<!tpu.dma_semaphore, #tpu.memory_space<semaphore_mem>>)
      %add3A_148 = arith.constant 2 : i32
      %add3A_149 = arith.addi %mul3A_102, %add3A_148 : i32
      %dma_wait3A_150 = arith.constant 0 : i32
      %dma_wait3A_151 = tpu.memref_slice %arg3[%add3A, %add3A_149, %dma_wait3A_150] : memref<32x80x125xi32, #tpu.memory_space<hbm>> -> memref<1x1x125xi32, #tpu.memory_space<hbm>>
      %dma_wait3A_152 = tpu.memref_squeeze %dma_wait3A_151 : memref<1x1x125xi32, #tpu.memory_space<hbm>> -> memref<125xi32, #tpu.memory_space<hbm>>
      %dma_wait3A_153 = arith.constant 0 : i32
      %dma_wait3A_154 = tpu.memref_slice %arg3[%add3A, %add3A_149, %dma_wait3A_153] : memref<32x80x125xi32, #tpu.memory_space<hbm>> -> memref<1x1x125xi32, #tpu.memory_space<hbm>>
      %dma_wait3A_155 = tpu.memref_squeeze %dma_wait3A_154 : memref<1x1x125xi32, #tpu.memory_space<hbm>> -> memref<125xi32, #tpu.memory_space<hbm>>
      tpu.wait_dma2 semaphore(%arg15 : memref<!tpu.dma_semaphore, #tpu.memory_space<semaphore_mem>>) src(%dma_wait3A_155 : memref<125xi32, #tpu.memory_space<hbm>>) dst(%arg7 : memref<125xi32, #tpu.memory_space<vmem>>)
      %dma_wait3A_156 = arith.constant 0 : i32
      %dma_wait3A_157 = tpu.memref_slice %arg4[%add3A, %add3A_149, %dma_wait3A_156] : memref<32x80x125xi32, #tpu.memory_space<hbm>> -> memref<1x1x125xi32, #tpu.memory_space<hbm>>
      %dma_wait3A_158 = tpu.memref_squeeze %dma_wait3A_157 : memref<1x1x125xi32, #tpu.memory_space<hbm>> -> memref<125xi32, #tpu.memory_space<hbm>>
      %dma_wait3A_159 = arith.constant 0 : i32
      %dma_wait3A_160 = tpu.memref_slice %arg4[%add3A, %add3A_149, %dma_wait3A_159] : memref<32x80x125xi32, #tpu.memory_space<hbm>> -> memref<1x1x125xi32, #tpu.memory_space<hbm>>
      %dma_wait3A_161 = tpu.memref_squeeze %dma_wait3A_160 : memref<1x1x125xi32, #tpu.memory_space<hbm>> -> memref<125xi32, #tpu.memory_space<hbm>>
      tpu.wait_dma2 semaphore(%arg15 : memref<!tpu.dma_semaphore, #tpu.memory_space<semaphore_mem>>) src(%dma_wait3A_161 : memref<125xi32, #tpu.memory_space<hbm>>) dst(%arg9 : memref<125xi32, #tpu.memory_space<vmem>>)
      %dma_start3A_162 = arith.constant 0 : i32
      %dma_start3A_163 = arith.constant 0 : i32
      %dma_start3A_164 = arith.constant 0 : i32
      %dma_start3A_165 = tpu.memref_slice %arg11[%dma_start3A_162, %dma_start3A_163, %dma_start3A_164] : memref<2x125x128xf32, #tpu.memory_space<vmem>> -> memref<1x125x128xf32, #tpu.memory_space<vmem>>
      %dma_start3A_166 = tpu.memref_squeeze %dma_start3A_165 : memref<1x125x128xf32, #tpu.memory_space<vmem>> -> memref<125x128xf32, #tpu.memory_space<vmem>>
      %dma_start3A_167 = arith.constant 0 : i32
      %dma_start3A_168 = arith.constant 0 : i32
      %dma_start3A_169 = tpu.memref_slice %arg2[%dma_start3A_167, %dma_start3A_168] : memref<320000x128xf32, #tpu.memory_space<hbm>> -> memref<320000x128xf32, #tpu.memory_space<hbm>>
      tpu.enqueue_indirect_dma source(%dma_start3A_169 : memref<320000x128xf32, #tpu.memory_space<hbm>>) target(%dma_start3A_166 : memref<125x128xf32, #tpu.memory_space<vmem>>) offsets(%arg7 : memref<125xi32, #tpu.memory_space<vmem>>) semaphore(%arg13 : memref<!tpu.dma_semaphore, #tpu.memory_space<semaphore_mem>>)
      %dma_wait3A_170 = arith.constant 1 : i32
      %dma_wait3A_171 = arith.constant 0 : i32
      %dma_wait3A_172 = arith.constant 0 : i32
      %dma_wait3A_173 = tpu.memref_slice %arg11[%dma_wait3A_170, %dma_wait3A_171, %dma_wait3A_172] : memref<2x125x128xf32, #tpu.memory_space<vmem>> -> memref<1x125x128xf32, #tpu.memory_space<vmem>>
      %dma_wait3A_174 = tpu.memref_squeeze %dma_wait3A_173 : memref<1x125x128xf32, #tpu.memory_space<vmem>> -> memref<125x128xf32, #tpu.memory_space<vmem>>
      %dma_wait3A_175 = arith.constant 0 : i32
      %dma_wait3A_176 = arith.constant 0 : i32
      %dma_wait3A_177 = tpu.memref_slice %arg2[%dma_wait3A_175, %dma_wait3A_176] : memref<320000x128xf32, #tpu.memory_space<hbm>> -> memref<320000x128xf32, #tpu.memory_space<hbm>>
      tpu.wait_indirect_dma semaphore(%arg14 : memref<!tpu.dma_semaphore, #tpu.memory_space<semaphore_mem>>) src(%dma_wait3A_177 : memref<320000x128xf32, #tpu.memory_space<hbm>>) dst(%dma_wait3A_174 : memref<125x128xf32, #tpu.memory_space<vmem>>)
      %run_scoped3A_178 = arith.constant 1 : i32
      "tpu.region"() ({
        %run_scoped3A_193 = tpu.sem_alloc : memref<!tpu.dma_semaphore, #tpu.memory_space<semaphore_mem>>
        %dma_start3A_194 = arith.constant 0 : i32
        %dma_start3A_195 = arith.constant 0 : i32
        %dma_start3A_196 = tpu.memref_slice %arg11[%run_scoped3A_178, %dma_start3A_194, %dma_start3A_195] : memref<2x125x128xf32, #tpu.memory_space<vmem>> -> memref<1x125x128xf32, #tpu.memory_space<vmem>>
        %dma_start3A_197 = tpu.memref_squeeze %dma_start3A_196 : memref<1x125x128xf32, #tpu.memory_space<vmem>> -> memref<125x128xf32, #tpu.memory_space<vmem>>
        %dma_start3A_198 = arith.constant 0 : i32
        %dma_start3A_199 = arith.constant 0 : i32
        %dma_start3A_200 = tpu.memref_slice %arg12[%dma_start3A_198, %dma_start3A_199] : memref<10240x128xf32, #tpu.memory_space<vmem_shared>> -> memref<10240x128xf32, #tpu.memory_space<vmem_shared>>
        tpu.enqueue_indirect_dma source(%dma_start3A_197 : memref<125x128xf32, #tpu.memory_space<vmem>>) target(%dma_start3A_200 : memref<10240x128xf32, #tpu.memory_space<vmem_shared>>) offsets(%arg10 : memref<125xi32, #tpu.memory_space<vmem>>) semaphore(%run_scoped3A_193 : memref<!tpu.dma_semaphore, #tpu.memory_space<semaphore_mem>>) {add = true}
        %dma_wait3A_201 = arith.constant 0 : i32
        %dma_wait3A_202 = arith.constant 0 : i32
        %dma_wait3A_203 = tpu.memref_slice %arg11[%run_scoped3A_178, %dma_wait3A_201, %dma_wait3A_202] : memref<2x125x128xf32, #tpu.memory_space<vmem>> -> memref<1x125x128xf32, #tpu.memory_space<vmem>>
        %dma_wait3A_204 = tpu.memref_squeeze %dma_wait3A_203 : memref<1x125x128xf32, #tpu.memory_space<vmem>> -> memref<125x128xf32, #tpu.memory_space<vmem>>
        %dma_wait3A_205 = arith.constant 0 : i32
        %dma_wait3A_206 = arith.constant 0 : i32
        %dma_wait3A_207 = tpu.memref_slice %arg12[%dma_wait3A_205, %dma_wait3A_206] : memref<10240x128xf32, #tpu.memory_space<vmem_shared>> -> memref<10240x128xf32, #tpu.memory_space<vmem_shared>>
        tpu.wait_indirect_dma semaphore(%run_scoped3A_193 : memref<!tpu.dma_semaphore, #tpu.memory_space<semaphore_mem>>) src(%dma_wait3A_204 : memref<125x128xf32, #tpu.memory_space<vmem>>) dst(%dma_wait3A_207 : memref<10240x128xf32, #tpu.memory_space<vmem_shared>>)
        tpu.yield
      }) : () -> ()
      %add3A_179 = arith.constant 3 : i32
      %add3A_180 = arith.addi %mul3A_102, %add3A_179 : i32
      %dma_start3A_181 = arith.constant 0 : i32
      %dma_start3A_182 = tpu.memref_slice %arg3[%add3A, %add3A_180, %dma_start3A_181] : memref<32x80x125xi32, #tpu.memory_space<hbm>> -> memref<1x1x125xi32, #tpu.memory_space<hbm>>
      %dma_start3A_183 = tpu.memref_squeeze %dma_start3A_182 : memref<1x1x125xi32, #tpu.memory_space<hbm>> -> memref<125xi32, #tpu.memory_space<hbm>>
      %dma_start3A_184 = arith.constant 0 : i32
      %dma_start3A_185 = tpu.memref_slice %arg3[%add3A, %add3A_180, %dma_start3A_184] : memref<32x80x125xi32, #tpu.memory_space<hbm>> -> memref<1x1x125xi32, #tpu.memory_space<hbm>>
      %dma_start3A_186 = tpu.memref_squeeze %dma_start3A_185 : memref<1x1x125xi32, #tpu.memory_space<hbm>> -> memref<125xi32, #tpu.memory_space<hbm>>
      tpu.enqueue_dma source(%dma_start3A_186 : memref<125xi32, #tpu.memory_space<hbm>>) target(%arg8 : memref<125xi32, #tpu.memory_space<vmem>>) target_semaphore(%arg16 : memref<!tpu.dma_semaphore, #tpu.memory_space<semaphore_mem>>)
      %dma_start3A_187 = arith.constant 0 : i32
      %dma_start3A_188 = tpu.memref_slice %arg4[%add3A, %add3A_180, %dma_start3A_187] : memref<32x80x125xi32, #tpu.memory_space<hbm>> -> memref<1x1x125xi32, #tpu.memory_space<hbm>>
      %dma_start3A_189 = tpu.memref_squeeze %dma_start3A_188 : memref<1x1x125xi32, #tpu.memory_space<hbm>> -> memref<125xi32, #tpu.memory_space<hbm>>
      %dma_start3A_190 = arith.constant 0 : i32
      %dma_start3A_191 = tpu.memref_slice %arg4[%add3A, %add3A_180, %dma_start3A_190] : memref<32x80x125xi32, #tpu.memory_space<hbm>> -> memref<1x1x125xi32, #tpu.memory_space<hbm>>
      %dma_start3A_192 = tpu.memref_squeeze %dma_start3A_191 : memref<1x1x125xi32, #tpu.memory_space<hbm>> -> memref<125xi32, #tpu.memory_space<hbm>>
      tpu.enqueue_dma source(%dma_start3A_192 : memref<125xi32, #tpu.memory_space<hbm>>) target(%arg10 : memref<125xi32, #tpu.memory_space<vmem>>) target_semaphore(%arg16 : memref<!tpu.dma_semaphore, #tpu.memory_space<semaphore_mem>>)
    }
    %scan3A_55 = arith.constant 39 : i32
    %dma_wait3A_56 = arith.constant 79 : i32
    %dma_wait3A_57 = arith.constant 0 : i32
    %dma_wait3A_58 = tpu.memref_slice %arg3[%add3A, %dma_wait3A_56, %dma_wait3A_57] : memref<32x80x125xi32, #tpu.memory_space<hbm>> -> memref<1x1x125xi32, #tpu.memory_space<hbm>>
    %dma_wait3A_59 = tpu.memref_squeeze %dma_wait3A_58 : memref<1x1x125xi32, #tpu.memory_space<hbm>> -> memref<125xi32, #tpu.memory_space<hbm>>
    %dma_wait3A_60 = arith.constant 0 : i32
    %dma_wait3A_61 = tpu.memref_slice %arg3[%add3A, %dma_wait3A_56, %dma_wait3A_60] : memref<32x80x125xi32, #tpu.memory_space<hbm>> -> memref<1x1x125xi32, #tpu.memory_space<hbm>>
    %dma_wait3A_62 = tpu.memref_squeeze %dma_wait3A_61 : memref<1x1x125xi32, #tpu.memory_space<hbm>> -> memref<125xi32, #tpu.memory_space<hbm>>
    tpu.wait_dma2 semaphore(%arg16 : memref<!tpu.dma_semaphore, #tpu.memory_space<semaphore_mem>>) src(%dma_wait3A_62 : memref<125xi32, #tpu.memory_space<hbm>>) dst(%arg8 : memref<125xi32, #tpu.memory_space<vmem>>)
    %dma_wait3A_63 = arith.constant 79 : i32
    %dma_wait3A_64 = arith.constant 0 : i32
    %dma_wait3A_65 = tpu.memref_slice %arg4[%add3A, %dma_wait3A_63, %dma_wait3A_64] : memref<32x80x125xi32, #tpu.memory_space<hbm>> -> memref<1x1x125xi32, #tpu.memory_space<hbm>>
    %dma_wait3A_66 = tpu.memref_squeeze %dma_wait3A_65 : memref<1x1x125xi32, #tpu.memory_space<hbm>> -> memref<125xi32, #tpu.memory_space<hbm>>
    %dma_wait3A_67 = arith.constant 0 : i32
    %dma_wait3A_68 = tpu.memref_slice %arg4[%add3A, %dma_wait3A_63, %dma_wait3A_67] : memref<32x80x125xi32, #tpu.memory_space<hbm>> -> memref<1x1x125xi32, #tpu.memory_space<hbm>>
    %dma_wait3A_69 = tpu.memref_squeeze %dma_wait3A_68 : memref<1x1x125xi32, #tpu.memory_space<hbm>> -> memref<125xi32, #tpu.memory_space<hbm>>
    tpu.wait_dma2 semaphore(%arg16 : memref<!tpu.dma_semaphore, #tpu.memory_space<semaphore_mem>>) src(%dma_wait3A_69 : memref<125xi32, #tpu.memory_space<hbm>>) dst(%arg10 : memref<125xi32, #tpu.memory_space<vmem>>)
    %dma_start3A_70 = arith.constant 1 : i32
    %dma_start3A_71 = arith.constant 0 : i32
    %dma_start3A_72 = arith.constant 0 : i32
    %dma_start3A_73 = tpu.memref_slice %arg11[%dma_start3A_70, %dma_start3A_71, %dma_start3A_72] : memref<2x125x128xf32, #tpu.memory_space<vmem>> -> memref<1x125x128xf32, #tpu.memory_space<vmem>>
    %dma_start3A_74 = tpu.memref_squeeze %dma_start3A_73 : memref<1x125x128xf32, #tpu.memory_space<vmem>> -> memref<125x128xf32, #tpu.memory_space<vmem>>
    %dma_start3A_75 = arith.constant 0 : i32
    %dma_start3A_76 = arith.constant 0 : i32
    %dma_start3A_77 = tpu.memref_slice %arg2[%dma_start3A_75, %dma_start3A_76] : memref<320000x128xf32, #tpu.memory_space<hbm>> -> memref<320000x128xf32, #tpu.memory_space<hbm>>
    tpu.enqueue_indirect_dma source(%dma_start3A_77 : memref<320000x128xf32, #tpu.memory_space<hbm>>) target(%dma_start3A_74 : memref<125x128xf32, #tpu.memory_space<vmem>>) offsets(%arg8 : memref<125xi32, #tpu.memory_space<vmem>>) semaphore(%arg14 : memref<!tpu.dma_semaphore, #tpu.memory_space<semaphore_mem>>)
    %dma_wait3A_78 = arith.constant 0 : i32
    %dma_wait3A_79 = arith.constant 0 : i32
    %dma_wait3A_80 = arith.constant 0 : i32
    %dma_wait3A_81 = tpu.memref_slice %arg11[%dma_wait3A_78, %dma_wait3A_79, %dma_wait3A_80] : memref<2x125x128xf32, #tpu.memory_space<vmem>> -> memref<1x125x128xf32, #tpu.memory_space<vmem>>
    %dma_wait3A_82 = tpu.memref_squeeze %dma_wait3A_81 : memref<1x125x128xf32, #tpu.memory_space<vmem>> -> memref<125x128xf32, #tpu.memory_space<vmem>>
    %dma_wait3A_83 = arith.constant 0 : i32
    %dma_wait3A_84 = arith.constant 0 : i32
    %dma_wait3A_85 = tpu.memref_slice %arg2[%dma_wait3A_83, %dma_wait3A_84] : memref<320000x128xf32, #tpu.memory_space<hbm>> -> memref<320000x128xf32, #tpu.memory_space<hbm>>
    tpu.wait_indirect_dma semaphore(%arg13 : memref<!tpu.dma_semaphore, #tpu.memory_space<semaphore_mem>>) src(%dma_wait3A_85 : memref<320000x128xf32, #tpu.memory_space<hbm>>) dst(%dma_wait3A_82 : memref<125x128xf32, #tpu.memory_space<vmem>>)
    %run_scoped3A = arith.constant 0 : i32
    "tpu.region"() ({
      %run_scoped3A_100 = tpu.sem_alloc : memref<!tpu.dma_semaphore, #tpu.memory_space<semaphore_mem>>
      %dma_start3A_101 = arith.constant 0 : i32
      %dma_start3A_102 = arith.constant 0 : i32
      %dma_start3A_103 = tpu.memref_slice %arg11[%run_scoped3A, %dma_start3A_101, %dma_start3A_102] : memref<2x125x128xf32, #tpu.memory_space<vmem>> -> memref<1x125x128xf32, #tpu.memory_space<vmem>>
      %dma_start3A_104 = tpu.memref_squeeze %dma_start3A_103 : memref<1x125x128xf32, #tpu.memory_space<vmem>> -> memref<125x128xf32, #tpu.memory_space<vmem>>
      %dma_start3A_105 = arith.constant 0 : i32
      %dma_start3A_106 = arith.constant 0 : i32
      %dma_start3A_107 = tpu.memref_slice %arg12[%dma_start3A_105, %dma_start3A_106] : memref<10240x128xf32, #tpu.memory_space<vmem_shared>> -> memref<10240x128xf32, #tpu.memory_space<vmem_shared>>
      tpu.enqueue_indirect_dma source(%dma_start3A_104 : memref<125x128xf32, #tpu.memory_space<vmem>>) target(%dma_start3A_107 : memref<10240x128xf32, #tpu.memory_space<vmem_shared>>) offsets(%arg9 : memref<125xi32, #tpu.memory_space<vmem>>) semaphore(%run_scoped3A_100 : memref<!tpu.dma_semaphore, #tpu.memory_space<semaphore_mem>>) {add = true}
      %dma_wait3A_108 = arith.constant 0 : i32
      %dma_wait3A_109 = arith.constant 0 : i32
      %dma_wait3A_110 = tpu.memref_slice %arg11[%run_scoped3A, %dma_wait3A_108, %dma_wait3A_109] : memref<2x125x128xf32, #tpu.memory_space<vmem>> -> memref<1x125x128xf32, #tpu.memory_space<vmem>>
      %dma_wait3A_111 = tpu.memref_squeeze %dma_wait3A_110 : memref<1x125x128xf32, #tpu.memory_space<vmem>> -> memref<125x128xf32, #tpu.memory_space<vmem>>
      %dma_wait3A_112 = arith.constant 0 : i32
      %dma_wait3A_113 = arith.constant 0 : i32
      %dma_wait3A_114 = tpu.memref_slice %arg12[%dma_wait3A_112, %dma_wait3A_113] : memref<10240x128xf32, #tpu.memory_space<vmem_shared>> -> memref<10240x128xf32, #tpu.memory_space<vmem_shared>>
      tpu.wait_indirect_dma semaphore(%run_scoped3A_100 : memref<!tpu.dma_semaphore, #tpu.memory_space<semaphore_mem>>) src(%dma_wait3A_111 : memref<125x128xf32, #tpu.memory_space<vmem>>) dst(%dma_wait3A_114 : memref<10240x128xf32, #tpu.memory_space<vmem_shared>>)
      tpu.yield
    }) : () -> ()
    %dma_wait3A_86 = arith.constant 1 : i32
    %dma_wait3A_87 = arith.constant 0 : i32
    %dma_wait3A_88 = arith.constant 0 : i32
    %dma_wait3A_89 = tpu.memref_slice %arg11[%dma_wait3A_86, %dma_wait3A_87, %dma_wait3A_88] : memref<2x125x128xf32, #tpu.memory_space<vmem>> -> memref<1x125x128xf32, #tpu.memory_space<vmem>>
    %dma_wait3A_90 = tpu.memref_squeeze %dma_wait3A_89 : memref<1x125x128xf32, #tpu.memory_space<vmem>> -> memref<125x128xf32, #tpu.memory_space<vmem>>
    %dma_wait3A_91 = arith.constant 0 : i32
    %dma_wait3A_92 = arith.constant 0 : i32
    %dma_wait3A_93 = tpu.memref_slice %arg2[%dma_wait3A_91, %dma_wait3A_92] : memref<320000x128xf32, #tpu.memory_space<hbm>> -> memref<320000x128xf32, #tpu.memory_space<hbm>>
    tpu.wait_indirect_dma semaphore(%arg14 : memref<!tpu.dma_semaphore, #tpu.memory_space<semaphore_mem>>) src(%dma_wait3A_93 : memref<320000x128xf32, #tpu.memory_space<hbm>>) dst(%dma_wait3A_90 : memref<125x128xf32, #tpu.memory_space<vmem>>)
    %run_scoped3A_94 = arith.constant 1 : i32
    "tpu.region"() ({
      %run_scoped3A_100 = tpu.sem_alloc : memref<!tpu.dma_semaphore, #tpu.memory_space<semaphore_mem>>
      %dma_start3A_101 = arith.constant 0 : i32
      %dma_start3A_102 = arith.constant 0 : i32
      %dma_start3A_103 = tpu.memref_slice %arg11[%run_scoped3A_94, %dma_start3A_101, %dma_start3A_102] : memref<2x125x128xf32, #tpu.memory_space<vmem>> -> memref<1x125x128xf32, #tpu.memory_space<vmem>>
      %dma_start3A_104 = tpu.memref_squeeze %dma_start3A_103 : memref<1x125x128xf32, #tpu.memory_space<vmem>> -> memref<125x128xf32, #tpu.memory_space<vmem>>
      %dma_start3A_105 = arith.constant 0 : i32
      %dma_start3A_106 = arith.constant 0 : i32
      %dma_start3A_107 = tpu.memref_slice %arg12[%dma_start3A_105, %dma_start3A_106] : memref<10240x128xf32, #tpu.memory_space<vmem_shared>> -> memref<10240x128xf32, #tpu.memory_space<vmem_shared>>
      tpu.enqueue_indirect_dma source(%dma_start3A_104 : memref<125x128xf32, #tpu.memory_space<vmem>>) target(%dma_start3A_107 : memref<10240x128xf32, #tpu.memory_space<vmem_shared>>) offsets(%arg10 : memref<125xi32, #tpu.memory_space<vmem>>) semaphore(%run_scoped3A_100 : memref<!tpu.dma_semaphore, #tpu.memory_space<semaphore_mem>>) {add = true}
      %dma_wait3A_108 = arith.constant 0 : i32
      %dma_wait3A_109 = arith.constant 0 : i32
      %dma_wait3A_110 = tpu.memref_slice %arg11[%run_scoped3A_94, %dma_wait3A_108, %dma_wait3A_109] : memref<2x125x128xf32, #tpu.memory_space<vmem>> -> memref<1x125x128xf32, #tpu.memory_space<vmem>>
      %dma_wait3A_111 = tpu.memref_squeeze %dma_wait3A_110 : memref<1x125x128xf32, #tpu.memory_space<vmem>> -> memref<125x128xf32, #tpu.memory_space<vmem>>
      %dma_wait3A_112 = arith.constant 0 : i32
      %dma_wait3A_113 = arith.constant 0 : i32
      %dma_wait3A_114 = tpu.memref_slice %arg12[%dma_wait3A_112, %dma_wait3A_113] : memref<10240x128xf32, #tpu.memory_space<vmem_shared>> -> memref<10240x128xf32, #tpu.memory_space<vmem_shared>>
      tpu.wait_indirect_dma semaphore(%run_scoped3A_100 : memref<!tpu.dma_semaphore, #tpu.memory_space<semaphore_mem>>) src(%dma_wait3A_111 : memref<125x128xf32, #tpu.memory_space<vmem>>) dst(%dma_wait3A_114 : memref<10240x128xf32, #tpu.memory_space<vmem_shared>>)
      tpu.yield
    }) : () -> ()
    %barrier3A_95 = arith.constant 0 : index
    tpu.barrier barrier_id(%barrier3A_95)
    %mul3A_96 = arith.constant 640 : i32
    %mul3A_97 = arith.muli %arg1, %mul3A_96 : i32
    %mul3A_98 = arith.constant 640 : i32
    %mul3A_99 = arith.muli %arg1, %mul3A_98 : i32
    "tpu.region"() ({
      %run_scoped3A_100 = tpu.sem_alloc : memref<!tpu.dma_semaphore, #tpu.memory_space<semaphore_mem>>
      %dma_start3A_101 = arith.constant 0 : i32
      %dma_start3A_102 = tpu.memref_slice %arg6[%arg0, %mul3A_99, %dma_start3A_101] : memref<2x10240x128xf32, #tpu.memory_space<hbm>> -> memref<1x640x128xf32, #tpu.memory_space<hbm>>
      %dma_start3A_103 = tpu.memref_squeeze %dma_start3A_102 : memref<1x640x128xf32, #tpu.memory_space<hbm>> -> memref<640x128xf32, #tpu.memory_space<hbm>>
      %dma_start3A_104 = arith.constant 0 : i32
      %dma_start3A_105 = tpu.memref_slice %arg12[%mul3A_97, %dma_start3A_104] : memref<10240x128xf32, #tpu.memory_space<vmem_shared>> -> memref<640x128xf32, #tpu.memory_space<vmem_shared>>
      tpu.enqueue_dma source(%dma_start3A_105 : memref<640x128xf32, #tpu.memory_space<vmem_shared>>) target(%dma_start3A_103 : memref<640x128xf32, #tpu.memory_space<hbm>>) target_semaphore(%run_scoped3A_100 : memref<!tpu.dma_semaphore, #tpu.memory_space<semaphore_mem>>)
      %dma_wait3A_106 = arith.constant 0 : i32
      %dma_wait3A_107 = tpu.memref_slice %arg6[%arg0, %mul3A_99, %dma_wait3A_106] : memref<2x10240x128xf32, #tpu.memory_space<hbm>> -> memref<1x640x128xf32, #tpu.memory_space<hbm>>
      %dma_wait3A_108 = tpu.memref_squeeze %dma_wait3A_107 : memref<1x640x128xf32, #tpu.memory_space<hbm>> -> memref<640x128xf32, #tpu.memory_space<hbm>>
      %dma_wait3A_109 = arith.constant 0 : i32
      %dma_wait3A_110 = tpu.memref_slice %arg12[%mul3A_97, %dma_wait3A_109] : memref<10240x128xf32, #tpu.memory_space<vmem_shared>> -> memref<640x128xf32, #tpu.memory_space<vmem_shared>>
      tpu.wait_dma2 semaphore(%run_scoped3A_100 : memref<!tpu.dma_semaphore, #tpu.memory_space<semaphore_mem>>) src(%dma_wait3A_110 : memref<640x128xf32, #tpu.memory_space<vmem_shared>>) dst(%dma_wait3A_108 : memref<640x128xf32, #tpu.memory_space<hbm>>)
      tpu.yield
    }) : () -> ()
    return
  }
}

#map = affine_map<(d0, d1) -> (0, 0)>
#map1 = affine_map<(d0, d1) -> (0, 0, 0)>
module attributes {stable_mosaic.version = 14 : i64} {
  func.func @_seg_state_body(%arg0: i32, %arg1: i32, %arg2: memref<10000x128xf32, #tpu.memory_space<hbm>>, %arg3: memref<32x80x125xi32, #tpu.memory_space<hbm>>, %arg4: memref<32x80x125xi32, #tpu.memory_space<hbm>>, %arg5: memref<640x128xf32, #tpu.memory_space<hbm>>, %arg6: memref<2x10240x128xf32, #tpu.memory_space<hbm>>, %arg7: memref<125xi32, #tpu.memory_space<vmem>>, %arg8: memref<125xi32, #tpu.memory_space<vmem>>, %arg9: memref<125xi32, #tpu.memory_space<vmem>>, %arg10: memref<125xi32, #tpu.memory_space<vmem>>, %arg11: memref<2x125x128xf32, #tpu.memory_space<vmem>>, %arg12: memref<10240x128xf32, #tpu.memory_space<vmem_shared>>, %arg13: memref<!tpu.dma_semaphore, #tpu.memory_space<semaphore_mem>>, %arg14: memref<!tpu.dma_semaphore, #tpu.memory_space<semaphore_mem>>, %arg15: memref<!tpu.dma_semaphore, #tpu.memory_space<semaphore_mem>>, %arg16: memref<!tpu.dma_semaphore, #tpu.memory_space<semaphore_mem>>) attributes {dimension_semantics = [#tpu.dimension_semantics<core_parallel>, #tpu.dimension_semantics<subcore_parallel>], iteration_bounds = array<i64: 2, 16>, scalar_prefetch = 0 : i64, scratch_operands = 10 : i64, tpu.core_type = #tpu.core_type<sc_vector_subcore>, window_params = [{transform_indices = #map}, {transform_indices = #map1}, {transform_indices = #map1}, {transform_indices = #map}, {transform_indices = #map1}]} {
    %mul3A = arith.constant 16 : i32
    %mul3A_0 = arith.muli %arg0, %mul3A : i32
    %add3A = arith.addi %mul3A_0, %arg1 : i32
    %mul3A_1 = arith.constant 640 : i32
    %mul3A_2 = arith.muli %arg1, %mul3A_1 : i32
    "tpu.region"() ({
      %run_scoped3A_100 = tpu.sem_alloc : memref<!tpu.dma_semaphore, #tpu.memory_space<semaphore_mem>>
      %dma_start3A_101 = arith.constant 0 : i32
      %dma_start3A_102 = tpu.memref_slice %arg12[%mul3A_2, %dma_start3A_101] : memref<10240x128xf32, #tpu.memory_space<vmem_shared>> -> memref<640x128xf32, #tpu.memory_space<vmem_shared>>
      tpu.enqueue_dma source(%arg5 : memref<640x128xf32, #tpu.memory_space<hbm>>) target(%dma_start3A_102 : memref<640x128xf32, #tpu.memory_space<vmem_shared>>) target_semaphore(%run_scoped3A_100 : memref<!tpu.dma_semaphore, #tpu.memory_space<semaphore_mem>>)
      %dma_wait3A_103 = arith.constant 0 : i32
      %dma_wait3A_104 = tpu.memref_slice %arg12[%mul3A_2, %dma_wait3A_103] : memref<10240x128xf32, #tpu.memory_space<vmem_shared>> -> memref<640x128xf32, #tpu.memory_space<vmem_shared>>
      tpu.wait_dma2 semaphore(%run_scoped3A_100 : memref<!tpu.dma_semaphore, #tpu.memory_space<semaphore_mem>>) src(%arg5 : memref<640x128xf32, #tpu.memory_space<hbm>>) dst(%dma_wait3A_104 : memref<640x128xf32, #tpu.memory_space<vmem_shared>>)
      tpu.yield
    }) : () -> ()
    %barrier3A = arith.constant 0 : index
    tpu.barrier barrier_id(%barrier3A)
    %dma_start3A = arith.constant 0 : i32
    %dma_start3A_3 = arith.constant 0 : i32
    %dma_start3A_4 = tpu.memref_slice %arg3[%add3A, %dma_start3A, %dma_start3A_3] : memref<32x80x125xi32, #tpu.memory_space<hbm>> -> memref<1x1x125xi32, #tpu.memory_space<hbm>>
    %dma_start3A_5 = tpu.memref_squeeze %dma_start3A_4 : memref<1x1x125xi32, #tpu.memory_space<hbm>> -> memref<125xi32, #tpu.memory_space<hbm>>
    %dma_start3A_6 = arith.constant 0 : i32
    %dma_start3A_7 = tpu.memref_slice %arg3[%add3A, %dma_start3A, %dma_start3A_6] : memref<32x80x125xi32, #tpu.memory_space<hbm>> -> memref<1x1x125xi32, #tpu.memory_space<hbm>>
    %dma_start3A_8 = tpu.memref_squeeze %dma_start3A_7 : memref<1x1x125xi32, #tpu.memory_space<hbm>> -> memref<125xi32, #tpu.memory_space<hbm>>
    tpu.enqueue_dma source(%dma_start3A_8 : memref<125xi32, #tpu.memory_space<hbm>>) target(%arg7 : memref<125xi32, #tpu.memory_space<vmem>>) target_semaphore(%arg15 : memref<!tpu.dma_semaphore, #tpu.memory_space<semaphore_mem>>)
    %dma_start3A_9 = arith.constant 0 : i32
    %dma_start3A_10 = arith.constant 0 : i32
    %dma_start3A_11 = tpu.memref_slice %arg4[%add3A, %dma_start3A_9, %dma_start3A_10] : memref<32x80x125xi32, #tpu.memory_space<hbm>> -> memref<1x1x125xi32, #tpu.memory_space<hbm>>
    %dma_start3A_12 = tpu.memref_squeeze %dma_start3A_11 : memref<1x1x125xi32, #tpu.memory_space<hbm>> -> memref<125xi32, #tpu.memory_space<hbm>>
    %dma_start3A_13 = arith.constant 0 : i32
    %dma_start3A_14 = tpu.memref_slice %arg4[%add3A, %dma_start3A_9, %dma_start3A_13] : memref<32x80x125xi32, #tpu.memory_space<hbm>> -> memref<1x1x125xi32, #tpu.memory_space<hbm>>
    %dma_start3A_15 = tpu.memref_squeeze %dma_start3A_14 : memref<1x1x125xi32, #tpu.memory_space<hbm>> -> memref<125xi32, #tpu.memory_space<hbm>>
    tpu.enqueue_dma source(%dma_start3A_15 : memref<125xi32, #tpu.memory_space<hbm>>) target(%arg9 : memref<125xi32, #tpu.memory_space<vmem>>) target_semaphore(%arg15 : memref<!tpu.dma_semaphore, #tpu.memory_space<semaphore_mem>>)
    %dma_wait3A = arith.constant 0 : i32
    %dma_wait3A_16 = arith.constant 0 : i32
    %dma_wait3A_17 = tpu.memref_slice %arg3[%add3A, %dma_wait3A, %dma_wait3A_16] : memref<32x80x125xi32, #tpu.memory_space<hbm>> -> memref<1x1x125xi32, #tpu.memory_space<hbm>>
    %dma_wait3A_18 = tpu.memref_squeeze %dma_wait3A_17 : memref<1x1x125xi32, #tpu.memory_space<hbm>> -> memref<125xi32, #tpu.memory_space<hbm>>
    %dma_wait3A_19 = arith.constant 0 : i32
    %dma_wait3A_20 = tpu.memref_slice %arg3[%add3A, %dma_wait3A, %dma_wait3A_19] : memref<32x80x125xi32, #tpu.memory_space<hbm>> -> memref<1x1x125xi32, #tpu.memory_space<hbm>>
    %dma_wait3A_21 = tpu.memref_squeeze %dma_wait3A_20 : memref<1x1x125xi32, #tpu.memory_space<hbm>> -> memref<125xi32, #tpu.memory_space<hbm>>
    tpu.wait_dma2 semaphore(%arg15 : memref<!tpu.dma_semaphore, #tpu.memory_space<semaphore_mem>>) src(%dma_wait3A_21 : memref<125xi32, #tpu.memory_space<hbm>>) dst(%arg7 : memref<125xi32, #tpu.memory_space<vmem>>)
    %dma_wait3A_22 = arith.constant 0 : i32
    %dma_wait3A_23 = arith.constant 0 : i32
    %dma_wait3A_24 = tpu.memref_slice %arg4[%add3A, %dma_wait3A_22, %dma_wait3A_23] : memref<32x80x125xi32, #tpu.memory_space<hbm>> -> memref<1x1x125xi32, #tpu.memory_space<hbm>>
    %dma_wait3A_25 = tpu.memref_squeeze %dma_wait3A_24 : memref<1x1x125xi32, #tpu.memory_space<hbm>> -> memref<125xi32, #tpu.memory_space<hbm>>
    %dma_wait3A_26 = arith.constant 0 : i32
    %dma_wait3A_27 = tpu.memref_slice %arg4[%add3A, %dma_wait3A_22, %dma_wait3A_26] : memref<32x80x125xi32, #tpu.memory_space<hbm>> -> memref<1x1x125xi32, #tpu.memory_space<hbm>>
    %dma_wait3A_28 = tpu.memref_squeeze %dma_wait3A_27 : memref<1x1x125xi32, #tpu.memory_space<hbm>> -> memref<125xi32, #tpu.memory_space<hbm>>
    tpu.wait_dma2 semaphore(%arg15 : memref<!tpu.dma_semaphore, #tpu.memory_space<semaphore_mem>>) src(%dma_wait3A_28 : memref<125xi32, #tpu.memory_space<hbm>>) dst(%arg9 : memref<125xi32, #tpu.memory_space<vmem>>)
    %dma_start3A_29 = arith.constant 0 : i32
    %dma_start3A_30 = arith.constant 0 : i32
    %dma_start3A_31 = arith.constant 0 : i32
    %dma_start3A_32 = tpu.memref_slice %arg11[%dma_start3A_29, %dma_start3A_30, %dma_start3A_31] : memref<2x125x128xf32, #tpu.memory_space<vmem>> -> memref<1x125x128xf32, #tpu.memory_space<vmem>>
    %dma_start3A_33 = tpu.memref_squeeze %dma_start3A_32 : memref<1x125x128xf32, #tpu.memory_space<vmem>> -> memref<125x128xf32, #tpu.memory_space<vmem>>
    %dma_start3A_34 = arith.constant 0 : i32
    %dma_start3A_35 = arith.constant 0 : i32
    %dma_start3A_36 = tpu.memref_slice %arg2[%dma_start3A_34, %dma_start3A_35] : memref<10000x128xf32, #tpu.memory_space<hbm>> -> memref<10000x128xf32, #tpu.memory_space<hbm>>
    tpu.enqueue_indirect_dma source(%dma_start3A_36 : memref<10000x128xf32, #tpu.memory_space<hbm>>) target(%dma_start3A_33 : memref<125x128xf32, #tpu.memory_space<vmem>>) offsets(%arg7 : memref<125xi32, #tpu.memory_space<vmem>>) semaphore(%arg13 : memref<!tpu.dma_semaphore, #tpu.memory_space<semaphore_mem>>)
    %dma_start3A_37 = arith.constant 1 : i32
    %dma_start3A_38 = arith.constant 0 : i32
    %dma_start3A_39 = tpu.memref_slice %arg3[%add3A, %dma_start3A_37, %dma_start3A_38] : memref<32x80x125xi32, #tpu.memory_space<hbm>> -> memref<1x1x125xi32, #tpu.memory_space<hbm>>
    %dma_start3A_40 = tpu.memref_squeeze %dma_start3A_39 : memref<1x1x125xi32, #tpu.memory_space<hbm>> -> memref<125xi32, #tpu.memory_space<hbm>>
    %dma_start3A_41 = arith.constant 0 : i32
    %dma_start3A_42 = tpu.memref_slice %arg3[%add3A, %dma_start3A_37, %dma_start3A_41] : memref<32x80x125xi32, #tpu.memory_space<hbm>> -> memref<1x1x125xi32, #tpu.memory_space<hbm>>
    %dma_start3A_43 = tpu.memref_squeeze %dma_start3A_42 : memref<1x1x125xi32, #tpu.memory_space<hbm>> -> memref<125xi32, #tpu.memory_space<hbm>>
    tpu.enqueue_dma source(%dma_start3A_43 : memref<125xi32, #tpu.memory_space<hbm>>) target(%arg8 : memref<125xi32, #tpu.memory_space<vmem>>) target_semaphore(%arg16 : memref<!tpu.dma_semaphore, #tpu.memory_space<semaphore_mem>>)
    %dma_start3A_44 = arith.constant 1 : i32
    %dma_start3A_45 = arith.constant 0 : i32
    %dma_start3A_46 = tpu.memref_slice %arg4[%add3A, %dma_start3A_44, %dma_start3A_45] : memref<32x80x125xi32, #tpu.memory_space<hbm>> -> memref<1x1x125xi32, #tpu.memory_space<hbm>>
    %dma_start3A_47 = tpu.memref_squeeze %dma_start3A_46 : memref<1x1x125xi32, #tpu.memory_space<hbm>> -> memref<125xi32, #tpu.memory_space<hbm>>
    %dma_start3A_48 = arith.constant 0 : i32
    %dma_start3A_49 = tpu.memref_slice %arg4[%add3A, %dma_start3A_44, %dma_start3A_48] : memref<32x80x125xi32, #tpu.memory_space<hbm>> -> memref<1x1x125xi32, #tpu.memory_space<hbm>>
    %dma_start3A_50 = tpu.memref_squeeze %dma_start3A_49 : memref<1x1x125xi32, #tpu.memory_space<hbm>> -> memref<125xi32, #tpu.memory_space<hbm>>
    tpu.enqueue_dma source(%dma_start3A_50 : memref<125xi32, #tpu.memory_space<hbm>>) target(%arg10 : memref<125xi32, #tpu.memory_space<vmem>>) target_semaphore(%arg16 : memref<!tpu.dma_semaphore, #tpu.memory_space<semaphore_mem>>)
    %scan3A = arith.constant 0 : i32
    %scan3A_51 = arith.constant 0 : i32
    %scan3A_52 = arith.constant 39 : i32
    %scan3A_53 = arith.addi %scan3A_51, %scan3A_52 : i32
    %scan3A_54 = arith.constant 1 : i32
    scf.for %scan3A_100 = %scan3A_51 to %scan3A_53 step %scan3A_54  : i32 {
      %mul3A_101 = arith.constant 2 : i32
      %mul3A_102 = arith.muli %mul3A_101, %scan3A_100 : i32
      %add3A_103 = arith.constant 1 : i32
      %add3A_104 = arith.addi %mul3A_102, %add3A_103 : i32
      %dma_wait3A_105 = arith.constant 0 : i32
      %dma_wait3A_106 = tpu.memref_slice %arg3[%add3A, %add3A_104, %dma_wait3A_105] : memref<32x80x125xi32, #tpu.memory_space<hbm>> -> memref<1x1x125xi32, #tpu.memory_space<hbm>>
      %dma_wait3A_107 = tpu.memref_squeeze %dma_wait3A_106 : memref<1x1x125xi32, #tpu.memory_space<hbm>> -> memref<125xi32, #tpu.memory_space<hbm>>
      %dma_wait3A_108 = arith.constant 0 : i32
      %dma_wait3A_109 = tpu.memref_slice %arg3[%add3A, %add3A_104, %dma_wait3A_108] : memref<32x80x125xi32, #tpu.memory_space<hbm>> -> memref<1x1x125xi32, #tpu.memory_space<hbm>>
      %dma_wait3A_110 = tpu.memref_squeeze %dma_wait3A_109 : memref<1x1x125xi32, #tpu.memory_space<hbm>> -> memref<125xi32, #tpu.memory_space<hbm>>
      tpu.wait_dma2 semaphore(%arg16 : memref<!tpu.dma_semaphore, #tpu.memory_space<semaphore_mem>>) src(%dma_wait3A_110 : memref<125xi32, #tpu.memory_space<hbm>>) dst(%arg8 : memref<125xi32, #tpu.memory_space<vmem>>)
      %dma_wait3A_111 = arith.constant 0 : i32
      %dma_wait3A_112 = tpu.memref_slice %arg4[%add3A, %add3A_104, %dma_wait3A_111] : memref<32x80x125xi32, #tpu.memory_space<hbm>> -> memref<1x1x125xi32, #tpu.memory_space<hbm>>
      %dma_wait3A_113 = tpu.memref_squeeze %dma_wait3A_112 : memref<1x1x125xi32, #tpu.memory_space<hbm>> -> memref<125xi32, #tpu.memory_space<hbm>>
      %dma_wait3A_114 = arith.constant 0 : i32
      %dma_wait3A_115 = tpu.memref_slice %arg4[%add3A, %add3A_104, %dma_wait3A_114] : memref<32x80x125xi32, #tpu.memory_space<hbm>> -> memref<1x1x125xi32, #tpu.memory_space<hbm>>
      %dma_wait3A_116 = tpu.memref_squeeze %dma_wait3A_115 : memref<1x1x125xi32, #tpu.memory_space<hbm>> -> memref<125xi32, #tpu.memory_space<hbm>>
      tpu.wait_dma2 semaphore(%arg16 : memref<!tpu.dma_semaphore, #tpu.memory_space<semaphore_mem>>) src(%dma_wait3A_116 : memref<125xi32, #tpu.memory_space<hbm>>) dst(%arg10 : memref<125xi32, #tpu.memory_space<vmem>>)
      %dma_start3A_117 = arith.constant 1 : i32
      %dma_start3A_118 = arith.constant 0 : i32
      %dma_start3A_119 = arith.constant 0 : i32
      %dma_start3A_120 = tpu.memref_slice %arg11[%dma_start3A_117, %dma_start3A_118, %dma_start3A_119] : memref<2x125x128xf32, #tpu.memory_space<vmem>> -> memref<1x125x128xf32, #tpu.memory_space<vmem>>
      %dma_start3A_121 = tpu.memref_squeeze %dma_start3A_120 : memref<1x125x128xf32, #tpu.memory_space<vmem>> -> memref<125x128xf32, #tpu.memory_space<vmem>>
      %dma_start3A_122 = arith.constant 0 : i32
      %dma_start3A_123 = arith.constant 0 : i32
      %dma_start3A_124 = tpu.memref_slice %arg2[%dma_start3A_122, %dma_start3A_123] : memref<10000x128xf32, #tpu.memory_space<hbm>> -> memref<10000x128xf32, #tpu.memory_space<hbm>>
      tpu.enqueue_indirect_dma source(%dma_start3A_124 : memref<10000x128xf32, #tpu.memory_space<hbm>>) target(%dma_start3A_121 : memref<125x128xf32, #tpu.memory_space<vmem>>) offsets(%arg8 : memref<125xi32, #tpu.memory_space<vmem>>) semaphore(%arg14 : memref<!tpu.dma_semaphore, #tpu.memory_space<semaphore_mem>>)
      %dma_wait3A_125 = arith.constant 0 : i32
      %dma_wait3A_126 = arith.constant 0 : i32
      %dma_wait3A_127 = arith.constant 0 : i32
      %dma_wait3A_128 = tpu.memref_slice %arg11[%dma_wait3A_125, %dma_wait3A_126, %dma_wait3A_127] : memref<2x125x128xf32, #tpu.memory_space<vmem>> -> memref<1x125x128xf32, #tpu.memory_space<vmem>>
      %dma_wait3A_129 = tpu.memref_squeeze %dma_wait3A_128 : memref<1x125x128xf32, #tpu.memory_space<vmem>> -> memref<125x128xf32, #tpu.memory_space<vmem>>
      %dma_wait3A_130 = arith.constant 0 : i32
      %dma_wait3A_131 = arith.constant 0 : i32
      %dma_wait3A_132 = tpu.memref_slice %arg2[%dma_wait3A_130, %dma_wait3A_131] : memref<10000x128xf32, #tpu.memory_space<hbm>> -> memref<10000x128xf32, #tpu.memory_space<hbm>>
      tpu.wait_indirect_dma semaphore(%arg13 : memref<!tpu.dma_semaphore, #tpu.memory_space<semaphore_mem>>) src(%dma_wait3A_132 : memref<10000x128xf32, #tpu.memory_space<hbm>>) dst(%dma_wait3A_129 : memref<125x128xf32, #tpu.memory_space<vmem>>)
      %run_scoped3A_133 = arith.constant 0 : i32
      "tpu.region"() ({
        %run_scoped3A_193 = tpu.sem_alloc : memref<!tpu.dma_semaphore, #tpu.memory_space<semaphore_mem>>
        %dma_start3A_194 = arith.constant 0 : i32
        %dma_start3A_195 = arith.constant 0 : i32
        %dma_start3A_196 = tpu.memref_slice %arg11[%run_scoped3A_133, %dma_start3A_194, %dma_start3A_195] : memref<2x125x128xf32, #tpu.memory_space<vmem>> -> memref<1x125x128xf32, #tpu.memory_space<vmem>>
        %dma_start3A_197 = tpu.memref_squeeze %dma_start3A_196 : memref<1x125x128xf32, #tpu.memory_space<vmem>> -> memref<125x128xf32, #tpu.memory_space<vmem>>
        %dma_start3A_198 = arith.constant 0 : i32
        %dma_start3A_199 = arith.constant 0 : i32
        %dma_start3A_200 = tpu.memref_slice %arg12[%dma_start3A_198, %dma_start3A_199] : memref<10240x128xf32, #tpu.memory_space<vmem_shared>> -> memref<10240x128xf32, #tpu.memory_space<vmem_shared>>
        tpu.enqueue_indirect_dma source(%dma_start3A_197 : memref<125x128xf32, #tpu.memory_space<vmem>>) target(%dma_start3A_200 : memref<10240x128xf32, #tpu.memory_space<vmem_shared>>) offsets(%arg9 : memref<125xi32, #tpu.memory_space<vmem>>) semaphore(%run_scoped3A_193 : memref<!tpu.dma_semaphore, #tpu.memory_space<semaphore_mem>>) {add = true}
        %dma_wait3A_201 = arith.constant 0 : i32
        %dma_wait3A_202 = arith.constant 0 : i32
        %dma_wait3A_203 = tpu.memref_slice %arg11[%run_scoped3A_133, %dma_wait3A_201, %dma_wait3A_202] : memref<2x125x128xf32, #tpu.memory_space<vmem>> -> memref<1x125x128xf32, #tpu.memory_space<vmem>>
        %dma_wait3A_204 = tpu.memref_squeeze %dma_wait3A_203 : memref<1x125x128xf32, #tpu.memory_space<vmem>> -> memref<125x128xf32, #tpu.memory_space<vmem>>
        %dma_wait3A_205 = arith.constant 0 : i32
        %dma_wait3A_206 = arith.constant 0 : i32
        %dma_wait3A_207 = tpu.memref_slice %arg12[%dma_wait3A_205, %dma_wait3A_206] : memref<10240x128xf32, #tpu.memory_space<vmem_shared>> -> memref<10240x128xf32, #tpu.memory_space<vmem_shared>>
        tpu.wait_indirect_dma semaphore(%run_scoped3A_193 : memref<!tpu.dma_semaphore, #tpu.memory_space<semaphore_mem>>) src(%dma_wait3A_204 : memref<125x128xf32, #tpu.memory_space<vmem>>) dst(%dma_wait3A_207 : memref<10240x128xf32, #tpu.memory_space<vmem_shared>>)
        tpu.yield
      }) : () -> ()
      %add3A_134 = arith.constant 2 : i32
      %add3A_135 = arith.addi %mul3A_102, %add3A_134 : i32
      %dma_start3A_136 = arith.constant 0 : i32
      %dma_start3A_137 = tpu.memref_slice %arg3[%add3A, %add3A_135, %dma_start3A_136] : memref<32x80x125xi32, #tpu.memory_space<hbm>> -> memref<1x1x125xi32, #tpu.memory_space<hbm>>
      %dma_start3A_138 = tpu.memref_squeeze %dma_start3A_137 : memref<1x1x125xi32, #tpu.memory_space<hbm>> -> memref<125xi32, #tpu.memory_space<hbm>>
      %dma_start3A_139 = arith.constant 0 : i32
      %dma_start3A_140 = tpu.memref_slice %arg3[%add3A, %add3A_135, %dma_start3A_139] : memref<32x80x125xi32, #tpu.memory_space<hbm>> -> memref<1x1x125xi32, #tpu.memory_space<hbm>>
      %dma_start3A_141 = tpu.memref_squeeze %dma_start3A_140 : memref<1x1x125xi32, #tpu.memory_space<hbm>> -> memref<125xi32, #tpu.memory_space<hbm>>
      tpu.enqueue_dma source(%dma_start3A_141 : memref<125xi32, #tpu.memory_space<hbm>>) target(%arg7 : memref<125xi32, #tpu.memory_space<vmem>>) target_semaphore(%arg15 : memref<!tpu.dma_semaphore, #tpu.memory_space<semaphore_mem>>)
      %dma_start3A_142 = arith.constant 0 : i32
      %dma_start3A_143 = tpu.memref_slice %arg4[%add3A, %add3A_135, %dma_start3A_142] : memref<32x80x125xi32, #tpu.memory_space<hbm>> -> memref<1x1x125xi32, #tpu.memory_space<hbm>>
      %dma_start3A_144 = tpu.memref_squeeze %dma_start3A_143 : memref<1x1x125xi32, #tpu.memory_space<hbm>> -> memref<125xi32, #tpu.memory_space<hbm>>
      %dma_start3A_145 = arith.constant 0 : i32
      %dma_start3A_146 = tpu.memref_slice %arg4[%add3A, %add3A_135, %dma_start3A_145] : memref<32x80x125xi32, #tpu.memory_space<hbm>> -> memref<1x1x125xi32, #tpu.memory_space<hbm>>
      %dma_start3A_147 = tpu.memref_squeeze %dma_start3A_146 : memref<1x1x125xi32, #tpu.memory_space<hbm>> -> memref<125xi32, #tpu.memory_space<hbm>>
      tpu.enqueue_dma source(%dma_start3A_147 : memref<125xi32, #tpu.memory_space<hbm>>) target(%arg9 : memref<125xi32, #tpu.memory_space<vmem>>) target_semaphore(%arg15 : memref<!tpu.dma_semaphore, #tpu.memory_space<semaphore_mem>>)
      %add3A_148 = arith.constant 2 : i32
      %add3A_149 = arith.addi %mul3A_102, %add3A_148 : i32
      %dma_wait3A_150 = arith.constant 0 : i32
      %dma_wait3A_151 = tpu.memref_slice %arg3[%add3A, %add3A_149, %dma_wait3A_150] : memref<32x80x125xi32, #tpu.memory_space<hbm>> -> memref<1x1x125xi32, #tpu.memory_space<hbm>>
      %dma_wait3A_152 = tpu.memref_squeeze %dma_wait3A_151 : memref<1x1x125xi32, #tpu.memory_space<hbm>> -> memref<125xi32, #tpu.memory_space<hbm>>
      %dma_wait3A_153 = arith.constant 0 : i32
      %dma_wait3A_154 = tpu.memref_slice %arg3[%add3A, %add3A_149, %dma_wait3A_153] : memref<32x80x125xi32, #tpu.memory_space<hbm>> -> memref<1x1x125xi32, #tpu.memory_space<hbm>>
      %dma_wait3A_155 = tpu.memref_squeeze %dma_wait3A_154 : memref<1x1x125xi32, #tpu.memory_space<hbm>> -> memref<125xi32, #tpu.memory_space<hbm>>
      tpu.wait_dma2 semaphore(%arg15 : memref<!tpu.dma_semaphore, #tpu.memory_space<semaphore_mem>>) src(%dma_wait3A_155 : memref<125xi32, #tpu.memory_space<hbm>>) dst(%arg7 : memref<125xi32, #tpu.memory_space<vmem>>)
      %dma_wait3A_156 = arith.constant 0 : i32
      %dma_wait3A_157 = tpu.memref_slice %arg4[%add3A, %add3A_149, %dma_wait3A_156] : memref<32x80x125xi32, #tpu.memory_space<hbm>> -> memref<1x1x125xi32, #tpu.memory_space<hbm>>
      %dma_wait3A_158 = tpu.memref_squeeze %dma_wait3A_157 : memref<1x1x125xi32, #tpu.memory_space<hbm>> -> memref<125xi32, #tpu.memory_space<hbm>>
      %dma_wait3A_159 = arith.constant 0 : i32
      %dma_wait3A_160 = tpu.memref_slice %arg4[%add3A, %add3A_149, %dma_wait3A_159] : memref<32x80x125xi32, #tpu.memory_space<hbm>> -> memref<1x1x125xi32, #tpu.memory_space<hbm>>
      %dma_wait3A_161 = tpu.memref_squeeze %dma_wait3A_160 : memref<1x1x125xi32, #tpu.memory_space<hbm>> -> memref<125xi32, #tpu.memory_space<hbm>>
      tpu.wait_dma2 semaphore(%arg15 : memref<!tpu.dma_semaphore, #tpu.memory_space<semaphore_mem>>) src(%dma_wait3A_161 : memref<125xi32, #tpu.memory_space<hbm>>) dst(%arg9 : memref<125xi32, #tpu.memory_space<vmem>>)
      %dma_start3A_162 = arith.constant 0 : i32
      %dma_start3A_163 = arith.constant 0 : i32
      %dma_start3A_164 = arith.constant 0 : i32
      %dma_start3A_165 = tpu.memref_slice %arg11[%dma_start3A_162, %dma_start3A_163, %dma_start3A_164] : memref<2x125x128xf32, #tpu.memory_space<vmem>> -> memref<1x125x128xf32, #tpu.memory_space<vmem>>
      %dma_start3A_166 = tpu.memref_squeeze %dma_start3A_165 : memref<1x125x128xf32, #tpu.memory_space<vmem>> -> memref<125x128xf32, #tpu.memory_space<vmem>>
      %dma_start3A_167 = arith.constant 0 : i32
      %dma_start3A_168 = arith.constant 0 : i32
      %dma_start3A_169 = tpu.memref_slice %arg2[%dma_start3A_167, %dma_start3A_168] : memref<10000x128xf32, #tpu.memory_space<hbm>> -> memref<10000x128xf32, #tpu.memory_space<hbm>>
      tpu.enqueue_indirect_dma source(%dma_start3A_169 : memref<10000x128xf32, #tpu.memory_space<hbm>>) target(%dma_start3A_166 : memref<125x128xf32, #tpu.memory_space<vmem>>) offsets(%arg7 : memref<125xi32, #tpu.memory_space<vmem>>) semaphore(%arg13 : memref<!tpu.dma_semaphore, #tpu.memory_space<semaphore_mem>>)
      %dma_wait3A_170 = arith.constant 1 : i32
      %dma_wait3A_171 = arith.constant 0 : i32
      %dma_wait3A_172 = arith.constant 0 : i32
      %dma_wait3A_173 = tpu.memref_slice %arg11[%dma_wait3A_170, %dma_wait3A_171, %dma_wait3A_172] : memref<2x125x128xf32, #tpu.memory_space<vmem>> -> memref<1x125x128xf32, #tpu.memory_space<vmem>>
      %dma_wait3A_174 = tpu.memref_squeeze %dma_wait3A_173 : memref<1x125x128xf32, #tpu.memory_space<vmem>> -> memref<125x128xf32, #tpu.memory_space<vmem>>
      %dma_wait3A_175 = arith.constant 0 : i32
      %dma_wait3A_176 = arith.constant 0 : i32
      %dma_wait3A_177 = tpu.memref_slice %arg2[%dma_wait3A_175, %dma_wait3A_176] : memref<10000x128xf32, #tpu.memory_space<hbm>> -> memref<10000x128xf32, #tpu.memory_space<hbm>>
      tpu.wait_indirect_dma semaphore(%arg14 : memref<!tpu.dma_semaphore, #tpu.memory_space<semaphore_mem>>) src(%dma_wait3A_177 : memref<10000x128xf32, #tpu.memory_space<hbm>>) dst(%dma_wait3A_174 : memref<125x128xf32, #tpu.memory_space<vmem>>)
      %run_scoped3A_178 = arith.constant 1 : i32
      "tpu.region"() ({
        %run_scoped3A_193 = tpu.sem_alloc : memref<!tpu.dma_semaphore, #tpu.memory_space<semaphore_mem>>
        %dma_start3A_194 = arith.constant 0 : i32
        %dma_start3A_195 = arith.constant 0 : i32
        %dma_start3A_196 = tpu.memref_slice %arg11[%run_scoped3A_178, %dma_start3A_194, %dma_start3A_195] : memref<2x125x128xf32, #tpu.memory_space<vmem>> -> memref<1x125x128xf32, #tpu.memory_space<vmem>>
        %dma_start3A_197 = tpu.memref_squeeze %dma_start3A_196 : memref<1x125x128xf32, #tpu.memory_space<vmem>> -> memref<125x128xf32, #tpu.memory_space<vmem>>
        %dma_start3A_198 = arith.constant 0 : i32
        %dma_start3A_199 = arith.constant 0 : i32
        %dma_start3A_200 = tpu.memref_slice %arg12[%dma_start3A_198, %dma_start3A_199] : memref<10240x128xf32, #tpu.memory_space<vmem_shared>> -> memref<10240x128xf32, #tpu.memory_space<vmem_shared>>
        tpu.enqueue_indirect_dma source(%dma_start3A_197 : memref<125x128xf32, #tpu.memory_space<vmem>>) target(%dma_start3A_200 : memref<10240x128xf32, #tpu.memory_space<vmem_shared>>) offsets(%arg10 : memref<125xi32, #tpu.memory_space<vmem>>) semaphore(%run_scoped3A_193 : memref<!tpu.dma_semaphore, #tpu.memory_space<semaphore_mem>>) {add = true}
        %dma_wait3A_201 = arith.constant 0 : i32
        %dma_wait3A_202 = arith.constant 0 : i32
        %dma_wait3A_203 = tpu.memref_slice %arg11[%run_scoped3A_178, %dma_wait3A_201, %dma_wait3A_202] : memref<2x125x128xf32, #tpu.memory_space<vmem>> -> memref<1x125x128xf32, #tpu.memory_space<vmem>>
        %dma_wait3A_204 = tpu.memref_squeeze %dma_wait3A_203 : memref<1x125x128xf32, #tpu.memory_space<vmem>> -> memref<125x128xf32, #tpu.memory_space<vmem>>
        %dma_wait3A_205 = arith.constant 0 : i32
        %dma_wait3A_206 = arith.constant 0 : i32
        %dma_wait3A_207 = tpu.memref_slice %arg12[%dma_wait3A_205, %dma_wait3A_206] : memref<10240x128xf32, #tpu.memory_space<vmem_shared>> -> memref<10240x128xf32, #tpu.memory_space<vmem_shared>>
        tpu.wait_indirect_dma semaphore(%run_scoped3A_193 : memref<!tpu.dma_semaphore, #tpu.memory_space<semaphore_mem>>) src(%dma_wait3A_204 : memref<125x128xf32, #tpu.memory_space<vmem>>) dst(%dma_wait3A_207 : memref<10240x128xf32, #tpu.memory_space<vmem_shared>>)
        tpu.yield
      }) : () -> ()
      %add3A_179 = arith.constant 3 : i32
      %add3A_180 = arith.addi %mul3A_102, %add3A_179 : i32
      %dma_start3A_181 = arith.constant 0 : i32
      %dma_start3A_182 = tpu.memref_slice %arg3[%add3A, %add3A_180, %dma_start3A_181] : memref<32x80x125xi32, #tpu.memory_space<hbm>> -> memref<1x1x125xi32, #tpu.memory_space<hbm>>
      %dma_start3A_183 = tpu.memref_squeeze %dma_start3A_182 : memref<1x1x125xi32, #tpu.memory_space<hbm>> -> memref<125xi32, #tpu.memory_space<hbm>>
      %dma_start3A_184 = arith.constant 0 : i32
      %dma_start3A_185 = tpu.memref_slice %arg3[%add3A, %add3A_180, %dma_start3A_184] : memref<32x80x125xi32, #tpu.memory_space<hbm>> -> memref<1x1x125xi32, #tpu.memory_space<hbm>>
      %dma_start3A_186 = tpu.memref_squeeze %dma_start3A_185 : memref<1x1x125xi32, #tpu.memory_space<hbm>> -> memref<125xi32, #tpu.memory_space<hbm>>
      tpu.enqueue_dma source(%dma_start3A_186 : memref<125xi32, #tpu.memory_space<hbm>>) target(%arg8 : memref<125xi32, #tpu.memory_space<vmem>>) target_semaphore(%arg16 : memref<!tpu.dma_semaphore, #tpu.memory_space<semaphore_mem>>)
      %dma_start3A_187 = arith.constant 0 : i32
      %dma_start3A_188 = tpu.memref_slice %arg4[%add3A, %add3A_180, %dma_start3A_187] : memref<32x80x125xi32, #tpu.memory_space<hbm>> -> memref<1x1x125xi32, #tpu.memory_space<hbm>>
      %dma_start3A_189 = tpu.memref_squeeze %dma_start3A_188 : memref<1x1x125xi32, #tpu.memory_space<hbm>> -> memref<125xi32, #tpu.memory_space<hbm>>
      %dma_start3A_190 = arith.constant 0 : i32
      %dma_start3A_191 = tpu.memref_slice %arg4[%add3A, %add3A_180, %dma_start3A_190] : memref<32x80x125xi32, #tpu.memory_space<hbm>> -> memref<1x1x125xi32, #tpu.memory_space<hbm>>
      %dma_start3A_192 = tpu.memref_squeeze %dma_start3A_191 : memref<1x1x125xi32, #tpu.memory_space<hbm>> -> memref<125xi32, #tpu.memory_space<hbm>>
      tpu.enqueue_dma source(%dma_start3A_192 : memref<125xi32, #tpu.memory_space<hbm>>) target(%arg10 : memref<125xi32, #tpu.memory_space<vmem>>) target_semaphore(%arg16 : memref<!tpu.dma_semaphore, #tpu.memory_space<semaphore_mem>>)
    }
    %scan3A_55 = arith.constant 39 : i32
    %dma_wait3A_56 = arith.constant 79 : i32
    %dma_wait3A_57 = arith.constant 0 : i32
    %dma_wait3A_58 = tpu.memref_slice %arg3[%add3A, %dma_wait3A_56, %dma_wait3A_57] : memref<32x80x125xi32, #tpu.memory_space<hbm>> -> memref<1x1x125xi32, #tpu.memory_space<hbm>>
    %dma_wait3A_59 = tpu.memref_squeeze %dma_wait3A_58 : memref<1x1x125xi32, #tpu.memory_space<hbm>> -> memref<125xi32, #tpu.memory_space<hbm>>
    %dma_wait3A_60 = arith.constant 0 : i32
    %dma_wait3A_61 = tpu.memref_slice %arg3[%add3A, %dma_wait3A_56, %dma_wait3A_60] : memref<32x80x125xi32, #tpu.memory_space<hbm>> -> memref<1x1x125xi32, #tpu.memory_space<hbm>>
    %dma_wait3A_62 = tpu.memref_squeeze %dma_wait3A_61 : memref<1x1x125xi32, #tpu.memory_space<hbm>> -> memref<125xi32, #tpu.memory_space<hbm>>
    tpu.wait_dma2 semaphore(%arg16 : memref<!tpu.dma_semaphore, #tpu.memory_space<semaphore_mem>>) src(%dma_wait3A_62 : memref<125xi32, #tpu.memory_space<hbm>>) dst(%arg8 : memref<125xi32, #tpu.memory_space<vmem>>)
    %dma_wait3A_63 = arith.constant 79 : i32
    %dma_wait3A_64 = arith.constant 0 : i32
    %dma_wait3A_65 = tpu.memref_slice %arg4[%add3A, %dma_wait3A_63, %dma_wait3A_64] : memref<32x80x125xi32, #tpu.memory_space<hbm>> -> memref<1x1x125xi32, #tpu.memory_space<hbm>>
    %dma_wait3A_66 = tpu.memref_squeeze %dma_wait3A_65 : memref<1x1x125xi32, #tpu.memory_space<hbm>> -> memref<125xi32, #tpu.memory_space<hbm>>
    %dma_wait3A_67 = arith.constant 0 : i32
    %dma_wait3A_68 = tpu.memref_slice %arg4[%add3A, %dma_wait3A_63, %dma_wait3A_67] : memref<32x80x125xi32, #tpu.memory_space<hbm>> -> memref<1x1x125xi32, #tpu.memory_space<hbm>>
    %dma_wait3A_69 = tpu.memref_squeeze %dma_wait3A_68 : memref<1x1x125xi32, #tpu.memory_space<hbm>> -> memref<125xi32, #tpu.memory_space<hbm>>
    tpu.wait_dma2 semaphore(%arg16 : memref<!tpu.dma_semaphore, #tpu.memory_space<semaphore_mem>>) src(%dma_wait3A_69 : memref<125xi32, #tpu.memory_space<hbm>>) dst(%arg10 : memref<125xi32, #tpu.memory_space<vmem>>)
    %dma_start3A_70 = arith.constant 1 : i32
    %dma_start3A_71 = arith.constant 0 : i32
    %dma_start3A_72 = arith.constant 0 : i32
    %dma_start3A_73 = tpu.memref_slice %arg11[%dma_start3A_70, %dma_start3A_71, %dma_start3A_72] : memref<2x125x128xf32, #tpu.memory_space<vmem>> -> memref<1x125x128xf32, #tpu.memory_space<vmem>>
    %dma_start3A_74 = tpu.memref_squeeze %dma_start3A_73 : memref<1x125x128xf32, #tpu.memory_space<vmem>> -> memref<125x128xf32, #tpu.memory_space<vmem>>
    %dma_start3A_75 = arith.constant 0 : i32
    %dma_start3A_76 = arith.constant 0 : i32
    %dma_start3A_77 = tpu.memref_slice %arg2[%dma_start3A_75, %dma_start3A_76] : memref<10000x128xf32, #tpu.memory_space<hbm>> -> memref<10000x128xf32, #tpu.memory_space<hbm>>
    tpu.enqueue_indirect_dma source(%dma_start3A_77 : memref<10000x128xf32, #tpu.memory_space<hbm>>) target(%dma_start3A_74 : memref<125x128xf32, #tpu.memory_space<vmem>>) offsets(%arg8 : memref<125xi32, #tpu.memory_space<vmem>>) semaphore(%arg14 : memref<!tpu.dma_semaphore, #tpu.memory_space<semaphore_mem>>)
    %dma_wait3A_78 = arith.constant 0 : i32
    %dma_wait3A_79 = arith.constant 0 : i32
    %dma_wait3A_80 = arith.constant 0 : i32
    %dma_wait3A_81 = tpu.memref_slice %arg11[%dma_wait3A_78, %dma_wait3A_79, %dma_wait3A_80] : memref<2x125x128xf32, #tpu.memory_space<vmem>> -> memref<1x125x128xf32, #tpu.memory_space<vmem>>
    %dma_wait3A_82 = tpu.memref_squeeze %dma_wait3A_81 : memref<1x125x128xf32, #tpu.memory_space<vmem>> -> memref<125x128xf32, #tpu.memory_space<vmem>>
    %dma_wait3A_83 = arith.constant 0 : i32
    %dma_wait3A_84 = arith.constant 0 : i32
    %dma_wait3A_85 = tpu.memref_slice %arg2[%dma_wait3A_83, %dma_wait3A_84] : memref<10000x128xf32, #tpu.memory_space<hbm>> -> memref<10000x128xf32, #tpu.memory_space<hbm>>
    tpu.wait_indirect_dma semaphore(%arg13 : memref<!tpu.dma_semaphore, #tpu.memory_space<semaphore_mem>>) src(%dma_wait3A_85 : memref<10000x128xf32, #tpu.memory_space<hbm>>) dst(%dma_wait3A_82 : memref<125x128xf32, #tpu.memory_space<vmem>>)
    %run_scoped3A = arith.constant 0 : i32
    "tpu.region"() ({
      %run_scoped3A_100 = tpu.sem_alloc : memref<!tpu.dma_semaphore, #tpu.memory_space<semaphore_mem>>
      %dma_start3A_101 = arith.constant 0 : i32
      %dma_start3A_102 = arith.constant 0 : i32
      %dma_start3A_103 = tpu.memref_slice %arg11[%run_scoped3A, %dma_start3A_101, %dma_start3A_102] : memref<2x125x128xf32, #tpu.memory_space<vmem>> -> memref<1x125x128xf32, #tpu.memory_space<vmem>>
      %dma_start3A_104 = tpu.memref_squeeze %dma_start3A_103 : memref<1x125x128xf32, #tpu.memory_space<vmem>> -> memref<125x128xf32, #tpu.memory_space<vmem>>
      %dma_start3A_105 = arith.constant 0 : i32
      %dma_start3A_106 = arith.constant 0 : i32
      %dma_start3A_107 = tpu.memref_slice %arg12[%dma_start3A_105, %dma_start3A_106] : memref<10240x128xf32, #tpu.memory_space<vmem_shared>> -> memref<10240x128xf32, #tpu.memory_space<vmem_shared>>
      tpu.enqueue_indirect_dma source(%dma_start3A_104 : memref<125x128xf32, #tpu.memory_space<vmem>>) target(%dma_start3A_107 : memref<10240x128xf32, #tpu.memory_space<vmem_shared>>) offsets(%arg9 : memref<125xi32, #tpu.memory_space<vmem>>) semaphore(%run_scoped3A_100 : memref<!tpu.dma_semaphore, #tpu.memory_space<semaphore_mem>>) {add = true}
      %dma_wait3A_108 = arith.constant 0 : i32
      %dma_wait3A_109 = arith.constant 0 : i32
      %dma_wait3A_110 = tpu.memref_slice %arg11[%run_scoped3A, %dma_wait3A_108, %dma_wait3A_109] : memref<2x125x128xf32, #tpu.memory_space<vmem>> -> memref<1x125x128xf32, #tpu.memory_space<vmem>>
      %dma_wait3A_111 = tpu.memref_squeeze %dma_wait3A_110 : memref<1x125x128xf32, #tpu.memory_space<vmem>> -> memref<125x128xf32, #tpu.memory_space<vmem>>
      %dma_wait3A_112 = arith.constant 0 : i32
      %dma_wait3A_113 = arith.constant 0 : i32
      %dma_wait3A_114 = tpu.memref_slice %arg12[%dma_wait3A_112, %dma_wait3A_113] : memref<10240x128xf32, #tpu.memory_space<vmem_shared>> -> memref<10240x128xf32, #tpu.memory_space<vmem_shared>>
      tpu.wait_indirect_dma semaphore(%run_scoped3A_100 : memref<!tpu.dma_semaphore, #tpu.memory_space<semaphore_mem>>) src(%dma_wait3A_111 : memref<125x128xf32, #tpu.memory_space<vmem>>) dst(%dma_wait3A_114 : memref<10240x128xf32, #tpu.memory_space<vmem_shared>>)
      tpu.yield
    }) : () -> ()
    %dma_wait3A_86 = arith.constant 1 : i32
    %dma_wait3A_87 = arith.constant 0 : i32
    %dma_wait3A_88 = arith.constant 0 : i32
    %dma_wait3A_89 = tpu.memref_slice %arg11[%dma_wait3A_86, %dma_wait3A_87, %dma_wait3A_88] : memref<2x125x128xf32, #tpu.memory_space<vmem>> -> memref<1x125x128xf32, #tpu.memory_space<vmem>>
    %dma_wait3A_90 = tpu.memref_squeeze %dma_wait3A_89 : memref<1x125x128xf32, #tpu.memory_space<vmem>> -> memref<125x128xf32, #tpu.memory_space<vmem>>
    %dma_wait3A_91 = arith.constant 0 : i32
    %dma_wait3A_92 = arith.constant 0 : i32
    %dma_wait3A_93 = tpu.memref_slice %arg2[%dma_wait3A_91, %dma_wait3A_92] : memref<10000x128xf32, #tpu.memory_space<hbm>> -> memref<10000x128xf32, #tpu.memory_space<hbm>>
    tpu.wait_indirect_dma semaphore(%arg14 : memref<!tpu.dma_semaphore, #tpu.memory_space<semaphore_mem>>) src(%dma_wait3A_93 : memref<10000x128xf32, #tpu.memory_space<hbm>>) dst(%dma_wait3A_90 : memref<125x128xf32, #tpu.memory_space<vmem>>)
    %run_scoped3A_94 = arith.constant 1 : i32
    "tpu.region"() ({
      %run_scoped3A_100 = tpu.sem_alloc : memref<!tpu.dma_semaphore, #tpu.memory_space<semaphore_mem>>
      %dma_start3A_101 = arith.constant 0 : i32
      %dma_start3A_102 = arith.constant 0 : i32
      %dma_start3A_103 = tpu.memref_slice %arg11[%run_scoped3A_94, %dma_start3A_101, %dma_start3A_102] : memref<2x125x128xf32, #tpu.memory_space<vmem>> -> memref<1x125x128xf32, #tpu.memory_space<vmem>>
      %dma_start3A_104 = tpu.memref_squeeze %dma_start3A_103 : memref<1x125x128xf32, #tpu.memory_space<vmem>> -> memref<125x128xf32, #tpu.memory_space<vmem>>
      %dma_start3A_105 = arith.constant 0 : i32
      %dma_start3A_106 = arith.constant 0 : i32
      %dma_start3A_107 = tpu.memref_slice %arg12[%dma_start3A_105, %dma_start3A_106] : memref<10240x128xf32, #tpu.memory_space<vmem_shared>> -> memref<10240x128xf32, #tpu.memory_space<vmem_shared>>
      tpu.enqueue_indirect_dma source(%dma_start3A_104 : memref<125x128xf32, #tpu.memory_space<vmem>>) target(%dma_start3A_107 : memref<10240x128xf32, #tpu.memory_space<vmem_shared>>) offsets(%arg10 : memref<125xi32, #tpu.memory_space<vmem>>) semaphore(%run_scoped3A_100 : memref<!tpu.dma_semaphore, #tpu.memory_space<semaphore_mem>>) {add = true}
      %dma_wait3A_108 = arith.constant 0 : i32
      %dma_wait3A_109 = arith.constant 0 : i32
      %dma_wait3A_110 = tpu.memref_slice %arg11[%run_scoped3A_94, %dma_wait3A_108, %dma_wait3A_109] : memref<2x125x128xf32, #tpu.memory_space<vmem>> -> memref<1x125x128xf32, #tpu.memory_space<vmem>>
      %dma_wait3A_111 = tpu.memref_squeeze %dma_wait3A_110 : memref<1x125x128xf32, #tpu.memory_space<vmem>> -> memref<125x128xf32, #tpu.memory_space<vmem>>
      %dma_wait3A_112 = arith.constant 0 : i32
      %dma_wait3A_113 = arith.constant 0 : i32
      %dma_wait3A_114 = tpu.memref_slice %arg12[%dma_wait3A_112, %dma_wait3A_113] : memref<10240x128xf32, #tpu.memory_space<vmem_shared>> -> memref<10240x128xf32, #tpu.memory_space<vmem_shared>>
      tpu.wait_indirect_dma semaphore(%run_scoped3A_100 : memref<!tpu.dma_semaphore, #tpu.memory_space<semaphore_mem>>) src(%dma_wait3A_111 : memref<125x128xf32, #tpu.memory_space<vmem>>) dst(%dma_wait3A_114 : memref<10240x128xf32, #tpu.memory_space<vmem_shared>>)
      tpu.yield
    }) : () -> ()
    %barrier3A_95 = arith.constant 0 : index
    tpu.barrier barrier_id(%barrier3A_95)
    %mul3A_96 = arith.constant 640 : i32
    %mul3A_97 = arith.muli %arg1, %mul3A_96 : i32
    %mul3A_98 = arith.constant 640 : i32
    %mul3A_99 = arith.muli %arg1, %mul3A_98 : i32
    "tpu.region"() ({
      %run_scoped3A_100 = tpu.sem_alloc : memref<!tpu.dma_semaphore, #tpu.memory_space<semaphore_mem>>
      %dma_start3A_101 = arith.constant 0 : i32
      %dma_start3A_102 = tpu.memref_slice %arg6[%arg0, %mul3A_99, %dma_start3A_101] : memref<2x10240x128xf32, #tpu.memory_space<hbm>> -> memref<1x640x128xf32, #tpu.memory_space<hbm>>
      %dma_start3A_103 = tpu.memref_squeeze %dma_start3A_102 : memref<1x640x128xf32, #tpu.memory_space<hbm>> -> memref<640x128xf32, #tpu.memory_space<hbm>>
      %dma_start3A_104 = arith.constant 0 : i32
      %dma_start3A_105 = tpu.memref_slice %arg12[%mul3A_97, %dma_start3A_104] : memref<10240x128xf32, #tpu.memory_space<vmem_shared>> -> memref<640x128xf32, #tpu.memory_space<vmem_shared>>
      tpu.enqueue_dma source(%dma_start3A_105 : memref<640x128xf32, #tpu.memory_space<vmem_shared>>) target(%dma_start3A_103 : memref<640x128xf32, #tpu.memory_space<hbm>>) target_semaphore(%run_scoped3A_100 : memref<!tpu.dma_semaphore, #tpu.memory_space<semaphore_mem>>)
      %dma_wait3A_106 = arith.constant 0 : i32
      %dma_wait3A_107 = tpu.memref_slice %arg6[%arg0, %mul3A_99, %dma_wait3A_106] : memref<2x10240x128xf32, #tpu.memory_space<hbm>> -> memref<1x640x128xf32, #tpu.memory_space<hbm>>
      %dma_wait3A_108 = tpu.memref_squeeze %dma_wait3A_107 : memref<1x640x128xf32, #tpu.memory_space<hbm>> -> memref<640x128xf32, #tpu.memory_space<hbm>>
      %dma_wait3A_109 = arith.constant 0 : i32
      %dma_wait3A_110 = tpu.memref_slice %arg12[%mul3A_97, %dma_wait3A_109] : memref<10240x128xf32, #tpu.memory_space<vmem_shared>> -> memref<640x128xf32, #tpu.memory_space<vmem_shared>>
      tpu.wait_dma2 semaphore(%run_scoped3A_100 : memref<!tpu.dma_semaphore, #tpu.memory_space<semaphore_mem>>) src(%dma_wait3A_110 : memref<640x128xf32, #tpu.memory_space<vmem_shared>>) dst(%dma_wait3A_108 : memref<640x128xf32, #tpu.memory_space<hbm>>)
      tpu.yield
    }) : () -> ()
    return
  }
}

#map = affine_map<(d0, d1) -> (0, 0)>
#map1 = affine_map<(d0, d1) -> (0, 0, 0)>
module attributes {stable_mosaic.version = 14 : i64} {
  func.func @_seg_state_body(%arg0: i32, %arg1: i32, %arg2: memref<10000x128xf32, #tpu.memory_space<hbm>>, %arg3: memref<32x80x125xi32, #tpu.memory_space<hbm>>, %arg4: memref<32x80x125xi32, #tpu.memory_space<hbm>>, %arg5: memref<640x128xf32, #tpu.memory_space<hbm>>, %arg6: memref<2x10240x128xf32, #tpu.memory_space<hbm>>, %arg7: memref<125xi32, #tpu.memory_space<vmem>>, %arg8: memref<125xi32, #tpu.memory_space<vmem>>, %arg9: memref<125xi32, #tpu.memory_space<vmem>>, %arg10: memref<125xi32, #tpu.memory_space<vmem>>, %arg11: memref<2x125x128xf32, #tpu.memory_space<vmem>>, %arg12: memref<10240x128xf32, #tpu.memory_space<vmem_shared>>, %arg13: memref<!tpu.dma_semaphore, #tpu.memory_space<semaphore_mem>>, %arg14: memref<!tpu.dma_semaphore, #tpu.memory_space<semaphore_mem>>, %arg15: memref<!tpu.dma_semaphore, #tpu.memory_space<semaphore_mem>>, %arg16: memref<!tpu.dma_semaphore, #tpu.memory_space<semaphore_mem>>) attributes {dimension_semantics = [#tpu.dimension_semantics<core_parallel>, #tpu.dimension_semantics<subcore_parallel>], iteration_bounds = array<i64: 2, 16>, scalar_prefetch = 0 : i64, scratch_operands = 10 : i64, tpu.core_type = #tpu.core_type<sc_vector_subcore>, window_params = [{transform_indices = #map}, {transform_indices = #map1}, {transform_indices = #map1}, {transform_indices = #map}, {transform_indices = #map1}]} {
    %mul3A = arith.constant 16 : i32
    %mul3A_0 = arith.muli %arg0, %mul3A : i32
    %add3A = arith.addi %mul3A_0, %arg1 : i32
    %mul3A_1 = arith.constant 640 : i32
    %mul3A_2 = arith.muli %arg1, %mul3A_1 : i32
    "tpu.region"() ({
      %run_scoped3A_100 = tpu.sem_alloc : memref<!tpu.dma_semaphore, #tpu.memory_space<semaphore_mem>>
      %dma_start3A_101 = arith.constant 0 : i32
      %dma_start3A_102 = tpu.memref_slice %arg12[%mul3A_2, %dma_start3A_101] : memref<10240x128xf32, #tpu.memory_space<vmem_shared>> -> memref<640x128xf32, #tpu.memory_space<vmem_shared>>
      tpu.enqueue_dma source(%arg5 : memref<640x128xf32, #tpu.memory_space<hbm>>) target(%dma_start3A_102 : memref<640x128xf32, #tpu.memory_space<vmem_shared>>) target_semaphore(%run_scoped3A_100 : memref<!tpu.dma_semaphore, #tpu.memory_space<semaphore_mem>>)
      %dma_wait3A_103 = arith.constant 0 : i32
      %dma_wait3A_104 = tpu.memref_slice %arg12[%mul3A_2, %dma_wait3A_103] : memref<10240x128xf32, #tpu.memory_space<vmem_shared>> -> memref<640x128xf32, #tpu.memory_space<vmem_shared>>
      tpu.wait_dma2 semaphore(%run_scoped3A_100 : memref<!tpu.dma_semaphore, #tpu.memory_space<semaphore_mem>>) src(%arg5 : memref<640x128xf32, #tpu.memory_space<hbm>>) dst(%dma_wait3A_104 : memref<640x128xf32, #tpu.memory_space<vmem_shared>>)
      tpu.yield
    }) : () -> ()
    %barrier3A = arith.constant 0 : index
    tpu.barrier barrier_id(%barrier3A)
    %dma_start3A = arith.constant 0 : i32
    %dma_start3A_3 = arith.constant 0 : i32
    %dma_start3A_4 = tpu.memref_slice %arg3[%add3A, %dma_start3A, %dma_start3A_3] : memref<32x80x125xi32, #tpu.memory_space<hbm>> -> memref<1x1x125xi32, #tpu.memory_space<hbm>>
    %dma_start3A_5 = tpu.memref_squeeze %dma_start3A_4 : memref<1x1x125xi32, #tpu.memory_space<hbm>> -> memref<125xi32, #tpu.memory_space<hbm>>
    %dma_start3A_6 = arith.constant 0 : i32
    %dma_start3A_7 = tpu.memref_slice %arg3[%add3A, %dma_start3A, %dma_start3A_6] : memref<32x80x125xi32, #tpu.memory_space<hbm>> -> memref<1x1x125xi32, #tpu.memory_space<hbm>>
    %dma_start3A_8 = tpu.memref_squeeze %dma_start3A_7 : memref<1x1x125xi32, #tpu.memory_space<hbm>> -> memref<125xi32, #tpu.memory_space<hbm>>
    tpu.enqueue_dma source(%dma_start3A_8 : memref<125xi32, #tpu.memory_space<hbm>>) target(%arg7 : memref<125xi32, #tpu.memory_space<vmem>>) target_semaphore(%arg15 : memref<!tpu.dma_semaphore, #tpu.memory_space<semaphore_mem>>)
    %dma_start3A_9 = arith.constant 0 : i32
    %dma_start3A_10 = arith.constant 0 : i32
    %dma_start3A_11 = tpu.memref_slice %arg4[%add3A, %dma_start3A_9, %dma_start3A_10] : memref<32x80x125xi32, #tpu.memory_space<hbm>> -> memref<1x1x125xi32, #tpu.memory_space<hbm>>
    %dma_start3A_12 = tpu.memref_squeeze %dma_start3A_11 : memref<1x1x125xi32, #tpu.memory_space<hbm>> -> memref<125xi32, #tpu.memory_space<hbm>>
    %dma_start3A_13 = arith.constant 0 : i32
    %dma_start3A_14 = tpu.memref_slice %arg4[%add3A, %dma_start3A_9, %dma_start3A_13] : memref<32x80x125xi32, #tpu.memory_space<hbm>> -> memref<1x1x125xi32, #tpu.memory_space<hbm>>
    %dma_start3A_15 = tpu.memref_squeeze %dma_start3A_14 : memref<1x1x125xi32, #tpu.memory_space<hbm>> -> memref<125xi32, #tpu.memory_space<hbm>>
    tpu.enqueue_dma source(%dma_start3A_15 : memref<125xi32, #tpu.memory_space<hbm>>) target(%arg9 : memref<125xi32, #tpu.memory_space<vmem>>) target_semaphore(%arg15 : memref<!tpu.dma_semaphore, #tpu.memory_space<semaphore_mem>>)
    %dma_wait3A = arith.constant 0 : i32
    %dma_wait3A_16 = arith.constant 0 : i32
    %dma_wait3A_17 = tpu.memref_slice %arg3[%add3A, %dma_wait3A, %dma_wait3A_16] : memref<32x80x125xi32, #tpu.memory_space<hbm>> -> memref<1x1x125xi32, #tpu.memory_space<hbm>>
    %dma_wait3A_18 = tpu.memref_squeeze %dma_wait3A_17 : memref<1x1x125xi32, #tpu.memory_space<hbm>> -> memref<125xi32, #tpu.memory_space<hbm>>
    %dma_wait3A_19 = arith.constant 0 : i32
    %dma_wait3A_20 = tpu.memref_slice %arg3[%add3A, %dma_wait3A, %dma_wait3A_19] : memref<32x80x125xi32, #tpu.memory_space<hbm>> -> memref<1x1x125xi32, #tpu.memory_space<hbm>>
    %dma_wait3A_21 = tpu.memref_squeeze %dma_wait3A_20 : memref<1x1x125xi32, #tpu.memory_space<hbm>> -> memref<125xi32, #tpu.memory_space<hbm>>
    tpu.wait_dma2 semaphore(%arg15 : memref<!tpu.dma_semaphore, #tpu.memory_space<semaphore_mem>>) src(%dma_wait3A_21 : memref<125xi32, #tpu.memory_space<hbm>>) dst(%arg7 : memref<125xi32, #tpu.memory_space<vmem>>)
    %dma_wait3A_22 = arith.constant 0 : i32
    %dma_wait3A_23 = arith.constant 0 : i32
    %dma_wait3A_24 = tpu.memref_slice %arg4[%add3A, %dma_wait3A_22, %dma_wait3A_23] : memref<32x80x125xi32, #tpu.memory_space<hbm>> -> memref<1x1x125xi32, #tpu.memory_space<hbm>>
    %dma_wait3A_25 = tpu.memref_squeeze %dma_wait3A_24 : memref<1x1x125xi32, #tpu.memory_space<hbm>> -> memref<125xi32, #tpu.memory_space<hbm>>
    %dma_wait3A_26 = arith.constant 0 : i32
    %dma_wait3A_27 = tpu.memref_slice %arg4[%add3A, %dma_wait3A_22, %dma_wait3A_26] : memref<32x80x125xi32, #tpu.memory_space<hbm>> -> memref<1x1x125xi32, #tpu.memory_space<hbm>>
    %dma_wait3A_28 = tpu.memref_squeeze %dma_wait3A_27 : memref<1x1x125xi32, #tpu.memory_space<hbm>> -> memref<125xi32, #tpu.memory_space<hbm>>
    tpu.wait_dma2 semaphore(%arg15 : memref<!tpu.dma_semaphore, #tpu.memory_space<semaphore_mem>>) src(%dma_wait3A_28 : memref<125xi32, #tpu.memory_space<hbm>>) dst(%arg9 : memref<125xi32, #tpu.memory_space<vmem>>)
    %dma_start3A_29 = arith.constant 0 : i32
    %dma_start3A_30 = arith.constant 0 : i32
    %dma_start3A_31 = arith.constant 0 : i32
    %dma_start3A_32 = tpu.memref_slice %arg11[%dma_start3A_29, %dma_start3A_30, %dma_start3A_31] : memref<2x125x128xf32, #tpu.memory_space<vmem>> -> memref<1x125x128xf32, #tpu.memory_space<vmem>>
    %dma_start3A_33 = tpu.memref_squeeze %dma_start3A_32 : memref<1x125x128xf32, #tpu.memory_space<vmem>> -> memref<125x128xf32, #tpu.memory_space<vmem>>
    %dma_start3A_34 = arith.constant 0 : i32
    %dma_start3A_35 = arith.constant 0 : i32
    %dma_start3A_36 = tpu.memref_slice %arg2[%dma_start3A_34, %dma_start3A_35] : memref<10000x128xf32, #tpu.memory_space<hbm>> -> memref<10000x128xf32, #tpu.memory_space<hbm>>
    tpu.enqueue_indirect_dma source(%dma_start3A_36 : memref<10000x128xf32, #tpu.memory_space<hbm>>) target(%dma_start3A_33 : memref<125x128xf32, #tpu.memory_space<vmem>>) offsets(%arg7 : memref<125xi32, #tpu.memory_space<vmem>>) semaphore(%arg13 : memref<!tpu.dma_semaphore, #tpu.memory_space<semaphore_mem>>)
    %dma_start3A_37 = arith.constant 1 : i32
    %dma_start3A_38 = arith.constant 0 : i32
    %dma_start3A_39 = tpu.memref_slice %arg3[%add3A, %dma_start3A_37, %dma_start3A_38] : memref<32x80x125xi32, #tpu.memory_space<hbm>> -> memref<1x1x125xi32, #tpu.memory_space<hbm>>
    %dma_start3A_40 = tpu.memref_squeeze %dma_start3A_39 : memref<1x1x125xi32, #tpu.memory_space<hbm>> -> memref<125xi32, #tpu.memory_space<hbm>>
    %dma_start3A_41 = arith.constant 0 : i32
    %dma_start3A_42 = tpu.memref_slice %arg3[%add3A, %dma_start3A_37, %dma_start3A_41] : memref<32x80x125xi32, #tpu.memory_space<hbm>> -> memref<1x1x125xi32, #tpu.memory_space<hbm>>
    %dma_start3A_43 = tpu.memref_squeeze %dma_start3A_42 : memref<1x1x125xi32, #tpu.memory_space<hbm>> -> memref<125xi32, #tpu.memory_space<hbm>>
    tpu.enqueue_dma source(%dma_start3A_43 : memref<125xi32, #tpu.memory_space<hbm>>) target(%arg8 : memref<125xi32, #tpu.memory_space<vmem>>) target_semaphore(%arg16 : memref<!tpu.dma_semaphore, #tpu.memory_space<semaphore_mem>>)
    %dma_start3A_44 = arith.constant 1 : i32
    %dma_start3A_45 = arith.constant 0 : i32
    %dma_start3A_46 = tpu.memref_slice %arg4[%add3A, %dma_start3A_44, %dma_start3A_45] : memref<32x80x125xi32, #tpu.memory_space<hbm>> -> memref<1x1x125xi32, #tpu.memory_space<hbm>>
    %dma_start3A_47 = tpu.memref_squeeze %dma_start3A_46 : memref<1x1x125xi32, #tpu.memory_space<hbm>> -> memref<125xi32, #tpu.memory_space<hbm>>
    %dma_start3A_48 = arith.constant 0 : i32
    %dma_start3A_49 = tpu.memref_slice %arg4[%add3A, %dma_start3A_44, %dma_start3A_48] : memref<32x80x125xi32, #tpu.memory_space<hbm>> -> memref<1x1x125xi32, #tpu.memory_space<hbm>>
    %dma_start3A_50 = tpu.memref_squeeze %dma_start3A_49 : memref<1x1x125xi32, #tpu.memory_space<hbm>> -> memref<125xi32, #tpu.memory_space<hbm>>
    tpu.enqueue_dma source(%dma_start3A_50 : memref<125xi32, #tpu.memory_space<hbm>>) target(%arg10 : memref<125xi32, #tpu.memory_space<vmem>>) target_semaphore(%arg16 : memref<!tpu.dma_semaphore, #tpu.memory_space<semaphore_mem>>)
    %scan3A = arith.constant 0 : i32
    %scan3A_51 = arith.constant 0 : i32
    %scan3A_52 = arith.constant 39 : i32
    %scan3A_53 = arith.addi %scan3A_51, %scan3A_52 : i32
    %scan3A_54 = arith.constant 1 : i32
    scf.for %scan3A_100 = %scan3A_51 to %scan3A_53 step %scan3A_54  : i32 {
      %mul3A_101 = arith.constant 2 : i32
      %mul3A_102 = arith.muli %mul3A_101, %scan3A_100 : i32
      %add3A_103 = arith.constant 1 : i32
      %add3A_104 = arith.addi %mul3A_102, %add3A_103 : i32
      %dma_wait3A_105 = arith.constant 0 : i32
      %dma_wait3A_106 = tpu.memref_slice %arg3[%add3A, %add3A_104, %dma_wait3A_105] : memref<32x80x125xi32, #tpu.memory_space<hbm>> -> memref<1x1x125xi32, #tpu.memory_space<hbm>>
      %dma_wait3A_107 = tpu.memref_squeeze %dma_wait3A_106 : memref<1x1x125xi32, #tpu.memory_space<hbm>> -> memref<125xi32, #tpu.memory_space<hbm>>
      %dma_wait3A_108 = arith.constant 0 : i32
      %dma_wait3A_109 = tpu.memref_slice %arg3[%add3A, %add3A_104, %dma_wait3A_108] : memref<32x80x125xi32, #tpu.memory_space<hbm>> -> memref<1x1x125xi32, #tpu.memory_space<hbm>>
      %dma_wait3A_110 = tpu.memref_squeeze %dma_wait3A_109 : memref<1x1x125xi32, #tpu.memory_space<hbm>> -> memref<125xi32, #tpu.memory_space<hbm>>
      tpu.wait_dma2 semaphore(%arg16 : memref<!tpu.dma_semaphore, #tpu.memory_space<semaphore_mem>>) src(%dma_wait3A_110 : memref<125xi32, #tpu.memory_space<hbm>>) dst(%arg8 : memref<125xi32, #tpu.memory_space<vmem>>)
      %dma_wait3A_111 = arith.constant 0 : i32
      %dma_wait3A_112 = tpu.memref_slice %arg4[%add3A, %add3A_104, %dma_wait3A_111] : memref<32x80x125xi32, #tpu.memory_space<hbm>> -> memref<1x1x125xi32, #tpu.memory_space<hbm>>
      %dma_wait3A_113 = tpu.memref_squeeze %dma_wait3A_112 : memref<1x1x125xi32, #tpu.memory_space<hbm>> -> memref<125xi32, #tpu.memory_space<hbm>>
      %dma_wait3A_114 = arith.constant 0 : i32
      %dma_wait3A_115 = tpu.memref_slice %arg4[%add3A, %add3A_104, %dma_wait3A_114] : memref<32x80x125xi32, #tpu.memory_space<hbm>> -> memref<1x1x125xi32, #tpu.memory_space<hbm>>
      %dma_wait3A_116 = tpu.memref_squeeze %dma_wait3A_115 : memref<1x1x125xi32, #tpu.memory_space<hbm>> -> memref<125xi32, #tpu.memory_space<hbm>>
      tpu.wait_dma2 semaphore(%arg16 : memref<!tpu.dma_semaphore, #tpu.memory_space<semaphore_mem>>) src(%dma_wait3A_116 : memref<125xi32, #tpu.memory_space<hbm>>) dst(%arg10 : memref<125xi32, #tpu.memory_space<vmem>>)
      %dma_start3A_117 = arith.constant 1 : i32
      %dma_start3A_118 = arith.constant 0 : i32
      %dma_start3A_119 = arith.constant 0 : i32
      %dma_start3A_120 = tpu.memref_slice %arg11[%dma_start3A_117, %dma_start3A_118, %dma_start3A_119] : memref<2x125x128xf32, #tpu.memory_space<vmem>> -> memref<1x125x128xf32, #tpu.memory_space<vmem>>
      %dma_start3A_121 = tpu.memref_squeeze %dma_start3A_120 : memref<1x125x128xf32, #tpu.memory_space<vmem>> -> memref<125x128xf32, #tpu.memory_space<vmem>>
      %dma_start3A_122 = arith.constant 0 : i32
      %dma_start3A_123 = arith.constant 0 : i32
      %dma_start3A_124 = tpu.memref_slice %arg2[%dma_start3A_122, %dma_start3A_123] : memref<10000x128xf32, #tpu.memory_space<hbm>> -> memref<10000x128xf32, #tpu.memory_space<hbm>>
      tpu.enqueue_indirect_dma source(%dma_start3A_124 : memref<10000x128xf32, #tpu.memory_space<hbm>>) target(%dma_start3A_121 : memref<125x128xf32, #tpu.memory_space<vmem>>) offsets(%arg8 : memref<125xi32, #tpu.memory_space<vmem>>) semaphore(%arg14 : memref<!tpu.dma_semaphore, #tpu.memory_space<semaphore_mem>>)
      %dma_wait3A_125 = arith.constant 0 : i32
      %dma_wait3A_126 = arith.constant 0 : i32
      %dma_wait3A_127 = arith.constant 0 : i32
      %dma_wait3A_128 = tpu.memref_slice %arg11[%dma_wait3A_125, %dma_wait3A_126, %dma_wait3A_127] : memref<2x125x128xf32, #tpu.memory_space<vmem>> -> memref<1x125x128xf32, #tpu.memory_space<vmem>>
      %dma_wait3A_129 = tpu.memref_squeeze %dma_wait3A_128 : memref<1x125x128xf32, #tpu.memory_space<vmem>> -> memref<125x128xf32, #tpu.memory_space<vmem>>
      %dma_wait3A_130 = arith.constant 0 : i32
      %dma_wait3A_131 = arith.constant 0 : i32
      %dma_wait3A_132 = tpu.memref_slice %arg2[%dma_wait3A_130, %dma_wait3A_131] : memref<10000x128xf32, #tpu.memory_space<hbm>> -> memref<10000x128xf32, #tpu.memory_space<hbm>>
      tpu.wait_indirect_dma semaphore(%arg13 : memref<!tpu.dma_semaphore, #tpu.memory_space<semaphore_mem>>) src(%dma_wait3A_132 : memref<10000x128xf32, #tpu.memory_space<hbm>>) dst(%dma_wait3A_129 : memref<125x128xf32, #tpu.memory_space<vmem>>)
      %run_scoped3A_133 = arith.constant 0 : i32
      "tpu.region"() ({
        %run_scoped3A_193 = tpu.sem_alloc : memref<!tpu.dma_semaphore, #tpu.memory_space<semaphore_mem>>
        %dma_start3A_194 = arith.constant 0 : i32
        %dma_start3A_195 = arith.constant 0 : i32
        %dma_start3A_196 = tpu.memref_slice %arg11[%run_scoped3A_133, %dma_start3A_194, %dma_start3A_195] : memref<2x125x128xf32, #tpu.memory_space<vmem>> -> memref<1x125x128xf32, #tpu.memory_space<vmem>>
        %dma_start3A_197 = tpu.memref_squeeze %dma_start3A_196 : memref<1x125x128xf32, #tpu.memory_space<vmem>> -> memref<125x128xf32, #tpu.memory_space<vmem>>
        %dma_start3A_198 = arith.constant 0 : i32
        %dma_start3A_199 = arith.constant 0 : i32
        %dma_start3A_200 = tpu.memref_slice %arg12[%dma_start3A_198, %dma_start3A_199] : memref<10240x128xf32, #tpu.memory_space<vmem_shared>> -> memref<10240x128xf32, #tpu.memory_space<vmem_shared>>
        tpu.enqueue_indirect_dma source(%dma_start3A_197 : memref<125x128xf32, #tpu.memory_space<vmem>>) target(%dma_start3A_200 : memref<10240x128xf32, #tpu.memory_space<vmem_shared>>) offsets(%arg9 : memref<125xi32, #tpu.memory_space<vmem>>) semaphore(%run_scoped3A_193 : memref<!tpu.dma_semaphore, #tpu.memory_space<semaphore_mem>>) {add = true}
        %dma_wait3A_201 = arith.constant 0 : i32
        %dma_wait3A_202 = arith.constant 0 : i32
        %dma_wait3A_203 = tpu.memref_slice %arg11[%run_scoped3A_133, %dma_wait3A_201, %dma_wait3A_202] : memref<2x125x128xf32, #tpu.memory_space<vmem>> -> memref<1x125x128xf32, #tpu.memory_space<vmem>>
        %dma_wait3A_204 = tpu.memref_squeeze %dma_wait3A_203 : memref<1x125x128xf32, #tpu.memory_space<vmem>> -> memref<125x128xf32, #tpu.memory_space<vmem>>
        %dma_wait3A_205 = arith.constant 0 : i32
        %dma_wait3A_206 = arith.constant 0 : i32
        %dma_wait3A_207 = tpu.memref_slice %arg12[%dma_wait3A_205, %dma_wait3A_206] : memref<10240x128xf32, #tpu.memory_space<vmem_shared>> -> memref<10240x128xf32, #tpu.memory_space<vmem_shared>>
        tpu.wait_indirect_dma semaphore(%run_scoped3A_193 : memref<!tpu.dma_semaphore, #tpu.memory_space<semaphore_mem>>) src(%dma_wait3A_204 : memref<125x128xf32, #tpu.memory_space<vmem>>) dst(%dma_wait3A_207 : memref<10240x128xf32, #tpu.memory_space<vmem_shared>>)
        tpu.yield
      }) : () -> ()
      %add3A_134 = arith.constant 2 : i32
      %add3A_135 = arith.addi %mul3A_102, %add3A_134 : i32
      %dma_start3A_136 = arith.constant 0 : i32
      %dma_start3A_137 = tpu.memref_slice %arg3[%add3A, %add3A_135, %dma_start3A_136] : memref<32x80x125xi32, #tpu.memory_space<hbm>> -> memref<1x1x125xi32, #tpu.memory_space<hbm>>
      %dma_start3A_138 = tpu.memref_squeeze %dma_start3A_137 : memref<1x1x125xi32, #tpu.memory_space<hbm>> -> memref<125xi32, #tpu.memory_space<hbm>>
      %dma_start3A_139 = arith.constant 0 : i32
      %dma_start3A_140 = tpu.memref_slice %arg3[%add3A, %add3A_135, %dma_start3A_139] : memref<32x80x125xi32, #tpu.memory_space<hbm>> -> memref<1x1x125xi32, #tpu.memory_space<hbm>>
      %dma_start3A_141 = tpu.memref_squeeze %dma_start3A_140 : memref<1x1x125xi32, #tpu.memory_space<hbm>> -> memref<125xi32, #tpu.memory_space<hbm>>
      tpu.enqueue_dma source(%dma_start3A_141 : memref<125xi32, #tpu.memory_space<hbm>>) target(%arg7 : memref<125xi32, #tpu.memory_space<vmem>>) target_semaphore(%arg15 : memref<!tpu.dma_semaphore, #tpu.memory_space<semaphore_mem>>)
      %dma_start3A_142 = arith.constant 0 : i32
      %dma_start3A_143 = tpu.memref_slice %arg4[%add3A, %add3A_135, %dma_start3A_142] : memref<32x80x125xi32, #tpu.memory_space<hbm>> -> memref<1x1x125xi32, #tpu.memory_space<hbm>>
      %dma_start3A_144 = tpu.memref_squeeze %dma_start3A_143 : memref<1x1x125xi32, #tpu.memory_space<hbm>> -> memref<125xi32, #tpu.memory_space<hbm>>
      %dma_start3A_145 = arith.constant 0 : i32
      %dma_start3A_146 = tpu.memref_slice %arg4[%add3A, %add3A_135, %dma_start3A_145] : memref<32x80x125xi32, #tpu.memory_space<hbm>> -> memref<1x1x125xi32, #tpu.memory_space<hbm>>
      %dma_start3A_147 = tpu.memref_squeeze %dma_start3A_146 : memref<1x1x125xi32, #tpu.memory_space<hbm>> -> memref<125xi32, #tpu.memory_space<hbm>>
      tpu.enqueue_dma source(%dma_start3A_147 : memref<125xi32, #tpu.memory_space<hbm>>) target(%arg9 : memref<125xi32, #tpu.memory_space<vmem>>) target_semaphore(%arg15 : memref<!tpu.dma_semaphore, #tpu.memory_space<semaphore_mem>>)
      %add3A_148 = arith.constant 2 : i32
      %add3A_149 = arith.addi %mul3A_102, %add3A_148 : i32
      %dma_wait3A_150 = arith.constant 0 : i32
      %dma_wait3A_151 = tpu.memref_slice %arg3[%add3A, %add3A_149, %dma_wait3A_150] : memref<32x80x125xi32, #tpu.memory_space<hbm>> -> memref<1x1x125xi32, #tpu.memory_space<hbm>>
      %dma_wait3A_152 = tpu.memref_squeeze %dma_wait3A_151 : memref<1x1x125xi32, #tpu.memory_space<hbm>> -> memref<125xi32, #tpu.memory_space<hbm>>
      %dma_wait3A_153 = arith.constant 0 : i32
      %dma_wait3A_154 = tpu.memref_slice %arg3[%add3A, %add3A_149, %dma_wait3A_153] : memref<32x80x125xi32, #tpu.memory_space<hbm>> -> memref<1x1x125xi32, #tpu.memory_space<hbm>>
      %dma_wait3A_155 = tpu.memref_squeeze %dma_wait3A_154 : memref<1x1x125xi32, #tpu.memory_space<hbm>> -> memref<125xi32, #tpu.memory_space<hbm>>
      tpu.wait_dma2 semaphore(%arg15 : memref<!tpu.dma_semaphore, #tpu.memory_space<semaphore_mem>>) src(%dma_wait3A_155 : memref<125xi32, #tpu.memory_space<hbm>>) dst(%arg7 : memref<125xi32, #tpu.memory_space<vmem>>)
      %dma_wait3A_156 = arith.constant 0 : i32
      %dma_wait3A_157 = tpu.memref_slice %arg4[%add3A, %add3A_149, %dma_wait3A_156] : memref<32x80x125xi32, #tpu.memory_space<hbm>> -> memref<1x1x125xi32, #tpu.memory_space<hbm>>
      %dma_wait3A_158 = tpu.memref_squeeze %dma_wait3A_157 : memref<1x1x125xi32, #tpu.memory_space<hbm>> -> memref<125xi32, #tpu.memory_space<hbm>>
      %dma_wait3A_159 = arith.constant 0 : i32
      %dma_wait3A_160 = tpu.memref_slice %arg4[%add3A, %add3A_149, %dma_wait3A_159] : memref<32x80x125xi32, #tpu.memory_space<hbm>> -> memref<1x1x125xi32, #tpu.memory_space<hbm>>
      %dma_wait3A_161 = tpu.memref_squeeze %dma_wait3A_160 : memref<1x1x125xi32, #tpu.memory_space<hbm>> -> memref<125xi32, #tpu.memory_space<hbm>>
      tpu.wait_dma2 semaphore(%arg15 : memref<!tpu.dma_semaphore, #tpu.memory_space<semaphore_mem>>) src(%dma_wait3A_161 : memref<125xi32, #tpu.memory_space<hbm>>) dst(%arg9 : memref<125xi32, #tpu.memory_space<vmem>>)
      %dma_start3A_162 = arith.constant 0 : i32
      %dma_start3A_163 = arith.constant 0 : i32
      %dma_start3A_164 = arith.constant 0 : i32
      %dma_start3A_165 = tpu.memref_slice %arg11[%dma_start3A_162, %dma_start3A_163, %dma_start3A_164] : memref<2x125x128xf32, #tpu.memory_space<vmem>> -> memref<1x125x128xf32, #tpu.memory_space<vmem>>
      %dma_start3A_166 = tpu.memref_squeeze %dma_start3A_165 : memref<1x125x128xf32, #tpu.memory_space<vmem>> -> memref<125x128xf32, #tpu.memory_space<vmem>>
      %dma_start3A_167 = arith.constant 0 : i32
      %dma_start3A_168 = arith.constant 0 : i32
      %dma_start3A_169 = tpu.memref_slice %arg2[%dma_start3A_167, %dma_start3A_168] : memref<10000x128xf32, #tpu.memory_space<hbm>> -> memref<10000x128xf32, #tpu.memory_space<hbm>>
      tpu.enqueue_indirect_dma source(%dma_start3A_169 : memref<10000x128xf32, #tpu.memory_space<hbm>>) target(%dma_start3A_166 : memref<125x128xf32, #tpu.memory_space<vmem>>) offsets(%arg7 : memref<125xi32, #tpu.memory_space<vmem>>) semaphore(%arg13 : memref<!tpu.dma_semaphore, #tpu.memory_space<semaphore_mem>>)
      %dma_wait3A_170 = arith.constant 1 : i32
      %dma_wait3A_171 = arith.constant 0 : i32
      %dma_wait3A_172 = arith.constant 0 : i32
      %dma_wait3A_173 = tpu.memref_slice %arg11[%dma_wait3A_170, %dma_wait3A_171, %dma_wait3A_172] : memref<2x125x128xf32, #tpu.memory_space<vmem>> -> memref<1x125x128xf32, #tpu.memory_space<vmem>>
      %dma_wait3A_174 = tpu.memref_squeeze %dma_wait3A_173 : memref<1x125x128xf32, #tpu.memory_space<vmem>> -> memref<125x128xf32, #tpu.memory_space<vmem>>
      %dma_wait3A_175 = arith.constant 0 : i32
      %dma_wait3A_176 = arith.constant 0 : i32
      %dma_wait3A_177 = tpu.memref_slice %arg2[%dma_wait3A_175, %dma_wait3A_176] : memref<10000x128xf32, #tpu.memory_space<hbm>> -> memref<10000x128xf32, #tpu.memory_space<hbm>>
      tpu.wait_indirect_dma semaphore(%arg14 : memref<!tpu.dma_semaphore, #tpu.memory_space<semaphore_mem>>) src(%dma_wait3A_177 : memref<10000x128xf32, #tpu.memory_space<hbm>>) dst(%dma_wait3A_174 : memref<125x128xf32, #tpu.memory_space<vmem>>)
      %run_scoped3A_178 = arith.constant 1 : i32
      "tpu.region"() ({
        %run_scoped3A_193 = tpu.sem_alloc : memref<!tpu.dma_semaphore, #tpu.memory_space<semaphore_mem>>
        %dma_start3A_194 = arith.constant 0 : i32
        %dma_start3A_195 = arith.constant 0 : i32
        %dma_start3A_196 = tpu.memref_slice %arg11[%run_scoped3A_178, %dma_start3A_194, %dma_start3A_195] : memref<2x125x128xf32, #tpu.memory_space<vmem>> -> memref<1x125x128xf32, #tpu.memory_space<vmem>>
        %dma_start3A_197 = tpu.memref_squeeze %dma_start3A_196 : memref<1x125x128xf32, #tpu.memory_space<vmem>> -> memref<125x128xf32, #tpu.memory_space<vmem>>
        %dma_start3A_198 = arith.constant 0 : i32
        %dma_start3A_199 = arith.constant 0 : i32
        %dma_start3A_200 = tpu.memref_slice %arg12[%dma_start3A_198, %dma_start3A_199] : memref<10240x128xf32, #tpu.memory_space<vmem_shared>> -> memref<10240x128xf32, #tpu.memory_space<vmem_shared>>
        tpu.enqueue_indirect_dma source(%dma_start3A_197 : memref<125x128xf32, #tpu.memory_space<vmem>>) target(%dma_start3A_200 : memref<10240x128xf32, #tpu.memory_space<vmem_shared>>) offsets(%arg10 : memref<125xi32, #tpu.memory_space<vmem>>) semaphore(%run_scoped3A_193 : memref<!tpu.dma_semaphore, #tpu.memory_space<semaphore_mem>>) {add = true}
        %dma_wait3A_201 = arith.constant 0 : i32
        %dma_wait3A_202 = arith.constant 0 : i32
        %dma_wait3A_203 = tpu.memref_slice %arg11[%run_scoped3A_178, %dma_wait3A_201, %dma_wait3A_202] : memref<2x125x128xf32, #tpu.memory_space<vmem>> -> memref<1x125x128xf32, #tpu.memory_space<vmem>>
        %dma_wait3A_204 = tpu.memref_squeeze %dma_wait3A_203 : memref<1x125x128xf32, #tpu.memory_space<vmem>> -> memref<125x128xf32, #tpu.memory_space<vmem>>
        %dma_wait3A_205 = arith.constant 0 : i32
        %dma_wait3A_206 = arith.constant 0 : i32
        %dma_wait3A_207 = tpu.memref_slice %arg12[%dma_wait3A_205, %dma_wait3A_206] : memref<10240x128xf32, #tpu.memory_space<vmem_shared>> -> memref<10240x128xf32, #tpu.memory_space<vmem_shared>>
        tpu.wait_indirect_dma semaphore(%run_scoped3A_193 : memref<!tpu.dma_semaphore, #tpu.memory_space<semaphore_mem>>) src(%dma_wait3A_204 : memref<125x128xf32, #tpu.memory_space<vmem>>) dst(%dma_wait3A_207 : memref<10240x128xf32, #tpu.memory_space<vmem_shared>>)
        tpu.yield
      }) : () -> ()
      %add3A_179 = arith.constant 3 : i32
      %add3A_180 = arith.addi %mul3A_102, %add3A_179 : i32
      %dma_start3A_181 = arith.constant 0 : i32
      %dma_start3A_182 = tpu.memref_slice %arg3[%add3A, %add3A_180, %dma_start3A_181] : memref<32x80x125xi32, #tpu.memory_space<hbm>> -> memref<1x1x125xi32, #tpu.memory_space<hbm>>
      %dma_start3A_183 = tpu.memref_squeeze %dma_start3A_182 : memref<1x1x125xi32, #tpu.memory_space<hbm>> -> memref<125xi32, #tpu.memory_space<hbm>>
      %dma_start3A_184 = arith.constant 0 : i32
      %dma_start3A_185 = tpu.memref_slice %arg3[%add3A, %add3A_180, %dma_start3A_184] : memref<32x80x125xi32, #tpu.memory_space<hbm>> -> memref<1x1x125xi32, #tpu.memory_space<hbm>>
      %dma_start3A_186 = tpu.memref_squeeze %dma_start3A_185 : memref<1x1x125xi32, #tpu.memory_space<hbm>> -> memref<125xi32, #tpu.memory_space<hbm>>
      tpu.enqueue_dma source(%dma_start3A_186 : memref<125xi32, #tpu.memory_space<hbm>>) target(%arg8 : memref<125xi32, #tpu.memory_space<vmem>>) target_semaphore(%arg16 : memref<!tpu.dma_semaphore, #tpu.memory_space<semaphore_mem>>)
      %dma_start3A_187 = arith.constant 0 : i32
      %dma_start3A_188 = tpu.memref_slice %arg4[%add3A, %add3A_180, %dma_start3A_187] : memref<32x80x125xi32, #tpu.memory_space<hbm>> -> memref<1x1x125xi32, #tpu.memory_space<hbm>>
      %dma_start3A_189 = tpu.memref_squeeze %dma_start3A_188 : memref<1x1x125xi32, #tpu.memory_space<hbm>> -> memref<125xi32, #tpu.memory_space<hbm>>
      %dma_start3A_190 = arith.constant 0 : i32
      %dma_start3A_191 = tpu.memref_slice %arg4[%add3A, %add3A_180, %dma_start3A_190] : memref<32x80x125xi32, #tpu.memory_space<hbm>> -> memref<1x1x125xi32, #tpu.memory_space<hbm>>
      %dma_start3A_192 = tpu.memref_squeeze %dma_start3A_191 : memref<1x1x125xi32, #tpu.memory_space<hbm>> -> memref<125xi32, #tpu.memory_space<hbm>>
      tpu.enqueue_dma source(%dma_start3A_192 : memref<125xi32, #tpu.memory_space<hbm>>) target(%arg10 : memref<125xi32, #tpu.memory_space<vmem>>) target_semaphore(%arg16 : memref<!tpu.dma_semaphore, #tpu.memory_space<semaphore_mem>>)
    }
    %scan3A_55 = arith.constant 39 : i32
    %dma_wait3A_56 = arith.constant 79 : i32
    %dma_wait3A_57 = arith.constant 0 : i32
    %dma_wait3A_58 = tpu.memref_slice %arg3[%add3A, %dma_wait3A_56, %dma_wait3A_57] : memref<32x80x125xi32, #tpu.memory_space<hbm>> -> memref<1x1x125xi32, #tpu.memory_space<hbm>>
    %dma_wait3A_59 = tpu.memref_squeeze %dma_wait3A_58 : memref<1x1x125xi32, #tpu.memory_space<hbm>> -> memref<125xi32, #tpu.memory_space<hbm>>
    %dma_wait3A_60 = arith.constant 0 : i32
    %dma_wait3A_61 = tpu.memref_slice %arg3[%add3A, %dma_wait3A_56, %dma_wait3A_60] : memref<32x80x125xi32, #tpu.memory_space<hbm>> -> memref<1x1x125xi32, #tpu.memory_space<hbm>>
    %dma_wait3A_62 = tpu.memref_squeeze %dma_wait3A_61 : memref<1x1x125xi32, #tpu.memory_space<hbm>> -> memref<125xi32, #tpu.memory_space<hbm>>
    tpu.wait_dma2 semaphore(%arg16 : memref<!tpu.dma_semaphore, #tpu.memory_space<semaphore_mem>>) src(%dma_wait3A_62 : memref<125xi32, #tpu.memory_space<hbm>>) dst(%arg8 : memref<125xi32, #tpu.memory_space<vmem>>)
    %dma_wait3A_63 = arith.constant 79 : i32
    %dma_wait3A_64 = arith.constant 0 : i32
    %dma_wait3A_65 = tpu.memref_slice %arg4[%add3A, %dma_wait3A_63, %dma_wait3A_64] : memref<32x80x125xi32, #tpu.memory_space<hbm>> -> memref<1x1x125xi32, #tpu.memory_space<hbm>>
    %dma_wait3A_66 = tpu.memref_squeeze %dma_wait3A_65 : memref<1x1x125xi32, #tpu.memory_space<hbm>> -> memref<125xi32, #tpu.memory_space<hbm>>
    %dma_wait3A_67 = arith.constant 0 : i32
    %dma_wait3A_68 = tpu.memref_slice %arg4[%add3A, %dma_wait3A_63, %dma_wait3A_67] : memref<32x80x125xi32, #tpu.memory_space<hbm>> -> memref<1x1x125xi32, #tpu.memory_space<hbm>>
    %dma_wait3A_69 = tpu.memref_squeeze %dma_wait3A_68 : memref<1x1x125xi32, #tpu.memory_space<hbm>> -> memref<125xi32, #tpu.memory_space<hbm>>
    tpu.wait_dma2 semaphore(%arg16 : memref<!tpu.dma_semaphore, #tpu.memory_space<semaphore_mem>>) src(%dma_wait3A_69 : memref<125xi32, #tpu.memory_space<hbm>>) dst(%arg10 : memref<125xi32, #tpu.memory_space<vmem>>)
    %dma_start3A_70 = arith.constant 1 : i32
    %dma_start3A_71 = arith.constant 0 : i32
    %dma_start3A_72 = arith.constant 0 : i32
    %dma_start3A_73 = tpu.memref_slice %arg11[%dma_start3A_70, %dma_start3A_71, %dma_start3A_72] : memref<2x125x128xf32, #tpu.memory_space<vmem>> -> memref<1x125x128xf32, #tpu.memory_space<vmem>>
    %dma_start3A_74 = tpu.memref_squeeze %dma_start3A_73 : memref<1x125x128xf32, #tpu.memory_space<vmem>> -> memref<125x128xf32, #tpu.memory_space<vmem>>
    %dma_start3A_75 = arith.constant 0 : i32
    %dma_start3A_76 = arith.constant 0 : i32
    %dma_start3A_77 = tpu.memref_slice %arg2[%dma_start3A_75, %dma_start3A_76] : memref<10000x128xf32, #tpu.memory_space<hbm>> -> memref<10000x128xf32, #tpu.memory_space<hbm>>
    tpu.enqueue_indirect_dma source(%dma_start3A_77 : memref<10000x128xf32, #tpu.memory_space<hbm>>) target(%dma_start3A_74 : memref<125x128xf32, #tpu.memory_space<vmem>>) offsets(%arg8 : memref<125xi32, #tpu.memory_space<vmem>>) semaphore(%arg14 : memref<!tpu.dma_semaphore, #tpu.memory_space<semaphore_mem>>)
    %dma_wait3A_78 = arith.constant 0 : i32
    %dma_wait3A_79 = arith.constant 0 : i32
    %dma_wait3A_80 = arith.constant 0 : i32
    %dma_wait3A_81 = tpu.memref_slice %arg11[%dma_wait3A_78, %dma_wait3A_79, %dma_wait3A_80] : memref<2x125x128xf32, #tpu.memory_space<vmem>> -> memref<1x125x128xf32, #tpu.memory_space<vmem>>
    %dma_wait3A_82 = tpu.memref_squeeze %dma_wait3A_81 : memref<1x125x128xf32, #tpu.memory_space<vmem>> -> memref<125x128xf32, #tpu.memory_space<vmem>>
    %dma_wait3A_83 = arith.constant 0 : i32
    %dma_wait3A_84 = arith.constant 0 : i32
    %dma_wait3A_85 = tpu.memref_slice %arg2[%dma_wait3A_83, %dma_wait3A_84] : memref<10000x128xf32, #tpu.memory_space<hbm>> -> memref<10000x128xf32, #tpu.memory_space<hbm>>
    tpu.wait_indirect_dma semaphore(%arg13 : memref<!tpu.dma_semaphore, #tpu.memory_space<semaphore_mem>>) src(%dma_wait3A_85 : memref<10000x128xf32, #tpu.memory_space<hbm>>) dst(%dma_wait3A_82 : memref<125x128xf32, #tpu.memory_space<vmem>>)
    %run_scoped3A = arith.constant 0 : i32
    "tpu.region"() ({
      %run_scoped3A_100 = tpu.sem_alloc : memref<!tpu.dma_semaphore, #tpu.memory_space<semaphore_mem>>
      %dma_start3A_101 = arith.constant 0 : i32
      %dma_start3A_102 = arith.constant 0 : i32
      %dma_start3A_103 = tpu.memref_slice %arg11[%run_scoped3A, %dma_start3A_101, %dma_start3A_102] : memref<2x125x128xf32, #tpu.memory_space<vmem>> -> memref<1x125x128xf32, #tpu.memory_space<vmem>>
      %dma_start3A_104 = tpu.memref_squeeze %dma_start3A_103 : memref<1x125x128xf32, #tpu.memory_space<vmem>> -> memref<125x128xf32, #tpu.memory_space<vmem>>
      %dma_start3A_105 = arith.constant 0 : i32
      %dma_start3A_106 = arith.constant 0 : i32
      %dma_start3A_107 = tpu.memref_slice %arg12[%dma_start3A_105, %dma_start3A_106] : memref<10240x128xf32, #tpu.memory_space<vmem_shared>> -> memref<10240x128xf32, #tpu.memory_space<vmem_shared>>
      tpu.enqueue_indirect_dma source(%dma_start3A_104 : memref<125x128xf32, #tpu.memory_space<vmem>>) target(%dma_start3A_107 : memref<10240x128xf32, #tpu.memory_space<vmem_shared>>) offsets(%arg9 : memref<125xi32, #tpu.memory_space<vmem>>) semaphore(%run_scoped3A_100 : memref<!tpu.dma_semaphore, #tpu.memory_space<semaphore_mem>>) {add = true}
      %dma_wait3A_108 = arith.constant 0 : i32
      %dma_wait3A_109 = arith.constant 0 : i32
      %dma_wait3A_110 = tpu.memref_slice %arg11[%run_scoped3A, %dma_wait3A_108, %dma_wait3A_109] : memref<2x125x128xf32, #tpu.memory_space<vmem>> -> memref<1x125x128xf32, #tpu.memory_space<vmem>>
      %dma_wait3A_111 = tpu.memref_squeeze %dma_wait3A_110 : memref<1x125x128xf32, #tpu.memory_space<vmem>> -> memref<125x128xf32, #tpu.memory_space<vmem>>
      %dma_wait3A_112 = arith.constant 0 : i32
      %dma_wait3A_113 = arith.constant 0 : i32
      %dma_wait3A_114 = tpu.memref_slice %arg12[%dma_wait3A_112, %dma_wait3A_113] : memref<10240x128xf32, #tpu.memory_space<vmem_shared>> -> memref<10240x128xf32, #tpu.memory_space<vmem_shared>>
      tpu.wait_indirect_dma semaphore(%run_scoped3A_100 : memref<!tpu.dma_semaphore, #tpu.memory_space<semaphore_mem>>) src(%dma_wait3A_111 : memref<125x128xf32, #tpu.memory_space<vmem>>) dst(%dma_wait3A_114 : memref<10240x128xf32, #tpu.memory_space<vmem_shared>>)
      tpu.yield
    }) : () -> ()
    %dma_wait3A_86 = arith.constant 1 : i32
    %dma_wait3A_87 = arith.constant 0 : i32
    %dma_wait3A_88 = arith.constant 0 : i32
    %dma_wait3A_89 = tpu.memref_slice %arg11[%dma_wait3A_86, %dma_wait3A_87, %dma_wait3A_88] : memref<2x125x128xf32, #tpu.memory_space<vmem>> -> memref<1x125x128xf32, #tpu.memory_space<vmem>>
    %dma_wait3A_90 = tpu.memref_squeeze %dma_wait3A_89 : memref<1x125x128xf32, #tpu.memory_space<vmem>> -> memref<125x128xf32, #tpu.memory_space<vmem>>
    %dma_wait3A_91 = arith.constant 0 : i32
    %dma_wait3A_92 = arith.constant 0 : i32
    %dma_wait3A_93 = tpu.memref_slice %arg2[%dma_wait3A_91, %dma_wait3A_92] : memref<10000x128xf32, #tpu.memory_space<hbm>> -> memref<10000x128xf32, #tpu.memory_space<hbm>>
    tpu.wait_indirect_dma semaphore(%arg14 : memref<!tpu.dma_semaphore, #tpu.memory_space<semaphore_mem>>) src(%dma_wait3A_93 : memref<10000x128xf32, #tpu.memory_space<hbm>>) dst(%dma_wait3A_90 : memref<125x128xf32, #tpu.memory_space<vmem>>)
    %run_scoped3A_94 = arith.constant 1 : i32
    "tpu.region"() ({
      %run_scoped3A_100 = tpu.sem_alloc : memref<!tpu.dma_semaphore, #tpu.memory_space<semaphore_mem>>
      %dma_start3A_101 = arith.constant 0 : i32
      %dma_start3A_102 = arith.constant 0 : i32
      %dma_start3A_103 = tpu.memref_slice %arg11[%run_scoped3A_94, %dma_start3A_101, %dma_start3A_102] : memref<2x125x128xf32, #tpu.memory_space<vmem>> -> memref<1x125x128xf32, #tpu.memory_space<vmem>>
      %dma_start3A_104 = tpu.memref_squeeze %dma_start3A_103 : memref<1x125x128xf32, #tpu.memory_space<vmem>> -> memref<125x128xf32, #tpu.memory_space<vmem>>
      %dma_start3A_105 = arith.constant 0 : i32
      %dma_start3A_106 = arith.constant 0 : i32
      %dma_start3A_107 = tpu.memref_slice %arg12[%dma_start3A_105, %dma_start3A_106] : memref<10240x128xf32, #tpu.memory_space<vmem_shared>> -> memref<10240x128xf32, #tpu.memory_space<vmem_shared>>
      tpu.enqueue_indirect_dma source(%dma_start3A_104 : memref<125x128xf32, #tpu.memory_space<vmem>>) target(%dma_start3A_107 : memref<10240x128xf32, #tpu.memory_space<vmem_shared>>) offsets(%arg10 : memref<125xi32, #tpu.memory_space<vmem>>) semaphore(%run_scoped3A_100 : memref<!tpu.dma_semaphore, #tpu.memory_space<semaphore_mem>>) {add = true}
      %dma_wait3A_108 = arith.constant 0 : i32
      %dma_wait3A_109 = arith.constant 0 : i32
      %dma_wait3A_110 = tpu.memref_slice %arg11[%run_scoped3A_94, %dma_wait3A_108, %dma_wait3A_109] : memref<2x125x128xf32, #tpu.memory_space<vmem>> -> memref<1x125x128xf32, #tpu.memory_space<vmem>>
      %dma_wait3A_111 = tpu.memref_squeeze %dma_wait3A_110 : memref<1x125x128xf32, #tpu.memory_space<vmem>> -> memref<125x128xf32, #tpu.memory_space<vmem>>
      %dma_wait3A_112 = arith.constant 0 : i32
      %dma_wait3A_113 = arith.constant 0 : i32
      %dma_wait3A_114 = tpu.memref_slice %arg12[%dma_wait3A_112, %dma_wait3A_113] : memref<10240x128xf32, #tpu.memory_space<vmem_shared>> -> memref<10240x128xf32, #tpu.memory_space<vmem_shared>>
      tpu.wait_indirect_dma semaphore(%run_scoped3A_100 : memref<!tpu.dma_semaphore, #tpu.memory_space<semaphore_mem>>) src(%dma_wait3A_111 : memref<125x128xf32, #tpu.memory_space<vmem>>) dst(%dma_wait3A_114 : memref<10240x128xf32, #tpu.memory_space<vmem_shared>>)
      tpu.yield
    }) : () -> ()
    %barrier3A_95 = arith.constant 0 : index
    tpu.barrier barrier_id(%barrier3A_95)
    %mul3A_96 = arith.constant 640 : i32
    %mul3A_97 = arith.muli %arg1, %mul3A_96 : i32
    %mul3A_98 = arith.constant 640 : i32
    %mul3A_99 = arith.muli %arg1, %mul3A_98 : i32
    "tpu.region"() ({
      %run_scoped3A_100 = tpu.sem_alloc : memref<!tpu.dma_semaphore, #tpu.memory_space<semaphore_mem>>
      %dma_start3A_101 = arith.constant 0 : i32
      %dma_start3A_102 = tpu.memref_slice %arg6[%arg0, %mul3A_99, %dma_start3A_101] : memref<2x10240x128xf32, #tpu.memory_space<hbm>> -> memref<1x640x128xf32, #tpu.memory_space<hbm>>
      %dma_start3A_103 = tpu.memref_squeeze %dma_start3A_102 : memref<1x640x128xf32, #tpu.memory_space<hbm>> -> memref<640x128xf32, #tpu.memory_space<hbm>>
      %dma_start3A_104 = arith.constant 0 : i32
      %dma_start3A_105 = tpu.memref_slice %arg12[%mul3A_97, %dma_start3A_104] : memref<10240x128xf32, #tpu.memory_space<vmem_shared>> -> memref<640x128xf32, #tpu.memory_space<vmem_shared>>
      tpu.enqueue_dma source(%dma_start3A_105 : memref<640x128xf32, #tpu.memory_space<vmem_shared>>) target(%dma_start3A_103 : memref<640x128xf32, #tpu.memory_space<hbm>>) target_semaphore(%run_scoped3A_100 : memref<!tpu.dma_semaphore, #tpu.memory_space<semaphore_mem>>)
      %dma_wait3A_106 = arith.constant 0 : i32
      %dma_wait3A_107 = tpu.memref_slice %arg6[%arg0, %mul3A_99, %dma_wait3A_106] : memref<2x10240x128xf32, #tpu.memory_space<hbm>> -> memref<1x640x128xf32, #tpu.memory_space<hbm>>
      %dma_wait3A_108 = tpu.memref_squeeze %dma_wait3A_107 : memref<1x640x128xf32, #tpu.memory_space<hbm>> -> memref<640x128xf32, #tpu.memory_space<hbm>>
      %dma_wait3A_109 = arith.constant 0 : i32
      %dma_wait3A_110 = tpu.memref_slice %arg12[%mul3A_97, %dma_wait3A_109] : memref<10240x128xf32, #tpu.memory_space<vmem_shared>> -> memref<640x128xf32, #tpu.memory_space<vmem_shared>>
      tpu.wait_dma2 semaphore(%run_scoped3A_100 : memref<!tpu.dma_semaphore, #tpu.memory_space<semaphore_mem>>) src(%dma_wait3A_110 : memref<640x128xf32, #tpu.memory_space<vmem_shared>>) dst(%dma_wait3A_108 : memref<640x128xf32, #tpu.memory_space<hbm>>)
      tpu.yield
    }) : () -> ()
    return
  }
}

#map = affine_map<(d0, d1) -> (0, 0)>
#map1 = affine_map<(d0, d1) -> (0, 0, 0)>
module attributes {stable_mosaic.version = 14 : i64} {
  func.func @_seg_state_body(%arg0: i32, %arg1: i32, %arg2: memref<10000x128xf32, #tpu.memory_space<hbm>>, %arg3: memref<32x80x125xi32, #tpu.memory_space<hbm>>, %arg4: memref<32x80x125xi32, #tpu.memory_space<hbm>>, %arg5: memref<640x128xf32, #tpu.memory_space<hbm>>, %arg6: memref<2x10240x128xf32, #tpu.memory_space<hbm>>, %arg7: memref<125xi32, #tpu.memory_space<vmem>>, %arg8: memref<125xi32, #tpu.memory_space<vmem>>, %arg9: memref<125xi32, #tpu.memory_space<vmem>>, %arg10: memref<125xi32, #tpu.memory_space<vmem>>, %arg11: memref<2x125x128xf32, #tpu.memory_space<vmem>>, %arg12: memref<10240x128xf32, #tpu.memory_space<vmem_shared>>, %arg13: memref<!tpu.dma_semaphore, #tpu.memory_space<semaphore_mem>>, %arg14: memref<!tpu.dma_semaphore, #tpu.memory_space<semaphore_mem>>, %arg15: memref<!tpu.dma_semaphore, #tpu.memory_space<semaphore_mem>>, %arg16: memref<!tpu.dma_semaphore, #tpu.memory_space<semaphore_mem>>) attributes {dimension_semantics = [#tpu.dimension_semantics<core_parallel>, #tpu.dimension_semantics<subcore_parallel>], iteration_bounds = array<i64: 2, 16>, scalar_prefetch = 0 : i64, scratch_operands = 10 : i64, tpu.core_type = #tpu.core_type<sc_vector_subcore>, window_params = [{transform_indices = #map}, {transform_indices = #map1}, {transform_indices = #map1}, {transform_indices = #map}, {transform_indices = #map1}]} {
    %mul3A = arith.constant 16 : i32
    %mul3A_0 = arith.muli %arg0, %mul3A : i32
    %add3A = arith.addi %mul3A_0, %arg1 : i32
    %mul3A_1 = arith.constant 640 : i32
    %mul3A_2 = arith.muli %arg1, %mul3A_1 : i32
    "tpu.region"() ({
      %run_scoped3A_100 = tpu.sem_alloc : memref<!tpu.dma_semaphore, #tpu.memory_space<semaphore_mem>>
      %dma_start3A_101 = arith.constant 0 : i32
      %dma_start3A_102 = tpu.memref_slice %arg12[%mul3A_2, %dma_start3A_101] : memref<10240x128xf32, #tpu.memory_space<vmem_shared>> -> memref<640x128xf32, #tpu.memory_space<vmem_shared>>
      tpu.enqueue_dma source(%arg5 : memref<640x128xf32, #tpu.memory_space<hbm>>) target(%dma_start3A_102 : memref<640x128xf32, #tpu.memory_space<vmem_shared>>) target_semaphore(%run_scoped3A_100 : memref<!tpu.dma_semaphore, #tpu.memory_space<semaphore_mem>>)
      %dma_wait3A_103 = arith.constant 0 : i32
      %dma_wait3A_104 = tpu.memref_slice %arg12[%mul3A_2, %dma_wait3A_103] : memref<10240x128xf32, #tpu.memory_space<vmem_shared>> -> memref<640x128xf32, #tpu.memory_space<vmem_shared>>
      tpu.wait_dma2 semaphore(%run_scoped3A_100 : memref<!tpu.dma_semaphore, #tpu.memory_space<semaphore_mem>>) src(%arg5 : memref<640x128xf32, #tpu.memory_space<hbm>>) dst(%dma_wait3A_104 : memref<640x128xf32, #tpu.memory_space<vmem_shared>>)
      tpu.yield
    }) : () -> ()
    %barrier3A = arith.constant 0 : index
    tpu.barrier barrier_id(%barrier3A)
    %dma_start3A = arith.constant 0 : i32
    %dma_start3A_3 = arith.constant 0 : i32
    %dma_start3A_4 = tpu.memref_slice %arg3[%add3A, %dma_start3A, %dma_start3A_3] : memref<32x80x125xi32, #tpu.memory_space<hbm>> -> memref<1x1x125xi32, #tpu.memory_space<hbm>>
    %dma_start3A_5 = tpu.memref_squeeze %dma_start3A_4 : memref<1x1x125xi32, #tpu.memory_space<hbm>> -> memref<125xi32, #tpu.memory_space<hbm>>
    %dma_start3A_6 = arith.constant 0 : i32
    %dma_start3A_7 = tpu.memref_slice %arg3[%add3A, %dma_start3A, %dma_start3A_6] : memref<32x80x125xi32, #tpu.memory_space<hbm>> -> memref<1x1x125xi32, #tpu.memory_space<hbm>>
    %dma_start3A_8 = tpu.memref_squeeze %dma_start3A_7 : memref<1x1x125xi32, #tpu.memory_space<hbm>> -> memref<125xi32, #tpu.memory_space<hbm>>
    tpu.enqueue_dma source(%dma_start3A_8 : memref<125xi32, #tpu.memory_space<hbm>>) target(%arg7 : memref<125xi32, #tpu.memory_space<vmem>>) target_semaphore(%arg15 : memref<!tpu.dma_semaphore, #tpu.memory_space<semaphore_mem>>)
    %dma_start3A_9 = arith.constant 0 : i32
    %dma_start3A_10 = arith.constant 0 : i32
    %dma_start3A_11 = tpu.memref_slice %arg4[%add3A, %dma_start3A_9, %dma_start3A_10] : memref<32x80x125xi32, #tpu.memory_space<hbm>> -> memref<1x1x125xi32, #tpu.memory_space<hbm>>
    %dma_start3A_12 = tpu.memref_squeeze %dma_start3A_11 : memref<1x1x125xi32, #tpu.memory_space<hbm>> -> memref<125xi32, #tpu.memory_space<hbm>>
    %dma_start3A_13 = arith.constant 0 : i32
    %dma_start3A_14 = tpu.memref_slice %arg4[%add3A, %dma_start3A_9, %dma_start3A_13] : memref<32x80x125xi32, #tpu.memory_space<hbm>> -> memref<1x1x125xi32, #tpu.memory_space<hbm>>
    %dma_start3A_15 = tpu.memref_squeeze %dma_start3A_14 : memref<1x1x125xi32, #tpu.memory_space<hbm>> -> memref<125xi32, #tpu.memory_space<hbm>>
    tpu.enqueue_dma source(%dma_start3A_15 : memref<125xi32, #tpu.memory_space<hbm>>) target(%arg9 : memref<125xi32, #tpu.memory_space<vmem>>) target_semaphore(%arg15 : memref<!tpu.dma_semaphore, #tpu.memory_space<semaphore_mem>>)
    %dma_wait3A = arith.constant 0 : i32
    %dma_wait3A_16 = arith.constant 0 : i32
    %dma_wait3A_17 = tpu.memref_slice %arg3[%add3A, %dma_wait3A, %dma_wait3A_16] : memref<32x80x125xi32, #tpu.memory_space<hbm>> -> memref<1x1x125xi32, #tpu.memory_space<hbm>>
    %dma_wait3A_18 = tpu.memref_squeeze %dma_wait3A_17 : memref<1x1x125xi32, #tpu.memory_space<hbm>> -> memref<125xi32, #tpu.memory_space<hbm>>
    %dma_wait3A_19 = arith.constant 0 : i32
    %dma_wait3A_20 = tpu.memref_slice %arg3[%add3A, %dma_wait3A, %dma_wait3A_19] : memref<32x80x125xi32, #tpu.memory_space<hbm>> -> memref<1x1x125xi32, #tpu.memory_space<hbm>>
    %dma_wait3A_21 = tpu.memref_squeeze %dma_wait3A_20 : memref<1x1x125xi32, #tpu.memory_space<hbm>> -> memref<125xi32, #tpu.memory_space<hbm>>
    tpu.wait_dma2 semaphore(%arg15 : memref<!tpu.dma_semaphore, #tpu.memory_space<semaphore_mem>>) src(%dma_wait3A_21 : memref<125xi32, #tpu.memory_space<hbm>>) dst(%arg7 : memref<125xi32, #tpu.memory_space<vmem>>)
    %dma_wait3A_22 = arith.constant 0 : i32
    %dma_wait3A_23 = arith.constant 0 : i32
    %dma_wait3A_24 = tpu.memref_slice %arg4[%add3A, %dma_wait3A_22, %dma_wait3A_23] : memref<32x80x125xi32, #tpu.memory_space<hbm>> -> memref<1x1x125xi32, #tpu.memory_space<hbm>>
    %dma_wait3A_25 = tpu.memref_squeeze %dma_wait3A_24 : memref<1x1x125xi32, #tpu.memory_space<hbm>> -> memref<125xi32, #tpu.memory_space<hbm>>
    %dma_wait3A_26 = arith.constant 0 : i32
    %dma_wait3A_27 = tpu.memref_slice %arg4[%add3A, %dma_wait3A_22, %dma_wait3A_26] : memref<32x80x125xi32, #tpu.memory_space<hbm>> -> memref<1x1x125xi32, #tpu.memory_space<hbm>>
    %dma_wait3A_28 = tpu.memref_squeeze %dma_wait3A_27 : memref<1x1x125xi32, #tpu.memory_space<hbm>> -> memref<125xi32, #tpu.memory_space<hbm>>
    tpu.wait_dma2 semaphore(%arg15 : memref<!tpu.dma_semaphore, #tpu.memory_space<semaphore_mem>>) src(%dma_wait3A_28 : memref<125xi32, #tpu.memory_space<hbm>>) dst(%arg9 : memref<125xi32, #tpu.memory_space<vmem>>)
    %dma_start3A_29 = arith.constant 0 : i32
    %dma_start3A_30 = arith.constant 0 : i32
    %dma_start3A_31 = arith.constant 0 : i32
    %dma_start3A_32 = tpu.memref_slice %arg11[%dma_start3A_29, %dma_start3A_30, %dma_start3A_31] : memref<2x125x128xf32, #tpu.memory_space<vmem>> -> memref<1x125x128xf32, #tpu.memory_space<vmem>>
    %dma_start3A_33 = tpu.memref_squeeze %dma_start3A_32 : memref<1x125x128xf32, #tpu.memory_space<vmem>> -> memref<125x128xf32, #tpu.memory_space<vmem>>
    %dma_start3A_34 = arith.constant 0 : i32
    %dma_start3A_35 = arith.constant 0 : i32
    %dma_start3A_36 = tpu.memref_slice %arg2[%dma_start3A_34, %dma_start3A_35] : memref<10000x128xf32, #tpu.memory_space<hbm>> -> memref<10000x128xf32, #tpu.memory_space<hbm>>
    tpu.enqueue_indirect_dma source(%dma_start3A_36 : memref<10000x128xf32, #tpu.memory_space<hbm>>) target(%dma_start3A_33 : memref<125x128xf32, #tpu.memory_space<vmem>>) offsets(%arg7 : memref<125xi32, #tpu.memory_space<vmem>>) semaphore(%arg13 : memref<!tpu.dma_semaphore, #tpu.memory_space<semaphore_mem>>)
    %dma_start3A_37 = arith.constant 1 : i32
    %dma_start3A_38 = arith.constant 0 : i32
    %dma_start3A_39 = tpu.memref_slice %arg3[%add3A, %dma_start3A_37, %dma_start3A_38] : memref<32x80x125xi32, #tpu.memory_space<hbm>> -> memref<1x1x125xi32, #tpu.memory_space<hbm>>
    %dma_start3A_40 = tpu.memref_squeeze %dma_start3A_39 : memref<1x1x125xi32, #tpu.memory_space<hbm>> -> memref<125xi32, #tpu.memory_space<hbm>>
    %dma_start3A_41 = arith.constant 0 : i32
    %dma_start3A_42 = tpu.memref_slice %arg3[%add3A, %dma_start3A_37, %dma_start3A_41] : memref<32x80x125xi32, #tpu.memory_space<hbm>> -> memref<1x1x125xi32, #tpu.memory_space<hbm>>
    %dma_start3A_43 = tpu.memref_squeeze %dma_start3A_42 : memref<1x1x125xi32, #tpu.memory_space<hbm>> -> memref<125xi32, #tpu.memory_space<hbm>>
    tpu.enqueue_dma source(%dma_start3A_43 : memref<125xi32, #tpu.memory_space<hbm>>) target(%arg8 : memref<125xi32, #tpu.memory_space<vmem>>) target_semaphore(%arg16 : memref<!tpu.dma_semaphore, #tpu.memory_space<semaphore_mem>>)
    %dma_start3A_44 = arith.constant 1 : i32
    %dma_start3A_45 = arith.constant 0 : i32
    %dma_start3A_46 = tpu.memref_slice %arg4[%add3A, %dma_start3A_44, %dma_start3A_45] : memref<32x80x125xi32, #tpu.memory_space<hbm>> -> memref<1x1x125xi32, #tpu.memory_space<hbm>>
    %dma_start3A_47 = tpu.memref_squeeze %dma_start3A_46 : memref<1x1x125xi32, #tpu.memory_space<hbm>> -> memref<125xi32, #tpu.memory_space<hbm>>
    %dma_start3A_48 = arith.constant 0 : i32
    %dma_start3A_49 = tpu.memref_slice %arg4[%add3A, %dma_start3A_44, %dma_start3A_48] : memref<32x80x125xi32, #tpu.memory_space<hbm>> -> memref<1x1x125xi32, #tpu.memory_space<hbm>>
    %dma_start3A_50 = tpu.memref_squeeze %dma_start3A_49 : memref<1x1x125xi32, #tpu.memory_space<hbm>> -> memref<125xi32, #tpu.memory_space<hbm>>
    tpu.enqueue_dma source(%dma_start3A_50 : memref<125xi32, #tpu.memory_space<hbm>>) target(%arg10 : memref<125xi32, #tpu.memory_space<vmem>>) target_semaphore(%arg16 : memref<!tpu.dma_semaphore, #tpu.memory_space<semaphore_mem>>)
    %scan3A = arith.constant 0 : i32
    %scan3A_51 = arith.constant 0 : i32
    %scan3A_52 = arith.constant 39 : i32
    %scan3A_53 = arith.addi %scan3A_51, %scan3A_52 : i32
    %scan3A_54 = arith.constant 1 : i32
    scf.for %scan3A_100 = %scan3A_51 to %scan3A_53 step %scan3A_54  : i32 {
      %mul3A_101 = arith.constant 2 : i32
      %mul3A_102 = arith.muli %mul3A_101, %scan3A_100 : i32
      %add3A_103 = arith.constant 1 : i32
      %add3A_104 = arith.addi %mul3A_102, %add3A_103 : i32
      %dma_wait3A_105 = arith.constant 0 : i32
      %dma_wait3A_106 = tpu.memref_slice %arg3[%add3A, %add3A_104, %dma_wait3A_105] : memref<32x80x125xi32, #tpu.memory_space<hbm>> -> memref<1x1x125xi32, #tpu.memory_space<hbm>>
      %dma_wait3A_107 = tpu.memref_squeeze %dma_wait3A_106 : memref<1x1x125xi32, #tpu.memory_space<hbm>> -> memref<125xi32, #tpu.memory_space<hbm>>
      %dma_wait3A_108 = arith.constant 0 : i32
      %dma_wait3A_109 = tpu.memref_slice %arg3[%add3A, %add3A_104, %dma_wait3A_108] : memref<32x80x125xi32, #tpu.memory_space<hbm>> -> memref<1x1x125xi32, #tpu.memory_space<hbm>>
      %dma_wait3A_110 = tpu.memref_squeeze %dma_wait3A_109 : memref<1x1x125xi32, #tpu.memory_space<hbm>> -> memref<125xi32, #tpu.memory_space<hbm>>
      tpu.wait_dma2 semaphore(%arg16 : memref<!tpu.dma_semaphore, #tpu.memory_space<semaphore_mem>>) src(%dma_wait3A_110 : memref<125xi32, #tpu.memory_space<hbm>>) dst(%arg8 : memref<125xi32, #tpu.memory_space<vmem>>)
      %dma_wait3A_111 = arith.constant 0 : i32
      %dma_wait3A_112 = tpu.memref_slice %arg4[%add3A, %add3A_104, %dma_wait3A_111] : memref<32x80x125xi32, #tpu.memory_space<hbm>> -> memref<1x1x125xi32, #tpu.memory_space<hbm>>
      %dma_wait3A_113 = tpu.memref_squeeze %dma_wait3A_112 : memref<1x1x125xi32, #tpu.memory_space<hbm>> -> memref<125xi32, #tpu.memory_space<hbm>>
      %dma_wait3A_114 = arith.constant 0 : i32
      %dma_wait3A_115 = tpu.memref_slice %arg4[%add3A, %add3A_104, %dma_wait3A_114] : memref<32x80x125xi32, #tpu.memory_space<hbm>> -> memref<1x1x125xi32, #tpu.memory_space<hbm>>
      %dma_wait3A_116 = tpu.memref_squeeze %dma_wait3A_115 : memref<1x1x125xi32, #tpu.memory_space<hbm>> -> memref<125xi32, #tpu.memory_space<hbm>>
      tpu.wait_dma2 semaphore(%arg16 : memref<!tpu.dma_semaphore, #tpu.memory_space<semaphore_mem>>) src(%dma_wait3A_116 : memref<125xi32, #tpu.memory_space<hbm>>) dst(%arg10 : memref<125xi32, #tpu.memory_space<vmem>>)
      %dma_start3A_117 = arith.constant 1 : i32
      %dma_start3A_118 = arith.constant 0 : i32
      %dma_start3A_119 = arith.constant 0 : i32
      %dma_start3A_120 = tpu.memref_slice %arg11[%dma_start3A_117, %dma_start3A_118, %dma_start3A_119] : memref<2x125x128xf32, #tpu.memory_space<vmem>> -> memref<1x125x128xf32, #tpu.memory_space<vmem>>
      %dma_start3A_121 = tpu.memref_squeeze %dma_start3A_120 : memref<1x125x128xf32, #tpu.memory_space<vmem>> -> memref<125x128xf32, #tpu.memory_space<vmem>>
      %dma_start3A_122 = arith.constant 0 : i32
      %dma_start3A_123 = arith.constant 0 : i32
      %dma_start3A_124 = tpu.memref_slice %arg2[%dma_start3A_122, %dma_start3A_123] : memref<10000x128xf32, #tpu.memory_space<hbm>> -> memref<10000x128xf32, #tpu.memory_space<hbm>>
      tpu.enqueue_indirect_dma source(%dma_start3A_124 : memref<10000x128xf32, #tpu.memory_space<hbm>>) target(%dma_start3A_121 : memref<125x128xf32, #tpu.memory_space<vmem>>) offsets(%arg8 : memref<125xi32, #tpu.memory_space<vmem>>) semaphore(%arg14 : memref<!tpu.dma_semaphore, #tpu.memory_space<semaphore_mem>>)
      %dma_wait3A_125 = arith.constant 0 : i32
      %dma_wait3A_126 = arith.constant 0 : i32
      %dma_wait3A_127 = arith.constant 0 : i32
      %dma_wait3A_128 = tpu.memref_slice %arg11[%dma_wait3A_125, %dma_wait3A_126, %dma_wait3A_127] : memref<2x125x128xf32, #tpu.memory_space<vmem>> -> memref<1x125x128xf32, #tpu.memory_space<vmem>>
      %dma_wait3A_129 = tpu.memref_squeeze %dma_wait3A_128 : memref<1x125x128xf32, #tpu.memory_space<vmem>> -> memref<125x128xf32, #tpu.memory_space<vmem>>
      %dma_wait3A_130 = arith.constant 0 : i32
      %dma_wait3A_131 = arith.constant 0 : i32
      %dma_wait3A_132 = tpu.memref_slice %arg2[%dma_wait3A_130, %dma_wait3A_131] : memref<10000x128xf32, #tpu.memory_space<hbm>> -> memref<10000x128xf32, #tpu.memory_space<hbm>>
      tpu.wait_indirect_dma semaphore(%arg13 : memref<!tpu.dma_semaphore, #tpu.memory_space<semaphore_mem>>) src(%dma_wait3A_132 : memref<10000x128xf32, #tpu.memory_space<hbm>>) dst(%dma_wait3A_129 : memref<125x128xf32, #tpu.memory_space<vmem>>)
      %run_scoped3A_133 = arith.constant 0 : i32
      "tpu.region"() ({
        %run_scoped3A_193 = tpu.sem_alloc : memref<!tpu.dma_semaphore, #tpu.memory_space<semaphore_mem>>
        %dma_start3A_194 = arith.constant 0 : i32
        %dma_start3A_195 = arith.constant 0 : i32
        %dma_start3A_196 = tpu.memref_slice %arg11[%run_scoped3A_133, %dma_start3A_194, %dma_start3A_195] : memref<2x125x128xf32, #tpu.memory_space<vmem>> -> memref<1x125x128xf32, #tpu.memory_space<vmem>>
        %dma_start3A_197 = tpu.memref_squeeze %dma_start3A_196 : memref<1x125x128xf32, #tpu.memory_space<vmem>> -> memref<125x128xf32, #tpu.memory_space<vmem>>
        %dma_start3A_198 = arith.constant 0 : i32
        %dma_start3A_199 = arith.constant 0 : i32
        %dma_start3A_200 = tpu.memref_slice %arg12[%dma_start3A_198, %dma_start3A_199] : memref<10240x128xf32, #tpu.memory_space<vmem_shared>> -> memref<10240x128xf32, #tpu.memory_space<vmem_shared>>
        tpu.enqueue_indirect_dma source(%dma_start3A_197 : memref<125x128xf32, #tpu.memory_space<vmem>>) target(%dma_start3A_200 : memref<10240x128xf32, #tpu.memory_space<vmem_shared>>) offsets(%arg9 : memref<125xi32, #tpu.memory_space<vmem>>) semaphore(%run_scoped3A_193 : memref<!tpu.dma_semaphore, #tpu.memory_space<semaphore_mem>>) {add = true}
        %dma_wait3A_201 = arith.constant 0 : i32
        %dma_wait3A_202 = arith.constant 0 : i32
        %dma_wait3A_203 = tpu.memref_slice %arg11[%run_scoped3A_133, %dma_wait3A_201, %dma_wait3A_202] : memref<2x125x128xf32, #tpu.memory_space<vmem>> -> memref<1x125x128xf32, #tpu.memory_space<vmem>>
        %dma_wait3A_204 = tpu.memref_squeeze %dma_wait3A_203 : memref<1x125x128xf32, #tpu.memory_space<vmem>> -> memref<125x128xf32, #tpu.memory_space<vmem>>
        %dma_wait3A_205 = arith.constant 0 : i32
        %dma_wait3A_206 = arith.constant 0 : i32
        %dma_wait3A_207 = tpu.memref_slice %arg12[%dma_wait3A_205, %dma_wait3A_206] : memref<10240x128xf32, #tpu.memory_space<vmem_shared>> -> memref<10240x128xf32, #tpu.memory_space<vmem_shared>>
        tpu.wait_indirect_dma semaphore(%run_scoped3A_193 : memref<!tpu.dma_semaphore, #tpu.memory_space<semaphore_mem>>) src(%dma_wait3A_204 : memref<125x128xf32, #tpu.memory_space<vmem>>) dst(%dma_wait3A_207 : memref<10240x128xf32, #tpu.memory_space<vmem_shared>>)
        tpu.yield
      }) : () -> ()
      %add3A_134 = arith.constant 2 : i32
      %add3A_135 = arith.addi %mul3A_102, %add3A_134 : i32
      %dma_start3A_136 = arith.constant 0 : i32
      %dma_start3A_137 = tpu.memref_slice %arg3[%add3A, %add3A_135, %dma_start3A_136] : memref<32x80x125xi32, #tpu.memory_space<hbm>> -> memref<1x1x125xi32, #tpu.memory_space<hbm>>
      %dma_start3A_138 = tpu.memref_squeeze %dma_start3A_137 : memref<1x1x125xi32, #tpu.memory_space<hbm>> -> memref<125xi32, #tpu.memory_space<hbm>>
      %dma_start3A_139 = arith.constant 0 : i32
      %dma_start3A_140 = tpu.memref_slice %arg3[%add3A, %add3A_135, %dma_start3A_139] : memref<32x80x125xi32, #tpu.memory_space<hbm>> -> memref<1x1x125xi32, #tpu.memory_space<hbm>>
      %dma_start3A_141 = tpu.memref_squeeze %dma_start3A_140 : memref<1x1x125xi32, #tpu.memory_space<hbm>> -> memref<125xi32, #tpu.memory_space<hbm>>
      tpu.enqueue_dma source(%dma_start3A_141 : memref<125xi32, #tpu.memory_space<hbm>>) target(%arg7 : memref<125xi32, #tpu.memory_space<vmem>>) target_semaphore(%arg15 : memref<!tpu.dma_semaphore, #tpu.memory_space<semaphore_mem>>)
      %dma_start3A_142 = arith.constant 0 : i32
      %dma_start3A_143 = tpu.memref_slice %arg4[%add3A, %add3A_135, %dma_start3A_142] : memref<32x80x125xi32, #tpu.memory_space<hbm>> -> memref<1x1x125xi32, #tpu.memory_space<hbm>>
      %dma_start3A_144 = tpu.memref_squeeze %dma_start3A_143 : memref<1x1x125xi32, #tpu.memory_space<hbm>> -> memref<125xi32, #tpu.memory_space<hbm>>
      %dma_start3A_145 = arith.constant 0 : i32
      %dma_start3A_146 = tpu.memref_slice %arg4[%add3A, %add3A_135, %dma_start3A_145] : memref<32x80x125xi32, #tpu.memory_space<hbm>> -> memref<1x1x125xi32, #tpu.memory_space<hbm>>
      %dma_start3A_147 = tpu.memref_squeeze %dma_start3A_146 : memref<1x1x125xi32, #tpu.memory_space<hbm>> -> memref<125xi32, #tpu.memory_space<hbm>>
      tpu.enqueue_dma source(%dma_start3A_147 : memref<125xi32, #tpu.memory_space<hbm>>) target(%arg9 : memref<125xi32, #tpu.memory_space<vmem>>) target_semaphore(%arg15 : memref<!tpu.dma_semaphore, #tpu.memory_space<semaphore_mem>>)
      %add3A_148 = arith.constant 2 : i32
      %add3A_149 = arith.addi %mul3A_102, %add3A_148 : i32
      %dma_wait3A_150 = arith.constant 0 : i32
      %dma_wait3A_151 = tpu.memref_slice %arg3[%add3A, %add3A_149, %dma_wait3A_150] : memref<32x80x125xi32, #tpu.memory_space<hbm>> -> memref<1x1x125xi32, #tpu.memory_space<hbm>>
      %dma_wait3A_152 = tpu.memref_squeeze %dma_wait3A_151 : memref<1x1x125xi32, #tpu.memory_space<hbm>> -> memref<125xi32, #tpu.memory_space<hbm>>
      %dma_wait3A_153 = arith.constant 0 : i32
      %dma_wait3A_154 = tpu.memref_slice %arg3[%add3A, %add3A_149, %dma_wait3A_153] : memref<32x80x125xi32, #tpu.memory_space<hbm>> -> memref<1x1x125xi32, #tpu.memory_space<hbm>>
      %dma_wait3A_155 = tpu.memref_squeeze %dma_wait3A_154 : memref<1x1x125xi32, #tpu.memory_space<hbm>> -> memref<125xi32, #tpu.memory_space<hbm>>
      tpu.wait_dma2 semaphore(%arg15 : memref<!tpu.dma_semaphore, #tpu.memory_space<semaphore_mem>>) src(%dma_wait3A_155 : memref<125xi32, #tpu.memory_space<hbm>>) dst(%arg7 : memref<125xi32, #tpu.memory_space<vmem>>)
      %dma_wait3A_156 = arith.constant 0 : i32
      %dma_wait3A_157 = tpu.memref_slice %arg4[%add3A, %add3A_149, %dma_wait3A_156] : memref<32x80x125xi32, #tpu.memory_space<hbm>> -> memref<1x1x125xi32, #tpu.memory_space<hbm>>
      %dma_wait3A_158 = tpu.memref_squeeze %dma_wait3A_157 : memref<1x1x125xi32, #tpu.memory_space<hbm>> -> memref<125xi32, #tpu.memory_space<hbm>>
      %dma_wait3A_159 = arith.constant 0 : i32
      %dma_wait3A_160 = tpu.memref_slice %arg4[%add3A, %add3A_149, %dma_wait3A_159] : memref<32x80x125xi32, #tpu.memory_space<hbm>> -> memref<1x1x125xi32, #tpu.memory_space<hbm>>
      %dma_wait3A_161 = tpu.memref_squeeze %dma_wait3A_160 : memref<1x1x125xi32, #tpu.memory_space<hbm>> -> memref<125xi32, #tpu.memory_space<hbm>>
      tpu.wait_dma2 semaphore(%arg15 : memref<!tpu.dma_semaphore, #tpu.memory_space<semaphore_mem>>) src(%dma_wait3A_161 : memref<125xi32, #tpu.memory_space<hbm>>) dst(%arg9 : memref<125xi32, #tpu.memory_space<vmem>>)
      %dma_start3A_162 = arith.constant 0 : i32
      %dma_start3A_163 = arith.constant 0 : i32
      %dma_start3A_164 = arith.constant 0 : i32
      %dma_start3A_165 = tpu.memref_slice %arg11[%dma_start3A_162, %dma_start3A_163, %dma_start3A_164] : memref<2x125x128xf32, #tpu.memory_space<vmem>> -> memref<1x125x128xf32, #tpu.memory_space<vmem>>
      %dma_start3A_166 = tpu.memref_squeeze %dma_start3A_165 : memref<1x125x128xf32, #tpu.memory_space<vmem>> -> memref<125x128xf32, #tpu.memory_space<vmem>>
      %dma_start3A_167 = arith.constant 0 : i32
      %dma_start3A_168 = arith.constant 0 : i32
      %dma_start3A_169 = tpu.memref_slice %arg2[%dma_start3A_167, %dma_start3A_168] : memref<10000x128xf32, #tpu.memory_space<hbm>> -> memref<10000x128xf32, #tpu.memory_space<hbm>>
      tpu.enqueue_indirect_dma source(%dma_start3A_169 : memref<10000x128xf32, #tpu.memory_space<hbm>>) target(%dma_start3A_166 : memref<125x128xf32, #tpu.memory_space<vmem>>) offsets(%arg7 : memref<125xi32, #tpu.memory_space<vmem>>) semaphore(%arg13 : memref<!tpu.dma_semaphore, #tpu.memory_space<semaphore_mem>>)
      %dma_wait3A_170 = arith.constant 1 : i32
      %dma_wait3A_171 = arith.constant 0 : i32
      %dma_wait3A_172 = arith.constant 0 : i32
      %dma_wait3A_173 = tpu.memref_slice %arg11[%dma_wait3A_170, %dma_wait3A_171, %dma_wait3A_172] : memref<2x125x128xf32, #tpu.memory_space<vmem>> -> memref<1x125x128xf32, #tpu.memory_space<vmem>>
      %dma_wait3A_174 = tpu.memref_squeeze %dma_wait3A_173 : memref<1x125x128xf32, #tpu.memory_space<vmem>> -> memref<125x128xf32, #tpu.memory_space<vmem>>
      %dma_wait3A_175 = arith.constant 0 : i32
      %dma_wait3A_176 = arith.constant 0 : i32
      %dma_wait3A_177 = tpu.memref_slice %arg2[%dma_wait3A_175, %dma_wait3A_176] : memref<10000x128xf32, #tpu.memory_space<hbm>> -> memref<10000x128xf32, #tpu.memory_space<hbm>>
      tpu.wait_indirect_dma semaphore(%arg14 : memref<!tpu.dma_semaphore, #tpu.memory_space<semaphore_mem>>) src(%dma_wait3A_177 : memref<10000x128xf32, #tpu.memory_space<hbm>>) dst(%dma_wait3A_174 : memref<125x128xf32, #tpu.memory_space<vmem>>)
      %run_scoped3A_178 = arith.constant 1 : i32
      "tpu.region"() ({
        %run_scoped3A_193 = tpu.sem_alloc : memref<!tpu.dma_semaphore, #tpu.memory_space<semaphore_mem>>
        %dma_start3A_194 = arith.constant 0 : i32
        %dma_start3A_195 = arith.constant 0 : i32
        %dma_start3A_196 = tpu.memref_slice %arg11[%run_scoped3A_178, %dma_start3A_194, %dma_start3A_195] : memref<2x125x128xf32, #tpu.memory_space<vmem>> -> memref<1x125x128xf32, #tpu.memory_space<vmem>>
        %dma_start3A_197 = tpu.memref_squeeze %dma_start3A_196 : memref<1x125x128xf32, #tpu.memory_space<vmem>> -> memref<125x128xf32, #tpu.memory_space<vmem>>
        %dma_start3A_198 = arith.constant 0 : i32
        %dma_start3A_199 = arith.constant 0 : i32
        %dma_start3A_200 = tpu.memref_slice %arg12[%dma_start3A_198, %dma_start3A_199] : memref<10240x128xf32, #tpu.memory_space<vmem_shared>> -> memref<10240x128xf32, #tpu.memory_space<vmem_shared>>
        tpu.enqueue_indirect_dma source(%dma_start3A_197 : memref<125x128xf32, #tpu.memory_space<vmem>>) target(%dma_start3A_200 : memref<10240x128xf32, #tpu.memory_space<vmem_shared>>) offsets(%arg10 : memref<125xi32, #tpu.memory_space<vmem>>) semaphore(%run_scoped3A_193 : memref<!tpu.dma_semaphore, #tpu.memory_space<semaphore_mem>>) {add = true}
        %dma_wait3A_201 = arith.constant 0 : i32
        %dma_wait3A_202 = arith.constant 0 : i32
        %dma_wait3A_203 = tpu.memref_slice %arg11[%run_scoped3A_178, %dma_wait3A_201, %dma_wait3A_202] : memref<2x125x128xf32, #tpu.memory_space<vmem>> -> memref<1x125x128xf32, #tpu.memory_space<vmem>>
        %dma_wait3A_204 = tpu.memref_squeeze %dma_wait3A_203 : memref<1x125x128xf32, #tpu.memory_space<vmem>> -> memref<125x128xf32, #tpu.memory_space<vmem>>
        %dma_wait3A_205 = arith.constant 0 : i32
        %dma_wait3A_206 = arith.constant 0 : i32
        %dma_wait3A_207 = tpu.memref_slice %arg12[%dma_wait3A_205, %dma_wait3A_206] : memref<10240x128xf32, #tpu.memory_space<vmem_shared>> -> memref<10240x128xf32, #tpu.memory_space<vmem_shared>>
        tpu.wait_indirect_dma semaphore(%run_scoped3A_193 : memref<!tpu.dma_semaphore, #tpu.memory_space<semaphore_mem>>) src(%dma_wait3A_204 : memref<125x128xf32, #tpu.memory_space<vmem>>) dst(%dma_wait3A_207 : memref<10240x128xf32, #tpu.memory_space<vmem_shared>>)
        tpu.yield
      }) : () -> ()
      %add3A_179 = arith.constant 3 : i32
      %add3A_180 = arith.addi %mul3A_102, %add3A_179 : i32
      %dma_start3A_181 = arith.constant 0 : i32
      %dma_start3A_182 = tpu.memref_slice %arg3[%add3A, %add3A_180, %dma_start3A_181] : memref<32x80x125xi32, #tpu.memory_space<hbm>> -> memref<1x1x125xi32, #tpu.memory_space<hbm>>
      %dma_start3A_183 = tpu.memref_squeeze %dma_start3A_182 : memref<1x1x125xi32, #tpu.memory_space<hbm>> -> memref<125xi32, #tpu.memory_space<hbm>>
      %dma_start3A_184 = arith.constant 0 : i32
      %dma_start3A_185 = tpu.memref_slice %arg3[%add3A, %add3A_180, %dma_start3A_184] : memref<32x80x125xi32, #tpu.memory_space<hbm>> -> memref<1x1x125xi32, #tpu.memory_space<hbm>>
      %dma_start3A_186 = tpu.memref_squeeze %dma_start3A_185 : memref<1x1x125xi32, #tpu.memory_space<hbm>> -> memref<125xi32, #tpu.memory_space<hbm>>
      tpu.enqueue_dma source(%dma_start3A_186 : memref<125xi32, #tpu.memory_space<hbm>>) target(%arg8 : memref<125xi32, #tpu.memory_space<vmem>>) target_semaphore(%arg16 : memref<!tpu.dma_semaphore, #tpu.memory_space<semaphore_mem>>)
      %dma_start3A_187 = arith.constant 0 : i32
      %dma_start3A_188 = tpu.memref_slice %arg4[%add3A, %add3A_180, %dma_start3A_187] : memref<32x80x125xi32, #tpu.memory_space<hbm>> -> memref<1x1x125xi32, #tpu.memory_space<hbm>>
      %dma_start3A_189 = tpu.memref_squeeze %dma_start3A_188 : memref<1x1x125xi32, #tpu.memory_space<hbm>> -> memref<125xi32, #tpu.memory_space<hbm>>
      %dma_start3A_190 = arith.constant 0 : i32
      %dma_start3A_191 = tpu.memref_slice %arg4[%add3A, %add3A_180, %dma_start3A_190] : memref<32x80x125xi32, #tpu.memory_space<hbm>> -> memref<1x1x125xi32, #tpu.memory_space<hbm>>
      %dma_start3A_192 = tpu.memref_squeeze %dma_start3A_191 : memref<1x1x125xi32, #tpu.memory_space<hbm>> -> memref<125xi32, #tpu.memory_space<hbm>>
      tpu.enqueue_dma source(%dma_start3A_192 : memref<125xi32, #tpu.memory_space<hbm>>) target(%arg10 : memref<125xi32, #tpu.memory_space<vmem>>) target_semaphore(%arg16 : memref<!tpu.dma_semaphore, #tpu.memory_space<semaphore_mem>>)
    }
    %scan3A_55 = arith.constant 39 : i32
    %dma_wait3A_56 = arith.constant 79 : i32
    %dma_wait3A_57 = arith.constant 0 : i32
    %dma_wait3A_58 = tpu.memref_slice %arg3[%add3A, %dma_wait3A_56, %dma_wait3A_57] : memref<32x80x125xi32, #tpu.memory_space<hbm>> -> memref<1x1x125xi32, #tpu.memory_space<hbm>>
    %dma_wait3A_59 = tpu.memref_squeeze %dma_wait3A_58 : memref<1x1x125xi32, #tpu.memory_space<hbm>> -> memref<125xi32, #tpu.memory_space<hbm>>
    %dma_wait3A_60 = arith.constant 0 : i32
    %dma_wait3A_61 = tpu.memref_slice %arg3[%add3A, %dma_wait3A_56, %dma_wait3A_60] : memref<32x80x125xi32, #tpu.memory_space<hbm>> -> memref<1x1x125xi32, #tpu.memory_space<hbm>>
    %dma_wait3A_62 = tpu.memref_squeeze %dma_wait3A_61 : memref<1x1x125xi32, #tpu.memory_space<hbm>> -> memref<125xi32, #tpu.memory_space<hbm>>
    tpu.wait_dma2 semaphore(%arg16 : memref<!tpu.dma_semaphore, #tpu.memory_space<semaphore_mem>>) src(%dma_wait3A_62 : memref<125xi32, #tpu.memory_space<hbm>>) dst(%arg8 : memref<125xi32, #tpu.memory_space<vmem>>)
    %dma_wait3A_63 = arith.constant 79 : i32
    %dma_wait3A_64 = arith.constant 0 : i32
    %dma_wait3A_65 = tpu.memref_slice %arg4[%add3A, %dma_wait3A_63, %dma_wait3A_64] : memref<32x80x125xi32, #tpu.memory_space<hbm>> -> memref<1x1x125xi32, #tpu.memory_space<hbm>>
    %dma_wait3A_66 = tpu.memref_squeeze %dma_wait3A_65 : memref<1x1x125xi32, #tpu.memory_space<hbm>> -> memref<125xi32, #tpu.memory_space<hbm>>
    %dma_wait3A_67 = arith.constant 0 : i32
    %dma_wait3A_68 = tpu.memref_slice %arg4[%add3A, %dma_wait3A_63, %dma_wait3A_67] : memref<32x80x125xi32, #tpu.memory_space<hbm>> -> memref<1x1x125xi32, #tpu.memory_space<hbm>>
    %dma_wait3A_69 = tpu.memref_squeeze %dma_wait3A_68 : memref<1x1x125xi32, #tpu.memory_space<hbm>> -> memref<125xi32, #tpu.memory_space<hbm>>
    tpu.wait_dma2 semaphore(%arg16 : memref<!tpu.dma_semaphore, #tpu.memory_space<semaphore_mem>>) src(%dma_wait3A_69 : memref<125xi32, #tpu.memory_space<hbm>>) dst(%arg10 : memref<125xi32, #tpu.memory_space<vmem>>)
    %dma_start3A_70 = arith.constant 1 : i32
    %dma_start3A_71 = arith.constant 0 : i32
    %dma_start3A_72 = arith.constant 0 : i32
    %dma_start3A_73 = tpu.memref_slice %arg11[%dma_start3A_70, %dma_start3A_71, %dma_start3A_72] : memref<2x125x128xf32, #tpu.memory_space<vmem>> -> memref<1x125x128xf32, #tpu.memory_space<vmem>>
    %dma_start3A_74 = tpu.memref_squeeze %dma_start3A_73 : memref<1x125x128xf32, #tpu.memory_space<vmem>> -> memref<125x128xf32, #tpu.memory_space<vmem>>
    %dma_start3A_75 = arith.constant 0 : i32
    %dma_start3A_76 = arith.constant 0 : i32
    %dma_start3A_77 = tpu.memref_slice %arg2[%dma_start3A_75, %dma_start3A_76] : memref<10000x128xf32, #tpu.memory_space<hbm>> -> memref<10000x128xf32, #tpu.memory_space<hbm>>
    tpu.enqueue_indirect_dma source(%dma_start3A_77 : memref<10000x128xf32, #tpu.memory_space<hbm>>) target(%dma_start3A_74 : memref<125x128xf32, #tpu.memory_space<vmem>>) offsets(%arg8 : memref<125xi32, #tpu.memory_space<vmem>>) semaphore(%arg14 : memref<!tpu.dma_semaphore, #tpu.memory_space<semaphore_mem>>)
    %dma_wait3A_78 = arith.constant 0 : i32
    %dma_wait3A_79 = arith.constant 0 : i32
    %dma_wait3A_80 = arith.constant 0 : i32
    %dma_wait3A_81 = tpu.memref_slice %arg11[%dma_wait3A_78, %dma_wait3A_79, %dma_wait3A_80] : memref<2x125x128xf32, #tpu.memory_space<vmem>> -> memref<1x125x128xf32, #tpu.memory_space<vmem>>
    %dma_wait3A_82 = tpu.memref_squeeze %dma_wait3A_81 : memref<1x125x128xf32, #tpu.memory_space<vmem>> -> memref<125x128xf32, #tpu.memory_space<vmem>>
    %dma_wait3A_83 = arith.constant 0 : i32
    %dma_wait3A_84 = arith.constant 0 : i32
    %dma_wait3A_85 = tpu.memref_slice %arg2[%dma_wait3A_83, %dma_wait3A_84] : memref<10000x128xf32, #tpu.memory_space<hbm>> -> memref<10000x128xf32, #tpu.memory_space<hbm>>
    tpu.wait_indirect_dma semaphore(%arg13 : memref<!tpu.dma_semaphore, #tpu.memory_space<semaphore_mem>>) src(%dma_wait3A_85 : memref<10000x128xf32, #tpu.memory_space<hbm>>) dst(%dma_wait3A_82 : memref<125x128xf32, #tpu.memory_space<vmem>>)
    %run_scoped3A = arith.constant 0 : i32
    "tpu.region"() ({
      %run_scoped3A_100 = tpu.sem_alloc : memref<!tpu.dma_semaphore, #tpu.memory_space<semaphore_mem>>
      %dma_start3A_101 = arith.constant 0 : i32
      %dma_start3A_102 = arith.constant 0 : i32
      %dma_start3A_103 = tpu.memref_slice %arg11[%run_scoped3A, %dma_start3A_101, %dma_start3A_102] : memref<2x125x128xf32, #tpu.memory_space<vmem>> -> memref<1x125x128xf32, #tpu.memory_space<vmem>>
      %dma_start3A_104 = tpu.memref_squeeze %dma_start3A_103 : memref<1x125x128xf32, #tpu.memory_space<vmem>> -> memref<125x128xf32, #tpu.memory_space<vmem>>
      %dma_start3A_105 = arith.constant 0 : i32
      %dma_start3A_106 = arith.constant 0 : i32
      %dma_start3A_107 = tpu.memref_slice %arg12[%dma_start3A_105, %dma_start3A_106] : memref<10240x128xf32, #tpu.memory_space<vmem_shared>> -> memref<10240x128xf32, #tpu.memory_space<vmem_shared>>
      tpu.enqueue_indirect_dma source(%dma_start3A_104 : memref<125x128xf32, #tpu.memory_space<vmem>>) target(%dma_start3A_107 : memref<10240x128xf32, #tpu.memory_space<vmem_shared>>) offsets(%arg9 : memref<125xi32, #tpu.memory_space<vmem>>) semaphore(%run_scoped3A_100 : memref<!tpu.dma_semaphore, #tpu.memory_space<semaphore_mem>>) {add = true}
      %dma_wait3A_108 = arith.constant 0 : i32
      %dma_wait3A_109 = arith.constant 0 : i32
      %dma_wait3A_110 = tpu.memref_slice %arg11[%run_scoped3A, %dma_wait3A_108, %dma_wait3A_109] : memref<2x125x128xf32, #tpu.memory_space<vmem>> -> memref<1x125x128xf32, #tpu.memory_space<vmem>>
      %dma_wait3A_111 = tpu.memref_squeeze %dma_wait3A_110 : memref<1x125x128xf32, #tpu.memory_space<vmem>> -> memref<125x128xf32, #tpu.memory_space<vmem>>
      %dma_wait3A_112 = arith.constant 0 : i32
      %dma_wait3A_113 = arith.constant 0 : i32
      %dma_wait3A_114 = tpu.memref_slice %arg12[%dma_wait3A_112, %dma_wait3A_113] : memref<10240x128xf32, #tpu.memory_space<vmem_shared>> -> memref<10240x128xf32, #tpu.memory_space<vmem_shared>>
      tpu.wait_indirect_dma semaphore(%run_scoped3A_100 : memref<!tpu.dma_semaphore, #tpu.memory_space<semaphore_mem>>) src(%dma_wait3A_111 : memref<125x128xf32, #tpu.memory_space<vmem>>) dst(%dma_wait3A_114 : memref<10240x128xf32, #tpu.memory_space<vmem_shared>>)
      tpu.yield
    }) : () -> ()
    %dma_wait3A_86 = arith.constant 1 : i32
    %dma_wait3A_87 = arith.constant 0 : i32
    %dma_wait3A_88 = arith.constant 0 : i32
    %dma_wait3A_89 = tpu.memref_slice %arg11[%dma_wait3A_86, %dma_wait3A_87, %dma_wait3A_88] : memref<2x125x128xf32, #tpu.memory_space<vmem>> -> memref<1x125x128xf32, #tpu.memory_space<vmem>>
    %dma_wait3A_90 = tpu.memref_squeeze %dma_wait3A_89 : memref<1x125x128xf32, #tpu.memory_space<vmem>> -> memref<125x128xf32, #tpu.memory_space<vmem>>
    %dma_wait3A_91 = arith.constant 0 : i32
    %dma_wait3A_92 = arith.constant 0 : i32
    %dma_wait3A_93 = tpu.memref_slice %arg2[%dma_wait3A_91, %dma_wait3A_92] : memref<10000x128xf32, #tpu.memory_space<hbm>> -> memref<10000x128xf32, #tpu.memory_space<hbm>>
    tpu.wait_indirect_dma semaphore(%arg14 : memref<!tpu.dma_semaphore, #tpu.memory_space<semaphore_mem>>) src(%dma_wait3A_93 : memref<10000x128xf32, #tpu.memory_space<hbm>>) dst(%dma_wait3A_90 : memref<125x128xf32, #tpu.memory_space<vmem>>)
    %run_scoped3A_94 = arith.constant 1 : i32
    "tpu.region"() ({
      %run_scoped3A_100 = tpu.sem_alloc : memref<!tpu.dma_semaphore, #tpu.memory_space<semaphore_mem>>
      %dma_start3A_101 = arith.constant 0 : i32
      %dma_start3A_102 = arith.constant 0 : i32
      %dma_start3A_103 = tpu.memref_slice %arg11[%run_scoped3A_94, %dma_start3A_101, %dma_start3A_102] : memref<2x125x128xf32, #tpu.memory_space<vmem>> -> memref<1x125x128xf32, #tpu.memory_space<vmem>>
      %dma_start3A_104 = tpu.memref_squeeze %dma_start3A_103 : memref<1x125x128xf32, #tpu.memory_space<vmem>> -> memref<125x128xf32, #tpu.memory_space<vmem>>
      %dma_start3A_105 = arith.constant 0 : i32
      %dma_start3A_106 = arith.constant 0 : i32
      %dma_start3A_107 = tpu.memref_slice %arg12[%dma_start3A_105, %dma_start3A_106] : memref<10240x128xf32, #tpu.memory_space<vmem_shared>> -> memref<10240x128xf32, #tpu.memory_space<vmem_shared>>
      tpu.enqueue_indirect_dma source(%dma_start3A_104 : memref<125x128xf32, #tpu.memory_space<vmem>>) target(%dma_start3A_107 : memref<10240x128xf32, #tpu.memory_space<vmem_shared>>) offsets(%arg10 : memref<125xi32, #tpu.memory_space<vmem>>) semaphore(%run_scoped3A_100 : memref<!tpu.dma_semaphore, #tpu.memory_space<semaphore_mem>>) {add = true}
      %dma_wait3A_108 = arith.constant 0 : i32
      %dma_wait3A_109 = arith.constant 0 : i32
      %dma_wait3A_110 = tpu.memref_slice %arg11[%run_scoped3A_94, %dma_wait3A_108, %dma_wait3A_109] : memref<2x125x128xf32, #tpu.memory_space<vmem>> -> memref<1x125x128xf32, #tpu.memory_space<vmem>>
      %dma_wait3A_111 = tpu.memref_squeeze %dma_wait3A_110 : memref<1x125x128xf32, #tpu.memory_space<vmem>> -> memref<125x128xf32, #tpu.memory_space<vmem>>
      %dma_wait3A_112 = arith.constant 0 : i32
      %dma_wait3A_113 = arith.constant 0 : i32
      %dma_wait3A_114 = tpu.memref_slice %arg12[%dma_wait3A_112, %dma_wait3A_113] : memref<10240x128xf32, #tpu.memory_space<vmem_shared>> -> memref<10240x128xf32, #tpu.memory_space<vmem_shared>>
      tpu.wait_indirect_dma semaphore(%run_scoped3A_100 : memref<!tpu.dma_semaphore, #tpu.memory_space<semaphore_mem>>) src(%dma_wait3A_111 : memref<125x128xf32, #tpu.memory_space<vmem>>) dst(%dma_wait3A_114 : memref<10240x128xf32, #tpu.memory_space<vmem_shared>>)
      tpu.yield
    }) : () -> ()
    %barrier3A_95 = arith.constant 0 : index
    tpu.barrier barrier_id(%barrier3A_95)
    %mul3A_96 = arith.constant 640 : i32
    %mul3A_97 = arith.muli %arg1, %mul3A_96 : i32
    %mul3A_98 = arith.constant 640 : i32
    %mul3A_99 = arith.muli %arg1, %mul3A_98 : i32
    "tpu.region"() ({
      %run_scoped3A_100 = tpu.sem_alloc : memref<!tpu.dma_semaphore, #tpu.memory_space<semaphore_mem>>
      %dma_start3A_101 = arith.constant 0 : i32
      %dma_start3A_102 = tpu.memref_slice %arg6[%arg0, %mul3A_99, %dma_start3A_101] : memref<2x10240x128xf32, #tpu.memory_space<hbm>> -> memref<1x640x128xf32, #tpu.memory_space<hbm>>
      %dma_start3A_103 = tpu.memref_squeeze %dma_start3A_102 : memref<1x640x128xf32, #tpu.memory_space<hbm>> -> memref<640x128xf32, #tpu.memory_space<hbm>>
      %dma_start3A_104 = arith.constant 0 : i32
      %dma_start3A_105 = tpu.memref_slice %arg12[%mul3A_97, %dma_start3A_104] : memref<10240x128xf32, #tpu.memory_space<vmem_shared>> -> memref<640x128xf32, #tpu.memory_space<vmem_shared>>
      tpu.enqueue_dma source(%dma_start3A_105 : memref<640x128xf32, #tpu.memory_space<vmem_shared>>) target(%dma_start3A_103 : memref<640x128xf32, #tpu.memory_space<hbm>>) target_semaphore(%run_scoped3A_100 : memref<!tpu.dma_semaphore, #tpu.memory_space<semaphore_mem>>)
      %dma_wait3A_106 = arith.constant 0 : i32
      %dma_wait3A_107 = tpu.memref_slice %arg6[%arg0, %mul3A_99, %dma_wait3A_106] : memref<2x10240x128xf32, #tpu.memory_space<hbm>> -> memref<1x640x128xf32, #tpu.memory_space<hbm>>
      %dma_wait3A_108 = tpu.memref_squeeze %dma_wait3A_107 : memref<1x640x128xf32, #tpu.memory_space<hbm>> -> memref<640x128xf32, #tpu.memory_space<hbm>>
      %dma_wait3A_109 = arith.constant 0 : i32
      %dma_wait3A_110 = tpu.memref_slice %arg12[%mul3A_97, %dma_wait3A_109] : memref<10240x128xf32, #tpu.memory_space<vmem_shared>> -> memref<640x128xf32, #tpu.memory_space<vmem_shared>>
      tpu.wait_dma2 semaphore(%run_scoped3A_100 : memref<!tpu.dma_semaphore, #tpu.memory_space<semaphore_mem>>) src(%dma_wait3A_110 : memref<640x128xf32, #tpu.memory_space<vmem_shared>>) dst(%dma_wait3A_108 : memref<640x128xf32, #tpu.memory_space<hbm>>)
      tpu.yield
    }) : () -> ()
    return
  }
}

#map = affine_map<(d0, d1) -> (0, 0)>
#map1 = affine_map<(d0, d1) -> (0, 0, 0)>
module attributes {stable_mosaic.version = 14 : i64} {
  func.func @_seg_state_body(%arg0: i32, %arg1: i32, %arg2: memref<10000x128xf32, #tpu.memory_space<hbm>>, %arg3: memref<32x80x125xi32, #tpu.memory_space<hbm>>, %arg4: memref<32x80x125xi32, #tpu.memory_space<hbm>>, %arg5: memref<640x128xf32, #tpu.memory_space<hbm>>, %arg6: memref<2x10240x128xf32, #tpu.memory_space<hbm>>, %arg7: memref<125xi32, #tpu.memory_space<vmem>>, %arg8: memref<125xi32, #tpu.memory_space<vmem>>, %arg9: memref<125xi32, #tpu.memory_space<vmem>>, %arg10: memref<125xi32, #tpu.memory_space<vmem>>, %arg11: memref<2x125x128xf32, #tpu.memory_space<vmem>>, %arg12: memref<10240x128xf32, #tpu.memory_space<vmem_shared>>, %arg13: memref<!tpu.dma_semaphore, #tpu.memory_space<semaphore_mem>>, %arg14: memref<!tpu.dma_semaphore, #tpu.memory_space<semaphore_mem>>, %arg15: memref<!tpu.dma_semaphore, #tpu.memory_space<semaphore_mem>>, %arg16: memref<!tpu.dma_semaphore, #tpu.memory_space<semaphore_mem>>) attributes {dimension_semantics = [#tpu.dimension_semantics<core_parallel>, #tpu.dimension_semantics<subcore_parallel>], iteration_bounds = array<i64: 2, 16>, scalar_prefetch = 0 : i64, scratch_operands = 10 : i64, tpu.core_type = #tpu.core_type<sc_vector_subcore>, window_params = [{transform_indices = #map}, {transform_indices = #map1}, {transform_indices = #map1}, {transform_indices = #map}, {transform_indices = #map1}]} {
    %mul3A = arith.constant 16 : i32
    %mul3A_0 = arith.muli %arg0, %mul3A : i32
    %add3A = arith.addi %mul3A_0, %arg1 : i32
    %mul3A_1 = arith.constant 640 : i32
    %mul3A_2 = arith.muli %arg1, %mul3A_1 : i32
    "tpu.region"() ({
      %run_scoped3A_100 = tpu.sem_alloc : memref<!tpu.dma_semaphore, #tpu.memory_space<semaphore_mem>>
      %dma_start3A_101 = arith.constant 0 : i32
      %dma_start3A_102 = tpu.memref_slice %arg12[%mul3A_2, %dma_start3A_101] : memref<10240x128xf32, #tpu.memory_space<vmem_shared>> -> memref<640x128xf32, #tpu.memory_space<vmem_shared>>
      tpu.enqueue_dma source(%arg5 : memref<640x128xf32, #tpu.memory_space<hbm>>) target(%dma_start3A_102 : memref<640x128xf32, #tpu.memory_space<vmem_shared>>) target_semaphore(%run_scoped3A_100 : memref<!tpu.dma_semaphore, #tpu.memory_space<semaphore_mem>>)
      %dma_wait3A_103 = arith.constant 0 : i32
      %dma_wait3A_104 = tpu.memref_slice %arg12[%mul3A_2, %dma_wait3A_103] : memref<10240x128xf32, #tpu.memory_space<vmem_shared>> -> memref<640x128xf32, #tpu.memory_space<vmem_shared>>
      tpu.wait_dma2 semaphore(%run_scoped3A_100 : memref<!tpu.dma_semaphore, #tpu.memory_space<semaphore_mem>>) src(%arg5 : memref<640x128xf32, #tpu.memory_space<hbm>>) dst(%dma_wait3A_104 : memref<640x128xf32, #tpu.memory_space<vmem_shared>>)
      tpu.yield
    }) : () -> ()
    %barrier3A = arith.constant 0 : index
    tpu.barrier barrier_id(%barrier3A)
    %dma_start3A = arith.constant 0 : i32
    %dma_start3A_3 = arith.constant 0 : i32
    %dma_start3A_4 = tpu.memref_slice %arg3[%add3A, %dma_start3A, %dma_start3A_3] : memref<32x80x125xi32, #tpu.memory_space<hbm>> -> memref<1x1x125xi32, #tpu.memory_space<hbm>>
    %dma_start3A_5 = tpu.memref_squeeze %dma_start3A_4 : memref<1x1x125xi32, #tpu.memory_space<hbm>> -> memref<125xi32, #tpu.memory_space<hbm>>
    %dma_start3A_6 = arith.constant 0 : i32
    %dma_start3A_7 = tpu.memref_slice %arg3[%add3A, %dma_start3A, %dma_start3A_6] : memref<32x80x125xi32, #tpu.memory_space<hbm>> -> memref<1x1x125xi32, #tpu.memory_space<hbm>>
    %dma_start3A_8 = tpu.memref_squeeze %dma_start3A_7 : memref<1x1x125xi32, #tpu.memory_space<hbm>> -> memref<125xi32, #tpu.memory_space<hbm>>
    tpu.enqueue_dma source(%dma_start3A_8 : memref<125xi32, #tpu.memory_space<hbm>>) target(%arg7 : memref<125xi32, #tpu.memory_space<vmem>>) target_semaphore(%arg15 : memref<!tpu.dma_semaphore, #tpu.memory_space<semaphore_mem>>)
    %dma_start3A_9 = arith.constant 0 : i32
    %dma_start3A_10 = arith.constant 0 : i32
    %dma_start3A_11 = tpu.memref_slice %arg4[%add3A, %dma_start3A_9, %dma_start3A_10] : memref<32x80x125xi32, #tpu.memory_space<hbm>> -> memref<1x1x125xi32, #tpu.memory_space<hbm>>
    %dma_start3A_12 = tpu.memref_squeeze %dma_start3A_11 : memref<1x1x125xi32, #tpu.memory_space<hbm>> -> memref<125xi32, #tpu.memory_space<hbm>>
    %dma_start3A_13 = arith.constant 0 : i32
    %dma_start3A_14 = tpu.memref_slice %arg4[%add3A, %dma_start3A_9, %dma_start3A_13] : memref<32x80x125xi32, #tpu.memory_space<hbm>> -> memref<1x1x125xi32, #tpu.memory_space<hbm>>
    %dma_start3A_15 = tpu.memref_squeeze %dma_start3A_14 : memref<1x1x125xi32, #tpu.memory_space<hbm>> -> memref<125xi32, #tpu.memory_space<hbm>>
    tpu.enqueue_dma source(%dma_start3A_15 : memref<125xi32, #tpu.memory_space<hbm>>) target(%arg9 : memref<125xi32, #tpu.memory_space<vmem>>) target_semaphore(%arg15 : memref<!tpu.dma_semaphore, #tpu.memory_space<semaphore_mem>>)
    %dma_wait3A = arith.constant 0 : i32
    %dma_wait3A_16 = arith.constant 0 : i32
    %dma_wait3A_17 = tpu.memref_slice %arg3[%add3A, %dma_wait3A, %dma_wait3A_16] : memref<32x80x125xi32, #tpu.memory_space<hbm>> -> memref<1x1x125xi32, #tpu.memory_space<hbm>>
    %dma_wait3A_18 = tpu.memref_squeeze %dma_wait3A_17 : memref<1x1x125xi32, #tpu.memory_space<hbm>> -> memref<125xi32, #tpu.memory_space<hbm>>
    %dma_wait3A_19 = arith.constant 0 : i32
    %dma_wait3A_20 = tpu.memref_slice %arg3[%add3A, %dma_wait3A, %dma_wait3A_19] : memref<32x80x125xi32, #tpu.memory_space<hbm>> -> memref<1x1x125xi32, #tpu.memory_space<hbm>>
    %dma_wait3A_21 = tpu.memref_squeeze %dma_wait3A_20 : memref<1x1x125xi32, #tpu.memory_space<hbm>> -> memref<125xi32, #tpu.memory_space<hbm>>
    tpu.wait_dma2 semaphore(%arg15 : memref<!tpu.dma_semaphore, #tpu.memory_space<semaphore_mem>>) src(%dma_wait3A_21 : memref<125xi32, #tpu.memory_space<hbm>>) dst(%arg7 : memref<125xi32, #tpu.memory_space<vmem>>)
    %dma_wait3A_22 = arith.constant 0 : i32
    %dma_wait3A_23 = arith.constant 0 : i32
    %dma_wait3A_24 = tpu.memref_slice %arg4[%add3A, %dma_wait3A_22, %dma_wait3A_23] : memref<32x80x125xi32, #tpu.memory_space<hbm>> -> memref<1x1x125xi32, #tpu.memory_space<hbm>>
    %dma_wait3A_25 = tpu.memref_squeeze %dma_wait3A_24 : memref<1x1x125xi32, #tpu.memory_space<hbm>> -> memref<125xi32, #tpu.memory_space<hbm>>
    %dma_wait3A_26 = arith.constant 0 : i32
    %dma_wait3A_27 = tpu.memref_slice %arg4[%add3A, %dma_wait3A_22, %dma_wait3A_26] : memref<32x80x125xi32, #tpu.memory_space<hbm>> -> memref<1x1x125xi32, #tpu.memory_space<hbm>>
    %dma_wait3A_28 = tpu.memref_squeeze %dma_wait3A_27 : memref<1x1x125xi32, #tpu.memory_space<hbm>> -> memref<125xi32, #tpu.memory_space<hbm>>
    tpu.wait_dma2 semaphore(%arg15 : memref<!tpu.dma_semaphore, #tpu.memory_space<semaphore_mem>>) src(%dma_wait3A_28 : memref<125xi32, #tpu.memory_space<hbm>>) dst(%arg9 : memref<125xi32, #tpu.memory_space<vmem>>)
    %dma_start3A_29 = arith.constant 0 : i32
    %dma_start3A_30 = arith.constant 0 : i32
    %dma_start3A_31 = arith.constant 0 : i32
    %dma_start3A_32 = tpu.memref_slice %arg11[%dma_start3A_29, %dma_start3A_30, %dma_start3A_31] : memref<2x125x128xf32, #tpu.memory_space<vmem>> -> memref<1x125x128xf32, #tpu.memory_space<vmem>>
    %dma_start3A_33 = tpu.memref_squeeze %dma_start3A_32 : memref<1x125x128xf32, #tpu.memory_space<vmem>> -> memref<125x128xf32, #tpu.memory_space<vmem>>
    %dma_start3A_34 = arith.constant 0 : i32
    %dma_start3A_35 = arith.constant 0 : i32
    %dma_start3A_36 = tpu.memref_slice %arg2[%dma_start3A_34, %dma_start3A_35] : memref<10000x128xf32, #tpu.memory_space<hbm>> -> memref<10000x128xf32, #tpu.memory_space<hbm>>
    tpu.enqueue_indirect_dma source(%dma_start3A_36 : memref<10000x128xf32, #tpu.memory_space<hbm>>) target(%dma_start3A_33 : memref<125x128xf32, #tpu.memory_space<vmem>>) offsets(%arg7 : memref<125xi32, #tpu.memory_space<vmem>>) semaphore(%arg13 : memref<!tpu.dma_semaphore, #tpu.memory_space<semaphore_mem>>)
    %dma_start3A_37 = arith.constant 1 : i32
    %dma_start3A_38 = arith.constant 0 : i32
    %dma_start3A_39 = tpu.memref_slice %arg3[%add3A, %dma_start3A_37, %dma_start3A_38] : memref<32x80x125xi32, #tpu.memory_space<hbm>> -> memref<1x1x125xi32, #tpu.memory_space<hbm>>
    %dma_start3A_40 = tpu.memref_squeeze %dma_start3A_39 : memref<1x1x125xi32, #tpu.memory_space<hbm>> -> memref<125xi32, #tpu.memory_space<hbm>>
    %dma_start3A_41 = arith.constant 0 : i32
    %dma_start3A_42 = tpu.memref_slice %arg3[%add3A, %dma_start3A_37, %dma_start3A_41] : memref<32x80x125xi32, #tpu.memory_space<hbm>> -> memref<1x1x125xi32, #tpu.memory_space<hbm>>
    %dma_start3A_43 = tpu.memref_squeeze %dma_start3A_42 : memref<1x1x125xi32, #tpu.memory_space<hbm>> -> memref<125xi32, #tpu.memory_space<hbm>>
    tpu.enqueue_dma source(%dma_start3A_43 : memref<125xi32, #tpu.memory_space<hbm>>) target(%arg8 : memref<125xi32, #tpu.memory_space<vmem>>) target_semaphore(%arg16 : memref<!tpu.dma_semaphore, #tpu.memory_space<semaphore_mem>>)
    %dma_start3A_44 = arith.constant 1 : i32
    %dma_start3A_45 = arith.constant 0 : i32
    %dma_start3A_46 = tpu.memref_slice %arg4[%add3A, %dma_start3A_44, %dma_start3A_45] : memref<32x80x125xi32, #tpu.memory_space<hbm>> -> memref<1x1x125xi32, #tpu.memory_space<hbm>>
    %dma_start3A_47 = tpu.memref_squeeze %dma_start3A_46 : memref<1x1x125xi32, #tpu.memory_space<hbm>> -> memref<125xi32, #tpu.memory_space<hbm>>
    %dma_start3A_48 = arith.constant 0 : i32
    %dma_start3A_49 = tpu.memref_slice %arg4[%add3A, %dma_start3A_44, %dma_start3A_48] : memref<32x80x125xi32, #tpu.memory_space<hbm>> -> memref<1x1x125xi32, #tpu.memory_space<hbm>>
    %dma_start3A_50 = tpu.memref_squeeze %dma_start3A_49 : memref<1x1x125xi32, #tpu.memory_space<hbm>> -> memref<125xi32, #tpu.memory_space<hbm>>
    tpu.enqueue_dma source(%dma_start3A_50 : memref<125xi32, #tpu.memory_space<hbm>>) target(%arg10 : memref<125xi32, #tpu.memory_space<vmem>>) target_semaphore(%arg16 : memref<!tpu.dma_semaphore, #tpu.memory_space<semaphore_mem>>)
    %scan3A = arith.constant 0 : i32
    %scan3A_51 = arith.constant 0 : i32
    %scan3A_52 = arith.constant 39 : i32
    %scan3A_53 = arith.addi %scan3A_51, %scan3A_52 : i32
    %scan3A_54 = arith.constant 1 : i32
    scf.for %scan3A_100 = %scan3A_51 to %scan3A_53 step %scan3A_54  : i32 {
      %mul3A_101 = arith.constant 2 : i32
      %mul3A_102 = arith.muli %mul3A_101, %scan3A_100 : i32
      %add3A_103 = arith.constant 1 : i32
      %add3A_104 = arith.addi %mul3A_102, %add3A_103 : i32
      %dma_wait3A_105 = arith.constant 0 : i32
      %dma_wait3A_106 = tpu.memref_slice %arg3[%add3A, %add3A_104, %dma_wait3A_105] : memref<32x80x125xi32, #tpu.memory_space<hbm>> -> memref<1x1x125xi32, #tpu.memory_space<hbm>>
      %dma_wait3A_107 = tpu.memref_squeeze %dma_wait3A_106 : memref<1x1x125xi32, #tpu.memory_space<hbm>> -> memref<125xi32, #tpu.memory_space<hbm>>
      %dma_wait3A_108 = arith.constant 0 : i32
      %dma_wait3A_109 = tpu.memref_slice %arg3[%add3A, %add3A_104, %dma_wait3A_108] : memref<32x80x125xi32, #tpu.memory_space<hbm>> -> memref<1x1x125xi32, #tpu.memory_space<hbm>>
      %dma_wait3A_110 = tpu.memref_squeeze %dma_wait3A_109 : memref<1x1x125xi32, #tpu.memory_space<hbm>> -> memref<125xi32, #tpu.memory_space<hbm>>
      tpu.wait_dma2 semaphore(%arg16 : memref<!tpu.dma_semaphore, #tpu.memory_space<semaphore_mem>>) src(%dma_wait3A_110 : memref<125xi32, #tpu.memory_space<hbm>>) dst(%arg8 : memref<125xi32, #tpu.memory_space<vmem>>)
      %dma_wait3A_111 = arith.constant 0 : i32
      %dma_wait3A_112 = tpu.memref_slice %arg4[%add3A, %add3A_104, %dma_wait3A_111] : memref<32x80x125xi32, #tpu.memory_space<hbm>> -> memref<1x1x125xi32, #tpu.memory_space<hbm>>
      %dma_wait3A_113 = tpu.memref_squeeze %dma_wait3A_112 : memref<1x1x125xi32, #tpu.memory_space<hbm>> -> memref<125xi32, #tpu.memory_space<hbm>>
      %dma_wait3A_114 = arith.constant 0 : i32
      %dma_wait3A_115 = tpu.memref_slice %arg4[%add3A, %add3A_104, %dma_wait3A_114] : memref<32x80x125xi32, #tpu.memory_space<hbm>> -> memref<1x1x125xi32, #tpu.memory_space<hbm>>
      %dma_wait3A_116 = tpu.memref_squeeze %dma_wait3A_115 : memref<1x1x125xi32, #tpu.memory_space<hbm>> -> memref<125xi32, #tpu.memory_space<hbm>>
      tpu.wait_dma2 semaphore(%arg16 : memref<!tpu.dma_semaphore, #tpu.memory_space<semaphore_mem>>) src(%dma_wait3A_116 : memref<125xi32, #tpu.memory_space<hbm>>) dst(%arg10 : memref<125xi32, #tpu.memory_space<vmem>>)
      %dma_start3A_117 = arith.constant 1 : i32
      %dma_start3A_118 = arith.constant 0 : i32
      %dma_start3A_119 = arith.constant 0 : i32
      %dma_start3A_120 = tpu.memref_slice %arg11[%dma_start3A_117, %dma_start3A_118, %dma_start3A_119] : memref<2x125x128xf32, #tpu.memory_space<vmem>> -> memref<1x125x128xf32, #tpu.memory_space<vmem>>
      %dma_start3A_121 = tpu.memref_squeeze %dma_start3A_120 : memref<1x125x128xf32, #tpu.memory_space<vmem>> -> memref<125x128xf32, #tpu.memory_space<vmem>>
      %dma_start3A_122 = arith.constant 0 : i32
      %dma_start3A_123 = arith.constant 0 : i32
      %dma_start3A_124 = tpu.memref_slice %arg2[%dma_start3A_122, %dma_start3A_123] : memref<10000x128xf32, #tpu.memory_space<hbm>> -> memref<10000x128xf32, #tpu.memory_space<hbm>>
      tpu.enqueue_indirect_dma source(%dma_start3A_124 : memref<10000x128xf32, #tpu.memory_space<hbm>>) target(%dma_start3A_121 : memref<125x128xf32, #tpu.memory_space<vmem>>) offsets(%arg8 : memref<125xi32, #tpu.memory_space<vmem>>) semaphore(%arg14 : memref<!tpu.dma_semaphore, #tpu.memory_space<semaphore_mem>>)
      %dma_wait3A_125 = arith.constant 0 : i32
      %dma_wait3A_126 = arith.constant 0 : i32
      %dma_wait3A_127 = arith.constant 0 : i32
      %dma_wait3A_128 = tpu.memref_slice %arg11[%dma_wait3A_125, %dma_wait3A_126, %dma_wait3A_127] : memref<2x125x128xf32, #tpu.memory_space<vmem>> -> memref<1x125x128xf32, #tpu.memory_space<vmem>>
      %dma_wait3A_129 = tpu.memref_squeeze %dma_wait3A_128 : memref<1x125x128xf32, #tpu.memory_space<vmem>> -> memref<125x128xf32, #tpu.memory_space<vmem>>
      %dma_wait3A_130 = arith.constant 0 : i32
      %dma_wait3A_131 = arith.constant 0 : i32
      %dma_wait3A_132 = tpu.memref_slice %arg2[%dma_wait3A_130, %dma_wait3A_131] : memref<10000x128xf32, #tpu.memory_space<hbm>> -> memref<10000x128xf32, #tpu.memory_space<hbm>>
      tpu.wait_indirect_dma semaphore(%arg13 : memref<!tpu.dma_semaphore, #tpu.memory_space<semaphore_mem>>) src(%dma_wait3A_132 : memref<10000x128xf32, #tpu.memory_space<hbm>>) dst(%dma_wait3A_129 : memref<125x128xf32, #tpu.memory_space<vmem>>)
      %run_scoped3A_133 = arith.constant 0 : i32
      "tpu.region"() ({
        %run_scoped3A_193 = tpu.sem_alloc : memref<!tpu.dma_semaphore, #tpu.memory_space<semaphore_mem>>
        %dma_start3A_194 = arith.constant 0 : i32
        %dma_start3A_195 = arith.constant 0 : i32
        %dma_start3A_196 = tpu.memref_slice %arg11[%run_scoped3A_133, %dma_start3A_194, %dma_start3A_195] : memref<2x125x128xf32, #tpu.memory_space<vmem>> -> memref<1x125x128xf32, #tpu.memory_space<vmem>>
        %dma_start3A_197 = tpu.memref_squeeze %dma_start3A_196 : memref<1x125x128xf32, #tpu.memory_space<vmem>> -> memref<125x128xf32, #tpu.memory_space<vmem>>
        %dma_start3A_198 = arith.constant 0 : i32
        %dma_start3A_199 = arith.constant 0 : i32
        %dma_start3A_200 = tpu.memref_slice %arg12[%dma_start3A_198, %dma_start3A_199] : memref<10240x128xf32, #tpu.memory_space<vmem_shared>> -> memref<10240x128xf32, #tpu.memory_space<vmem_shared>>
        tpu.enqueue_indirect_dma source(%dma_start3A_197 : memref<125x128xf32, #tpu.memory_space<vmem>>) target(%dma_start3A_200 : memref<10240x128xf32, #tpu.memory_space<vmem_shared>>) offsets(%arg9 : memref<125xi32, #tpu.memory_space<vmem>>) semaphore(%run_scoped3A_193 : memref<!tpu.dma_semaphore, #tpu.memory_space<semaphore_mem>>) {add = true}
        %dma_wait3A_201 = arith.constant 0 : i32
        %dma_wait3A_202 = arith.constant 0 : i32
        %dma_wait3A_203 = tpu.memref_slice %arg11[%run_scoped3A_133, %dma_wait3A_201, %dma_wait3A_202] : memref<2x125x128xf32, #tpu.memory_space<vmem>> -> memref<1x125x128xf32, #tpu.memory_space<vmem>>
        %dma_wait3A_204 = tpu.memref_squeeze %dma_wait3A_203 : memref<1x125x128xf32, #tpu.memory_space<vmem>> -> memref<125x128xf32, #tpu.memory_space<vmem>>
        %dma_wait3A_205 = arith.constant 0 : i32
        %dma_wait3A_206 = arith.constant 0 : i32
        %dma_wait3A_207 = tpu.memref_slice %arg12[%dma_wait3A_205, %dma_wait3A_206] : memref<10240x128xf32, #tpu.memory_space<vmem_shared>> -> memref<10240x128xf32, #tpu.memory_space<vmem_shared>>
        tpu.wait_indirect_dma semaphore(%run_scoped3A_193 : memref<!tpu.dma_semaphore, #tpu.memory_space<semaphore_mem>>) src(%dma_wait3A_204 : memref<125x128xf32, #tpu.memory_space<vmem>>) dst(%dma_wait3A_207 : memref<10240x128xf32, #tpu.memory_space<vmem_shared>>)
        tpu.yield
      }) : () -> ()
      %add3A_134 = arith.constant 2 : i32
      %add3A_135 = arith.addi %mul3A_102, %add3A_134 : i32
      %dma_start3A_136 = arith.constant 0 : i32
      %dma_start3A_137 = tpu.memref_slice %arg3[%add3A, %add3A_135, %dma_start3A_136] : memref<32x80x125xi32, #tpu.memory_space<hbm>> -> memref<1x1x125xi32, #tpu.memory_space<hbm>>
      %dma_start3A_138 = tpu.memref_squeeze %dma_start3A_137 : memref<1x1x125xi32, #tpu.memory_space<hbm>> -> memref<125xi32, #tpu.memory_space<hbm>>
      %dma_start3A_139 = arith.constant 0 : i32
      %dma_start3A_140 = tpu.memref_slice %arg3[%add3A, %add3A_135, %dma_start3A_139] : memref<32x80x125xi32, #tpu.memory_space<hbm>> -> memref<1x1x125xi32, #tpu.memory_space<hbm>>
      %dma_start3A_141 = tpu.memref_squeeze %dma_start3A_140 : memref<1x1x125xi32, #tpu.memory_space<hbm>> -> memref<125xi32, #tpu.memory_space<hbm>>
      tpu.enqueue_dma source(%dma_start3A_141 : memref<125xi32, #tpu.memory_space<hbm>>) target(%arg7 : memref<125xi32, #tpu.memory_space<vmem>>) target_semaphore(%arg15 : memref<!tpu.dma_semaphore, #tpu.memory_space<semaphore_mem>>)
      %dma_start3A_142 = arith.constant 0 : i32
      %dma_start3A_143 = tpu.memref_slice %arg4[%add3A, %add3A_135, %dma_start3A_142] : memref<32x80x125xi32, #tpu.memory_space<hbm>> -> memref<1x1x125xi32, #tpu.memory_space<hbm>>
      %dma_start3A_144 = tpu.memref_squeeze %dma_start3A_143 : memref<1x1x125xi32, #tpu.memory_space<hbm>> -> memref<125xi32, #tpu.memory_space<hbm>>
      %dma_start3A_145 = arith.constant 0 : i32
      %dma_start3A_146 = tpu.memref_slice %arg4[%add3A, %add3A_135, %dma_start3A_145] : memref<32x80x125xi32, #tpu.memory_space<hbm>> -> memref<1x1x125xi32, #tpu.memory_space<hbm>>
      %dma_start3A_147 = tpu.memref_squeeze %dma_start3A_146 : memref<1x1x125xi32, #tpu.memory_space<hbm>> -> memref<125xi32, #tpu.memory_space<hbm>>
      tpu.enqueue_dma source(%dma_start3A_147 : memref<125xi32, #tpu.memory_space<hbm>>) target(%arg9 : memref<125xi32, #tpu.memory_space<vmem>>) target_semaphore(%arg15 : memref<!tpu.dma_semaphore, #tpu.memory_space<semaphore_mem>>)
      %add3A_148 = arith.constant 2 : i32
      %add3A_149 = arith.addi %mul3A_102, %add3A_148 : i32
      %dma_wait3A_150 = arith.constant 0 : i32
      %dma_wait3A_151 = tpu.memref_slice %arg3[%add3A, %add3A_149, %dma_wait3A_150] : memref<32x80x125xi32, #tpu.memory_space<hbm>> -> memref<1x1x125xi32, #tpu.memory_space<hbm>>
      %dma_wait3A_152 = tpu.memref_squeeze %dma_wait3A_151 : memref<1x1x125xi32, #tpu.memory_space<hbm>> -> memref<125xi32, #tpu.memory_space<hbm>>
      %dma_wait3A_153 = arith.constant 0 : i32
      %dma_wait3A_154 = tpu.memref_slice %arg3[%add3A, %add3A_149, %dma_wait3A_153] : memref<32x80x125xi32, #tpu.memory_space<hbm>> -> memref<1x1x125xi32, #tpu.memory_space<hbm>>
      %dma_wait3A_155 = tpu.memref_squeeze %dma_wait3A_154 : memref<1x1x125xi32, #tpu.memory_space<hbm>> -> memref<125xi32, #tpu.memory_space<hbm>>
      tpu.wait_dma2 semaphore(%arg15 : memref<!tpu.dma_semaphore, #tpu.memory_space<semaphore_mem>>) src(%dma_wait3A_155 : memref<125xi32, #tpu.memory_space<hbm>>) dst(%arg7 : memref<125xi32, #tpu.memory_space<vmem>>)
      %dma_wait3A_156 = arith.constant 0 : i32
      %dma_wait3A_157 = tpu.memref_slice %arg4[%add3A, %add3A_149, %dma_wait3A_156] : memref<32x80x125xi32, #tpu.memory_space<hbm>> -> memref<1x1x125xi32, #tpu.memory_space<hbm>>
      %dma_wait3A_158 = tpu.memref_squeeze %dma_wait3A_157 : memref<1x1x125xi32, #tpu.memory_space<hbm>> -> memref<125xi32, #tpu.memory_space<hbm>>
      %dma_wait3A_159 = arith.constant 0 : i32
      %dma_wait3A_160 = tpu.memref_slice %arg4[%add3A, %add3A_149, %dma_wait3A_159] : memref<32x80x125xi32, #tpu.memory_space<hbm>> -> memref<1x1x125xi32, #tpu.memory_space<hbm>>
      %dma_wait3A_161 = tpu.memref_squeeze %dma_wait3A_160 : memref<1x1x125xi32, #tpu.memory_space<hbm>> -> memref<125xi32, #tpu.memory_space<hbm>>
      tpu.wait_dma2 semaphore(%arg15 : memref<!tpu.dma_semaphore, #tpu.memory_space<semaphore_mem>>) src(%dma_wait3A_161 : memref<125xi32, #tpu.memory_space<hbm>>) dst(%arg9 : memref<125xi32, #tpu.memory_space<vmem>>)
      %dma_start3A_162 = arith.constant 0 : i32
      %dma_start3A_163 = arith.constant 0 : i32
      %dma_start3A_164 = arith.constant 0 : i32
      %dma_start3A_165 = tpu.memref_slice %arg11[%dma_start3A_162, %dma_start3A_163, %dma_start3A_164] : memref<2x125x128xf32, #tpu.memory_space<vmem>> -> memref<1x125x128xf32, #tpu.memory_space<vmem>>
      %dma_start3A_166 = tpu.memref_squeeze %dma_start3A_165 : memref<1x125x128xf32, #tpu.memory_space<vmem>> -> memref<125x128xf32, #tpu.memory_space<vmem>>
      %dma_start3A_167 = arith.constant 0 : i32
      %dma_start3A_168 = arith.constant 0 : i32
      %dma_start3A_169 = tpu.memref_slice %arg2[%dma_start3A_167, %dma_start3A_168] : memref<10000x128xf32, #tpu.memory_space<hbm>> -> memref<10000x128xf32, #tpu.memory_space<hbm>>
      tpu.enqueue_indirect_dma source(%dma_start3A_169 : memref<10000x128xf32, #tpu.memory_space<hbm>>) target(%dma_start3A_166 : memref<125x128xf32, #tpu.memory_space<vmem>>) offsets(%arg7 : memref<125xi32, #tpu.memory_space<vmem>>) semaphore(%arg13 : memref<!tpu.dma_semaphore, #tpu.memory_space<semaphore_mem>>)
      %dma_wait3A_170 = arith.constant 1 : i32
      %dma_wait3A_171 = arith.constant 0 : i32
      %dma_wait3A_172 = arith.constant 0 : i32
      %dma_wait3A_173 = tpu.memref_slice %arg11[%dma_wait3A_170, %dma_wait3A_171, %dma_wait3A_172] : memref<2x125x128xf32, #tpu.memory_space<vmem>> -> memref<1x125x128xf32, #tpu.memory_space<vmem>>
      %dma_wait3A_174 = tpu.memref_squeeze %dma_wait3A_173 : memref<1x125x128xf32, #tpu.memory_space<vmem>> -> memref<125x128xf32, #tpu.memory_space<vmem>>
      %dma_wait3A_175 = arith.constant 0 : i32
      %dma_wait3A_176 = arith.constant 0 : i32
      %dma_wait3A_177 = tpu.memref_slice %arg2[%dma_wait3A_175, %dma_wait3A_176] : memref<10000x128xf32, #tpu.memory_space<hbm>> -> memref<10000x128xf32, #tpu.memory_space<hbm>>
      tpu.wait_indirect_dma semaphore(%arg14 : memref<!tpu.dma_semaphore, #tpu.memory_space<semaphore_mem>>) src(%dma_wait3A_177 : memref<10000x128xf32, #tpu.memory_space<hbm>>) dst(%dma_wait3A_174 : memref<125x128xf32, #tpu.memory_space<vmem>>)
      %run_scoped3A_178 = arith.constant 1 : i32
      "tpu.region"() ({
        %run_scoped3A_193 = tpu.sem_alloc : memref<!tpu.dma_semaphore, #tpu.memory_space<semaphore_mem>>
        %dma_start3A_194 = arith.constant 0 : i32
        %dma_start3A_195 = arith.constant 0 : i32
        %dma_start3A_196 = tpu.memref_slice %arg11[%run_scoped3A_178, %dma_start3A_194, %dma_start3A_195] : memref<2x125x128xf32, #tpu.memory_space<vmem>> -> memref<1x125x128xf32, #tpu.memory_space<vmem>>
        %dma_start3A_197 = tpu.memref_squeeze %dma_start3A_196 : memref<1x125x128xf32, #tpu.memory_space<vmem>> -> memref<125x128xf32, #tpu.memory_space<vmem>>
        %dma_start3A_198 = arith.constant 0 : i32
        %dma_start3A_199 = arith.constant 0 : i32
        %dma_start3A_200 = tpu.memref_slice %arg12[%dma_start3A_198, %dma_start3A_199] : memref<10240x128xf32, #tpu.memory_space<vmem_shared>> -> memref<10240x128xf32, #tpu.memory_space<vmem_shared>>
        tpu.enqueue_indirect_dma source(%dma_start3A_197 : memref<125x128xf32, #tpu.memory_space<vmem>>) target(%dma_start3A_200 : memref<10240x128xf32, #tpu.memory_space<vmem_shared>>) offsets(%arg10 : memref<125xi32, #tpu.memory_space<vmem>>) semaphore(%run_scoped3A_193 : memref<!tpu.dma_semaphore, #tpu.memory_space<semaphore_mem>>) {add = true}
        %dma_wait3A_201 = arith.constant 0 : i32
        %dma_wait3A_202 = arith.constant 0 : i32
        %dma_wait3A_203 = tpu.memref_slice %arg11[%run_scoped3A_178, %dma_wait3A_201, %dma_wait3A_202] : memref<2x125x128xf32, #tpu.memory_space<vmem>> -> memref<1x125x128xf32, #tpu.memory_space<vmem>>
        %dma_wait3A_204 = tpu.memref_squeeze %dma_wait3A_203 : memref<1x125x128xf32, #tpu.memory_space<vmem>> -> memref<125x128xf32, #tpu.memory_space<vmem>>
        %dma_wait3A_205 = arith.constant 0 : i32
        %dma_wait3A_206 = arith.constant 0 : i32
        %dma_wait3A_207 = tpu.memref_slice %arg12[%dma_wait3A_205, %dma_wait3A_206] : memref<10240x128xf32, #tpu.memory_space<vmem_shared>> -> memref<10240x128xf32, #tpu.memory_space<vmem_shared>>
        tpu.wait_indirect_dma semaphore(%run_scoped3A_193 : memref<!tpu.dma_semaphore, #tpu.memory_space<semaphore_mem>>) src(%dma_wait3A_204 : memref<125x128xf32, #tpu.memory_space<vmem>>) dst(%dma_wait3A_207 : memref<10240x128xf32, #tpu.memory_space<vmem_shared>>)
        tpu.yield
      }) : () -> ()
      %add3A_179 = arith.constant 3 : i32
      %add3A_180 = arith.addi %mul3A_102, %add3A_179 : i32
      %dma_start3A_181 = arith.constant 0 : i32
      %dma_start3A_182 = tpu.memref_slice %arg3[%add3A, %add3A_180, %dma_start3A_181] : memref<32x80x125xi32, #tpu.memory_space<hbm>> -> memref<1x1x125xi32, #tpu.memory_space<hbm>>
      %dma_start3A_183 = tpu.memref_squeeze %dma_start3A_182 : memref<1x1x125xi32, #tpu.memory_space<hbm>> -> memref<125xi32, #tpu.memory_space<hbm>>
      %dma_start3A_184 = arith.constant 0 : i32
      %dma_start3A_185 = tpu.memref_slice %arg3[%add3A, %add3A_180, %dma_start3A_184] : memref<32x80x125xi32, #tpu.memory_space<hbm>> -> memref<1x1x125xi32, #tpu.memory_space<hbm>>
      %dma_start3A_186 = tpu.memref_squeeze %dma_start3A_185 : memref<1x1x125xi32, #tpu.memory_space<hbm>> -> memref<125xi32, #tpu.memory_space<hbm>>
      tpu.enqueue_dma source(%dma_start3A_186 : memref<125xi32, #tpu.memory_space<hbm>>) target(%arg8 : memref<125xi32, #tpu.memory_space<vmem>>) target_semaphore(%arg16 : memref<!tpu.dma_semaphore, #tpu.memory_space<semaphore_mem>>)
      %dma_start3A_187 = arith.constant 0 : i32
      %dma_start3A_188 = tpu.memref_slice %arg4[%add3A, %add3A_180, %dma_start3A_187] : memref<32x80x125xi32, #tpu.memory_space<hbm>> -> memref<1x1x125xi32, #tpu.memory_space<hbm>>
      %dma_start3A_189 = tpu.memref_squeeze %dma_start3A_188 : memref<1x1x125xi32, #tpu.memory_space<hbm>> -> memref<125xi32, #tpu.memory_space<hbm>>
      %dma_start3A_190 = arith.constant 0 : i32
      %dma_start3A_191 = tpu.memref_slice %arg4[%add3A, %add3A_180, %dma_start3A_190] : memref<32x80x125xi32, #tpu.memory_space<hbm>> -> memref<1x1x125xi32, #tpu.memory_space<hbm>>
      %dma_start3A_192 = tpu.memref_squeeze %dma_start3A_191 : memref<1x1x125xi32, #tpu.memory_space<hbm>> -> memref<125xi32, #tpu.memory_space<hbm>>
      tpu.enqueue_dma source(%dma_start3A_192 : memref<125xi32, #tpu.memory_space<hbm>>) target(%arg10 : memref<125xi32, #tpu.memory_space<vmem>>) target_semaphore(%arg16 : memref<!tpu.dma_semaphore, #tpu.memory_space<semaphore_mem>>)
    }
    %scan3A_55 = arith.constant 39 : i32
    %dma_wait3A_56 = arith.constant 79 : i32
    %dma_wait3A_57 = arith.constant 0 : i32
    %dma_wait3A_58 = tpu.memref_slice %arg3[%add3A, %dma_wait3A_56, %dma_wait3A_57] : memref<32x80x125xi32, #tpu.memory_space<hbm>> -> memref<1x1x125xi32, #tpu.memory_space<hbm>>
    %dma_wait3A_59 = tpu.memref_squeeze %dma_wait3A_58 : memref<1x1x125xi32, #tpu.memory_space<hbm>> -> memref<125xi32, #tpu.memory_space<hbm>>
    %dma_wait3A_60 = arith.constant 0 : i32
    %dma_wait3A_61 = tpu.memref_slice %arg3[%add3A, %dma_wait3A_56, %dma_wait3A_60] : memref<32x80x125xi32, #tpu.memory_space<hbm>> -> memref<1x1x125xi32, #tpu.memory_space<hbm>>
    %dma_wait3A_62 = tpu.memref_squeeze %dma_wait3A_61 : memref<1x1x125xi32, #tpu.memory_space<hbm>> -> memref<125xi32, #tpu.memory_space<hbm>>
    tpu.wait_dma2 semaphore(%arg16 : memref<!tpu.dma_semaphore, #tpu.memory_space<semaphore_mem>>) src(%dma_wait3A_62 : memref<125xi32, #tpu.memory_space<hbm>>) dst(%arg8 : memref<125xi32, #tpu.memory_space<vmem>>)
    %dma_wait3A_63 = arith.constant 79 : i32
    %dma_wait3A_64 = arith.constant 0 : i32
    %dma_wait3A_65 = tpu.memref_slice %arg4[%add3A, %dma_wait3A_63, %dma_wait3A_64] : memref<32x80x125xi32, #tpu.memory_space<hbm>> -> memref<1x1x125xi32, #tpu.memory_space<hbm>>
    %dma_wait3A_66 = tpu.memref_squeeze %dma_wait3A_65 : memref<1x1x125xi32, #tpu.memory_space<hbm>> -> memref<125xi32, #tpu.memory_space<hbm>>
    %dma_wait3A_67 = arith.constant 0 : i32
    %dma_wait3A_68 = tpu.memref_slice %arg4[%add3A, %dma_wait3A_63, %dma_wait3A_67] : memref<32x80x125xi32, #tpu.memory_space<hbm>> -> memref<1x1x125xi32, #tpu.memory_space<hbm>>
    %dma_wait3A_69 = tpu.memref_squeeze %dma_wait3A_68 : memref<1x1x125xi32, #tpu.memory_space<hbm>> -> memref<125xi32, #tpu.memory_space<hbm>>
    tpu.wait_dma2 semaphore(%arg16 : memref<!tpu.dma_semaphore, #tpu.memory_space<semaphore_mem>>) src(%dma_wait3A_69 : memref<125xi32, #tpu.memory_space<hbm>>) dst(%arg10 : memref<125xi32, #tpu.memory_space<vmem>>)
    %dma_start3A_70 = arith.constant 1 : i32
    %dma_start3A_71 = arith.constant 0 : i32
    %dma_start3A_72 = arith.constant 0 : i32
    %dma_start3A_73 = tpu.memref_slice %arg11[%dma_start3A_70, %dma_start3A_71, %dma_start3A_72] : memref<2x125x128xf32, #tpu.memory_space<vmem>> -> memref<1x125x128xf32, #tpu.memory_space<vmem>>
    %dma_start3A_74 = tpu.memref_squeeze %dma_start3A_73 : memref<1x125x128xf32, #tpu.memory_space<vmem>> -> memref<125x128xf32, #tpu.memory_space<vmem>>
    %dma_start3A_75 = arith.constant 0 : i32
    %dma_start3A_76 = arith.constant 0 : i32
    %dma_start3A_77 = tpu.memref_slice %arg2[%dma_start3A_75, %dma_start3A_76] : memref<10000x128xf32, #tpu.memory_space<hbm>> -> memref<10000x128xf32, #tpu.memory_space<hbm>>
    tpu.enqueue_indirect_dma source(%dma_start3A_77 : memref<10000x128xf32, #tpu.memory_space<hbm>>) target(%dma_start3A_74 : memref<125x128xf32, #tpu.memory_space<vmem>>) offsets(%arg8 : memref<125xi32, #tpu.memory_space<vmem>>) semaphore(%arg14 : memref<!tpu.dma_semaphore, #tpu.memory_space<semaphore_mem>>)
    %dma_wait3A_78 = arith.constant 0 : i32
    %dma_wait3A_79 = arith.constant 0 : i32
    %dma_wait3A_80 = arith.constant 0 : i32
    %dma_wait3A_81 = tpu.memref_slice %arg11[%dma_wait3A_78, %dma_wait3A_79, %dma_wait3A_80] : memref<2x125x128xf32, #tpu.memory_space<vmem>> -> memref<1x125x128xf32, #tpu.memory_space<vmem>>
    %dma_wait3A_82 = tpu.memref_squeeze %dma_wait3A_81 : memref<1x125x128xf32, #tpu.memory_space<vmem>> -> memref<125x128xf32, #tpu.memory_space<vmem>>
    %dma_wait3A_83 = arith.constant 0 : i32
    %dma_wait3A_84 = arith.constant 0 : i32
    %dma_wait3A_85 = tpu.memref_slice %arg2[%dma_wait3A_83, %dma_wait3A_84] : memref<10000x128xf32, #tpu.memory_space<hbm>> -> memref<10000x128xf32, #tpu.memory_space<hbm>>
    tpu.wait_indirect_dma semaphore(%arg13 : memref<!tpu.dma_semaphore, #tpu.memory_space<semaphore_mem>>) src(%dma_wait3A_85 : memref<10000x128xf32, #tpu.memory_space<hbm>>) dst(%dma_wait3A_82 : memref<125x128xf32, #tpu.memory_space<vmem>>)
    %run_scoped3A = arith.constant 0 : i32
    "tpu.region"() ({
      %run_scoped3A_100 = tpu.sem_alloc : memref<!tpu.dma_semaphore, #tpu.memory_space<semaphore_mem>>
      %dma_start3A_101 = arith.constant 0 : i32
      %dma_start3A_102 = arith.constant 0 : i32
      %dma_start3A_103 = tpu.memref_slice %arg11[%run_scoped3A, %dma_start3A_101, %dma_start3A_102] : memref<2x125x128xf32, #tpu.memory_space<vmem>> -> memref<1x125x128xf32, #tpu.memory_space<vmem>>
      %dma_start3A_104 = tpu.memref_squeeze %dma_start3A_103 : memref<1x125x128xf32, #tpu.memory_space<vmem>> -> memref<125x128xf32, #tpu.memory_space<vmem>>
      %dma_start3A_105 = arith.constant 0 : i32
      %dma_start3A_106 = arith.constant 0 : i32
      %dma_start3A_107 = tpu.memref_slice %arg12[%dma_start3A_105, %dma_start3A_106] : memref<10240x128xf32, #tpu.memory_space<vmem_shared>> -> memref<10240x128xf32, #tpu.memory_space<vmem_shared>>
      tpu.enqueue_indirect_dma source(%dma_start3A_104 : memref<125x128xf32, #tpu.memory_space<vmem>>) target(%dma_start3A_107 : memref<10240x128xf32, #tpu.memory_space<vmem_shared>>) offsets(%arg9 : memref<125xi32, #tpu.memory_space<vmem>>) semaphore(%run_scoped3A_100 : memref<!tpu.dma_semaphore, #tpu.memory_space<semaphore_mem>>) {add = true}
      %dma_wait3A_108 = arith.constant 0 : i32
      %dma_wait3A_109 = arith.constant 0 : i32
      %dma_wait3A_110 = tpu.memref_slice %arg11[%run_scoped3A, %dma_wait3A_108, %dma_wait3A_109] : memref<2x125x128xf32, #tpu.memory_space<vmem>> -> memref<1x125x128xf32, #tpu.memory_space<vmem>>
      %dma_wait3A_111 = tpu.memref_squeeze %dma_wait3A_110 : memref<1x125x128xf32, #tpu.memory_space<vmem>> -> memref<125x128xf32, #tpu.memory_space<vmem>>
      %dma_wait3A_112 = arith.constant 0 : i32
      %dma_wait3A_113 = arith.constant 0 : i32
      %dma_wait3A_114 = tpu.memref_slice %arg12[%dma_wait3A_112, %dma_wait3A_113] : memref<10240x128xf32, #tpu.memory_space<vmem_shared>> -> memref<10240x128xf32, #tpu.memory_space<vmem_shared>>
      tpu.wait_indirect_dma semaphore(%run_scoped3A_100 : memref<!tpu.dma_semaphore, #tpu.memory_space<semaphore_mem>>) src(%dma_wait3A_111 : memref<125x128xf32, #tpu.memory_space<vmem>>) dst(%dma_wait3A_114 : memref<10240x128xf32, #tpu.memory_space<vmem_shared>>)
      tpu.yield
    }) : () -> ()
    %dma_wait3A_86 = arith.constant 1 : i32
    %dma_wait3A_87 = arith.constant 0 : i32
    %dma_wait3A_88 = arith.constant 0 : i32
    %dma_wait3A_89 = tpu.memref_slice %arg11[%dma_wait3A_86, %dma_wait3A_87, %dma_wait3A_88] : memref<2x125x128xf32, #tpu.memory_space<vmem>> -> memref<1x125x128xf32, #tpu.memory_space<vmem>>
    %dma_wait3A_90 = tpu.memref_squeeze %dma_wait3A_89 : memref<1x125x128xf32, #tpu.memory_space<vmem>> -> memref<125x128xf32, #tpu.memory_space<vmem>>
    %dma_wait3A_91 = arith.constant 0 : i32
    %dma_wait3A_92 = arith.constant 0 : i32
    %dma_wait3A_93 = tpu.memref_slice %arg2[%dma_wait3A_91, %dma_wait3A_92] : memref<10000x128xf32, #tpu.memory_space<hbm>> -> memref<10000x128xf32, #tpu.memory_space<hbm>>
    tpu.wait_indirect_dma semaphore(%arg14 : memref<!tpu.dma_semaphore, #tpu.memory_space<semaphore_mem>>) src(%dma_wait3A_93 : memref<10000x128xf32, #tpu.memory_space<hbm>>) dst(%dma_wait3A_90 : memref<125x128xf32, #tpu.memory_space<vmem>>)
    %run_scoped3A_94 = arith.constant 1 : i32
    "tpu.region"() ({
      %run_scoped3A_100 = tpu.sem_alloc : memref<!tpu.dma_semaphore, #tpu.memory_space<semaphore_mem>>
      %dma_start3A_101 = arith.constant 0 : i32
      %dma_start3A_102 = arith.constant 0 : i32
      %dma_start3A_103 = tpu.memref_slice %arg11[%run_scoped3A_94, %dma_start3A_101, %dma_start3A_102] : memref<2x125x128xf32, #tpu.memory_space<vmem>> -> memref<1x125x128xf32, #tpu.memory_space<vmem>>
      %dma_start3A_104 = tpu.memref_squeeze %dma_start3A_103 : memref<1x125x128xf32, #tpu.memory_space<vmem>> -> memref<125x128xf32, #tpu.memory_space<vmem>>
      %dma_start3A_105 = arith.constant 0 : i32
      %dma_start3A_106 = arith.constant 0 : i32
      %dma_start3A_107 = tpu.memref_slice %arg12[%dma_start3A_105, %dma_start3A_106] : memref<10240x128xf32, #tpu.memory_space<vmem_shared>> -> memref<10240x128xf32, #tpu.memory_space<vmem_shared>>
      tpu.enqueue_indirect_dma source(%dma_start3A_104 : memref<125x128xf32, #tpu.memory_space<vmem>>) target(%dma_start3A_107 : memref<10240x128xf32, #tpu.memory_space<vmem_shared>>) offsets(%arg10 : memref<125xi32, #tpu.memory_space<vmem>>) semaphore(%run_scoped3A_100 : memref<!tpu.dma_semaphore, #tpu.memory_space<semaphore_mem>>) {add = true}
      %dma_wait3A_108 = arith.constant 0 : i32
      %dma_wait3A_109 = arith.constant 0 : i32
      %dma_wait3A_110 = tpu.memref_slice %arg11[%run_scoped3A_94, %dma_wait3A_108, %dma_wait3A_109] : memref<2x125x128xf32, #tpu.memory_space<vmem>> -> memref<1x125x128xf32, #tpu.memory_space<vmem>>
      %dma_wait3A_111 = tpu.memref_squeeze %dma_wait3A_110 : memref<1x125x128xf32, #tpu.memory_space<vmem>> -> memref<125x128xf32, #tpu.memory_space<vmem>>
      %dma_wait3A_112 = arith.constant 0 : i32
      %dma_wait3A_113 = arith.constant 0 : i32
      %dma_wait3A_114 = tpu.memref_slice %arg12[%dma_wait3A_112, %dma_wait3A_113] : memref<10240x128xf32, #tpu.memory_space<vmem_shared>> -> memref<10240x128xf32, #tpu.memory_space<vmem_shared>>
      tpu.wait_indirect_dma semaphore(%run_scoped3A_100 : memref<!tpu.dma_semaphore, #tpu.memory_space<semaphore_mem>>) src(%dma_wait3A_111 : memref<125x128xf32, #tpu.memory_space<vmem>>) dst(%dma_wait3A_114 : memref<10240x128xf32, #tpu.memory_space<vmem_shared>>)
      tpu.yield
    }) : () -> ()
    %barrier3A_95 = arith.constant 0 : index
    tpu.barrier barrier_id(%barrier3A_95)
    %mul3A_96 = arith.constant 640 : i32
    %mul3A_97 = arith.muli %arg1, %mul3A_96 : i32
    %mul3A_98 = arith.constant 640 : i32
    %mul3A_99 = arith.muli %arg1, %mul3A_98 : i32
    "tpu.region"() ({
      %run_scoped3A_100 = tpu.sem_alloc : memref<!tpu.dma_semaphore, #tpu.memory_space<semaphore_mem>>
      %dma_start3A_101 = arith.constant 0 : i32
      %dma_start3A_102 = tpu.memref_slice %arg6[%arg0, %mul3A_99, %dma_start3A_101] : memref<2x10240x128xf32, #tpu.memory_space<hbm>> -> memref<1x640x128xf32, #tpu.memory_space<hbm>>
      %dma_start3A_103 = tpu.memref_squeeze %dma_start3A_102 : memref<1x640x128xf32, #tpu.memory_space<hbm>> -> memref<640x128xf32, #tpu.memory_space<hbm>>
      %dma_start3A_104 = arith.constant 0 : i32
      %dma_start3A_105 = tpu.memref_slice %arg12[%mul3A_97, %dma_start3A_104] : memref<10240x128xf32, #tpu.memory_space<vmem_shared>> -> memref<640x128xf32, #tpu.memory_space<vmem_shared>>
      tpu.enqueue_dma source(%dma_start3A_105 : memref<640x128xf32, #tpu.memory_space<vmem_shared>>) target(%dma_start3A_103 : memref<640x128xf32, #tpu.memory_space<hbm>>) target_semaphore(%run_scoped3A_100 : memref<!tpu.dma_semaphore, #tpu.memory_space<semaphore_mem>>)
      %dma_wait3A_106 = arith.constant 0 : i32
      %dma_wait3A_107 = tpu.memref_slice %arg6[%arg0, %mul3A_99, %dma_wait3A_106] : memref<2x10240x128xf32, #tpu.memory_space<hbm>> -> memref<1x640x128xf32, #tpu.memory_space<hbm>>
      %dma_wait3A_108 = tpu.memref_squeeze %dma_wait3A_107 : memref<1x640x128xf32, #tpu.memory_space<hbm>> -> memref<640x128xf32, #tpu.memory_space<hbm>>
      %dma_wait3A_109 = arith.constant 0 : i32
      %dma_wait3A_110 = tpu.memref_slice %arg12[%mul3A_97, %dma_wait3A_109] : memref<10240x128xf32, #tpu.memory_space<vmem_shared>> -> memref<640x128xf32, #tpu.memory_space<vmem_shared>>
      tpu.wait_dma2 semaphore(%run_scoped3A_100 : memref<!tpu.dma_semaphore, #tpu.memory_space<semaphore_mem>>) src(%dma_wait3A_110 : memref<640x128xf32, #tpu.memory_space<vmem_shared>>) dst(%dma_wait3A_108 : memref<640x128xf32, #tpu.memory_space<hbm>>)
      tpu.yield
    }) : () -> ()
    return
  }
}

#map = affine_map<(d0, d1) -> (0, 0)>
#map1 = affine_map<(d0, d1) -> (0, 0, 0)>
module attributes {stable_mosaic.version = 14 : i64} {
  func.func @_seg_state_body(%arg0: i32, %arg1: i32, %arg2: memref<10000x128xf32, #tpu.memory_space<hbm>>, %arg3: memref<32x80x125xi32, #tpu.memory_space<hbm>>, %arg4: memref<32x80x125xi32, #tpu.memory_space<hbm>>, %arg5: memref<640x128xf32, #tpu.memory_space<hbm>>, %arg6: memref<2x10240x128xf32, #tpu.memory_space<hbm>>, %arg7: memref<125xi32, #tpu.memory_space<vmem>>, %arg8: memref<125xi32, #tpu.memory_space<vmem>>, %arg9: memref<125xi32, #tpu.memory_space<vmem>>, %arg10: memref<125xi32, #tpu.memory_space<vmem>>, %arg11: memref<2x125x128xf32, #tpu.memory_space<vmem>>, %arg12: memref<10240x128xf32, #tpu.memory_space<vmem_shared>>, %arg13: memref<!tpu.dma_semaphore, #tpu.memory_space<semaphore_mem>>, %arg14: memref<!tpu.dma_semaphore, #tpu.memory_space<semaphore_mem>>, %arg15: memref<!tpu.dma_semaphore, #tpu.memory_space<semaphore_mem>>, %arg16: memref<!tpu.dma_semaphore, #tpu.memory_space<semaphore_mem>>) attributes {dimension_semantics = [#tpu.dimension_semantics<core_parallel>, #tpu.dimension_semantics<subcore_parallel>], iteration_bounds = array<i64: 2, 16>, scalar_prefetch = 0 : i64, scratch_operands = 10 : i64, tpu.core_type = #tpu.core_type<sc_vector_subcore>, window_params = [{transform_indices = #map}, {transform_indices = #map1}, {transform_indices = #map1}, {transform_indices = #map}, {transform_indices = #map1}]} {
    %mul3A = arith.constant 16 : i32
    %mul3A_0 = arith.muli %arg0, %mul3A : i32
    %add3A = arith.addi %mul3A_0, %arg1 : i32
    %mul3A_1 = arith.constant 640 : i32
    %mul3A_2 = arith.muli %arg1, %mul3A_1 : i32
    "tpu.region"() ({
      %run_scoped3A_100 = tpu.sem_alloc : memref<!tpu.dma_semaphore, #tpu.memory_space<semaphore_mem>>
      %dma_start3A_101 = arith.constant 0 : i32
      %dma_start3A_102 = tpu.memref_slice %arg12[%mul3A_2, %dma_start3A_101] : memref<10240x128xf32, #tpu.memory_space<vmem_shared>> -> memref<640x128xf32, #tpu.memory_space<vmem_shared>>
      tpu.enqueue_dma source(%arg5 : memref<640x128xf32, #tpu.memory_space<hbm>>) target(%dma_start3A_102 : memref<640x128xf32, #tpu.memory_space<vmem_shared>>) target_semaphore(%run_scoped3A_100 : memref<!tpu.dma_semaphore, #tpu.memory_space<semaphore_mem>>)
      %dma_wait3A_103 = arith.constant 0 : i32
      %dma_wait3A_104 = tpu.memref_slice %arg12[%mul3A_2, %dma_wait3A_103] : memref<10240x128xf32, #tpu.memory_space<vmem_shared>> -> memref<640x128xf32, #tpu.memory_space<vmem_shared>>
      tpu.wait_dma2 semaphore(%run_scoped3A_100 : memref<!tpu.dma_semaphore, #tpu.memory_space<semaphore_mem>>) src(%arg5 : memref<640x128xf32, #tpu.memory_space<hbm>>) dst(%dma_wait3A_104 : memref<640x128xf32, #tpu.memory_space<vmem_shared>>)
      tpu.yield
    }) : () -> ()
    %barrier3A = arith.constant 0 : index
    tpu.barrier barrier_id(%barrier3A)
    %dma_start3A = arith.constant 0 : i32
    %dma_start3A_3 = arith.constant 0 : i32
    %dma_start3A_4 = tpu.memref_slice %arg3[%add3A, %dma_start3A, %dma_start3A_3] : memref<32x80x125xi32, #tpu.memory_space<hbm>> -> memref<1x1x125xi32, #tpu.memory_space<hbm>>
    %dma_start3A_5 = tpu.memref_squeeze %dma_start3A_4 : memref<1x1x125xi32, #tpu.memory_space<hbm>> -> memref<125xi32, #tpu.memory_space<hbm>>
    %dma_start3A_6 = arith.constant 0 : i32
    %dma_start3A_7 = tpu.memref_slice %arg3[%add3A, %dma_start3A, %dma_start3A_6] : memref<32x80x125xi32, #tpu.memory_space<hbm>> -> memref<1x1x125xi32, #tpu.memory_space<hbm>>
    %dma_start3A_8 = tpu.memref_squeeze %dma_start3A_7 : memref<1x1x125xi32, #tpu.memory_space<hbm>> -> memref<125xi32, #tpu.memory_space<hbm>>
    tpu.enqueue_dma source(%dma_start3A_8 : memref<125xi32, #tpu.memory_space<hbm>>) target(%arg7 : memref<125xi32, #tpu.memory_space<vmem>>) target_semaphore(%arg15 : memref<!tpu.dma_semaphore, #tpu.memory_space<semaphore_mem>>)
    %dma_start3A_9 = arith.constant 0 : i32
    %dma_start3A_10 = arith.constant 0 : i32
    %dma_start3A_11 = tpu.memref_slice %arg4[%add3A, %dma_start3A_9, %dma_start3A_10] : memref<32x80x125xi32, #tpu.memory_space<hbm>> -> memref<1x1x125xi32, #tpu.memory_space<hbm>>
    %dma_start3A_12 = tpu.memref_squeeze %dma_start3A_11 : memref<1x1x125xi32, #tpu.memory_space<hbm>> -> memref<125xi32, #tpu.memory_space<hbm>>
    %dma_start3A_13 = arith.constant 0 : i32
    %dma_start3A_14 = tpu.memref_slice %arg4[%add3A, %dma_start3A_9, %dma_start3A_13] : memref<32x80x125xi32, #tpu.memory_space<hbm>> -> memref<1x1x125xi32, #tpu.memory_space<hbm>>
    %dma_start3A_15 = tpu.memref_squeeze %dma_start3A_14 : memref<1x1x125xi32, #tpu.memory_space<hbm>> -> memref<125xi32, #tpu.memory_space<hbm>>
    tpu.enqueue_dma source(%dma_start3A_15 : memref<125xi32, #tpu.memory_space<hbm>>) target(%arg9 : memref<125xi32, #tpu.memory_space<vmem>>) target_semaphore(%arg15 : memref<!tpu.dma_semaphore, #tpu.memory_space<semaphore_mem>>)
    %dma_wait3A = arith.constant 0 : i32
    %dma_wait3A_16 = arith.constant 0 : i32
    %dma_wait3A_17 = tpu.memref_slice %arg3[%add3A, %dma_wait3A, %dma_wait3A_16] : memref<32x80x125xi32, #tpu.memory_space<hbm>> -> memref<1x1x125xi32, #tpu.memory_space<hbm>>
    %dma_wait3A_18 = tpu.memref_squeeze %dma_wait3A_17 : memref<1x1x125xi32, #tpu.memory_space<hbm>> -> memref<125xi32, #tpu.memory_space<hbm>>
    %dma_wait3A_19 = arith.constant 0 : i32
    %dma_wait3A_20 = tpu.memref_slice %arg3[%add3A, %dma_wait3A, %dma_wait3A_19] : memref<32x80x125xi32, #tpu.memory_space<hbm>> -> memref<1x1x125xi32, #tpu.memory_space<hbm>>
    %dma_wait3A_21 = tpu.memref_squeeze %dma_wait3A_20 : memref<1x1x125xi32, #tpu.memory_space<hbm>> -> memref<125xi32, #tpu.memory_space<hbm>>
    tpu.wait_dma2 semaphore(%arg15 : memref<!tpu.dma_semaphore, #tpu.memory_space<semaphore_mem>>) src(%dma_wait3A_21 : memref<125xi32, #tpu.memory_space<hbm>>) dst(%arg7 : memref<125xi32, #tpu.memory_space<vmem>>)
    %dma_wait3A_22 = arith.constant 0 : i32
    %dma_wait3A_23 = arith.constant 0 : i32
    %dma_wait3A_24 = tpu.memref_slice %arg4[%add3A, %dma_wait3A_22, %dma_wait3A_23] : memref<32x80x125xi32, #tpu.memory_space<hbm>> -> memref<1x1x125xi32, #tpu.memory_space<hbm>>
    %dma_wait3A_25 = tpu.memref_squeeze %dma_wait3A_24 : memref<1x1x125xi32, #tpu.memory_space<hbm>> -> memref<125xi32, #tpu.memory_space<hbm>>
    %dma_wait3A_26 = arith.constant 0 : i32
    %dma_wait3A_27 = tpu.memref_slice %arg4[%add3A, %dma_wait3A_22, %dma_wait3A_26] : memref<32x80x125xi32, #tpu.memory_space<hbm>> -> memref<1x1x125xi32, #tpu.memory_space<hbm>>
    %dma_wait3A_28 = tpu.memref_squeeze %dma_wait3A_27 : memref<1x1x125xi32, #tpu.memory_space<hbm>> -> memref<125xi32, #tpu.memory_space<hbm>>
    tpu.wait_dma2 semaphore(%arg15 : memref<!tpu.dma_semaphore, #tpu.memory_space<semaphore_mem>>) src(%dma_wait3A_28 : memref<125xi32, #tpu.memory_space<hbm>>) dst(%arg9 : memref<125xi32, #tpu.memory_space<vmem>>)
    %dma_start3A_29 = arith.constant 0 : i32
    %dma_start3A_30 = arith.constant 0 : i32
    %dma_start3A_31 = arith.constant 0 : i32
    %dma_start3A_32 = tpu.memref_slice %arg11[%dma_start3A_29, %dma_start3A_30, %dma_start3A_31] : memref<2x125x128xf32, #tpu.memory_space<vmem>> -> memref<1x125x128xf32, #tpu.memory_space<vmem>>
    %dma_start3A_33 = tpu.memref_squeeze %dma_start3A_32 : memref<1x125x128xf32, #tpu.memory_space<vmem>> -> memref<125x128xf32, #tpu.memory_space<vmem>>
    %dma_start3A_34 = arith.constant 0 : i32
    %dma_start3A_35 = arith.constant 0 : i32
    %dma_start3A_36 = tpu.memref_slice %arg2[%dma_start3A_34, %dma_start3A_35] : memref<10000x128xf32, #tpu.memory_space<hbm>> -> memref<10000x128xf32, #tpu.memory_space<hbm>>
    tpu.enqueue_indirect_dma source(%dma_start3A_36 : memref<10000x128xf32, #tpu.memory_space<hbm>>) target(%dma_start3A_33 : memref<125x128xf32, #tpu.memory_space<vmem>>) offsets(%arg7 : memref<125xi32, #tpu.memory_space<vmem>>) semaphore(%arg13 : memref<!tpu.dma_semaphore, #tpu.memory_space<semaphore_mem>>)
    %dma_start3A_37 = arith.constant 1 : i32
    %dma_start3A_38 = arith.constant 0 : i32
    %dma_start3A_39 = tpu.memref_slice %arg3[%add3A, %dma_start3A_37, %dma_start3A_38] : memref<32x80x125xi32, #tpu.memory_space<hbm>> -> memref<1x1x125xi32, #tpu.memory_space<hbm>>
    %dma_start3A_40 = tpu.memref_squeeze %dma_start3A_39 : memref<1x1x125xi32, #tpu.memory_space<hbm>> -> memref<125xi32, #tpu.memory_space<hbm>>
    %dma_start3A_41 = arith.constant 0 : i32
    %dma_start3A_42 = tpu.memref_slice %arg3[%add3A, %dma_start3A_37, %dma_start3A_41] : memref<32x80x125xi32, #tpu.memory_space<hbm>> -> memref<1x1x125xi32, #tpu.memory_space<hbm>>
    %dma_start3A_43 = tpu.memref_squeeze %dma_start3A_42 : memref<1x1x125xi32, #tpu.memory_space<hbm>> -> memref<125xi32, #tpu.memory_space<hbm>>
    tpu.enqueue_dma source(%dma_start3A_43 : memref<125xi32, #tpu.memory_space<hbm>>) target(%arg8 : memref<125xi32, #tpu.memory_space<vmem>>) target_semaphore(%arg16 : memref<!tpu.dma_semaphore, #tpu.memory_space<semaphore_mem>>)
    %dma_start3A_44 = arith.constant 1 : i32
    %dma_start3A_45 = arith.constant 0 : i32
    %dma_start3A_46 = tpu.memref_slice %arg4[%add3A, %dma_start3A_44, %dma_start3A_45] : memref<32x80x125xi32, #tpu.memory_space<hbm>> -> memref<1x1x125xi32, #tpu.memory_space<hbm>>
    %dma_start3A_47 = tpu.memref_squeeze %dma_start3A_46 : memref<1x1x125xi32, #tpu.memory_space<hbm>> -> memref<125xi32, #tpu.memory_space<hbm>>
    %dma_start3A_48 = arith.constant 0 : i32
    %dma_start3A_49 = tpu.memref_slice %arg4[%add3A, %dma_start3A_44, %dma_start3A_48] : memref<32x80x125xi32, #tpu.memory_space<hbm>> -> memref<1x1x125xi32, #tpu.memory_space<hbm>>
    %dma_start3A_50 = tpu.memref_squeeze %dma_start3A_49 : memref<1x1x125xi32, #tpu.memory_space<hbm>> -> memref<125xi32, #tpu.memory_space<hbm>>
    tpu.enqueue_dma source(%dma_start3A_50 : memref<125xi32, #tpu.memory_space<hbm>>) target(%arg10 : memref<125xi32, #tpu.memory_space<vmem>>) target_semaphore(%arg16 : memref<!tpu.dma_semaphore, #tpu.memory_space<semaphore_mem>>)
    %scan3A = arith.constant 0 : i32
    %scan3A_51 = arith.constant 0 : i32
    %scan3A_52 = arith.constant 39 : i32
    %scan3A_53 = arith.addi %scan3A_51, %scan3A_52 : i32
    %scan3A_54 = arith.constant 1 : i32
    scf.for %scan3A_100 = %scan3A_51 to %scan3A_53 step %scan3A_54  : i32 {
      %mul3A_101 = arith.constant 2 : i32
      %mul3A_102 = arith.muli %mul3A_101, %scan3A_100 : i32
      %add3A_103 = arith.constant 1 : i32
      %add3A_104 = arith.addi %mul3A_102, %add3A_103 : i32
      %dma_wait3A_105 = arith.constant 0 : i32
      %dma_wait3A_106 = tpu.memref_slice %arg3[%add3A, %add3A_104, %dma_wait3A_105] : memref<32x80x125xi32, #tpu.memory_space<hbm>> -> memref<1x1x125xi32, #tpu.memory_space<hbm>>
      %dma_wait3A_107 = tpu.memref_squeeze %dma_wait3A_106 : memref<1x1x125xi32, #tpu.memory_space<hbm>> -> memref<125xi32, #tpu.memory_space<hbm>>
      %dma_wait3A_108 = arith.constant 0 : i32
      %dma_wait3A_109 = tpu.memref_slice %arg3[%add3A, %add3A_104, %dma_wait3A_108] : memref<32x80x125xi32, #tpu.memory_space<hbm>> -> memref<1x1x125xi32, #tpu.memory_space<hbm>>
      %dma_wait3A_110 = tpu.memref_squeeze %dma_wait3A_109 : memref<1x1x125xi32, #tpu.memory_space<hbm>> -> memref<125xi32, #tpu.memory_space<hbm>>
      tpu.wait_dma2 semaphore(%arg16 : memref<!tpu.dma_semaphore, #tpu.memory_space<semaphore_mem>>) src(%dma_wait3A_110 : memref<125xi32, #tpu.memory_space<hbm>>) dst(%arg8 : memref<125xi32, #tpu.memory_space<vmem>>)
      %dma_wait3A_111 = arith.constant 0 : i32
      %dma_wait3A_112 = tpu.memref_slice %arg4[%add3A, %add3A_104, %dma_wait3A_111] : memref<32x80x125xi32, #tpu.memory_space<hbm>> -> memref<1x1x125xi32, #tpu.memory_space<hbm>>
      %dma_wait3A_113 = tpu.memref_squeeze %dma_wait3A_112 : memref<1x1x125xi32, #tpu.memory_space<hbm>> -> memref<125xi32, #tpu.memory_space<hbm>>
      %dma_wait3A_114 = arith.constant 0 : i32
      %dma_wait3A_115 = tpu.memref_slice %arg4[%add3A, %add3A_104, %dma_wait3A_114] : memref<32x80x125xi32, #tpu.memory_space<hbm>> -> memref<1x1x125xi32, #tpu.memory_space<hbm>>
      %dma_wait3A_116 = tpu.memref_squeeze %dma_wait3A_115 : memref<1x1x125xi32, #tpu.memory_space<hbm>> -> memref<125xi32, #tpu.memory_space<hbm>>
      tpu.wait_dma2 semaphore(%arg16 : memref<!tpu.dma_semaphore, #tpu.memory_space<semaphore_mem>>) src(%dma_wait3A_116 : memref<125xi32, #tpu.memory_space<hbm>>) dst(%arg10 : memref<125xi32, #tpu.memory_space<vmem>>)
      %dma_start3A_117 = arith.constant 1 : i32
      %dma_start3A_118 = arith.constant 0 : i32
      %dma_start3A_119 = arith.constant 0 : i32
      %dma_start3A_120 = tpu.memref_slice %arg11[%dma_start3A_117, %dma_start3A_118, %dma_start3A_119] : memref<2x125x128xf32, #tpu.memory_space<vmem>> -> memref<1x125x128xf32, #tpu.memory_space<vmem>>
      %dma_start3A_121 = tpu.memref_squeeze %dma_start3A_120 : memref<1x125x128xf32, #tpu.memory_space<vmem>> -> memref<125x128xf32, #tpu.memory_space<vmem>>
      %dma_start3A_122 = arith.constant 0 : i32
      %dma_start3A_123 = arith.constant 0 : i32
      %dma_start3A_124 = tpu.memref_slice %arg2[%dma_start3A_122, %dma_start3A_123] : memref<10000x128xf32, #tpu.memory_space<hbm>> -> memref<10000x128xf32, #tpu.memory_space<hbm>>
      tpu.enqueue_indirect_dma source(%dma_start3A_124 : memref<10000x128xf32, #tpu.memory_space<hbm>>) target(%dma_start3A_121 : memref<125x128xf32, #tpu.memory_space<vmem>>) offsets(%arg8 : memref<125xi32, #tpu.memory_space<vmem>>) semaphore(%arg14 : memref<!tpu.dma_semaphore, #tpu.memory_space<semaphore_mem>>)
      %dma_wait3A_125 = arith.constant 0 : i32
      %dma_wait3A_126 = arith.constant 0 : i32
      %dma_wait3A_127 = arith.constant 0 : i32
      %dma_wait3A_128 = tpu.memref_slice %arg11[%dma_wait3A_125, %dma_wait3A_126, %dma_wait3A_127] : memref<2x125x128xf32, #tpu.memory_space<vmem>> -> memref<1x125x128xf32, #tpu.memory_space<vmem>>
      %dma_wait3A_129 = tpu.memref_squeeze %dma_wait3A_128 : memref<1x125x128xf32, #tpu.memory_space<vmem>> -> memref<125x128xf32, #tpu.memory_space<vmem>>
      %dma_wait3A_130 = arith.constant 0 : i32
      %dma_wait3A_131 = arith.constant 0 : i32
      %dma_wait3A_132 = tpu.memref_slice %arg2[%dma_wait3A_130, %dma_wait3A_131] : memref<10000x128xf32, #tpu.memory_space<hbm>> -> memref<10000x128xf32, #tpu.memory_space<hbm>>
      tpu.wait_indirect_dma semaphore(%arg13 : memref<!tpu.dma_semaphore, #tpu.memory_space<semaphore_mem>>) src(%dma_wait3A_132 : memref<10000x128xf32, #tpu.memory_space<hbm>>) dst(%dma_wait3A_129 : memref<125x128xf32, #tpu.memory_space<vmem>>)
      %run_scoped3A_133 = arith.constant 0 : i32
      "tpu.region"() ({
        %run_scoped3A_193 = tpu.sem_alloc : memref<!tpu.dma_semaphore, #tpu.memory_space<semaphore_mem>>
        %dma_start3A_194 = arith.constant 0 : i32
        %dma_start3A_195 = arith.constant 0 : i32
        %dma_start3A_196 = tpu.memref_slice %arg11[%run_scoped3A_133, %dma_start3A_194, %dma_start3A_195] : memref<2x125x128xf32, #tpu.memory_space<vmem>> -> memref<1x125x128xf32, #tpu.memory_space<vmem>>
        %dma_start3A_197 = tpu.memref_squeeze %dma_start3A_196 : memref<1x125x128xf32, #tpu.memory_space<vmem>> -> memref<125x128xf32, #tpu.memory_space<vmem>>
        %dma_start3A_198 = arith.constant 0 : i32
        %dma_start3A_199 = arith.constant 0 : i32
        %dma_start3A_200 = tpu.memref_slice %arg12[%dma_start3A_198, %dma_start3A_199] : memref<10240x128xf32, #tpu.memory_space<vmem_shared>> -> memref<10240x128xf32, #tpu.memory_space<vmem_shared>>
        tpu.enqueue_indirect_dma source(%dma_start3A_197 : memref<125x128xf32, #tpu.memory_space<vmem>>) target(%dma_start3A_200 : memref<10240x128xf32, #tpu.memory_space<vmem_shared>>) offsets(%arg9 : memref<125xi32, #tpu.memory_space<vmem>>) semaphore(%run_scoped3A_193 : memref<!tpu.dma_semaphore, #tpu.memory_space<semaphore_mem>>) {add = true}
        %dma_wait3A_201 = arith.constant 0 : i32
        %dma_wait3A_202 = arith.constant 0 : i32
        %dma_wait3A_203 = tpu.memref_slice %arg11[%run_scoped3A_133, %dma_wait3A_201, %dma_wait3A_202] : memref<2x125x128xf32, #tpu.memory_space<vmem>> -> memref<1x125x128xf32, #tpu.memory_space<vmem>>
        %dma_wait3A_204 = tpu.memref_squeeze %dma_wait3A_203 : memref<1x125x128xf32, #tpu.memory_space<vmem>> -> memref<125x128xf32, #tpu.memory_space<vmem>>
        %dma_wait3A_205 = arith.constant 0 : i32
        %dma_wait3A_206 = arith.constant 0 : i32
        %dma_wait3A_207 = tpu.memref_slice %arg12[%dma_wait3A_205, %dma_wait3A_206] : memref<10240x128xf32, #tpu.memory_space<vmem_shared>> -> memref<10240x128xf32, #tpu.memory_space<vmem_shared>>
        tpu.wait_indirect_dma semaphore(%run_scoped3A_193 : memref<!tpu.dma_semaphore, #tpu.memory_space<semaphore_mem>>) src(%dma_wait3A_204 : memref<125x128xf32, #tpu.memory_space<vmem>>) dst(%dma_wait3A_207 : memref<10240x128xf32, #tpu.memory_space<vmem_shared>>)
        tpu.yield
      }) : () -> ()
      %add3A_134 = arith.constant 2 : i32
      %add3A_135 = arith.addi %mul3A_102, %add3A_134 : i32
      %dma_start3A_136 = arith.constant 0 : i32
      %dma_start3A_137 = tpu.memref_slice %arg3[%add3A, %add3A_135, %dma_start3A_136] : memref<32x80x125xi32, #tpu.memory_space<hbm>> -> memref<1x1x125xi32, #tpu.memory_space<hbm>>
      %dma_start3A_138 = tpu.memref_squeeze %dma_start3A_137 : memref<1x1x125xi32, #tpu.memory_space<hbm>> -> memref<125xi32, #tpu.memory_space<hbm>>
      %dma_start3A_139 = arith.constant 0 : i32
      %dma_start3A_140 = tpu.memref_slice %arg3[%add3A, %add3A_135, %dma_start3A_139] : memref<32x80x125xi32, #tpu.memory_space<hbm>> -> memref<1x1x125xi32, #tpu.memory_space<hbm>>
      %dma_start3A_141 = tpu.memref_squeeze %dma_start3A_140 : memref<1x1x125xi32, #tpu.memory_space<hbm>> -> memref<125xi32, #tpu.memory_space<hbm>>
      tpu.enqueue_dma source(%dma_start3A_141 : memref<125xi32, #tpu.memory_space<hbm>>) target(%arg7 : memref<125xi32, #tpu.memory_space<vmem>>) target_semaphore(%arg15 : memref<!tpu.dma_semaphore, #tpu.memory_space<semaphore_mem>>)
      %dma_start3A_142 = arith.constant 0 : i32
      %dma_start3A_143 = tpu.memref_slice %arg4[%add3A, %add3A_135, %dma_start3A_142] : memref<32x80x125xi32, #tpu.memory_space<hbm>> -> memref<1x1x125xi32, #tpu.memory_space<hbm>>
      %dma_start3A_144 = tpu.memref_squeeze %dma_start3A_143 : memref<1x1x125xi32, #tpu.memory_space<hbm>> -> memref<125xi32, #tpu.memory_space<hbm>>
      %dma_start3A_145 = arith.constant 0 : i32
      %dma_start3A_146 = tpu.memref_slice %arg4[%add3A, %add3A_135, %dma_start3A_145] : memref<32x80x125xi32, #tpu.memory_space<hbm>> -> memref<1x1x125xi32, #tpu.memory_space<hbm>>
      %dma_start3A_147 = tpu.memref_squeeze %dma_start3A_146 : memref<1x1x125xi32, #tpu.memory_space<hbm>> -> memref<125xi32, #tpu.memory_space<hbm>>
      tpu.enqueue_dma source(%dma_start3A_147 : memref<125xi32, #tpu.memory_space<hbm>>) target(%arg9 : memref<125xi32, #tpu.memory_space<vmem>>) target_semaphore(%arg15 : memref<!tpu.dma_semaphore, #tpu.memory_space<semaphore_mem>>)
      %add3A_148 = arith.constant 2 : i32
      %add3A_149 = arith.addi %mul3A_102, %add3A_148 : i32
      %dma_wait3A_150 = arith.constant 0 : i32
      %dma_wait3A_151 = tpu.memref_slice %arg3[%add3A, %add3A_149, %dma_wait3A_150] : memref<32x80x125xi32, #tpu.memory_space<hbm>> -> memref<1x1x125xi32, #tpu.memory_space<hbm>>
      %dma_wait3A_152 = tpu.memref_squeeze %dma_wait3A_151 : memref<1x1x125xi32, #tpu.memory_space<hbm>> -> memref<125xi32, #tpu.memory_space<hbm>>
      %dma_wait3A_153 = arith.constant 0 : i32
      %dma_wait3A_154 = tpu.memref_slice %arg3[%add3A, %add3A_149, %dma_wait3A_153] : memref<32x80x125xi32, #tpu.memory_space<hbm>> -> memref<1x1x125xi32, #tpu.memory_space<hbm>>
      %dma_wait3A_155 = tpu.memref_squeeze %dma_wait3A_154 : memref<1x1x125xi32, #tpu.memory_space<hbm>> -> memref<125xi32, #tpu.memory_space<hbm>>
      tpu.wait_dma2 semaphore(%arg15 : memref<!tpu.dma_semaphore, #tpu.memory_space<semaphore_mem>>) src(%dma_wait3A_155 : memref<125xi32, #tpu.memory_space<hbm>>) dst(%arg7 : memref<125xi32, #tpu.memory_space<vmem>>)
      %dma_wait3A_156 = arith.constant 0 : i32
      %dma_wait3A_157 = tpu.memref_slice %arg4[%add3A, %add3A_149, %dma_wait3A_156] : memref<32x80x125xi32, #tpu.memory_space<hbm>> -> memref<1x1x125xi32, #tpu.memory_space<hbm>>
      %dma_wait3A_158 = tpu.memref_squeeze %dma_wait3A_157 : memref<1x1x125xi32, #tpu.memory_space<hbm>> -> memref<125xi32, #tpu.memory_space<hbm>>
      %dma_wait3A_159 = arith.constant 0 : i32
      %dma_wait3A_160 = tpu.memref_slice %arg4[%add3A, %add3A_149, %dma_wait3A_159] : memref<32x80x125xi32, #tpu.memory_space<hbm>> -> memref<1x1x125xi32, #tpu.memory_space<hbm>>
      %dma_wait3A_161 = tpu.memref_squeeze %dma_wait3A_160 : memref<1x1x125xi32, #tpu.memory_space<hbm>> -> memref<125xi32, #tpu.memory_space<hbm>>
      tpu.wait_dma2 semaphore(%arg15 : memref<!tpu.dma_semaphore, #tpu.memory_space<semaphore_mem>>) src(%dma_wait3A_161 : memref<125xi32, #tpu.memory_space<hbm>>) dst(%arg9 : memref<125xi32, #tpu.memory_space<vmem>>)
      %dma_start3A_162 = arith.constant 0 : i32
      %dma_start3A_163 = arith.constant 0 : i32
      %dma_start3A_164 = arith.constant 0 : i32
      %dma_start3A_165 = tpu.memref_slice %arg11[%dma_start3A_162, %dma_start3A_163, %dma_start3A_164] : memref<2x125x128xf32, #tpu.memory_space<vmem>> -> memref<1x125x128xf32, #tpu.memory_space<vmem>>
      %dma_start3A_166 = tpu.memref_squeeze %dma_start3A_165 : memref<1x125x128xf32, #tpu.memory_space<vmem>> -> memref<125x128xf32, #tpu.memory_space<vmem>>
      %dma_start3A_167 = arith.constant 0 : i32
      %dma_start3A_168 = arith.constant 0 : i32
      %dma_start3A_169 = tpu.memref_slice %arg2[%dma_start3A_167, %dma_start3A_168] : memref<10000x128xf32, #tpu.memory_space<hbm>> -> memref<10000x128xf32, #tpu.memory_space<hbm>>
      tpu.enqueue_indirect_dma source(%dma_start3A_169 : memref<10000x128xf32, #tpu.memory_space<hbm>>) target(%dma_start3A_166 : memref<125x128xf32, #tpu.memory_space<vmem>>) offsets(%arg7 : memref<125xi32, #tpu.memory_space<vmem>>) semaphore(%arg13 : memref<!tpu.dma_semaphore, #tpu.memory_space<semaphore_mem>>)
      %dma_wait3A_170 = arith.constant 1 : i32
      %dma_wait3A_171 = arith.constant 0 : i32
      %dma_wait3A_172 = arith.constant 0 : i32
      %dma_wait3A_173 = tpu.memref_slice %arg11[%dma_wait3A_170, %dma_wait3A_171, %dma_wait3A_172] : memref<2x125x128xf32, #tpu.memory_space<vmem>> -> memref<1x125x128xf32, #tpu.memory_space<vmem>>
      %dma_wait3A_174 = tpu.memref_squeeze %dma_wait3A_173 : memref<1x125x128xf32, #tpu.memory_space<vmem>> -> memref<125x128xf32, #tpu.memory_space<vmem>>
      %dma_wait3A_175 = arith.constant 0 : i32
      %dma_wait3A_176 = arith.constant 0 : i32
      %dma_wait3A_177 = tpu.memref_slice %arg2[%dma_wait3A_175, %dma_wait3A_176] : memref<10000x128xf32, #tpu.memory_space<hbm>> -> memref<10000x128xf32, #tpu.memory_space<hbm>>
      tpu.wait_indirect_dma semaphore(%arg14 : memref<!tpu.dma_semaphore, #tpu.memory_space<semaphore_mem>>) src(%dma_wait3A_177 : memref<10000x128xf32, #tpu.memory_space<hbm>>) dst(%dma_wait3A_174 : memref<125x128xf32, #tpu.memory_space<vmem>>)
      %run_scoped3A_178 = arith.constant 1 : i32
      "tpu.region"() ({
        %run_scoped3A_193 = tpu.sem_alloc : memref<!tpu.dma_semaphore, #tpu.memory_space<semaphore_mem>>
        %dma_start3A_194 = arith.constant 0 : i32
        %dma_start3A_195 = arith.constant 0 : i32
        %dma_start3A_196 = tpu.memref_slice %arg11[%run_scoped3A_178, %dma_start3A_194, %dma_start3A_195] : memref<2x125x128xf32, #tpu.memory_space<vmem>> -> memref<1x125x128xf32, #tpu.memory_space<vmem>>
        %dma_start3A_197 = tpu.memref_squeeze %dma_start3A_196 : memref<1x125x128xf32, #tpu.memory_space<vmem>> -> memref<125x128xf32, #tpu.memory_space<vmem>>
        %dma_start3A_198 = arith.constant 0 : i32
        %dma_start3A_199 = arith.constant 0 : i32
        %dma_start3A_200 = tpu.memref_slice %arg12[%dma_start3A_198, %dma_start3A_199] : memref<10240x128xf32, #tpu.memory_space<vmem_shared>> -> memref<10240x128xf32, #tpu.memory_space<vmem_shared>>
        tpu.enqueue_indirect_dma source(%dma_start3A_197 : memref<125x128xf32, #tpu.memory_space<vmem>>) target(%dma_start3A_200 : memref<10240x128xf32, #tpu.memory_space<vmem_shared>>) offsets(%arg10 : memref<125xi32, #tpu.memory_space<vmem>>) semaphore(%run_scoped3A_193 : memref<!tpu.dma_semaphore, #tpu.memory_space<semaphore_mem>>) {add = true}
        %dma_wait3A_201 = arith.constant 0 : i32
        %dma_wait3A_202 = arith.constant 0 : i32
        %dma_wait3A_203 = tpu.memref_slice %arg11[%run_scoped3A_178, %dma_wait3A_201, %dma_wait3A_202] : memref<2x125x128xf32, #tpu.memory_space<vmem>> -> memref<1x125x128xf32, #tpu.memory_space<vmem>>
        %dma_wait3A_204 = tpu.memref_squeeze %dma_wait3A_203 : memref<1x125x128xf32, #tpu.memory_space<vmem>> -> memref<125x128xf32, #tpu.memory_space<vmem>>
        %dma_wait3A_205 = arith.constant 0 : i32
        %dma_wait3A_206 = arith.constant 0 : i32
        %dma_wait3A_207 = tpu.memref_slice %arg12[%dma_wait3A_205, %dma_wait3A_206] : memref<10240x128xf32, #tpu.memory_space<vmem_shared>> -> memref<10240x128xf32, #tpu.memory_space<vmem_shared>>
        tpu.wait_indirect_dma semaphore(%run_scoped3A_193 : memref<!tpu.dma_semaphore, #tpu.memory_space<semaphore_mem>>) src(%dma_wait3A_204 : memref<125x128xf32, #tpu.memory_space<vmem>>) dst(%dma_wait3A_207 : memref<10240x128xf32, #tpu.memory_space<vmem_shared>>)
        tpu.yield
      }) : () -> ()
      %add3A_179 = arith.constant 3 : i32
      %add3A_180 = arith.addi %mul3A_102, %add3A_179 : i32
      %dma_start3A_181 = arith.constant 0 : i32
      %dma_start3A_182 = tpu.memref_slice %arg3[%add3A, %add3A_180, %dma_start3A_181] : memref<32x80x125xi32, #tpu.memory_space<hbm>> -> memref<1x1x125xi32, #tpu.memory_space<hbm>>
      %dma_start3A_183 = tpu.memref_squeeze %dma_start3A_182 : memref<1x1x125xi32, #tpu.memory_space<hbm>> -> memref<125xi32, #tpu.memory_space<hbm>>
      %dma_start3A_184 = arith.constant 0 : i32
      %dma_start3A_185 = tpu.memref_slice %arg3[%add3A, %add3A_180, %dma_start3A_184] : memref<32x80x125xi32, #tpu.memory_space<hbm>> -> memref<1x1x125xi32, #tpu.memory_space<hbm>>
      %dma_start3A_186 = tpu.memref_squeeze %dma_start3A_185 : memref<1x1x125xi32, #tpu.memory_space<hbm>> -> memref<125xi32, #tpu.memory_space<hbm>>
      tpu.enqueue_dma source(%dma_start3A_186 : memref<125xi32, #tpu.memory_space<hbm>>) target(%arg8 : memref<125xi32, #tpu.memory_space<vmem>>) target_semaphore(%arg16 : memref<!tpu.dma_semaphore, #tpu.memory_space<semaphore_mem>>)
      %dma_start3A_187 = arith.constant 0 : i32
      %dma_start3A_188 = tpu.memref_slice %arg4[%add3A, %add3A_180, %dma_start3A_187] : memref<32x80x125xi32, #tpu.memory_space<hbm>> -> memref<1x1x125xi32, #tpu.memory_space<hbm>>
      %dma_start3A_189 = tpu.memref_squeeze %dma_start3A_188 : memref<1x1x125xi32, #tpu.memory_space<hbm>> -> memref<125xi32, #tpu.memory_space<hbm>>
      %dma_start3A_190 = arith.constant 0 : i32
      %dma_start3A_191 = tpu.memref_slice %arg4[%add3A, %add3A_180, %dma_start3A_190] : memref<32x80x125xi32, #tpu.memory_space<hbm>> -> memref<1x1x125xi32, #tpu.memory_space<hbm>>
      %dma_start3A_192 = tpu.memref_squeeze %dma_start3A_191 : memref<1x1x125xi32, #tpu.memory_space<hbm>> -> memref<125xi32, #tpu.memory_space<hbm>>
      tpu.enqueue_dma source(%dma_start3A_192 : memref<125xi32, #tpu.memory_space<hbm>>) target(%arg10 : memref<125xi32, #tpu.memory_space<vmem>>) target_semaphore(%arg16 : memref<!tpu.dma_semaphore, #tpu.memory_space<semaphore_mem>>)
    }
    %scan3A_55 = arith.constant 39 : i32
    %dma_wait3A_56 = arith.constant 79 : i32
    %dma_wait3A_57 = arith.constant 0 : i32
    %dma_wait3A_58 = tpu.memref_slice %arg3[%add3A, %dma_wait3A_56, %dma_wait3A_57] : memref<32x80x125xi32, #tpu.memory_space<hbm>> -> memref<1x1x125xi32, #tpu.memory_space<hbm>>
    %dma_wait3A_59 = tpu.memref_squeeze %dma_wait3A_58 : memref<1x1x125xi32, #tpu.memory_space<hbm>> -> memref<125xi32, #tpu.memory_space<hbm>>
    %dma_wait3A_60 = arith.constant 0 : i32
    %dma_wait3A_61 = tpu.memref_slice %arg3[%add3A, %dma_wait3A_56, %dma_wait3A_60] : memref<32x80x125xi32, #tpu.memory_space<hbm>> -> memref<1x1x125xi32, #tpu.memory_space<hbm>>
    %dma_wait3A_62 = tpu.memref_squeeze %dma_wait3A_61 : memref<1x1x125xi32, #tpu.memory_space<hbm>> -> memref<125xi32, #tpu.memory_space<hbm>>
    tpu.wait_dma2 semaphore(%arg16 : memref<!tpu.dma_semaphore, #tpu.memory_space<semaphore_mem>>) src(%dma_wait3A_62 : memref<125xi32, #tpu.memory_space<hbm>>) dst(%arg8 : memref<125xi32, #tpu.memory_space<vmem>>)
    %dma_wait3A_63 = arith.constant 79 : i32
    %dma_wait3A_64 = arith.constant 0 : i32
    %dma_wait3A_65 = tpu.memref_slice %arg4[%add3A, %dma_wait3A_63, %dma_wait3A_64] : memref<32x80x125xi32, #tpu.memory_space<hbm>> -> memref<1x1x125xi32, #tpu.memory_space<hbm>>
    %dma_wait3A_66 = tpu.memref_squeeze %dma_wait3A_65 : memref<1x1x125xi32, #tpu.memory_space<hbm>> -> memref<125xi32, #tpu.memory_space<hbm>>
    %dma_wait3A_67 = arith.constant 0 : i32
    %dma_wait3A_68 = tpu.memref_slice %arg4[%add3A, %dma_wait3A_63, %dma_wait3A_67] : memref<32x80x125xi32, #tpu.memory_space<hbm>> -> memref<1x1x125xi32, #tpu.memory_space<hbm>>
    %dma_wait3A_69 = tpu.memref_squeeze %dma_wait3A_68 : memref<1x1x125xi32, #tpu.memory_space<hbm>> -> memref<125xi32, #tpu.memory_space<hbm>>
    tpu.wait_dma2 semaphore(%arg16 : memref<!tpu.dma_semaphore, #tpu.memory_space<semaphore_mem>>) src(%dma_wait3A_69 : memref<125xi32, #tpu.memory_space<hbm>>) dst(%arg10 : memref<125xi32, #tpu.memory_space<vmem>>)
    %dma_start3A_70 = arith.constant 1 : i32
    %dma_start3A_71 = arith.constant 0 : i32
    %dma_start3A_72 = arith.constant 0 : i32
    %dma_start3A_73 = tpu.memref_slice %arg11[%dma_start3A_70, %dma_start3A_71, %dma_start3A_72] : memref<2x125x128xf32, #tpu.memory_space<vmem>> -> memref<1x125x128xf32, #tpu.memory_space<vmem>>
    %dma_start3A_74 = tpu.memref_squeeze %dma_start3A_73 : memref<1x125x128xf32, #tpu.memory_space<vmem>> -> memref<125x128xf32, #tpu.memory_space<vmem>>
    %dma_start3A_75 = arith.constant 0 : i32
    %dma_start3A_76 = arith.constant 0 : i32
    %dma_start3A_77 = tpu.memref_slice %arg2[%dma_start3A_75, %dma_start3A_76] : memref<10000x128xf32, #tpu.memory_space<hbm>> -> memref<10000x128xf32, #tpu.memory_space<hbm>>
    tpu.enqueue_indirect_dma source(%dma_start3A_77 : memref<10000x128xf32, #tpu.memory_space<hbm>>) target(%dma_start3A_74 : memref<125x128xf32, #tpu.memory_space<vmem>>) offsets(%arg8 : memref<125xi32, #tpu.memory_space<vmem>>) semaphore(%arg14 : memref<!tpu.dma_semaphore, #tpu.memory_space<semaphore_mem>>)
    %dma_wait3A_78 = arith.constant 0 : i32
    %dma_wait3A_79 = arith.constant 0 : i32
    %dma_wait3A_80 = arith.constant 0 : i32
    %dma_wait3A_81 = tpu.memref_slice %arg11[%dma_wait3A_78, %dma_wait3A_79, %dma_wait3A_80] : memref<2x125x128xf32, #tpu.memory_space<vmem>> -> memref<1x125x128xf32, #tpu.memory_space<vmem>>
    %dma_wait3A_82 = tpu.memref_squeeze %dma_wait3A_81 : memref<1x125x128xf32, #tpu.memory_space<vmem>> -> memref<125x128xf32, #tpu.memory_space<vmem>>
    %dma_wait3A_83 = arith.constant 0 : i32
    %dma_wait3A_84 = arith.constant 0 : i32
    %dma_wait3A_85 = tpu.memref_slice %arg2[%dma_wait3A_83, %dma_wait3A_84] : memref<10000x128xf32, #tpu.memory_space<hbm>> -> memref<10000x128xf32, #tpu.memory_space<hbm>>
    tpu.wait_indirect_dma semaphore(%arg13 : memref<!tpu.dma_semaphore, #tpu.memory_space<semaphore_mem>>) src(%dma_wait3A_85 : memref<10000x128xf32, #tpu.memory_space<hbm>>) dst(%dma_wait3A_82 : memref<125x128xf32, #tpu.memory_space<vmem>>)
    %run_scoped3A = arith.constant 0 : i32
    "tpu.region"() ({
      %run_scoped3A_100 = tpu.sem_alloc : memref<!tpu.dma_semaphore, #tpu.memory_space<semaphore_mem>>
      %dma_start3A_101 = arith.constant 0 : i32
      %dma_start3A_102 = arith.constant 0 : i32
      %dma_start3A_103 = tpu.memref_slice %arg11[%run_scoped3A, %dma_start3A_101, %dma_start3A_102] : memref<2x125x128xf32, #tpu.memory_space<vmem>> -> memref<1x125x128xf32, #tpu.memory_space<vmem>>
      %dma_start3A_104 = tpu.memref_squeeze %dma_start3A_103 : memref<1x125x128xf32, #tpu.memory_space<vmem>> -> memref<125x128xf32, #tpu.memory_space<vmem>>
      %dma_start3A_105 = arith.constant 0 : i32
      %dma_start3A_106 = arith.constant 0 : i32
      %dma_start3A_107 = tpu.memref_slice %arg12[%dma_start3A_105, %dma_start3A_106] : memref<10240x128xf32, #tpu.memory_space<vmem_shared>> -> memref<10240x128xf32, #tpu.memory_space<vmem_shared>>
      tpu.enqueue_indirect_dma source(%dma_start3A_104 : memref<125x128xf32, #tpu.memory_space<vmem>>) target(%dma_start3A_107 : memref<10240x128xf32, #tpu.memory_space<vmem_shared>>) offsets(%arg9 : memref<125xi32, #tpu.memory_space<vmem>>) semaphore(%run_scoped3A_100 : memref<!tpu.dma_semaphore, #tpu.memory_space<semaphore_mem>>) {add = true}
      %dma_wait3A_108 = arith.constant 0 : i32
      %dma_wait3A_109 = arith.constant 0 : i32
      %dma_wait3A_110 = tpu.memref_slice %arg11[%run_scoped3A, %dma_wait3A_108, %dma_wait3A_109] : memref<2x125x128xf32, #tpu.memory_space<vmem>> -> memref<1x125x128xf32, #tpu.memory_space<vmem>>
      %dma_wait3A_111 = tpu.memref_squeeze %dma_wait3A_110 : memref<1x125x128xf32, #tpu.memory_space<vmem>> -> memref<125x128xf32, #tpu.memory_space<vmem>>
      %dma_wait3A_112 = arith.constant 0 : i32
      %dma_wait3A_113 = arith.constant 0 : i32
      %dma_wait3A_114 = tpu.memref_slice %arg12[%dma_wait3A_112, %dma_wait3A_113] : memref<10240x128xf32, #tpu.memory_space<vmem_shared>> -> memref<10240x128xf32, #tpu.memory_space<vmem_shared>>
      tpu.wait_indirect_dma semaphore(%run_scoped3A_100 : memref<!tpu.dma_semaphore, #tpu.memory_space<semaphore_mem>>) src(%dma_wait3A_111 : memref<125x128xf32, #tpu.memory_space<vmem>>) dst(%dma_wait3A_114 : memref<10240x128xf32, #tpu.memory_space<vmem_shared>>)
      tpu.yield
    }) : () -> ()
    %dma_wait3A_86 = arith.constant 1 : i32
    %dma_wait3A_87 = arith.constant 0 : i32
    %dma_wait3A_88 = arith.constant 0 : i32
    %dma_wait3A_89 = tpu.memref_slice %arg11[%dma_wait3A_86, %dma_wait3A_87, %dma_wait3A_88] : memref<2x125x128xf32, #tpu.memory_space<vmem>> -> memref<1x125x128xf32, #tpu.memory_space<vmem>>
    %dma_wait3A_90 = tpu.memref_squeeze %dma_wait3A_89 : memref<1x125x128xf32, #tpu.memory_space<vmem>> -> memref<125x128xf32, #tpu.memory_space<vmem>>
    %dma_wait3A_91 = arith.constant 0 : i32
    %dma_wait3A_92 = arith.constant 0 : i32
    %dma_wait3A_93 = tpu.memref_slice %arg2[%dma_wait3A_91, %dma_wait3A_92] : memref<10000x128xf32, #tpu.memory_space<hbm>> -> memref<10000x128xf32, #tpu.memory_space<hbm>>
    tpu.wait_indirect_dma semaphore(%arg14 : memref<!tpu.dma_semaphore, #tpu.memory_space<semaphore_mem>>) src(%dma_wait3A_93 : memref<10000x128xf32, #tpu.memory_space<hbm>>) dst(%dma_wait3A_90 : memref<125x128xf32, #tpu.memory_space<vmem>>)
    %run_scoped3A_94 = arith.constant 1 : i32
    "tpu.region"() ({
      %run_scoped3A_100 = tpu.sem_alloc : memref<!tpu.dma_semaphore, #tpu.memory_space<semaphore_mem>>
      %dma_start3A_101 = arith.constant 0 : i32
      %dma_start3A_102 = arith.constant 0 : i32
      %dma_start3A_103 = tpu.memref_slice %arg11[%run_scoped3A_94, %dma_start3A_101, %dma_start3A_102] : memref<2x125x128xf32, #tpu.memory_space<vmem>> -> memref<1x125x128xf32, #tpu.memory_space<vmem>>
      %dma_start3A_104 = tpu.memref_squeeze %dma_start3A_103 : memref<1x125x128xf32, #tpu.memory_space<vmem>> -> memref<125x128xf32, #tpu.memory_space<vmem>>
      %dma_start3A_105 = arith.constant 0 : i32
      %dma_start3A_106 = arith.constant 0 : i32
      %dma_start3A_107 = tpu.memref_slice %arg12[%dma_start3A_105, %dma_start3A_106] : memref<10240x128xf32, #tpu.memory_space<vmem_shared>> -> memref<10240x128xf32, #tpu.memory_space<vmem_shared>>
      tpu.enqueue_indirect_dma source(%dma_start3A_104 : memref<125x128xf32, #tpu.memory_space<vmem>>) target(%dma_start3A_107 : memref<10240x128xf32, #tpu.memory_space<vmem_shared>>) offsets(%arg10 : memref<125xi32, #tpu.memory_space<vmem>>) semaphore(%run_scoped3A_100 : memref<!tpu.dma_semaphore, #tpu.memory_space<semaphore_mem>>) {add = true}
      %dma_wait3A_108 = arith.constant 0 : i32
      %dma_wait3A_109 = arith.constant 0 : i32
      %dma_wait3A_110 = tpu.memref_slice %arg11[%run_scoped3A_94, %dma_wait3A_108, %dma_wait3A_109] : memref<2x125x128xf32, #tpu.memory_space<vmem>> -> memref<1x125x128xf32, #tpu.memory_space<vmem>>
      %dma_wait3A_111 = tpu.memref_squeeze %dma_wait3A_110 : memref<1x125x128xf32, #tpu.memory_space<vmem>> -> memref<125x128xf32, #tpu.memory_space<vmem>>
      %dma_wait3A_112 = arith.constant 0 : i32
      %dma_wait3A_113 = arith.constant 0 : i32
      %dma_wait3A_114 = tpu.memref_slice %arg12[%dma_wait3A_112, %dma_wait3A_113] : memref<10240x128xf32, #tpu.memory_space<vmem_shared>> -> memref<10240x128xf32, #tpu.memory_space<vmem_shared>>
      tpu.wait_indirect_dma semaphore(%run_scoped3A_100 : memref<!tpu.dma_semaphore, #tpu.memory_space<semaphore_mem>>) src(%dma_wait3A_111 : memref<125x128xf32, #tpu.memory_space<vmem>>) dst(%dma_wait3A_114 : memref<10240x128xf32, #tpu.memory_space<vmem_shared>>)
      tpu.yield
    }) : () -> ()
    %barrier3A_95 = arith.constant 0 : index
    tpu.barrier barrier_id(%barrier3A_95)
    %mul3A_96 = arith.constant 640 : i32
    %mul3A_97 = arith.muli %arg1, %mul3A_96 : i32
    %mul3A_98 = arith.constant 640 : i32
    %mul3A_99 = arith.muli %arg1, %mul3A_98 : i32
    "tpu.region"() ({
      %run_scoped3A_100 = tpu.sem_alloc : memref<!tpu.dma_semaphore, #tpu.memory_space<semaphore_mem>>
      %dma_start3A_101 = arith.constant 0 : i32
      %dma_start3A_102 = tpu.memref_slice %arg6[%arg0, %mul3A_99, %dma_start3A_101] : memref<2x10240x128xf32, #tpu.memory_space<hbm>> -> memref<1x640x128xf32, #tpu.memory_space<hbm>>
      %dma_start3A_103 = tpu.memref_squeeze %dma_start3A_102 : memref<1x640x128xf32, #tpu.memory_space<hbm>> -> memref<640x128xf32, #tpu.memory_space<hbm>>
      %dma_start3A_104 = arith.constant 0 : i32
      %dma_start3A_105 = tpu.memref_slice %arg12[%mul3A_97, %dma_start3A_104] : memref<10240x128xf32, #tpu.memory_space<vmem_shared>> -> memref<640x128xf32, #tpu.memory_space<vmem_shared>>
      tpu.enqueue_dma source(%dma_start3A_105 : memref<640x128xf32, #tpu.memory_space<vmem_shared>>) target(%dma_start3A_103 : memref<640x128xf32, #tpu.memory_space<hbm>>) target_semaphore(%run_scoped3A_100 : memref<!tpu.dma_semaphore, #tpu.memory_space<semaphore_mem>>)
      %dma_wait3A_106 = arith.constant 0 : i32
      %dma_wait3A_107 = tpu.memref_slice %arg6[%arg0, %mul3A_99, %dma_wait3A_106] : memref<2x10240x128xf32, #tpu.memory_space<hbm>> -> memref<1x640x128xf32, #tpu.memory_space<hbm>>
      %dma_wait3A_108 = tpu.memref_squeeze %dma_wait3A_107 : memref<1x640x128xf32, #tpu.memory_space<hbm>> -> memref<640x128xf32, #tpu.memory_space<hbm>>
      %dma_wait3A_109 = arith.constant 0 : i32
      %dma_wait3A_110 = tpu.memref_slice %arg12[%mul3A_97, %dma_wait3A_109] : memref<10240x128xf32, #tpu.memory_space<vmem_shared>> -> memref<640x128xf32, #tpu.memory_space<vmem_shared>>
      tpu.wait_dma2 semaphore(%run_scoped3A_100 : memref<!tpu.dma_semaphore, #tpu.memory_space<semaphore_mem>>) src(%dma_wait3A_110 : memref<640x128xf32, #tpu.memory_space<vmem_shared>>) dst(%dma_wait3A_108 : memref<640x128xf32, #tpu.memory_space<hbm>>)
      tpu.yield
    }) : () -> ()
    return
  }
}

#map = affine_map<(d0, d1) -> (0, 0)>
#map1 = affine_map<(d0, d1) -> (0, 0, 0)>
module attributes {stable_mosaic.version = 14 : i64} {
  func.func @_seg_state_body(%arg0: i32, %arg1: i32, %arg2: memref<10000x128xf32, #tpu.memory_space<hbm>>, %arg3: memref<32x80x125xi32, #tpu.memory_space<hbm>>, %arg4: memref<32x80x125xi32, #tpu.memory_space<hbm>>, %arg5: memref<640x128xf32, #tpu.memory_space<hbm>>, %arg6: memref<2x10240x128xf32, #tpu.memory_space<hbm>>, %arg7: memref<125xi32, #tpu.memory_space<vmem>>, %arg8: memref<125xi32, #tpu.memory_space<vmem>>, %arg9: memref<125xi32, #tpu.memory_space<vmem>>, %arg10: memref<125xi32, #tpu.memory_space<vmem>>, %arg11: memref<2x125x128xf32, #tpu.memory_space<vmem>>, %arg12: memref<10240x128xf32, #tpu.memory_space<vmem_shared>>, %arg13: memref<!tpu.dma_semaphore, #tpu.memory_space<semaphore_mem>>, %arg14: memref<!tpu.dma_semaphore, #tpu.memory_space<semaphore_mem>>, %arg15: memref<!tpu.dma_semaphore, #tpu.memory_space<semaphore_mem>>, %arg16: memref<!tpu.dma_semaphore, #tpu.memory_space<semaphore_mem>>) attributes {dimension_semantics = [#tpu.dimension_semantics<core_parallel>, #tpu.dimension_semantics<subcore_parallel>], iteration_bounds = array<i64: 2, 16>, scalar_prefetch = 0 : i64, scratch_operands = 10 : i64, tpu.core_type = #tpu.core_type<sc_vector_subcore>, window_params = [{transform_indices = #map}, {transform_indices = #map1}, {transform_indices = #map1}, {transform_indices = #map}, {transform_indices = #map1}]} {
    %mul3A = arith.constant 16 : i32
    %mul3A_0 = arith.muli %arg0, %mul3A : i32
    %add3A = arith.addi %mul3A_0, %arg1 : i32
    %mul3A_1 = arith.constant 640 : i32
    %mul3A_2 = arith.muli %arg1, %mul3A_1 : i32
    "tpu.region"() ({
      %run_scoped3A_100 = tpu.sem_alloc : memref<!tpu.dma_semaphore, #tpu.memory_space<semaphore_mem>>
      %dma_start3A_101 = arith.constant 0 : i32
      %dma_start3A_102 = tpu.memref_slice %arg12[%mul3A_2, %dma_start3A_101] : memref<10240x128xf32, #tpu.memory_space<vmem_shared>> -> memref<640x128xf32, #tpu.memory_space<vmem_shared>>
      tpu.enqueue_dma source(%arg5 : memref<640x128xf32, #tpu.memory_space<hbm>>) target(%dma_start3A_102 : memref<640x128xf32, #tpu.memory_space<vmem_shared>>) target_semaphore(%run_scoped3A_100 : memref<!tpu.dma_semaphore, #tpu.memory_space<semaphore_mem>>)
      %dma_wait3A_103 = arith.constant 0 : i32
      %dma_wait3A_104 = tpu.memref_slice %arg12[%mul3A_2, %dma_wait3A_103] : memref<10240x128xf32, #tpu.memory_space<vmem_shared>> -> memref<640x128xf32, #tpu.memory_space<vmem_shared>>
      tpu.wait_dma2 semaphore(%run_scoped3A_100 : memref<!tpu.dma_semaphore, #tpu.memory_space<semaphore_mem>>) src(%arg5 : memref<640x128xf32, #tpu.memory_space<hbm>>) dst(%dma_wait3A_104 : memref<640x128xf32, #tpu.memory_space<vmem_shared>>)
      tpu.yield
    }) : () -> ()
    %barrier3A = arith.constant 0 : index
    tpu.barrier barrier_id(%barrier3A)
    %dma_start3A = arith.constant 0 : i32
    %dma_start3A_3 = arith.constant 0 : i32
    %dma_start3A_4 = tpu.memref_slice %arg3[%add3A, %dma_start3A, %dma_start3A_3] : memref<32x80x125xi32, #tpu.memory_space<hbm>> -> memref<1x1x125xi32, #tpu.memory_space<hbm>>
    %dma_start3A_5 = tpu.memref_squeeze %dma_start3A_4 : memref<1x1x125xi32, #tpu.memory_space<hbm>> -> memref<125xi32, #tpu.memory_space<hbm>>
    %dma_start3A_6 = arith.constant 0 : i32
    %dma_start3A_7 = tpu.memref_slice %arg3[%add3A, %dma_start3A, %dma_start3A_6] : memref<32x80x125xi32, #tpu.memory_space<hbm>> -> memref<1x1x125xi32, #tpu.memory_space<hbm>>
    %dma_start3A_8 = tpu.memref_squeeze %dma_start3A_7 : memref<1x1x125xi32, #tpu.memory_space<hbm>> -> memref<125xi32, #tpu.memory_space<hbm>>
    tpu.enqueue_dma source(%dma_start3A_8 : memref<125xi32, #tpu.memory_space<hbm>>) target(%arg7 : memref<125xi32, #tpu.memory_space<vmem>>) target_semaphore(%arg15 : memref<!tpu.dma_semaphore, #tpu.memory_space<semaphore_mem>>)
    %dma_start3A_9 = arith.constant 0 : i32
    %dma_start3A_10 = arith.constant 0 : i32
    %dma_start3A_11 = tpu.memref_slice %arg4[%add3A, %dma_start3A_9, %dma_start3A_10] : memref<32x80x125xi32, #tpu.memory_space<hbm>> -> memref<1x1x125xi32, #tpu.memory_space<hbm>>
    %dma_start3A_12 = tpu.memref_squeeze %dma_start3A_11 : memref<1x1x125xi32, #tpu.memory_space<hbm>> -> memref<125xi32, #tpu.memory_space<hbm>>
    %dma_start3A_13 = arith.constant 0 : i32
    %dma_start3A_14 = tpu.memref_slice %arg4[%add3A, %dma_start3A_9, %dma_start3A_13] : memref<32x80x125xi32, #tpu.memory_space<hbm>> -> memref<1x1x125xi32, #tpu.memory_space<hbm>>
    %dma_start3A_15 = tpu.memref_squeeze %dma_start3A_14 : memref<1x1x125xi32, #tpu.memory_space<hbm>> -> memref<125xi32, #tpu.memory_space<hbm>>
    tpu.enqueue_dma source(%dma_start3A_15 : memref<125xi32, #tpu.memory_space<hbm>>) target(%arg9 : memref<125xi32, #tpu.memory_space<vmem>>) target_semaphore(%arg15 : memref<!tpu.dma_semaphore, #tpu.memory_space<semaphore_mem>>)
    %dma_wait3A = arith.constant 0 : i32
    %dma_wait3A_16 = arith.constant 0 : i32
    %dma_wait3A_17 = tpu.memref_slice %arg3[%add3A, %dma_wait3A, %dma_wait3A_16] : memref<32x80x125xi32, #tpu.memory_space<hbm>> -> memref<1x1x125xi32, #tpu.memory_space<hbm>>
    %dma_wait3A_18 = tpu.memref_squeeze %dma_wait3A_17 : memref<1x1x125xi32, #tpu.memory_space<hbm>> -> memref<125xi32, #tpu.memory_space<hbm>>
    %dma_wait3A_19 = arith.constant 0 : i32
    %dma_wait3A_20 = tpu.memref_slice %arg3[%add3A, %dma_wait3A, %dma_wait3A_19] : memref<32x80x125xi32, #tpu.memory_space<hbm>> -> memref<1x1x125xi32, #tpu.memory_space<hbm>>
    %dma_wait3A_21 = tpu.memref_squeeze %dma_wait3A_20 : memref<1x1x125xi32, #tpu.memory_space<hbm>> -> memref<125xi32, #tpu.memory_space<hbm>>
    tpu.wait_dma2 semaphore(%arg15 : memref<!tpu.dma_semaphore, #tpu.memory_space<semaphore_mem>>) src(%dma_wait3A_21 : memref<125xi32, #tpu.memory_space<hbm>>) dst(%arg7 : memref<125xi32, #tpu.memory_space<vmem>>)
    %dma_wait3A_22 = arith.constant 0 : i32
    %dma_wait3A_23 = arith.constant 0 : i32
    %dma_wait3A_24 = tpu.memref_slice %arg4[%add3A, %dma_wait3A_22, %dma_wait3A_23] : memref<32x80x125xi32, #tpu.memory_space<hbm>> -> memref<1x1x125xi32, #tpu.memory_space<hbm>>
    %dma_wait3A_25 = tpu.memref_squeeze %dma_wait3A_24 : memref<1x1x125xi32, #tpu.memory_space<hbm>> -> memref<125xi32, #tpu.memory_space<hbm>>
    %dma_wait3A_26 = arith.constant 0 : i32
    %dma_wait3A_27 = tpu.memref_slice %arg4[%add3A, %dma_wait3A_22, %dma_wait3A_26] : memref<32x80x125xi32, #tpu.memory_space<hbm>> -> memref<1x1x125xi32, #tpu.memory_space<hbm>>
    %dma_wait3A_28 = tpu.memref_squeeze %dma_wait3A_27 : memref<1x1x125xi32, #tpu.memory_space<hbm>> -> memref<125xi32, #tpu.memory_space<hbm>>
    tpu.wait_dma2 semaphore(%arg15 : memref<!tpu.dma_semaphore, #tpu.memory_space<semaphore_mem>>) src(%dma_wait3A_28 : memref<125xi32, #tpu.memory_space<hbm>>) dst(%arg9 : memref<125xi32, #tpu.memory_space<vmem>>)
    %dma_start3A_29 = arith.constant 0 : i32
    %dma_start3A_30 = arith.constant 0 : i32
    %dma_start3A_31 = arith.constant 0 : i32
    %dma_start3A_32 = tpu.memref_slice %arg11[%dma_start3A_29, %dma_start3A_30, %dma_start3A_31] : memref<2x125x128xf32, #tpu.memory_space<vmem>> -> memref<1x125x128xf32, #tpu.memory_space<vmem>>
    %dma_start3A_33 = tpu.memref_squeeze %dma_start3A_32 : memref<1x125x128xf32, #tpu.memory_space<vmem>> -> memref<125x128xf32, #tpu.memory_space<vmem>>
    %dma_start3A_34 = arith.constant 0 : i32
    %dma_start3A_35 = arith.constant 0 : i32
    %dma_start3A_36 = tpu.memref_slice %arg2[%dma_start3A_34, %dma_start3A_35] : memref<10000x128xf32, #tpu.memory_space<hbm>> -> memref<10000x128xf32, #tpu.memory_space<hbm>>
    tpu.enqueue_indirect_dma source(%dma_start3A_36 : memref<10000x128xf32, #tpu.memory_space<hbm>>) target(%dma_start3A_33 : memref<125x128xf32, #tpu.memory_space<vmem>>) offsets(%arg7 : memref<125xi32, #tpu.memory_space<vmem>>) semaphore(%arg13 : memref<!tpu.dma_semaphore, #tpu.memory_space<semaphore_mem>>)
    %dma_start3A_37 = arith.constant 1 : i32
    %dma_start3A_38 = arith.constant 0 : i32
    %dma_start3A_39 = tpu.memref_slice %arg3[%add3A, %dma_start3A_37, %dma_start3A_38] : memref<32x80x125xi32, #tpu.memory_space<hbm>> -> memref<1x1x125xi32, #tpu.memory_space<hbm>>
    %dma_start3A_40 = tpu.memref_squeeze %dma_start3A_39 : memref<1x1x125xi32, #tpu.memory_space<hbm>> -> memref<125xi32, #tpu.memory_space<hbm>>
    %dma_start3A_41 = arith.constant 0 : i32
    %dma_start3A_42 = tpu.memref_slice %arg3[%add3A, %dma_start3A_37, %dma_start3A_41] : memref<32x80x125xi32, #tpu.memory_space<hbm>> -> memref<1x1x125xi32, #tpu.memory_space<hbm>>
    %dma_start3A_43 = tpu.memref_squeeze %dma_start3A_42 : memref<1x1x125xi32, #tpu.memory_space<hbm>> -> memref<125xi32, #tpu.memory_space<hbm>>
    tpu.enqueue_dma source(%dma_start3A_43 : memref<125xi32, #tpu.memory_space<hbm>>) target(%arg8 : memref<125xi32, #tpu.memory_space<vmem>>) target_semaphore(%arg16 : memref<!tpu.dma_semaphore, #tpu.memory_space<semaphore_mem>>)
    %dma_start3A_44 = arith.constant 1 : i32
    %dma_start3A_45 = arith.constant 0 : i32
    %dma_start3A_46 = tpu.memref_slice %arg4[%add3A, %dma_start3A_44, %dma_start3A_45] : memref<32x80x125xi32, #tpu.memory_space<hbm>> -> memref<1x1x125xi32, #tpu.memory_space<hbm>>
    %dma_start3A_47 = tpu.memref_squeeze %dma_start3A_46 : memref<1x1x125xi32, #tpu.memory_space<hbm>> -> memref<125xi32, #tpu.memory_space<hbm>>
    %dma_start3A_48 = arith.constant 0 : i32
    %dma_start3A_49 = tpu.memref_slice %arg4[%add3A, %dma_start3A_44, %dma_start3A_48] : memref<32x80x125xi32, #tpu.memory_space<hbm>> -> memref<1x1x125xi32, #tpu.memory_space<hbm>>
    %dma_start3A_50 = tpu.memref_squeeze %dma_start3A_49 : memref<1x1x125xi32, #tpu.memory_space<hbm>> -> memref<125xi32, #tpu.memory_space<hbm>>
    tpu.enqueue_dma source(%dma_start3A_50 : memref<125xi32, #tpu.memory_space<hbm>>) target(%arg10 : memref<125xi32, #tpu.memory_space<vmem>>) target_semaphore(%arg16 : memref<!tpu.dma_semaphore, #tpu.memory_space<semaphore_mem>>)
    %scan3A = arith.constant 0 : i32
    %scan3A_51 = arith.constant 0 : i32
    %scan3A_52 = arith.constant 39 : i32
    %scan3A_53 = arith.addi %scan3A_51, %scan3A_52 : i32
    %scan3A_54 = arith.constant 1 : i32
    scf.for %scan3A_100 = %scan3A_51 to %scan3A_53 step %scan3A_54  : i32 {
      %mul3A_101 = arith.constant 2 : i32
      %mul3A_102 = arith.muli %mul3A_101, %scan3A_100 : i32
      %add3A_103 = arith.constant 1 : i32
      %add3A_104 = arith.addi %mul3A_102, %add3A_103 : i32
      %dma_wait3A_105 = arith.constant 0 : i32
      %dma_wait3A_106 = tpu.memref_slice %arg3[%add3A, %add3A_104, %dma_wait3A_105] : memref<32x80x125xi32, #tpu.memory_space<hbm>> -> memref<1x1x125xi32, #tpu.memory_space<hbm>>
      %dma_wait3A_107 = tpu.memref_squeeze %dma_wait3A_106 : memref<1x1x125xi32, #tpu.memory_space<hbm>> -> memref<125xi32, #tpu.memory_space<hbm>>
      %dma_wait3A_108 = arith.constant 0 : i32
      %dma_wait3A_109 = tpu.memref_slice %arg3[%add3A, %add3A_104, %dma_wait3A_108] : memref<32x80x125xi32, #tpu.memory_space<hbm>> -> memref<1x1x125xi32, #tpu.memory_space<hbm>>
      %dma_wait3A_110 = tpu.memref_squeeze %dma_wait3A_109 : memref<1x1x125xi32, #tpu.memory_space<hbm>> -> memref<125xi32, #tpu.memory_space<hbm>>
      tpu.wait_dma2 semaphore(%arg16 : memref<!tpu.dma_semaphore, #tpu.memory_space<semaphore_mem>>) src(%dma_wait3A_110 : memref<125xi32, #tpu.memory_space<hbm>>) dst(%arg8 : memref<125xi32, #tpu.memory_space<vmem>>)
      %dma_wait3A_111 = arith.constant 0 : i32
      %dma_wait3A_112 = tpu.memref_slice %arg4[%add3A, %add3A_104, %dma_wait3A_111] : memref<32x80x125xi32, #tpu.memory_space<hbm>> -> memref<1x1x125xi32, #tpu.memory_space<hbm>>
      %dma_wait3A_113 = tpu.memref_squeeze %dma_wait3A_112 : memref<1x1x125xi32, #tpu.memory_space<hbm>> -> memref<125xi32, #tpu.memory_space<hbm>>
      %dma_wait3A_114 = arith.constant 0 : i32
      %dma_wait3A_115 = tpu.memref_slice %arg4[%add3A, %add3A_104, %dma_wait3A_114] : memref<32x80x125xi32, #tpu.memory_space<hbm>> -> memref<1x1x125xi32, #tpu.memory_space<hbm>>
      %dma_wait3A_116 = tpu.memref_squeeze %dma_wait3A_115 : memref<1x1x125xi32, #tpu.memory_space<hbm>> -> memref<125xi32, #tpu.memory_space<hbm>>
      tpu.wait_dma2 semaphore(%arg16 : memref<!tpu.dma_semaphore, #tpu.memory_space<semaphore_mem>>) src(%dma_wait3A_116 : memref<125xi32, #tpu.memory_space<hbm>>) dst(%arg10 : memref<125xi32, #tpu.memory_space<vmem>>)
      %dma_start3A_117 = arith.constant 1 : i32
      %dma_start3A_118 = arith.constant 0 : i32
      %dma_start3A_119 = arith.constant 0 : i32
      %dma_start3A_120 = tpu.memref_slice %arg11[%dma_start3A_117, %dma_start3A_118, %dma_start3A_119] : memref<2x125x128xf32, #tpu.memory_space<vmem>> -> memref<1x125x128xf32, #tpu.memory_space<vmem>>
      %dma_start3A_121 = tpu.memref_squeeze %dma_start3A_120 : memref<1x125x128xf32, #tpu.memory_space<vmem>> -> memref<125x128xf32, #tpu.memory_space<vmem>>
      %dma_start3A_122 = arith.constant 0 : i32
      %dma_start3A_123 = arith.constant 0 : i32
      %dma_start3A_124 = tpu.memref_slice %arg2[%dma_start3A_122, %dma_start3A_123] : memref<10000x128xf32, #tpu.memory_space<hbm>> -> memref<10000x128xf32, #tpu.memory_space<hbm>>
      tpu.enqueue_indirect_dma source(%dma_start3A_124 : memref<10000x128xf32, #tpu.memory_space<hbm>>) target(%dma_start3A_121 : memref<125x128xf32, #tpu.memory_space<vmem>>) offsets(%arg8 : memref<125xi32, #tpu.memory_space<vmem>>) semaphore(%arg14 : memref<!tpu.dma_semaphore, #tpu.memory_space<semaphore_mem>>)
      %dma_wait3A_125 = arith.constant 0 : i32
      %dma_wait3A_126 = arith.constant 0 : i32
      %dma_wait3A_127 = arith.constant 0 : i32
      %dma_wait3A_128 = tpu.memref_slice %arg11[%dma_wait3A_125, %dma_wait3A_126, %dma_wait3A_127] : memref<2x125x128xf32, #tpu.memory_space<vmem>> -> memref<1x125x128xf32, #tpu.memory_space<vmem>>
      %dma_wait3A_129 = tpu.memref_squeeze %dma_wait3A_128 : memref<1x125x128xf32, #tpu.memory_space<vmem>> -> memref<125x128xf32, #tpu.memory_space<vmem>>
      %dma_wait3A_130 = arith.constant 0 : i32
      %dma_wait3A_131 = arith.constant 0 : i32
      %dma_wait3A_132 = tpu.memref_slice %arg2[%dma_wait3A_130, %dma_wait3A_131] : memref<10000x128xf32, #tpu.memory_space<hbm>> -> memref<10000x128xf32, #tpu.memory_space<hbm>>
      tpu.wait_indirect_dma semaphore(%arg13 : memref<!tpu.dma_semaphore, #tpu.memory_space<semaphore_mem>>) src(%dma_wait3A_132 : memref<10000x128xf32, #tpu.memory_space<hbm>>) dst(%dma_wait3A_129 : memref<125x128xf32, #tpu.memory_space<vmem>>)
      %run_scoped3A_133 = arith.constant 0 : i32
      "tpu.region"() ({
        %run_scoped3A_193 = tpu.sem_alloc : memref<!tpu.dma_semaphore, #tpu.memory_space<semaphore_mem>>
        %dma_start3A_194 = arith.constant 0 : i32
        %dma_start3A_195 = arith.constant 0 : i32
        %dma_start3A_196 = tpu.memref_slice %arg11[%run_scoped3A_133, %dma_start3A_194, %dma_start3A_195] : memref<2x125x128xf32, #tpu.memory_space<vmem>> -> memref<1x125x128xf32, #tpu.memory_space<vmem>>
        %dma_start3A_197 = tpu.memref_squeeze %dma_start3A_196 : memref<1x125x128xf32, #tpu.memory_space<vmem>> -> memref<125x128xf32, #tpu.memory_space<vmem>>
        %dma_start3A_198 = arith.constant 0 : i32
        %dma_start3A_199 = arith.constant 0 : i32
        %dma_start3A_200 = tpu.memref_slice %arg12[%dma_start3A_198, %dma_start3A_199] : memref<10240x128xf32, #tpu.memory_space<vmem_shared>> -> memref<10240x128xf32, #tpu.memory_space<vmem_shared>>
        tpu.enqueue_indirect_dma source(%dma_start3A_197 : memref<125x128xf32, #tpu.memory_space<vmem>>) target(%dma_start3A_200 : memref<10240x128xf32, #tpu.memory_space<vmem_shared>>) offsets(%arg9 : memref<125xi32, #tpu.memory_space<vmem>>) semaphore(%run_scoped3A_193 : memref<!tpu.dma_semaphore, #tpu.memory_space<semaphore_mem>>) {add = true}
        %dma_wait3A_201 = arith.constant 0 : i32
        %dma_wait3A_202 = arith.constant 0 : i32
        %dma_wait3A_203 = tpu.memref_slice %arg11[%run_scoped3A_133, %dma_wait3A_201, %dma_wait3A_202] : memref<2x125x128xf32, #tpu.memory_space<vmem>> -> memref<1x125x128xf32, #tpu.memory_space<vmem>>
        %dma_wait3A_204 = tpu.memref_squeeze %dma_wait3A_203 : memref<1x125x128xf32, #tpu.memory_space<vmem>> -> memref<125x128xf32, #tpu.memory_space<vmem>>
        %dma_wait3A_205 = arith.constant 0 : i32
        %dma_wait3A_206 = arith.constant 0 : i32
        %dma_wait3A_207 = tpu.memref_slice %arg12[%dma_wait3A_205, %dma_wait3A_206] : memref<10240x128xf32, #tpu.memory_space<vmem_shared>> -> memref<10240x128xf32, #tpu.memory_space<vmem_shared>>
        tpu.wait_indirect_dma semaphore(%run_scoped3A_193 : memref<!tpu.dma_semaphore, #tpu.memory_space<semaphore_mem>>) src(%dma_wait3A_204 : memref<125x128xf32, #tpu.memory_space<vmem>>) dst(%dma_wait3A_207 : memref<10240x128xf32, #tpu.memory_space<vmem_shared>>)
        tpu.yield
      }) : () -> ()
      %add3A_134 = arith.constant 2 : i32
      %add3A_135 = arith.addi %mul3A_102, %add3A_134 : i32
      %dma_start3A_136 = arith.constant 0 : i32
      %dma_start3A_137 = tpu.memref_slice %arg3[%add3A, %add3A_135, %dma_start3A_136] : memref<32x80x125xi32, #tpu.memory_space<hbm>> -> memref<1x1x125xi32, #tpu.memory_space<hbm>>
      %dma_start3A_138 = tpu.memref_squeeze %dma_start3A_137 : memref<1x1x125xi32, #tpu.memory_space<hbm>> -> memref<125xi32, #tpu.memory_space<hbm>>
      %dma_start3A_139 = arith.constant 0 : i32
      %dma_start3A_140 = tpu.memref_slice %arg3[%add3A, %add3A_135, %dma_start3A_139] : memref<32x80x125xi32, #tpu.memory_space<hbm>> -> memref<1x1x125xi32, #tpu.memory_space<hbm>>
      %dma_start3A_141 = tpu.memref_squeeze %dma_start3A_140 : memref<1x1x125xi32, #tpu.memory_space<hbm>> -> memref<125xi32, #tpu.memory_space<hbm>>
      tpu.enqueue_dma source(%dma_start3A_141 : memref<125xi32, #tpu.memory_space<hbm>>) target(%arg7 : memref<125xi32, #tpu.memory_space<vmem>>) target_semaphore(%arg15 : memref<!tpu.dma_semaphore, #tpu.memory_space<semaphore_mem>>)
      %dma_start3A_142 = arith.constant 0 : i32
      %dma_start3A_143 = tpu.memref_slice %arg4[%add3A, %add3A_135, %dma_start3A_142] : memref<32x80x125xi32, #tpu.memory_space<hbm>> -> memref<1x1x125xi32, #tpu.memory_space<hbm>>
      %dma_start3A_144 = tpu.memref_squeeze %dma_start3A_143 : memref<1x1x125xi32, #tpu.memory_space<hbm>> -> memref<125xi32, #tpu.memory_space<hbm>>
      %dma_start3A_145 = arith.constant 0 : i32
      %dma_start3A_146 = tpu.memref_slice %arg4[%add3A, %add3A_135, %dma_start3A_145] : memref<32x80x125xi32, #tpu.memory_space<hbm>> -> memref<1x1x125xi32, #tpu.memory_space<hbm>>
      %dma_start3A_147 = tpu.memref_squeeze %dma_start3A_146 : memref<1x1x125xi32, #tpu.memory_space<hbm>> -> memref<125xi32, #tpu.memory_space<hbm>>
      tpu.enqueue_dma source(%dma_start3A_147 : memref<125xi32, #tpu.memory_space<hbm>>) target(%arg9 : memref<125xi32, #tpu.memory_space<vmem>>) target_semaphore(%arg15 : memref<!tpu.dma_semaphore, #tpu.memory_space<semaphore_mem>>)
      %add3A_148 = arith.constant 2 : i32
      %add3A_149 = arith.addi %mul3A_102, %add3A_148 : i32
      %dma_wait3A_150 = arith.constant 0 : i32
      %dma_wait3A_151 = tpu.memref_slice %arg3[%add3A, %add3A_149, %dma_wait3A_150] : memref<32x80x125xi32, #tpu.memory_space<hbm>> -> memref<1x1x125xi32, #tpu.memory_space<hbm>>
      %dma_wait3A_152 = tpu.memref_squeeze %dma_wait3A_151 : memref<1x1x125xi32, #tpu.memory_space<hbm>> -> memref<125xi32, #tpu.memory_space<hbm>>
      %dma_wait3A_153 = arith.constant 0 : i32
      %dma_wait3A_154 = tpu.memref_slice %arg3[%add3A, %add3A_149, %dma_wait3A_153] : memref<32x80x125xi32, #tpu.memory_space<hbm>> -> memref<1x1x125xi32, #tpu.memory_space<hbm>>
      %dma_wait3A_155 = tpu.memref_squeeze %dma_wait3A_154 : memref<1x1x125xi32, #tpu.memory_space<hbm>> -> memref<125xi32, #tpu.memory_space<hbm>>
      tpu.wait_dma2 semaphore(%arg15 : memref<!tpu.dma_semaphore, #tpu.memory_space<semaphore_mem>>) src(%dma_wait3A_155 : memref<125xi32, #tpu.memory_space<hbm>>) dst(%arg7 : memref<125xi32, #tpu.memory_space<vmem>>)
      %dma_wait3A_156 = arith.constant 0 : i32
      %dma_wait3A_157 = tpu.memref_slice %arg4[%add3A, %add3A_149, %dma_wait3A_156] : memref<32x80x125xi32, #tpu.memory_space<hbm>> -> memref<1x1x125xi32, #tpu.memory_space<hbm>>
      %dma_wait3A_158 = tpu.memref_squeeze %dma_wait3A_157 : memref<1x1x125xi32, #tpu.memory_space<hbm>> -> memref<125xi32, #tpu.memory_space<hbm>>
      %dma_wait3A_159 = arith.constant 0 : i32
      %dma_wait3A_160 = tpu.memref_slice %arg4[%add3A, %add3A_149, %dma_wait3A_159] : memref<32x80x125xi32, #tpu.memory_space<hbm>> -> memref<1x1x125xi32, #tpu.memory_space<hbm>>
      %dma_wait3A_161 = tpu.memref_squeeze %dma_wait3A_160 : memref<1x1x125xi32, #tpu.memory_space<hbm>> -> memref<125xi32, #tpu.memory_space<hbm>>
      tpu.wait_dma2 semaphore(%arg15 : memref<!tpu.dma_semaphore, #tpu.memory_space<semaphore_mem>>) src(%dma_wait3A_161 : memref<125xi32, #tpu.memory_space<hbm>>) dst(%arg9 : memref<125xi32, #tpu.memory_space<vmem>>)
      %dma_start3A_162 = arith.constant 0 : i32
      %dma_start3A_163 = arith.constant 0 : i32
      %dma_start3A_164 = arith.constant 0 : i32
      %dma_start3A_165 = tpu.memref_slice %arg11[%dma_start3A_162, %dma_start3A_163, %dma_start3A_164] : memref<2x125x128xf32, #tpu.memory_space<vmem>> -> memref<1x125x128xf32, #tpu.memory_space<vmem>>
      %dma_start3A_166 = tpu.memref_squeeze %dma_start3A_165 : memref<1x125x128xf32, #tpu.memory_space<vmem>> -> memref<125x128xf32, #tpu.memory_space<vmem>>
      %dma_start3A_167 = arith.constant 0 : i32
      %dma_start3A_168 = arith.constant 0 : i32
      %dma_start3A_169 = tpu.memref_slice %arg2[%dma_start3A_167, %dma_start3A_168] : memref<10000x128xf32, #tpu.memory_space<hbm>> -> memref<10000x128xf32, #tpu.memory_space<hbm>>
      tpu.enqueue_indirect_dma source(%dma_start3A_169 : memref<10000x128xf32, #tpu.memory_space<hbm>>) target(%dma_start3A_166 : memref<125x128xf32, #tpu.memory_space<vmem>>) offsets(%arg7 : memref<125xi32, #tpu.memory_space<vmem>>) semaphore(%arg13 : memref<!tpu.dma_semaphore, #tpu.memory_space<semaphore_mem>>)
      %dma_wait3A_170 = arith.constant 1 : i32
      %dma_wait3A_171 = arith.constant 0 : i32
      %dma_wait3A_172 = arith.constant 0 : i32
      %dma_wait3A_173 = tpu.memref_slice %arg11[%dma_wait3A_170, %dma_wait3A_171, %dma_wait3A_172] : memref<2x125x128xf32, #tpu.memory_space<vmem>> -> memref<1x125x128xf32, #tpu.memory_space<vmem>>
      %dma_wait3A_174 = tpu.memref_squeeze %dma_wait3A_173 : memref<1x125x128xf32, #tpu.memory_space<vmem>> -> memref<125x128xf32, #tpu.memory_space<vmem>>
      %dma_wait3A_175 = arith.constant 0 : i32
      %dma_wait3A_176 = arith.constant 0 : i32
      %dma_wait3A_177 = tpu.memref_slice %arg2[%dma_wait3A_175, %dma_wait3A_176] : memref<10000x128xf32, #tpu.memory_space<hbm>> -> memref<10000x128xf32, #tpu.memory_space<hbm>>
      tpu.wait_indirect_dma semaphore(%arg14 : memref<!tpu.dma_semaphore, #tpu.memory_space<semaphore_mem>>) src(%dma_wait3A_177 : memref<10000x128xf32, #tpu.memory_space<hbm>>) dst(%dma_wait3A_174 : memref<125x128xf32, #tpu.memory_space<vmem>>)
      %run_scoped3A_178 = arith.constant 1 : i32
      "tpu.region"() ({
        %run_scoped3A_193 = tpu.sem_alloc : memref<!tpu.dma_semaphore, #tpu.memory_space<semaphore_mem>>
        %dma_start3A_194 = arith.constant 0 : i32
        %dma_start3A_195 = arith.constant 0 : i32
        %dma_start3A_196 = tpu.memref_slice %arg11[%run_scoped3A_178, %dma_start3A_194, %dma_start3A_195] : memref<2x125x128xf32, #tpu.memory_space<vmem>> -> memref<1x125x128xf32, #tpu.memory_space<vmem>>
        %dma_start3A_197 = tpu.memref_squeeze %dma_start3A_196 : memref<1x125x128xf32, #tpu.memory_space<vmem>> -> memref<125x128xf32, #tpu.memory_space<vmem>>
        %dma_start3A_198 = arith.constant 0 : i32
        %dma_start3A_199 = arith.constant 0 : i32
        %dma_start3A_200 = tpu.memref_slice %arg12[%dma_start3A_198, %dma_start3A_199] : memref<10240x128xf32, #tpu.memory_space<vmem_shared>> -> memref<10240x128xf32, #tpu.memory_space<vmem_shared>>
        tpu.enqueue_indirect_dma source(%dma_start3A_197 : memref<125x128xf32, #tpu.memory_space<vmem>>) target(%dma_start3A_200 : memref<10240x128xf32, #tpu.memory_space<vmem_shared>>) offsets(%arg10 : memref<125xi32, #tpu.memory_space<vmem>>) semaphore(%run_scoped3A_193 : memref<!tpu.dma_semaphore, #tpu.memory_space<semaphore_mem>>) {add = true}
        %dma_wait3A_201 = arith.constant 0 : i32
        %dma_wait3A_202 = arith.constant 0 : i32
        %dma_wait3A_203 = tpu.memref_slice %arg11[%run_scoped3A_178, %dma_wait3A_201, %dma_wait3A_202] : memref<2x125x128xf32, #tpu.memory_space<vmem>> -> memref<1x125x128xf32, #tpu.memory_space<vmem>>
        %dma_wait3A_204 = tpu.memref_squeeze %dma_wait3A_203 : memref<1x125x128xf32, #tpu.memory_space<vmem>> -> memref<125x128xf32, #tpu.memory_space<vmem>>
        %dma_wait3A_205 = arith.constant 0 : i32
        %dma_wait3A_206 = arith.constant 0 : i32
        %dma_wait3A_207 = tpu.memref_slice %arg12[%dma_wait3A_205, %dma_wait3A_206] : memref<10240x128xf32, #tpu.memory_space<vmem_shared>> -> memref<10240x128xf32, #tpu.memory_space<vmem_shared>>
        tpu.wait_indirect_dma semaphore(%run_scoped3A_193 : memref<!tpu.dma_semaphore, #tpu.memory_space<semaphore_mem>>) src(%dma_wait3A_204 : memref<125x128xf32, #tpu.memory_space<vmem>>) dst(%dma_wait3A_207 : memref<10240x128xf32, #tpu.memory_space<vmem_shared>>)
        tpu.yield
      }) : () -> ()
      %add3A_179 = arith.constant 3 : i32
      %add3A_180 = arith.addi %mul3A_102, %add3A_179 : i32
      %dma_start3A_181 = arith.constant 0 : i32
      %dma_start3A_182 = tpu.memref_slice %arg3[%add3A, %add3A_180, %dma_start3A_181] : memref<32x80x125xi32, #tpu.memory_space<hbm>> -> memref<1x1x125xi32, #tpu.memory_space<hbm>>
      %dma_start3A_183 = tpu.memref_squeeze %dma_start3A_182 : memref<1x1x125xi32, #tpu.memory_space<hbm>> -> memref<125xi32, #tpu.memory_space<hbm>>
      %dma_start3A_184 = arith.constant 0 : i32
      %dma_start3A_185 = tpu.memref_slice %arg3[%add3A, %add3A_180, %dma_start3A_184] : memref<32x80x125xi32, #tpu.memory_space<hbm>> -> memref<1x1x125xi32, #tpu.memory_space<hbm>>
      %dma_start3A_186 = tpu.memref_squeeze %dma_start3A_185 : memref<1x1x125xi32, #tpu.memory_space<hbm>> -> memref<125xi32, #tpu.memory_space<hbm>>
      tpu.enqueue_dma source(%dma_start3A_186 : memref<125xi32, #tpu.memory_space<hbm>>) target(%arg8 : memref<125xi32, #tpu.memory_space<vmem>>) target_semaphore(%arg16 : memref<!tpu.dma_semaphore, #tpu.memory_space<semaphore_mem>>)
      %dma_start3A_187 = arith.constant 0 : i32
      %dma_start3A_188 = tpu.memref_slice %arg4[%add3A, %add3A_180, %dma_start3A_187] : memref<32x80x125xi32, #tpu.memory_space<hbm>> -> memref<1x1x125xi32, #tpu.memory_space<hbm>>
      %dma_start3A_189 = tpu.memref_squeeze %dma_start3A_188 : memref<1x1x125xi32, #tpu.memory_space<hbm>> -> memref<125xi32, #tpu.memory_space<hbm>>
      %dma_start3A_190 = arith.constant 0 : i32
      %dma_start3A_191 = tpu.memref_slice %arg4[%add3A, %add3A_180, %dma_start3A_190] : memref<32x80x125xi32, #tpu.memory_space<hbm>> -> memref<1x1x125xi32, #tpu.memory_space<hbm>>
      %dma_start3A_192 = tpu.memref_squeeze %dma_start3A_191 : memref<1x1x125xi32, #tpu.memory_space<hbm>> -> memref<125xi32, #tpu.memory_space<hbm>>
      tpu.enqueue_dma source(%dma_start3A_192 : memref<125xi32, #tpu.memory_space<hbm>>) target(%arg10 : memref<125xi32, #tpu.memory_space<vmem>>) target_semaphore(%arg16 : memref<!tpu.dma_semaphore, #tpu.memory_space<semaphore_mem>>)
    }
    %scan3A_55 = arith.constant 39 : i32
    %dma_wait3A_56 = arith.constant 79 : i32
    %dma_wait3A_57 = arith.constant 0 : i32
    %dma_wait3A_58 = tpu.memref_slice %arg3[%add3A, %dma_wait3A_56, %dma_wait3A_57] : memref<32x80x125xi32, #tpu.memory_space<hbm>> -> memref<1x1x125xi32, #tpu.memory_space<hbm>>
    %dma_wait3A_59 = tpu.memref_squeeze %dma_wait3A_58 : memref<1x1x125xi32, #tpu.memory_space<hbm>> -> memref<125xi32, #tpu.memory_space<hbm>>
    %dma_wait3A_60 = arith.constant 0 : i32
    %dma_wait3A_61 = tpu.memref_slice %arg3[%add3A, %dma_wait3A_56, %dma_wait3A_60] : memref<32x80x125xi32, #tpu.memory_space<hbm>> -> memref<1x1x125xi32, #tpu.memory_space<hbm>>
    %dma_wait3A_62 = tpu.memref_squeeze %dma_wait3A_61 : memref<1x1x125xi32, #tpu.memory_space<hbm>> -> memref<125xi32, #tpu.memory_space<hbm>>
    tpu.wait_dma2 semaphore(%arg16 : memref<!tpu.dma_semaphore, #tpu.memory_space<semaphore_mem>>) src(%dma_wait3A_62 : memref<125xi32, #tpu.memory_space<hbm>>) dst(%arg8 : memref<125xi32, #tpu.memory_space<vmem>>)
    %dma_wait3A_63 = arith.constant 79 : i32
    %dma_wait3A_64 = arith.constant 0 : i32
    %dma_wait3A_65 = tpu.memref_slice %arg4[%add3A, %dma_wait3A_63, %dma_wait3A_64] : memref<32x80x125xi32, #tpu.memory_space<hbm>> -> memref<1x1x125xi32, #tpu.memory_space<hbm>>
    %dma_wait3A_66 = tpu.memref_squeeze %dma_wait3A_65 : memref<1x1x125xi32, #tpu.memory_space<hbm>> -> memref<125xi32, #tpu.memory_space<hbm>>
    %dma_wait3A_67 = arith.constant 0 : i32
    %dma_wait3A_68 = tpu.memref_slice %arg4[%add3A, %dma_wait3A_63, %dma_wait3A_67] : memref<32x80x125xi32, #tpu.memory_space<hbm>> -> memref<1x1x125xi32, #tpu.memory_space<hbm>>
    %dma_wait3A_69 = tpu.memref_squeeze %dma_wait3A_68 : memref<1x1x125xi32, #tpu.memory_space<hbm>> -> memref<125xi32, #tpu.memory_space<hbm>>
    tpu.wait_dma2 semaphore(%arg16 : memref<!tpu.dma_semaphore, #tpu.memory_space<semaphore_mem>>) src(%dma_wait3A_69 : memref<125xi32, #tpu.memory_space<hbm>>) dst(%arg10 : memref<125xi32, #tpu.memory_space<vmem>>)
    %dma_start3A_70 = arith.constant 1 : i32
    %dma_start3A_71 = arith.constant 0 : i32
    %dma_start3A_72 = arith.constant 0 : i32
    %dma_start3A_73 = tpu.memref_slice %arg11[%dma_start3A_70, %dma_start3A_71, %dma_start3A_72] : memref<2x125x128xf32, #tpu.memory_space<vmem>> -> memref<1x125x128xf32, #tpu.memory_space<vmem>>
    %dma_start3A_74 = tpu.memref_squeeze %dma_start3A_73 : memref<1x125x128xf32, #tpu.memory_space<vmem>> -> memref<125x128xf32, #tpu.memory_space<vmem>>
    %dma_start3A_75 = arith.constant 0 : i32
    %dma_start3A_76 = arith.constant 0 : i32
    %dma_start3A_77 = tpu.memref_slice %arg2[%dma_start3A_75, %dma_start3A_76] : memref<10000x128xf32, #tpu.memory_space<hbm>> -> memref<10000x128xf32, #tpu.memory_space<hbm>>
    tpu.enqueue_indirect_dma source(%dma_start3A_77 : memref<10000x128xf32, #tpu.memory_space<hbm>>) target(%dma_start3A_74 : memref<125x128xf32, #tpu.memory_space<vmem>>) offsets(%arg8 : memref<125xi32, #tpu.memory_space<vmem>>) semaphore(%arg14 : memref<!tpu.dma_semaphore, #tpu.memory_space<semaphore_mem>>)
    %dma_wait3A_78 = arith.constant 0 : i32
    %dma_wait3A_79 = arith.constant 0 : i32
    %dma_wait3A_80 = arith.constant 0 : i32
    %dma_wait3A_81 = tpu.memref_slice %arg11[%dma_wait3A_78, %dma_wait3A_79, %dma_wait3A_80] : memref<2x125x128xf32, #tpu.memory_space<vmem>> -> memref<1x125x128xf32, #tpu.memory_space<vmem>>
    %dma_wait3A_82 = tpu.memref_squeeze %dma_wait3A_81 : memref<1x125x128xf32, #tpu.memory_space<vmem>> -> memref<125x128xf32, #tpu.memory_space<vmem>>
    %dma_wait3A_83 = arith.constant 0 : i32
    %dma_wait3A_84 = arith.constant 0 : i32
    %dma_wait3A_85 = tpu.memref_slice %arg2[%dma_wait3A_83, %dma_wait3A_84] : memref<10000x128xf32, #tpu.memory_space<hbm>> -> memref<10000x128xf32, #tpu.memory_space<hbm>>
    tpu.wait_indirect_dma semaphore(%arg13 : memref<!tpu.dma_semaphore, #tpu.memory_space<semaphore_mem>>) src(%dma_wait3A_85 : memref<10000x128xf32, #tpu.memory_space<hbm>>) dst(%dma_wait3A_82 : memref<125x128xf32, #tpu.memory_space<vmem>>)
    %run_scoped3A = arith.constant 0 : i32
    "tpu.region"() ({
      %run_scoped3A_100 = tpu.sem_alloc : memref<!tpu.dma_semaphore, #tpu.memory_space<semaphore_mem>>
      %dma_start3A_101 = arith.constant 0 : i32
      %dma_start3A_102 = arith.constant 0 : i32
      %dma_start3A_103 = tpu.memref_slice %arg11[%run_scoped3A, %dma_start3A_101, %dma_start3A_102] : memref<2x125x128xf32, #tpu.memory_space<vmem>> -> memref<1x125x128xf32, #tpu.memory_space<vmem>>
      %dma_start3A_104 = tpu.memref_squeeze %dma_start3A_103 : memref<1x125x128xf32, #tpu.memory_space<vmem>> -> memref<125x128xf32, #tpu.memory_space<vmem>>
      %dma_start3A_105 = arith.constant 0 : i32
      %dma_start3A_106 = arith.constant 0 : i32
      %dma_start3A_107 = tpu.memref_slice %arg12[%dma_start3A_105, %dma_start3A_106] : memref<10240x128xf32, #tpu.memory_space<vmem_shared>> -> memref<10240x128xf32, #tpu.memory_space<vmem_shared>>
      tpu.enqueue_indirect_dma source(%dma_start3A_104 : memref<125x128xf32, #tpu.memory_space<vmem>>) target(%dma_start3A_107 : memref<10240x128xf32, #tpu.memory_space<vmem_shared>>) offsets(%arg9 : memref<125xi32, #tpu.memory_space<vmem>>) semaphore(%run_scoped3A_100 : memref<!tpu.dma_semaphore, #tpu.memory_space<semaphore_mem>>) {add = true}
      %dma_wait3A_108 = arith.constant 0 : i32
      %dma_wait3A_109 = arith.constant 0 : i32
      %dma_wait3A_110 = tpu.memref_slice %arg11[%run_scoped3A, %dma_wait3A_108, %dma_wait3A_109] : memref<2x125x128xf32, #tpu.memory_space<vmem>> -> memref<1x125x128xf32, #tpu.memory_space<vmem>>
      %dma_wait3A_111 = tpu.memref_squeeze %dma_wait3A_110 : memref<1x125x128xf32, #tpu.memory_space<vmem>> -> memref<125x128xf32, #tpu.memory_space<vmem>>
      %dma_wait3A_112 = arith.constant 0 : i32
      %dma_wait3A_113 = arith.constant 0 : i32
      %dma_wait3A_114 = tpu.memref_slice %arg12[%dma_wait3A_112, %dma_wait3A_113] : memref<10240x128xf32, #tpu.memory_space<vmem_shared>> -> memref<10240x128xf32, #tpu.memory_space<vmem_shared>>
      tpu.wait_indirect_dma semaphore(%run_scoped3A_100 : memref<!tpu.dma_semaphore, #tpu.memory_space<semaphore_mem>>) src(%dma_wait3A_111 : memref<125x128xf32, #tpu.memory_space<vmem>>) dst(%dma_wait3A_114 : memref<10240x128xf32, #tpu.memory_space<vmem_shared>>)
      tpu.yield
    }) : () -> ()
    %dma_wait3A_86 = arith.constant 1 : i32
    %dma_wait3A_87 = arith.constant 0 : i32
    %dma_wait3A_88 = arith.constant 0 : i32
    %dma_wait3A_89 = tpu.memref_slice %arg11[%dma_wait3A_86, %dma_wait3A_87, %dma_wait3A_88] : memref<2x125x128xf32, #tpu.memory_space<vmem>> -> memref<1x125x128xf32, #tpu.memory_space<vmem>>
    %dma_wait3A_90 = tpu.memref_squeeze %dma_wait3A_89 : memref<1x125x128xf32, #tpu.memory_space<vmem>> -> memref<125x128xf32, #tpu.memory_space<vmem>>
    %dma_wait3A_91 = arith.constant 0 : i32
    %dma_wait3A_92 = arith.constant 0 : i32
    %dma_wait3A_93 = tpu.memref_slice %arg2[%dma_wait3A_91, %dma_wait3A_92] : memref<10000x128xf32, #tpu.memory_space<hbm>> -> memref<10000x128xf32, #tpu.memory_space<hbm>>
    tpu.wait_indirect_dma semaphore(%arg14 : memref<!tpu.dma_semaphore, #tpu.memory_space<semaphore_mem>>) src(%dma_wait3A_93 : memref<10000x128xf32, #tpu.memory_space<hbm>>) dst(%dma_wait3A_90 : memref<125x128xf32, #tpu.memory_space<vmem>>)
    %run_scoped3A_94 = arith.constant 1 : i32
    "tpu.region"() ({
      %run_scoped3A_100 = tpu.sem_alloc : memref<!tpu.dma_semaphore, #tpu.memory_space<semaphore_mem>>
      %dma_start3A_101 = arith.constant 0 : i32
      %dma_start3A_102 = arith.constant 0 : i32
      %dma_start3A_103 = tpu.memref_slice %arg11[%run_scoped3A_94, %dma_start3A_101, %dma_start3A_102] : memref<2x125x128xf32, #tpu.memory_space<vmem>> -> memref<1x125x128xf32, #tpu.memory_space<vmem>>
      %dma_start3A_104 = tpu.memref_squeeze %dma_start3A_103 : memref<1x125x128xf32, #tpu.memory_space<vmem>> -> memref<125x128xf32, #tpu.memory_space<vmem>>
      %dma_start3A_105 = arith.constant 0 : i32
      %dma_start3A_106 = arith.constant 0 : i32
      %dma_start3A_107 = tpu.memref_slice %arg12[%dma_start3A_105, %dma_start3A_106] : memref<10240x128xf32, #tpu.memory_space<vmem_shared>> -> memref<10240x128xf32, #tpu.memory_space<vmem_shared>>
      tpu.enqueue_indirect_dma source(%dma_start3A_104 : memref<125x128xf32, #tpu.memory_space<vmem>>) target(%dma_start3A_107 : memref<10240x128xf32, #tpu.memory_space<vmem_shared>>) offsets(%arg10 : memref<125xi32, #tpu.memory_space<vmem>>) semaphore(%run_scoped3A_100 : memref<!tpu.dma_semaphore, #tpu.memory_space<semaphore_mem>>) {add = true}
      %dma_wait3A_108 = arith.constant 0 : i32
      %dma_wait3A_109 = arith.constant 0 : i32
      %dma_wait3A_110 = tpu.memref_slice %arg11[%run_scoped3A_94, %dma_wait3A_108, %dma_wait3A_109] : memref<2x125x128xf32, #tpu.memory_space<vmem>> -> memref<1x125x128xf32, #tpu.memory_space<vmem>>
      %dma_wait3A_111 = tpu.memref_squeeze %dma_wait3A_110 : memref<1x125x128xf32, #tpu.memory_space<vmem>> -> memref<125x128xf32, #tpu.memory_space<vmem>>
      %dma_wait3A_112 = arith.constant 0 : i32
      %dma_wait3A_113 = arith.constant 0 : i32
      %dma_wait3A_114 = tpu.memref_slice %arg12[%dma_wait3A_112, %dma_wait3A_113] : memref<10240x128xf32, #tpu.memory_space<vmem_shared>> -> memref<10240x128xf32, #tpu.memory_space<vmem_shared>>
      tpu.wait_indirect_dma semaphore(%run_scoped3A_100 : memref<!tpu.dma_semaphore, #tpu.memory_space<semaphore_mem>>) src(%dma_wait3A_111 : memref<125x128xf32, #tpu.memory_space<vmem>>) dst(%dma_wait3A_114 : memref<10240x128xf32, #tpu.memory_space<vmem_shared>>)
      tpu.yield
    }) : () -> ()
    %barrier3A_95 = arith.constant 0 : index
    tpu.barrier barrier_id(%barrier3A_95)
    %mul3A_96 = arith.constant 640 : i32
    %mul3A_97 = arith.muli %arg1, %mul3A_96 : i32
    %mul3A_98 = arith.constant 640 : i32
    %mul3A_99 = arith.muli %arg1, %mul3A_98 : i32
    "tpu.region"() ({
      %run_scoped3A_100 = tpu.sem_alloc : memref<!tpu.dma_semaphore, #tpu.memory_space<semaphore_mem>>
      %dma_start3A_101 = arith.constant 0 : i32
      %dma_start3A_102 = tpu.memref_slice %arg6[%arg0, %mul3A_99, %dma_start3A_101] : memref<2x10240x128xf32, #tpu.memory_space<hbm>> -> memref<1x640x128xf32, #tpu.memory_space<hbm>>
      %dma_start3A_103 = tpu.memref_squeeze %dma_start3A_102 : memref<1x640x128xf32, #tpu.memory_space<hbm>> -> memref<640x128xf32, #tpu.memory_space<hbm>>
      %dma_start3A_104 = arith.constant 0 : i32
      %dma_start3A_105 = tpu.memref_slice %arg12[%mul3A_97, %dma_start3A_104] : memref<10240x128xf32, #tpu.memory_space<vmem_shared>> -> memref<640x128xf32, #tpu.memory_space<vmem_shared>>
      tpu.enqueue_dma source(%dma_start3A_105 : memref<640x128xf32, #tpu.memory_space<vmem_shared>>) target(%dma_start3A_103 : memref<640x128xf32, #tpu.memory_space<hbm>>) target_semaphore(%run_scoped3A_100 : memref<!tpu.dma_semaphore, #tpu.memory_space<semaphore_mem>>)
      %dma_wait3A_106 = arith.constant 0 : i32
      %dma_wait3A_107 = tpu.memref_slice %arg6[%arg0, %mul3A_99, %dma_wait3A_106] : memref<2x10240x128xf32, #tpu.memory_space<hbm>> -> memref<1x640x128xf32, #tpu.memory_space<hbm>>
      %dma_wait3A_108 = tpu.memref_squeeze %dma_wait3A_107 : memref<1x640x128xf32, #tpu.memory_space<hbm>> -> memref<640x128xf32, #tpu.memory_space<hbm>>
      %dma_wait3A_109 = arith.constant 0 : i32
      %dma_wait3A_110 = tpu.memref_slice %arg12[%mul3A_97, %dma_wait3A_109] : memref<10240x128xf32, #tpu.memory_space<vmem_shared>> -> memref<640x128xf32, #tpu.memory_space<vmem_shared>>
      tpu.wait_dma2 semaphore(%run_scoped3A_100 : memref<!tpu.dma_semaphore, #tpu.memory_space<semaphore_mem>>) src(%dma_wait3A_110 : memref<640x128xf32, #tpu.memory_space<vmem_shared>>) dst(%dma_wait3A_108 : memref<640x128xf32, #tpu.memory_space<hbm>>)
      tpu.yield
    }) : () -> ()
    return
  }
}

module attributes {stable_mosaic.version = 14 : i64} {
  func.func @_base_body(%arg0: i32, %arg1: memref<400x128xf32, #tpu.memory_space<vmem>>, %arg2: memref<2x400x128xf32, #tpu.memory_space<vmem>>, %arg3: memref<2x400x128xf32, #tpu.memory_space<vmem>>, %arg4: memref<400x128xf32, #tpu.memory_space<vmem>>, %arg5: memref<128x256xf32, #tpu.memory_space<vmem>>, %arg6: memref<128x256xf32, #tpu.memory_space<vmem>>, %arg7: memref<128x256xf32, #tpu.memory_space<vmem>>, %arg8: memref<1x256xf32, #tpu.memory_space<vmem>>, %arg9: memref<400x256xf32, #tpu.memory_space<vmem>>, %arg10: memref<1x1x128xf32, #tpu.memory_space<vmem>>) attributes {dimension_semantics = [#tpu.dimension_semantics<arbitrary>], iteration_bounds = array<i64: 25>, scalar_prefetch = 0 : i64, scratch_operands = 0 : i64, tpu.core_type = #tpu.core_type<tc>, window_params = [{transform_indices = @transform_0, window_bounds = array<i64: 400, 128>}, {transform_indices = @transform_1, window_bounds = array<i64: 2, 400, 128>}, {transform_indices = @transform_2, window_bounds = array<i64: 2, 400, 128>}, {transform_indices = @transform_3, window_bounds = array<i64: 400, 128>}, {pipeline_mode = #tpu.pipeline_mode<synchronous>, transform_indices = @transform_4, window_bounds = array<i64: 128, 256>}, {pipeline_mode = #tpu.pipeline_mode<synchronous>, transform_indices = @transform_5, window_bounds = array<i64: 128, 256>}, {pipeline_mode = #tpu.pipeline_mode<synchronous>, transform_indices = @transform_6, window_bounds = array<i64: 128, 256>}, {pipeline_mode = #tpu.pipeline_mode<synchronous>, transform_indices = @transform_7, window_bounds = array<i64: 1, 256>}, {transform_indices = @transform_8, window_bounds = array<i64: 400, 256>}, {transform_indices = @transform_9, window_bounds = array<i64: 1, 1, 128>}]} {
    %get3A = arith.constant 0 : index
    %get3A_0 = arith.constant 0 : index
    %get3A_1 = vector.load %arg1[%get3A, %get3A_0] : memref<400x128xf32, #tpu.memory_space<vmem>>, vector<400x128xf32>
    %get3A_2 = arith.constant 0 : index
    %get3A_3 = arith.constant 0 : index
    %get3A_4 = vector.load %arg5[%get3A_2, %get3A_3] : memref<128x256xf32, #tpu.memory_space<vmem>>, vector<128x256xf32>
    %dot_general3A = arith.constant dense<0.000000e+00> : vector<400x256xf32>
    %dot_general3A_5 = tpu.matmul %get3A_1, %get3A_4, %dot_general3A {dimension_numbers = #tpu.dot_dimension_numbers<[1], [0], [0], [1], [0, 0, 1, 1], [], []>, transpose_lhs_hint = false} : vector<400x128xf32>, vector<128x256xf32>, vector<400x256xf32> -> vector<400x256xf32>
    %get3A_6 = arith.constant 0 : index
    %get3A_7 = arith.constant 0 : index
    %get3A_8 = arith.constant 0 : index
    %get3A_9 = vector.load %arg2[%get3A_6, %get3A_7, %get3A_8] : memref<2x400x128xf32, #tpu.memory_space<vmem>>, vector<1x400x128xf32>
    %get3A_10 = vector.shape_cast %get3A_9 : vector<1x400x128xf32> to vector<400x128xf32>
    %get3A_11 = arith.constant 1 : index
    %get3A_12 = arith.constant 0 : index
    %get3A_13 = arith.constant 0 : index
    %get3A_14 = vector.load %arg2[%get3A_11, %get3A_12, %get3A_13] : memref<2x400x128xf32, #tpu.memory_space<vmem>>, vector<1x400x128xf32>
    %get3A_15 = vector.shape_cast %get3A_14 : vector<1x400x128xf32> to vector<400x128xf32>
    %add3A = arith.addf %get3A_10, %get3A_15 : vector<400x128xf32>
    %get3A_16 = arith.constant 0 : index
    %get3A_17 = arith.constant 0 : index
    %get3A_18 = vector.load %arg6[%get3A_16, %get3A_17] : memref<128x256xf32, #tpu.memory_space<vmem>>, vector<128x256xf32>
    %dot_general3A_19 = arith.constant dense<0.000000e+00> : vector<400x256xf32>
    %dot_general3A_20 = tpu.matmul %add3A, %get3A_18, %dot_general3A_19 {dimension_numbers = #tpu.dot_dimension_numbers<[1], [0], [0], [1], [0, 0, 1, 1], [], []>, transpose_lhs_hint = false} : vector<400x128xf32>, vector<128x256xf32>, vector<400x256xf32> -> vector<400x256xf32>
    %add3A_21 = arith.addf %dot_general3A_5, %dot_general3A_20 : vector<400x256xf32>
    %get3A_22 = arith.constant 0 : index
    %get3A_23 = arith.constant 0 : index
    %get3A_24 = arith.constant 0 : index
    %get3A_25 = vector.load %arg3[%get3A_22, %get3A_23, %get3A_24] : memref<2x400x128xf32, #tpu.memory_space<vmem>>, vector<1x400x128xf32>
    %get3A_26 = vector.shape_cast %get3A_25 : vector<1x400x128xf32> to vector<400x128xf32>
    %get3A_27 = arith.constant 1 : index
    %get3A_28 = arith.constant 0 : index
    %get3A_29 = arith.constant 0 : index
    %get3A_30 = vector.load %arg3[%get3A_27, %get3A_28, %get3A_29] : memref<2x400x128xf32, #tpu.memory_space<vmem>>, vector<1x400x128xf32>
    %get3A_31 = vector.shape_cast %get3A_30 : vector<1x400x128xf32> to vector<400x128xf32>
    %add3A_32 = arith.addf %get3A_26, %get3A_31 : vector<400x128xf32>
    %get3A_33 = arith.constant 0 : index
    %get3A_34 = arith.constant 0 : index
    %get3A_35 = vector.load %arg7[%get3A_33, %get3A_34] : memref<128x256xf32, #tpu.memory_space<vmem>>, vector<128x256xf32>
    %dot_general3A_36 = arith.constant dense<0.000000e+00> : vector<400x256xf32>
    %dot_general3A_37 = tpu.matmul %add3A_32, %get3A_35, %dot_general3A_36 {dimension_numbers = #tpu.dot_dimension_numbers<[1], [0], [0], [1], [0, 0, 1, 1], [], []>, transpose_lhs_hint = false} : vector<400x128xf32>, vector<128x256xf32>, vector<400x256xf32> -> vector<400x256xf32>
    %add3A_38 = arith.addf %add3A_21, %dot_general3A_37 : vector<400x256xf32>
    %get3A_39 = arith.constant 0 : index
    %get3A_40 = arith.constant 0 : index
    %get3A_41 = vector.load %arg8[%get3A_39, %get3A_40] : memref<1x256xf32, #tpu.memory_space<vmem>>, vector<1x256xf32>
    %add3A_42 = vector.broadcast %get3A_41 : vector<1x256xf32> to vector<400x256xf32>
    %add3A_43 = arith.addf %add3A_38, %add3A_42 : vector<400x256xf32>
    %swap3A = arith.constant 0 : index
    %swap3A_44 = arith.constant 0 : index
    %swap3A_45 = vector.load %arg9[%swap3A, %swap3A_44] : memref<400x256xf32, #tpu.memory_space<vmem>>, vector<400x256xf32>
    tpu.vector_store %arg9[%swap3A, %swap3A_44], %add3A_43 {strides = array<i32>} : memref<400x256xf32, #tpu.memory_space<vmem>>, vector<400x256xf32>,
    %get3A_46 = arith.constant 0 : index
    %get3A_47 = arith.constant 0 : index
    %get3A_48 = vector.load %arg4[%get3A_46, %get3A_47] : memref<400x128xf32, #tpu.memory_space<vmem>>, vector<400x128xf32>
    %broadcast_in_dim3A = arith.constant 1.000000e+00 : f32
    %broadcast_in_dim3A_49 = vector.broadcast %broadcast_in_dim3A : f32 to vector<400x128xf32>
    %sub3A = arith.subf %get3A_48, %broadcast_in_dim3A_49 : vector<400x128xf32>
    %square3A = arith.mulf %sub3A, %sub3A : vector<400x128xf32>
    %reduce_sum3A = arith.constant dense<0.000000e+00> : vector<400xf32>
    %reduce_sum3A_50 = vector.multi_reduction <add>, %square3A, %reduce_sum3A [1] : vector<400x128xf32> to vector<400xf32>
    %sqrt3A = math.sqrt %reduce_sum3A_50 : vector<400xf32>
    %square3A_51 = arith.mulf %broadcast_in_dim3A_49, %broadcast_in_dim3A_49 : vector<400x128xf32>
    %reduce_sum3A_52 = arith.constant dense<0.000000e+00> : vector<400xf32>
    %reduce_sum3A_53 = vector.multi_reduction <add>, %square3A_51, %reduce_sum3A_52 [1] : vector<400x128xf32> to vector<400xf32>
    %sqrt3A_54 = math.sqrt %reduce_sum3A_53 : vector<400xf32>
    %mul3A = arith.constant 0.00999999977 : f32
    %mul3A_55 = vector.broadcast %mul3A : f32 to vector<400xf32>
    %mul3A_56 = arith.mulf %mul3A_55, %sqrt3A_54 : vector<400xf32>
    %gt3A = arith.cmpf ogt, %sqrt3A, %mul3A_56 : vector<400xf32>
    %reduce_or3A = arith.constant 1.000000e+00 : f32
    %reduce_or3A_57 = arith.constant 0.000000e+00 : f32
    %reduce_or3A_58 = vector.broadcast %reduce_or3A : f32 to vector<400xf32>
    %reduce_or3A_59 = vector.broadcast %reduce_or3A_57 : f32 to vector<400xf32>
    %reduce_or3A_60 = arith.select %gt3A, %reduce_or3A_58, %reduce_or3A_59 : vector<400xi1>, vector<400xf32>
    %reduce_or3A_61 = vector.shape_cast %reduce_or3A_60 : vector<400xf32> to vector<1x400xf32>
    %reduce_or3A_62 = arith.constant dense<0xFF800000> : vector<1xf32>
    %reduce_or3A_63 = vector.multi_reduction <maximumf>, %reduce_or3A_61, %reduce_or3A_62 [1] : vector<1x400xf32> to vector<1xf32>
    %reduce_or3A_64 = vector.shape_cast %reduce_or3A_63 : vector<1xf32> to vector<1x1xf32>
    %reduce_or3A_65 = vector.extract %reduce_or3A_64[0, 0] : f32 from vector<1x1xf32>
    %reduce_or3A_66 = arith.constant 0.000000e+00 : f32
    %reduce_or3A_67 = arith.cmpf ogt, %reduce_or3A_65, %reduce_or3A_66 : f32
    %jit3A = arith.constant 1.000000e+00 : f32
    %jit3A_68 = arith.constant 0.000000e+00 : f32
    %select_n3A = arith.select %reduce_or3A_67, %jit3A, %jit3A_68 : f32
    %broadcast_in_dim3A_69 = arith.constant 1.000000e+00 : f32
    %broadcast_in_dim3A_70 = vector.broadcast %broadcast_in_dim3A_69 : f32 to vector<128xf32>
    %mul3A_71 = vector.broadcast %select_n3A : f32 to vector<128xf32>
    %mul3A_72 = arith.mulf %mul3A_71, %broadcast_in_dim3A_70 : vector<128xf32>
    %swap3A_73 = arith.constant 0 : index
    %swap3A_74 = arith.constant 0 : index
    %swap3A_75 = arith.constant 0 : index
    %swap3A_76 = vector.load %arg10[%swap3A_73, %swap3A_74, %swap3A_75] : memref<1x1x128xf32, #tpu.memory_space<vmem>>, vector<1x1x128xf32>
    %swap3A_77 = vector.shape_cast %swap3A_76 : vector<1x1x128xf32> to vector<128xf32>
    %swap3A_78 = vector.shape_cast %mul3A_72 : vector<128xf32> to vector<1x1x128xf32>
    tpu.vector_store %arg10[%swap3A_73, %swap3A_74, %swap3A_75], %swap3A_78 {strides = array<i32>} : memref<1x1x128xf32, #tpu.memory_space<vmem>>, vector<1x1x128xf32>,
    return
  }
  func.func @transform_0(%arg0: i32) -> (i32, i32) {
    %c0_i32 = arith.constant 0 : i32
    %c0_i32_0 = arith.constant 0 : i32
    return %arg0, %c0_i32 : i32, i32
  }
  func.func @transform_1(%arg0: i32) -> (i32, i32, i32) {
    %c0_i32 = arith.constant 0 : i32
    %c0_i32_0 = arith.constant 0 : i32
    %c0_i32_1 = arith.constant 0 : i32
    return %c0_i32, %arg0, %c0_i32_0 : i32, i32, i32
  }
  func.func @transform_2(%arg0: i32) -> (i32, i32, i32) {
    %c0_i32 = arith.constant 0 : i32
    %c0_i32_0 = arith.constant 0 : i32
    %c0_i32_1 = arith.constant 0 : i32
    return %c0_i32, %arg0, %c0_i32_0 : i32, i32, i32
  }
  func.func @transform_3(%arg0: i32) -> (i32, i32) {
    %c0_i32 = arith.constant 0 : i32
    %c0_i32_0 = arith.constant 0 : i32
    return %arg0, %c0_i32 : i32, i32
  }
  func.func @transform_4(%arg0: i32) -> (i32, i32) {
    %c0_i32 = arith.constant 0 : i32
    %c0_i32_0 = arith.constant 0 : i32
    %c0_i32_1 = arith.constant 0 : i32
    return %c0_i32, %c0_i32_0 : i32, i32
  }
  func.func @transform_5(%arg0: i32) -> (i32, i32) {
    %c0_i32 = arith.constant 0 : i32
    %c0_i32_0 = arith.constant 0 : i32
    %c0_i32_1 = arith.constant 0 : i32
    return %c0_i32, %c0_i32_0 : i32, i32
  }
  func.func @transform_6(%arg0: i32) -> (i32, i32) {
    %c0_i32 = arith.constant 0 : i32
    %c0_i32_0 = arith.constant 0 : i32
    %c0_i32_1 = arith.constant 0 : i32
    return %c0_i32, %c0_i32_0 : i32, i32
  }
  func.func @transform_7(%arg0: i32) -> (i32, i32) {
    %c0_i32 = arith.constant 0 : i32
    %c0_i32_0 = arith.constant 0 : i32
    %c0_i32_1 = arith.constant 0 : i32
    return %c0_i32, %c0_i32_0 : i32, i32
  }
  func.func @transform_8(%arg0: i32) -> (i32, i32) {
    %c0_i32 = arith.constant 0 : i32
    %c0_i32_0 = arith.constant 0 : i32
    return %arg0, %c0_i32 : i32, i32
  }
  func.func @transform_9(%arg0: i32) -> (i32, i32, i32) {
    %c0_i32 = arith.constant 0 : i32
    %c0_i32_0 = arith.constant 0 : i32
    %c0_i32_1 = arith.constant 0 : i32
    return %arg0, %c0_i32, %c0_i32_0 : i32, i32, i32
  }
}

module attributes {stable_mosaic.version = 14 : i64} {
  func.func @_mlp_body(%arg0: i32, %arg1: memref<400x256xf32, #tpu.memory_space<vmem>>, %arg2: memref<400x128xf32, #tpu.memory_space<vmem>>, %arg3: memref<400x128xf32, #tpu.memory_space<vmem>>, %arg4: memref<2x400x128xf32, #tpu.memory_space<vmem>>, %arg5: memref<25x1x128xf32, #tpu.memory_space<vmem>>, %arg6: memref<128x256xf32, #tpu.memory_space<vmem>>, %arg7: memref<128x256xf32, #tpu.memory_space<vmem>>, %arg8: memref<256x128xf32, #tpu.memory_space<vmem>>, %arg9: memref<1x128xf32, #tpu.memory_space<vmem>>, %arg10: memref<400x128xf32, #tpu.memory_space<vmem>>, %arg11: memref<400x128xf32, #tpu.memory_space<vmem>>, %arg12: memref<1x1x128xf32, #tpu.memory_space<vmem>>) attributes {dimension_semantics = [#tpu.dimension_semantics<arbitrary>], iteration_bounds = array<i64: 25>, scalar_prefetch = 0 : i64, scratch_operands = 0 : i64, tpu.core_type = #tpu.core_type<tc>, window_params = [{transform_indices = @transform_0, window_bounds = array<i64: 400, 256>}, {transform_indices = @transform_1, window_bounds = array<i64: 400, 128>}, {transform_indices = @transform_2, window_bounds = array<i64: 400, 128>}, {transform_indices = @transform_3, window_bounds = array<i64: 2, 400, 128>}, {pipeline_mode = #tpu.pipeline_mode<synchronous>, transform_indices = @transform_4, window_bounds = array<i64: 25, 1, 128>}, {pipeline_mode = #tpu.pipeline_mode<synchronous>, transform_indices = @transform_5, window_bounds = array<i64: 128, 256>}, {pipeline_mode = #tpu.pipeline_mode<synchronous>, transform_indices = @transform_6, window_bounds = array<i64: 128, 256>}, {pipeline_mode = #tpu.pipeline_mode<synchronous>, transform_indices = @transform_7, window_bounds = array<i64: 256, 128>}, {pipeline_mode = #tpu.pipeline_mode<synchronous>, transform_indices = @transform_8, window_bounds = array<i64: 1, 128>}, {transform_indices = @transform_9, window_bounds = array<i64: 400, 128>}, {transform_indices = @transform_10, window_bounds = array<i64: 400, 128>}, {transform_indices = @transform_11, window_bounds = array<i64: 1, 1, 128>}]} {
    %get3A = arith.constant 0 : index
    %get3A_0 = arith.constant 0 : index
    %get3A_1 = arith.constant 0 : index
    %get3A_2 = vector.load %arg5[%get3A, %get3A_0, %get3A_1] : memref<25x1x128xf32, #tpu.memory_space<vmem>>, vector<25x1x128xf32>
    %reduce_max3A = vector.shape_cast %get3A_2 : vector<25x1x128xf32> to vector<1x25x1x128xf32>
    %reduce_max3A_3 = arith.constant dense<0xFF800000> : vector<1xf32>
    %reduce_max3A_4 = vector.multi_reduction <maximumf>, %reduce_max3A, %reduce_max3A_3 [1, 2, 3] : vector<1x25x1x128xf32> to vector<1xf32>
    %reduce_max3A_5 = vector.shape_cast %reduce_max3A_4 : vector<1xf32> to vector<1x1x1x1xf32>
    %reduce_max3A_6 = vector.extract %reduce_max3A_5[0, 0, 0, 0] : f32 from vector<1x1x1x1xf32>
    %gt3A = arith.constant 5.000000e-01 : f32
    %gt3A_7 = arith.cmpf ogt, %reduce_max3A_6, %gt3A : f32
    %get3A_8 = arith.constant 0 : index
    %get3A_9 = arith.constant 0 : index
    %get3A_10 = arith.constant 0 : index
    %get3A_11 = vector.load %arg4[%get3A_8, %get3A_9, %get3A_10] : memref<2x400x128xf32, #tpu.memory_space<vmem>>, vector<1x400x128xf32>
    %get3A_12 = vector.shape_cast %get3A_11 : vector<1x400x128xf32> to vector<400x128xf32>
    %get3A_13 = arith.constant 1 : index
    %get3A_14 = arith.constant 0 : index
    %get3A_15 = arith.constant 0 : index
    %get3A_16 = vector.load %arg4[%get3A_13, %get3A_14, %get3A_15] : memref<2x400x128xf32, #tpu.memory_space<vmem>>, vector<1x400x128xf32>
    %get3A_17 = vector.shape_cast %get3A_16 : vector<1x400x128xf32> to vector<400x128xf32>
    %add3A = arith.addf %get3A_12, %get3A_17 : vector<400x128xf32>
    %get3A_18 = arith.constant 0 : index
    %get3A_19 = arith.constant 0 : index
    %get3A_20 = vector.load %arg1[%get3A_18, %get3A_19] : memref<400x256xf32, #tpu.memory_space<vmem>>, vector<400x256xf32>
    %get3A_21 = arith.constant 0 : index
    %get3A_22 = arith.constant 0 : index
    %get3A_23 = vector.load %arg2[%get3A_21, %get3A_22] : memref<400x128xf32, #tpu.memory_space<vmem>>, vector<400x128xf32>
    %get3A_24 = arith.constant 0 : index
    %get3A_25 = arith.constant 0 : index
    %get3A_26 = vector.load %arg6[%get3A_24, %get3A_25] : memref<128x256xf32, #tpu.memory_space<vmem>>, vector<128x256xf32>
    %dot_general3A = arith.constant dense<0.000000e+00> : vector<400x256xf32>
    %dot_general3A_27 = tpu.matmul %get3A_23, %get3A_26, %dot_general3A {dimension_numbers = #tpu.dot_dimension_numbers<[1], [0], [0], [1], [0, 0, 1, 1], [], []>, transpose_lhs_hint = false} : vector<400x128xf32>, vector<128x256xf32>, vector<400x256xf32> -> vector<400x256xf32>
    %add3A_28 = arith.addf %get3A_20, %dot_general3A_27 : vector<400x256xf32>
    %get3A_29 = arith.constant 0 : index
    %get3A_30 = arith.constant 0 : index
    %get3A_31 = vector.load %arg7[%get3A_29, %get3A_30] : memref<128x256xf32, #tpu.memory_space<vmem>>, vector<128x256xf32>
    %dot_general3A_32 = arith.constant dense<0.000000e+00> : vector<400x256xf32>
    %dot_general3A_33 = tpu.matmul %add3A, %get3A_31, %dot_general3A_32 {dimension_numbers = #tpu.dot_dimension_numbers<[1], [0], [0], [1], [0, 0, 1, 1], [], []>, transpose_lhs_hint = false} : vector<400x128xf32>, vector<128x256xf32>, vector<400x256xf32> -> vector<400x256xf32>
    %add3A_34 = arith.addf %add3A_28, %dot_general3A_33 : vector<400x256xf32>
    %tanh3A = math.tanh %add3A_34 : vector<400x256xf32>
    %get3A_35 = arith.constant 0 : index
    %get3A_36 = arith.constant 0 : index
    %get3A_37 = vector.load %arg8[%get3A_35, %get3A_36] : memref<256x128xf32, #tpu.memory_space<vmem>>, vector<256x128xf32>
    %dot_general3A_38 = arith.constant dense<0.000000e+00> : vector<400x128xf32>
    %dot_general3A_39 = tpu.matmul %tanh3A, %get3A_37, %dot_general3A_38 {dimension_numbers = #tpu.dot_dimension_numbers<[1], [0], [0], [1], [0, 0, 1, 1], [], []>, transpose_lhs_hint = false} : vector<400x256xf32>, vector<256x128xf32>, vector<400x128xf32> -> vector<400x128xf32>
    %get3A_40 = arith.constant 0 : index
    %get3A_41 = arith.constant 0 : index
    %get3A_42 = vector.load %arg9[%get3A_40, %get3A_41] : memref<1x128xf32, #tpu.memory_space<vmem>>, vector<1x128xf32>
    %add3A_43 = vector.broadcast %get3A_42 : vector<1x128xf32> to vector<400x128xf32>
    %add3A_44 = arith.addf %dot_general3A_39, %add3A_43 : vector<400x128xf32>
    %tanh3A_45 = math.tanh %add3A_44 : vector<400x128xf32>
    %get3A_46 = arith.constant 0 : index
    %get3A_47 = arith.constant 0 : index
    %get3A_48 = vector.load %arg2[%get3A_46, %get3A_47] : memref<400x128xf32, #tpu.memory_space<vmem>>, vector<400x128xf32>
    %select_n3A = arith.select %gt3A_7, %tanh3A_45, %get3A_48 : vector<400x128xf32>
    %get3A_49 = arith.constant 0 : index
    %get3A_50 = arith.constant 0 : index
    %get3A_51 = vector.load %arg2[%get3A_49, %get3A_50] : memref<400x128xf32, #tpu.memory_space<vmem>>, vector<400x128xf32>
    %get3A_52 = arith.constant 0 : index
    %get3A_53 = arith.constant 0 : index
    %get3A_54 = vector.load %arg3[%get3A_52, %get3A_53] : memref<400x128xf32, #tpu.memory_space<vmem>>, vector<400x128xf32>
    %select_n3A_55 = arith.select %gt3A_7, %get3A_51, %get3A_54 : vector<400x128xf32>
    %swap3A = arith.constant 0 : index
    %swap3A_56 = arith.constant 0 : index
    %swap3A_57 = vector.load %arg10[%swap3A, %swap3A_56] : memref<400x128xf32, #tpu.memory_space<vmem>>, vector<400x128xf32>
    tpu.vector_store %arg10[%swap3A, %swap3A_56], %select_n3A {strides = array<i32>} : memref<400x128xf32, #tpu.memory_space<vmem>>, vector<400x128xf32>,
    %swap3A_58 = arith.constant 0 : index
    %swap3A_59 = arith.constant 0 : index
    %swap3A_60 = vector.load %arg11[%swap3A_58, %swap3A_59] : memref<400x128xf32, #tpu.memory_space<vmem>>, vector<400x128xf32>
    tpu.vector_store %arg11[%swap3A_58, %swap3A_59], %select_n3A_55 {strides = array<i32>} : memref<400x128xf32, #tpu.memory_space<vmem>>, vector<400x128xf32>,
    %sub3A = arith.subf %select_n3A, %select_n3A_55 : vector<400x128xf32>
    %square3A = arith.mulf %sub3A, %sub3A : vector<400x128xf32>
    %reduce_sum3A = arith.constant dense<0.000000e+00> : vector<400xf32>
    %reduce_sum3A_61 = vector.multi_reduction <add>, %square3A, %reduce_sum3A [1] : vector<400x128xf32> to vector<400xf32>
    %sqrt3A = math.sqrt %reduce_sum3A_61 : vector<400xf32>
    %square3A_62 = arith.mulf %select_n3A_55, %select_n3A_55 : vector<400x128xf32>
    %reduce_sum3A_63 = arith.constant dense<0.000000e+00> : vector<400xf32>
    %reduce_sum3A_64 = vector.multi_reduction <add>, %square3A_62, %reduce_sum3A_63 [1] : vector<400x128xf32> to vector<400xf32>
    %sqrt3A_65 = math.sqrt %reduce_sum3A_64 : vector<400xf32>
    %mul3A = arith.constant 0.00999999977 : f32
    %mul3A_66 = vector.broadcast %mul3A : f32 to vector<400xf32>
    %mul3A_67 = arith.mulf %mul3A_66, %sqrt3A_65 : vector<400xf32>
    %gt3A_68 = arith.cmpf ogt, %sqrt3A, %mul3A_67 : vector<400xf32>
    %reduce_or3A = arith.constant 1.000000e+00 : f32
    %reduce_or3A_69 = arith.constant 0.000000e+00 : f32
    %reduce_or3A_70 = vector.broadcast %reduce_or3A : f32 to vector<400xf32>
    %reduce_or3A_71 = vector.broadcast %reduce_or3A_69 : f32 to vector<400xf32>
    %reduce_or3A_72 = arith.select %gt3A_68, %reduce_or3A_70, %reduce_or3A_71 : vector<400xi1>, vector<400xf32>
    %reduce_or3A_73 = vector.shape_cast %reduce_or3A_72 : vector<400xf32> to vector<1x400xf32>
    %reduce_or3A_74 = arith.constant dense<0xFF800000> : vector<1xf32>
    %reduce_or3A_75 = vector.multi_reduction <maximumf>, %reduce_or3A_73, %reduce_or3A_74 [1] : vector<1x400xf32> to vector<1xf32>
    %reduce_or3A_76 = vector.shape_cast %reduce_or3A_75 : vector<1xf32> to vector<1x1xf32>
    %reduce_or3A_77 = vector.extract %reduce_or3A_76[0, 0] : f32 from vector<1x1xf32>
    %reduce_or3A_78 = arith.constant 0.000000e+00 : f32
    %reduce_or3A_79 = arith.cmpf ogt, %reduce_or3A_77, %reduce_or3A_78 : f32
    %jit3A = arith.constant 1.000000e+00 : f32
    %jit3A_80 = arith.constant 0.000000e+00 : f32
    %select_n3A_81 = arith.select %reduce_or3A_79, %jit3A, %jit3A_80 : f32
    %broadcast_in_dim3A = arith.constant 1.000000e+00 : f32
    %broadcast_in_dim3A_82 = vector.broadcast %broadcast_in_dim3A : f32 to vector<128xf32>
    %mul3A_83 = vector.broadcast %select_n3A_81 : f32 to vector<128xf32>
    %mul3A_84 = arith.mulf %mul3A_83, %broadcast_in_dim3A_82 : vector<128xf32>
    %swap3A_85 = arith.constant 0 : index
    %swap3A_86 = arith.constant 0 : index
    %swap3A_87 = arith.constant 0 : index
    %swap3A_88 = vector.load %arg12[%swap3A_85, %swap3A_86, %swap3A_87] : memref<1x1x128xf32, #tpu.memory_space<vmem>>, vector<1x1x128xf32>
    %swap3A_89 = vector.shape_cast %swap3A_88 : vector<1x1x128xf32> to vector<128xf32>
    %swap3A_90 = vector.shape_cast %mul3A_84 : vector<128xf32> to vector<1x1x128xf32>
    tpu.vector_store %arg12[%swap3A_85, %swap3A_86, %swap3A_87], %swap3A_90 {strides = array<i32>} : memref<1x1x128xf32, #tpu.memory_space<vmem>>, vector<1x1x128xf32>,
    return
  }
  func.func @transform_0(%arg0: i32) -> (i32, i32) {
    %c0_i32 = arith.constant 0 : i32
    %c0_i32_0 = arith.constant 0 : i32
    return %arg0, %c0_i32 : i32, i32
  }
  func.func @transform_1(%arg0: i32) -> (i32, i32) {
    %c0_i32 = arith.constant 0 : i32
    %c0_i32_0 = arith.constant 0 : i32
    return %arg0, %c0_i32 : i32, i32
  }
  func.func @transform_2(%arg0: i32) -> (i32, i32) {
    %c0_i32 = arith.constant 0 : i32
    %c0_i32_0 = arith.constant 0 : i32
    return %arg0, %c0_i32 : i32, i32
  }
  func.func @transform_3(%arg0: i32) -> (i32, i32, i32) {
    %c0_i32 = arith.constant 0 : i32
    %c0_i32_0 = arith.constant 0 : i32
    %c0_i32_1 = arith.constant 0 : i32
    return %c0_i32, %arg0, %c0_i32_0 : i32, i32, i32
  }
  func.func @transform_4(%arg0: i32) -> (i32, i32, i32) {
    %c0_i32 = arith.constant 0 : i32
    %c0_i32_0 = arith.constant 0 : i32
    %c0_i32_1 = arith.constant 0 : i32
    %c0_i32_2 = arith.constant 0 : i32
    return %c0_i32, %c0_i32_0, %c0_i32_1 : i32, i32, i32
  }
  func.func @transform_5(%arg0: i32) -> (i32, i32) {
    %c0_i32 = arith.constant 0 : i32
    %c0_i32_0 = arith.constant 0 : i32
    %c0_i32_1 = arith.constant 0 : i32
    return %c0_i32, %c0_i32_0 : i32, i32
  }
  func.func @transform_6(%arg0: i32) -> (i32, i32) {
    %c0_i32 = arith.constant 0 : i32
    %c0_i32_0 = arith.constant 0 : i32
    %c0_i32_1 = arith.constant 0 : i32
    return %c0_i32, %c0_i32_0 : i32, i32
  }
  func.func @transform_7(%arg0: i32) -> (i32, i32) {
    %c0_i32 = arith.constant 0 : i32
    %c0_i32_0 = arith.constant 0 : i32
    %c0_i32_1 = arith.constant 0 : i32
    return %c0_i32, %c0_i32_0 : i32, i32
  }
  func.func @transform_8(%arg0: i32) -> (i32, i32) {
    %c0_i32 = arith.constant 0 : i32
    %c0_i32_0 = arith.constant 0 : i32
    %c0_i32_1 = arith.constant 0 : i32
    return %c0_i32, %c0_i32_0 : i32, i32
  }
  func.func @transform_9(%arg0: i32) -> (i32, i32) {
    %c0_i32 = arith.constant 0 : i32
    %c0_i32_0 = arith.constant 0 : i32
    return %arg0, %c0_i32 : i32, i32
  }
  func.func @transform_10(%arg0: i32) -> (i32, i32) {
    %c0_i32 = arith.constant 0 : i32
    %c0_i32_0 = arith.constant 0 : i32
    return %arg0, %c0_i32 : i32, i32
  }
  func.func @transform_11(%arg0: i32) -> (i32, i32, i32) {
    %c0_i32 = arith.constant 0 : i32
    %c0_i32_0 = arith.constant 0 : i32
    %c0_i32_1 = arith.constant 0 : i32
    return %arg0, %c0_i32, %c0_i32_0 : i32, i32, i32
  }
}

module attributes {stable_mosaic.version = 14 : i64} {
  func.func @_mlp_body(%arg0: i32, %arg1: memref<400x256xf32, #tpu.memory_space<vmem>>, %arg2: memref<400x128xf32, #tpu.memory_space<vmem>>, %arg3: memref<400x128xf32, #tpu.memory_space<vmem>>, %arg4: memref<2x400x128xf32, #tpu.memory_space<vmem>>, %arg5: memref<25x1x128xf32, #tpu.memory_space<vmem>>, %arg6: memref<128x256xf32, #tpu.memory_space<vmem>>, %arg7: memref<128x256xf32, #tpu.memory_space<vmem>>, %arg8: memref<256x128xf32, #tpu.memory_space<vmem>>, %arg9: memref<1x128xf32, #tpu.memory_space<vmem>>, %arg10: memref<400x128xf32, #tpu.memory_space<vmem>>, %arg11: memref<400x128xf32, #tpu.memory_space<vmem>>, %arg12: memref<1x1x128xf32, #tpu.memory_space<vmem>>) attributes {dimension_semantics = [#tpu.dimension_semantics<arbitrary>], iteration_bounds = array<i64: 25>, scalar_prefetch = 0 : i64, scratch_operands = 0 : i64, tpu.core_type = #tpu.core_type<tc>, window_params = [{transform_indices = @transform_0, window_bounds = array<i64: 400, 256>}, {transform_indices = @transform_1, window_bounds = array<i64: 400, 128>}, {transform_indices = @transform_2, window_bounds = array<i64: 400, 128>}, {transform_indices = @transform_3, window_bounds = array<i64: 2, 400, 128>}, {pipeline_mode = #tpu.pipeline_mode<synchronous>, transform_indices = @transform_4, window_bounds = array<i64: 25, 1, 128>}, {pipeline_mode = #tpu.pipeline_mode<synchronous>, transform_indices = @transform_5, window_bounds = array<i64: 128, 256>}, {pipeline_mode = #tpu.pipeline_mode<synchronous>, transform_indices = @transform_6, window_bounds = array<i64: 128, 256>}, {pipeline_mode = #tpu.pipeline_mode<synchronous>, transform_indices = @transform_7, window_bounds = array<i64: 256, 128>}, {pipeline_mode = #tpu.pipeline_mode<synchronous>, transform_indices = @transform_8, window_bounds = array<i64: 1, 128>}, {transform_indices = @transform_9, window_bounds = array<i64: 400, 128>}, {transform_indices = @transform_10, window_bounds = array<i64: 400, 128>}, {transform_indices = @transform_11, window_bounds = array<i64: 1, 1, 128>}]} {
    %get3A = arith.constant 0 : index
    %get3A_0 = arith.constant 0 : index
    %get3A_1 = arith.constant 0 : index
    %get3A_2 = vector.load %arg5[%get3A, %get3A_0, %get3A_1] : memref<25x1x128xf32, #tpu.memory_space<vmem>>, vector<25x1x128xf32>
    %reduce_max3A = vector.shape_cast %get3A_2 : vector<25x1x128xf32> to vector<1x25x1x128xf32>
    %reduce_max3A_3 = arith.constant dense<0xFF800000> : vector<1xf32>
    %reduce_max3A_4 = vector.multi_reduction <maximumf>, %reduce_max3A, %reduce_max3A_3 [1, 2, 3] : vector<1x25x1x128xf32> to vector<1xf32>
    %reduce_max3A_5 = vector.shape_cast %reduce_max3A_4 : vector<1xf32> to vector<1x1x1x1xf32>
    %reduce_max3A_6 = vector.extract %reduce_max3A_5[0, 0, 0, 0] : f32 from vector<1x1x1x1xf32>
    %gt3A = arith.constant 5.000000e-01 : f32
    %gt3A_7 = arith.cmpf ogt, %reduce_max3A_6, %gt3A : f32
    %get3A_8 = arith.constant 0 : index
    %get3A_9 = arith.constant 0 : index
    %get3A_10 = arith.constant 0 : index
    %get3A_11 = vector.load %arg4[%get3A_8, %get3A_9, %get3A_10] : memref<2x400x128xf32, #tpu.memory_space<vmem>>, vector<1x400x128xf32>
    %get3A_12 = vector.shape_cast %get3A_11 : vector<1x400x128xf32> to vector<400x128xf32>
    %get3A_13 = arith.constant 1 : index
    %get3A_14 = arith.constant 0 : index
    %get3A_15 = arith.constant 0 : index
    %get3A_16 = vector.load %arg4[%get3A_13, %get3A_14, %get3A_15] : memref<2x400x128xf32, #tpu.memory_space<vmem>>, vector<1x400x128xf32>
    %get3A_17 = vector.shape_cast %get3A_16 : vector<1x400x128xf32> to vector<400x128xf32>
    %add3A = arith.addf %get3A_12, %get3A_17 : vector<400x128xf32>
    %get3A_18 = arith.constant 0 : index
    %get3A_19 = arith.constant 0 : index
    %get3A_20 = vector.load %arg1[%get3A_18, %get3A_19] : memref<400x256xf32, #tpu.memory_space<vmem>>, vector<400x256xf32>
    %get3A_21 = arith.constant 0 : index
    %get3A_22 = arith.constant 0 : index
    %get3A_23 = vector.load %arg2[%get3A_21, %get3A_22] : memref<400x128xf32, #tpu.memory_space<vmem>>, vector<400x128xf32>
    %get3A_24 = arith.constant 0 : index
    %get3A_25 = arith.constant 0 : index
    %get3A_26 = vector.load %arg6[%get3A_24, %get3A_25] : memref<128x256xf32, #tpu.memory_space<vmem>>, vector<128x256xf32>
    %dot_general3A = arith.constant dense<0.000000e+00> : vector<400x256xf32>
    %dot_general3A_27 = tpu.matmul %get3A_23, %get3A_26, %dot_general3A {dimension_numbers = #tpu.dot_dimension_numbers<[1], [0], [0], [1], [0, 0, 1, 1], [], []>, transpose_lhs_hint = false} : vector<400x128xf32>, vector<128x256xf32>, vector<400x256xf32> -> vector<400x256xf32>
    %add3A_28 = arith.addf %get3A_20, %dot_general3A_27 : vector<400x256xf32>
    %get3A_29 = arith.constant 0 : index
    %get3A_30 = arith.constant 0 : index
    %get3A_31 = vector.load %arg7[%get3A_29, %get3A_30] : memref<128x256xf32, #tpu.memory_space<vmem>>, vector<128x256xf32>
    %dot_general3A_32 = arith.constant dense<0.000000e+00> : vector<400x256xf32>
    %dot_general3A_33 = tpu.matmul %add3A, %get3A_31, %dot_general3A_32 {dimension_numbers = #tpu.dot_dimension_numbers<[1], [0], [0], [1], [0, 0, 1, 1], [], []>, transpose_lhs_hint = false} : vector<400x128xf32>, vector<128x256xf32>, vector<400x256xf32> -> vector<400x256xf32>
    %add3A_34 = arith.addf %add3A_28, %dot_general3A_33 : vector<400x256xf32>
    %tanh3A = math.tanh %add3A_34 : vector<400x256xf32>
    %get3A_35 = arith.constant 0 : index
    %get3A_36 = arith.constant 0 : index
    %get3A_37 = vector.load %arg8[%get3A_35, %get3A_36] : memref<256x128xf32, #tpu.memory_space<vmem>>, vector<256x128xf32>
    %dot_general3A_38 = arith.constant dense<0.000000e+00> : vector<400x128xf32>
    %dot_general3A_39 = tpu.matmul %tanh3A, %get3A_37, %dot_general3A_38 {dimension_numbers = #tpu.dot_dimension_numbers<[1], [0], [0], [1], [0, 0, 1, 1], [], []>, transpose_lhs_hint = false} : vector<400x256xf32>, vector<256x128xf32>, vector<400x128xf32> -> vector<400x128xf32>
    %get3A_40 = arith.constant 0 : index
    %get3A_41 = arith.constant 0 : index
    %get3A_42 = vector.load %arg9[%get3A_40, %get3A_41] : memref<1x128xf32, #tpu.memory_space<vmem>>, vector<1x128xf32>
    %add3A_43 = vector.broadcast %get3A_42 : vector<1x128xf32> to vector<400x128xf32>
    %add3A_44 = arith.addf %dot_general3A_39, %add3A_43 : vector<400x128xf32>
    %tanh3A_45 = math.tanh %add3A_44 : vector<400x128xf32>
    %get3A_46 = arith.constant 0 : index
    %get3A_47 = arith.constant 0 : index
    %get3A_48 = vector.load %arg2[%get3A_46, %get3A_47] : memref<400x128xf32, #tpu.memory_space<vmem>>, vector<400x128xf32>
    %select_n3A = arith.select %gt3A_7, %tanh3A_45, %get3A_48 : vector<400x128xf32>
    %get3A_49 = arith.constant 0 : index
    %get3A_50 = arith.constant 0 : index
    %get3A_51 = vector.load %arg2[%get3A_49, %get3A_50] : memref<400x128xf32, #tpu.memory_space<vmem>>, vector<400x128xf32>
    %get3A_52 = arith.constant 0 : index
    %get3A_53 = arith.constant 0 : index
    %get3A_54 = vector.load %arg3[%get3A_52, %get3A_53] : memref<400x128xf32, #tpu.memory_space<vmem>>, vector<400x128xf32>
    %select_n3A_55 = arith.select %gt3A_7, %get3A_51, %get3A_54 : vector<400x128xf32>
    %swap3A = arith.constant 0 : index
    %swap3A_56 = arith.constant 0 : index
    %swap3A_57 = vector.load %arg10[%swap3A, %swap3A_56] : memref<400x128xf32, #tpu.memory_space<vmem>>, vector<400x128xf32>
    tpu.vector_store %arg10[%swap3A, %swap3A_56], %select_n3A {strides = array<i32>} : memref<400x128xf32, #tpu.memory_space<vmem>>, vector<400x128xf32>,
    %swap3A_58 = arith.constant 0 : index
    %swap3A_59 = arith.constant 0 : index
    %swap3A_60 = vector.load %arg11[%swap3A_58, %swap3A_59] : memref<400x128xf32, #tpu.memory_space<vmem>>, vector<400x128xf32>
    tpu.vector_store %arg11[%swap3A_58, %swap3A_59], %select_n3A_55 {strides = array<i32>} : memref<400x128xf32, #tpu.memory_space<vmem>>, vector<400x128xf32>,
    %sub3A = arith.subf %select_n3A, %select_n3A_55 : vector<400x128xf32>
    %square3A = arith.mulf %sub3A, %sub3A : vector<400x128xf32>
    %reduce_sum3A = arith.constant dense<0.000000e+00> : vector<400xf32>
    %reduce_sum3A_61 = vector.multi_reduction <add>, %square3A, %reduce_sum3A [1] : vector<400x128xf32> to vector<400xf32>
    %sqrt3A = math.sqrt %reduce_sum3A_61 : vector<400xf32>
    %square3A_62 = arith.mulf %select_n3A_55, %select_n3A_55 : vector<400x128xf32>
    %reduce_sum3A_63 = arith.constant dense<0.000000e+00> : vector<400xf32>
    %reduce_sum3A_64 = vector.multi_reduction <add>, %square3A_62, %reduce_sum3A_63 [1] : vector<400x128xf32> to vector<400xf32>
    %sqrt3A_65 = math.sqrt %reduce_sum3A_64 : vector<400xf32>
    %mul3A = arith.constant 0.00999999977 : f32
    %mul3A_66 = vector.broadcast %mul3A : f32 to vector<400xf32>
    %mul3A_67 = arith.mulf %mul3A_66, %sqrt3A_65 : vector<400xf32>
    %gt3A_68 = arith.cmpf ogt, %sqrt3A, %mul3A_67 : vector<400xf32>
    %reduce_or3A = arith.constant 1.000000e+00 : f32
    %reduce_or3A_69 = arith.constant 0.000000e+00 : f32
    %reduce_or3A_70 = vector.broadcast %reduce_or3A : f32 to vector<400xf32>
    %reduce_or3A_71 = vector.broadcast %reduce_or3A_69 : f32 to vector<400xf32>
    %reduce_or3A_72 = arith.select %gt3A_68, %reduce_or3A_70, %reduce_or3A_71 : vector<400xi1>, vector<400xf32>
    %reduce_or3A_73 = vector.shape_cast %reduce_or3A_72 : vector<400xf32> to vector<1x400xf32>
    %reduce_or3A_74 = arith.constant dense<0xFF800000> : vector<1xf32>
    %reduce_or3A_75 = vector.multi_reduction <maximumf>, %reduce_or3A_73, %reduce_or3A_74 [1] : vector<1x400xf32> to vector<1xf32>
    %reduce_or3A_76 = vector.shape_cast %reduce_or3A_75 : vector<1xf32> to vector<1x1xf32>
    %reduce_or3A_77 = vector.extract %reduce_or3A_76[0, 0] : f32 from vector<1x1xf32>
    %reduce_or3A_78 = arith.constant 0.000000e+00 : f32
    %reduce_or3A_79 = arith.cmpf ogt, %reduce_or3A_77, %reduce_or3A_78 : f32
    %jit3A = arith.constant 1.000000e+00 : f32
    %jit3A_80 = arith.constant 0.000000e+00 : f32
    %select_n3A_81 = arith.select %reduce_or3A_79, %jit3A, %jit3A_80 : f32
    %broadcast_in_dim3A = arith.constant 1.000000e+00 : f32
    %broadcast_in_dim3A_82 = vector.broadcast %broadcast_in_dim3A : f32 to vector<128xf32>
    %mul3A_83 = vector.broadcast %select_n3A_81 : f32 to vector<128xf32>
    %mul3A_84 = arith.mulf %mul3A_83, %broadcast_in_dim3A_82 : vector<128xf32>
    %swap3A_85 = arith.constant 0 : index
    %swap3A_86 = arith.constant 0 : index
    %swap3A_87 = arith.constant 0 : index
    %swap3A_88 = vector.load %arg12[%swap3A_85, %swap3A_86, %swap3A_87] : memref<1x1x128xf32, #tpu.memory_space<vmem>>, vector<1x1x128xf32>
    %swap3A_89 = vector.shape_cast %swap3A_88 : vector<1x1x128xf32> to vector<128xf32>
    %swap3A_90 = vector.shape_cast %mul3A_84 : vector<128xf32> to vector<1x1x128xf32>
    tpu.vector_store %arg12[%swap3A_85, %swap3A_86, %swap3A_87], %swap3A_90 {strides = array<i32>} : memref<1x1x128xf32, #tpu.memory_space<vmem>>, vector<1x1x128xf32>,
    return
  }
  func.func @transform_0(%arg0: i32) -> (i32, i32) {
    %c0_i32 = arith.constant 0 : i32
    %c0_i32_0 = arith.constant 0 : i32
    return %arg0, %c0_i32 : i32, i32
  }
  func.func @transform_1(%arg0: i32) -> (i32, i32) {
    %c0_i32 = arith.constant 0 : i32
    %c0_i32_0 = arith.constant 0 : i32
    return %arg0, %c0_i32 : i32, i32
  }
  func.func @transform_2(%arg0: i32) -> (i32, i32) {
    %c0_i32 = arith.constant 0 : i32
    %c0_i32_0 = arith.constant 0 : i32
    return %arg0, %c0_i32 : i32, i32
  }
  func.func @transform_3(%arg0: i32) -> (i32, i32, i32) {
    %c0_i32 = arith.constant 0 : i32
    %c0_i32_0 = arith.constant 0 : i32
    %c0_i32_1 = arith.constant 0 : i32
    return %c0_i32, %arg0, %c0_i32_0 : i32, i32, i32
  }
  func.func @transform_4(%arg0: i32) -> (i32, i32, i32) {
    %c0_i32 = arith.constant 0 : i32
    %c0_i32_0 = arith.constant 0 : i32
    %c0_i32_1 = arith.constant 0 : i32
    %c0_i32_2 = arith.constant 0 : i32
    return %c0_i32, %c0_i32_0, %c0_i32_1 : i32, i32, i32
  }
  func.func @transform_5(%arg0: i32) -> (i32, i32) {
    %c0_i32 = arith.constant 0 : i32
    %c0_i32_0 = arith.constant 0 : i32
    %c0_i32_1 = arith.constant 0 : i32
    return %c0_i32, %c0_i32_0 : i32, i32
  }
  func.func @transform_6(%arg0: i32) -> (i32, i32) {
    %c0_i32 = arith.constant 0 : i32
    %c0_i32_0 = arith.constant 0 : i32
    %c0_i32_1 = arith.constant 0 : i32
    return %c0_i32, %c0_i32_0 : i32, i32
  }
  func.func @transform_7(%arg0: i32) -> (i32, i32) {
    %c0_i32 = arith.constant 0 : i32
    %c0_i32_0 = arith.constant 0 : i32
    %c0_i32_1 = arith.constant 0 : i32
    return %c0_i32, %c0_i32_0 : i32, i32
  }
  func.func @transform_8(%arg0: i32) -> (i32, i32) {
    %c0_i32 = arith.constant 0 : i32
    %c0_i32_0 = arith.constant 0 : i32
    %c0_i32_1 = arith.constant 0 : i32
    return %c0_i32, %c0_i32_0 : i32, i32
  }
  func.func @transform_9(%arg0: i32) -> (i32, i32) {
    %c0_i32 = arith.constant 0 : i32
    %c0_i32_0 = arith.constant 0 : i32
    return %arg0, %c0_i32 : i32, i32
  }
  func.func @transform_10(%arg0: i32) -> (i32, i32) {
    %c0_i32 = arith.constant 0 : i32
    %c0_i32_0 = arith.constant 0 : i32
    return %arg0, %c0_i32 : i32, i32
  }
  func.func @transform_11(%arg0: i32) -> (i32, i32, i32) {
    %c0_i32 = arith.constant 0 : i32
    %c0_i32_0 = arith.constant 0 : i32
    %c0_i32_1 = arith.constant 0 : i32
    return %arg0, %c0_i32, %c0_i32_0 : i32, i32, i32
  }
}

module attributes {stable_mosaic.version = 14 : i64} {
  func.func @_out_body(%arg0: i32, %arg1: memref<400x128xf32, #tpu.memory_space<vmem>>, %arg2: memref<400x128xf32, #tpu.memory_space<vmem>>, %arg3: memref<128x256xf32, #tpu.memory_space<vmem>>, %arg4: memref<128x256xf32, #tpu.memory_space<vmem>>, %arg5: memref<1x256xf32, #tpu.memory_space<vmem>>, %arg6: memref<256x128xf32, #tpu.memory_space<vmem>>, %arg7: memref<1x128xf32, #tpu.memory_space<vmem>>, %arg8: memref<400x128xf32, #tpu.memory_space<vmem>>) attributes {dimension_semantics = [#tpu.dimension_semantics<arbitrary>], iteration_bounds = array<i64: 25>, scalar_prefetch = 0 : i64, scratch_operands = 0 : i64, tpu.core_type = #tpu.core_type<tc>, window_params = [{transform_indices = @transform_0, window_bounds = array<i64: 400, 128>}, {transform_indices = @transform_1, window_bounds = array<i64: 400, 128>}, {pipeline_mode = #tpu.pipeline_mode<synchronous>, transform_indices = @transform_2, window_bounds = array<i64: 128, 256>}, {pipeline_mode = #tpu.pipeline_mode<synchronous>, transform_indices = @transform_3, window_bounds = array<i64: 128, 256>}, {pipeline_mode = #tpu.pipeline_mode<synchronous>, transform_indices = @transform_4, window_bounds = array<i64: 1, 256>}, {pipeline_mode = #tpu.pipeline_mode<synchronous>, transform_indices = @transform_5, window_bounds = array<i64: 256, 128>}, {pipeline_mode = #tpu.pipeline_mode<synchronous>, transform_indices = @transform_6, window_bounds = array<i64: 1, 128>}, {transform_indices = @transform_7, window_bounds = array<i64: 400, 128>}]} {
    %get3A = arith.constant 0 : index
    %get3A_0 = arith.constant 0 : index
    %get3A_1 = vector.load %arg1[%get3A, %get3A_0] : memref<400x128xf32, #tpu.memory_space<vmem>>, vector<400x128xf32>
    %get3A_2 = arith.constant 0 : index
    %get3A_3 = arith.constant 0 : index
    %get3A_4 = vector.load %arg3[%get3A_2, %get3A_3] : memref<128x256xf32, #tpu.memory_space<vmem>>, vector<128x256xf32>
    %dot_general3A = arith.constant dense<0.000000e+00> : vector<400x256xf32>
    %dot_general3A_5 = tpu.matmul %get3A_1, %get3A_4, %dot_general3A {dimension_numbers = #tpu.dot_dimension_numbers<[1], [0], [0], [1], [0, 0, 1, 1], [], []>, transpose_lhs_hint = false} : vector<400x128xf32>, vector<128x256xf32>, vector<400x256xf32> -> vector<400x256xf32>
    %get3A_6 = arith.constant 0 : index
    %get3A_7 = arith.constant 0 : index
    %get3A_8 = vector.load %arg2[%get3A_6, %get3A_7] : memref<400x128xf32, #tpu.memory_space<vmem>>, vector<400x128xf32>
    %get3A_9 = arith.constant 0 : index
    %get3A_10 = arith.constant 0 : index
    %get3A_11 = vector.load %arg4[%get3A_9, %get3A_10] : memref<128x256xf32, #tpu.memory_space<vmem>>, vector<128x256xf32>
    %dot_general3A_12 = arith.constant dense<0.000000e+00> : vector<400x256xf32>
    %dot_general3A_13 = tpu.matmul %get3A_8, %get3A_11, %dot_general3A_12 {dimension_numbers = #tpu.dot_dimension_numbers<[1], [0], [0], [1], [0, 0, 1, 1], [], []>, transpose_lhs_hint = false} : vector<400x128xf32>, vector<128x256xf32>, vector<400x256xf32> -> vector<400x256xf32>
    %add3A = arith.addf %dot_general3A_5, %dot_general3A_13 : vector<400x256xf32>
    %get3A_14 = arith.constant 0 : index
    %get3A_15 = arith.constant 0 : index
    %get3A_16 = vector.load %arg5[%get3A_14, %get3A_15] : memref<1x256xf32, #tpu.memory_space<vmem>>, vector<1x256xf32>
    %add3A_17 = vector.broadcast %get3A_16 : vector<1x256xf32> to vector<400x256xf32>
    %add3A_18 = arith.addf %add3A, %add3A_17 : vector<400x256xf32>
    %tanh3A = math.tanh %add3A_18 : vector<400x256xf32>
    %get3A_19 = arith.constant 0 : index
    %get3A_20 = arith.constant 0 : index
    %get3A_21 = vector.load %arg6[%get3A_19, %get3A_20] : memref<256x128xf32, #tpu.memory_space<vmem>>, vector<256x128xf32>
    %dot_general3A_22 = arith.constant dense<0.000000e+00> : vector<400x128xf32>
    %dot_general3A_23 = tpu.matmul %tanh3A, %get3A_21, %dot_general3A_22 {dimension_numbers = #tpu.dot_dimension_numbers<[1], [0], [0], [1], [0, 0, 1, 1], [], []>, transpose_lhs_hint = false} : vector<400x256xf32>, vector<256x128xf32>, vector<400x128xf32> -> vector<400x128xf32>
    %get3A_24 = arith.constant 0 : index
    %get3A_25 = arith.constant 0 : index
    %get3A_26 = vector.load %arg7[%get3A_24, %get3A_25] : memref<1x128xf32, #tpu.memory_space<vmem>>, vector<1x128xf32>
    %add3A_27 = vector.broadcast %get3A_26 : vector<1x128xf32> to vector<400x128xf32>
    %add3A_28 = arith.addf %dot_general3A_23, %add3A_27 : vector<400x128xf32>
    %swap3A = arith.constant 0 : index
    %swap3A_29 = arith.constant 0 : index
    %swap3A_30 = vector.load %arg8[%swap3A, %swap3A_29] : memref<400x128xf32, #tpu.memory_space<vmem>>, vector<400x128xf32>
    tpu.vector_store %arg8[%swap3A, %swap3A_29], %add3A_28 {strides = array<i32>} : memref<400x128xf32, #tpu.memory_space<vmem>>, vector<400x128xf32>,
    return
  }
  func.func @transform_0(%arg0: i32) -> (i32, i32) {
    %c0_i32 = arith.constant 0 : i32
    %c0_i32_0 = arith.constant 0 : i32
    return %arg0, %c0_i32 : i32, i32
  }
  func.func @transform_1(%arg0: i32) -> (i32, i32) {
    %c0_i32 = arith.constant 0 : i32
    %c0_i32_0 = arith.constant 0 : i32
    return %arg0, %c0_i32 : i32, i32
  }
  func.func @transform_2(%arg0: i32) -> (i32, i32) {
    %c0_i32 = arith.constant 0 : i32
    %c0_i32_0 = arith.constant 0 : i32
    %c0_i32_1 = arith.constant 0 : i32
    return %c0_i32, %c0_i32_0 : i32, i32
  }
  func.func @transform_3(%arg0: i32) -> (i32, i32) {
    %c0_i32 = arith.constant 0 : i32
    %c0_i32_0 = arith.constant 0 : i32
    %c0_i32_1 = arith.constant 0 : i32
    return %c0_i32, %c0_i32_0 : i32, i32
  }
  func.func @transform_4(%arg0: i32) -> (i32, i32) {
    %c0_i32 = arith.constant 0 : i32
    %c0_i32_0 = arith.constant 0 : i32
    %c0_i32_1 = arith.constant 0 : i32
    return %c0_i32, %c0_i32_0 : i32, i32
  }
  func.func @transform_5(%arg0: i32) -> (i32, i32) {
    %c0_i32 = arith.constant 0 : i32
    %c0_i32_0 = arith.constant 0 : i32
    %c0_i32_1 = arith.constant 0 : i32
    return %c0_i32, %c0_i32_0 : i32, i32
  }
  func.func @transform_6(%arg0: i32) -> (i32, i32) {
    %c0_i32 = arith.constant 0 : i32
    %c0_i32_0 = arith.constant 0 : i32
    %c0_i32_1 = arith.constant 0 : i32
    return %c0_i32, %c0_i32_0 : i32, i32
  }
  func.func @transform_7(%arg0: i32) -> (i32, i32) {
    %c0_i32 = arith.constant 0 : i32
    %c0_i32_0 = arith.constant 0 : i32
    return %arg0, %c0_i32 : i32, i32
  }
}

</mosaic_0001>

<sc_bundles>
// kernel: kernel.16.cloned.1.call-start
scs
__scs_entry_jumppad:
0x0: {  	(pc) =	sbr.rel $0x88, $3  }
0x1: {  	(tag) =	ssettag $0x0;
	lr =	simm.s32 $0x1  }
0x2: {  	[smem:$0x3F93] =	sst lr;
	_ =	strace $0xD0000000  }
0x3: {  	_ = 	snop  }
0x4: {  	_ = 	snop  }
0x5: {  	_ = 	snop  }
0x6: {  	_ = 	snop  }
0x7: {  	_ = 	snop  }
__scs_overlays_trampoline_lowered:
0x8: {  	[smem:$0x3FA2] =	sst s0  }
0x9: {  	[smem:$0x3FA3] =	sst s1  }
0xa: {  	[smem:$0x3FA4] =	sst s2  }
0xb: {  	[smem:$0x3FA5] =	sst s3  }
0xc: {  	[smem:$0x3FA6] =	sst s4  }
0xd: {  	[smem:$0x3FA7] =	sst s5  }
0xe: {  	[smem:$0x3FA8] =	sst s6  }
0xf: {  	[smem:$0x3FA9] =	sst s7  }
0x10: {  	[smem:$0x3FAA] =	sst s8  }
0x11: {  	[smem:$0x3FAB] =	sst s9;
	s0 =	simm.s32 @!p0 $0x0  }
0x12: {  	s1 =	sld [smem:$0x3F91];
	s0 =	simm.s32 @p0 $0x1  }
0x13: {  	[smem:$0x3FAC] =	sst s0;
	s0 =	simm.s32 @!p1 $0x0  }
0x14: {  	s2 =	sld [smem:$0x3F90];
	s0 =	simm.s32 @p1 $0x1  }
0x15: {  	[smem:$0x3FAD] =	sst s0;
	s0 =	simm.s32 @!p2 $0x0  }
0x16: {  	s3 =	sld [smem:$0x3FDB];
	s0 =	simm.s32 @p2 $0x1  }
0x17: {  	s4 =	simm.s32 $0x1BF5;
	[smem:$0x3FAF] =	sst s0  }
0x18: {  	s0 =	sld [smem:$0x3F92];
	_ =	swait.ge [sflag:s4], $0x0  }
0x19: {  	s7 =	sld [smem:$0x3F93]  }
0x1a: {  	s8 =	sadd.s32 $0xFFFFE003, lr  }
0x1b: {  	s9 =	sadd.s32 $0xFFFFFEF7, lr;
	s5 =	simm.s32 $0xFFFFFFFF;
	p2 =	slt.u32 s8, $0xFFFFF086  }
0x1c: {  	p1 =	slt.u32 s9, $0xF7A;
	s5 =	simm.s32 @!p2 $0x0  }
0x1d: {  	s5 =	simm.s32 @p1 $0x1;
	p0 =	seq.s32 s7, s2  }
0x1e: {  	s7 =	smul.u32 @!p0 $0xF7A, s2;
	p2 =	seq.s32 @!p0 s5, $0x0  }
0x1f: {  	s9 =	smul.u32 $0xF7A, s1;
	s8 =	simm.s32 @!p0 $0x1BF5;
	p2 =	por !p2, p0  }
0x20: {  	[sflag:s8] =	ssyncset.s32 @!p0 $0xFFFFF086;
	s6 =	sadd.s32 @!p0 s3, s7;
	s7 =	simm.s32 @!p0 $0x108  }
0x21: {  	s3 =	sadd.s32 s3, s9;
	s6 =	sadd.s32 @!p0 $0x88, s6;
	s7 =	simm.s32 @p2 $0x1082  }
0x22: {  	[simem:s7], [sflag:s8] =	dma.local @!p0 [hbm:s6], $0xF7A  }
0x23: {  	s9 =	sor.u32 $0xD0000000, s2;
	s6 =	simm.s32 $0x108;
	_ =	swait.ge @!p0 [sflag:s8], $0x0  }
0x24: {  	s3 =	sadd.s32 $0x88, s3;
	s6 =	simm.s32 @!p1 $0x1082;
	[sflag:s4] =	ssyncset.s32 $0xFFFFF086  }
0x25: {  	[simem:s6], [sflag:s4] =	dma.local [hbm:s3], $0xF7A  }
0x26: {  	[smem:$0x3F93] =	sst s1;
	(tag) =	ssettag s2;
	_ =	strace s9  }
0x27: {  	s1 =	sld [smem:$0x3FA3]  }
0x28: {  	s2 =	sld [smem:$0x3FA4]  }
0x29: {  	s4 =	sld [smem:$0x3FA6]  }
0x2a: {  	p0 =	seq.s32 s5, $0x0;
	s5 =	sld [smem:$0x3FA7]  }
0x2b: {  	s6 =	sld [smem:$0x3FA8]  }
0x2c: {  	s7 =	sld [smem:$0x3FA9]  }
0x2d: {  	s3 =	simm.s32 $0x108;
	s8 =	sld [smem:$0x3FAA]  }
0x2e: {  	s3 =	simm.s32 @!p0 $0x1082;
	s9 =	sld [smem:$0x3FAB]  }
0x2f: {  	lr =	sadd.s32 s0, s3;
	s0 =	sld [smem:$0x3FA2]  }
0x30: {  	s3 =	sld [smem:$0x3FA5]  }
0x31: {  	[smem:$0x3FAE] =	sst s10  }
0x32: {  	s10 =	sld [smem:$0x3FAC];
	_ =	sdelay $0x3  }
0x33: {  	p0 =	seq.s32 s10, $0x1;
	s10 =	sld [smem:$0x3FAE];
	_ =	sdelay $0x3  }
0x34: {  	[smem:$0x3FAE] =	sst s10  }
0x35: {  	s10 =	sld [smem:$0x3FAD];
	_ =	sdelay $0x3  }
0x36: {  	p1 =	seq.s32 s10, $0x1;
	s10 =	sld [smem:$0x3FAE];
	_ =	sdelay $0x3  }
0x37: {  	[smem:$0x3FAE] =	sst s10  }
0x38: {  	s10 =	sld [smem:$0x3FAF]  }
0x39: {  	_ = 	snop;
	(pc) =	sbr.ind lr, $3  }
0x3a: {  	_ = 	snop  }
0x3b: {  	_ = 	snop  }
0x3c: {  	p2 =	seq.s32 s10, $0x1;
	s10 =	sld [smem:$0x3FAE]  }
0x3d: {  	_ =	shalt  }
0x3e: {  	_ =	shalt  }
0x3f: {  	_ =	shalt  }
0x40: {  	_ =	shalt  }
0x41: {  	_ =	shalt  }
0x42: {  	_ =	shalt  }
0x43: {  	_ =	shalt  }
0x44: {  	_ =	shalt  }
0x45: {  	_ =	shalt  }
0x46: {  	_ =	shalt  }
0x47: {  	_ =	shalt  }
0x48: {  	_ =	shalt  }
0x49: {  	_ =	shalt  }
0x4a: {  	_ =	shalt  }
0x4b: {  	_ =	shalt  }
0x4c: {  	_ =	shalt  }
0x4d: {  	_ =	shalt  }
0x4e: {  	_ =	shalt  }
0x4f: {  	_ =	shalt  }
0x50: {  	_ =	shalt  }
0x51: {  	_ =	shalt  }
0x52: {  	_ =	shalt  }
0x53: {  	_ =	shalt  }
0x54: {  	_ =	shalt  }
0x55: {  	_ =	shalt  }
0x56: {  	_ =	shalt  }
0x57: {  	_ =	shalt  }
0x58: {  	_ =	shalt  }
0x59: {  	_ =	shalt  }
0x5a: {  	_ =	shalt  }
0x5b: {  	_ =	shalt  }
0x5c: {  	_ =	shalt  }
0x5d: {  	_ =	shalt  }
0x5e: {  	_ =	shalt  }
0x5f: {  	_ =	shalt  }
0x60: {  	_ =	shalt  }
0x61: {  	_ =	shalt  }
0x62: {  	_ =	shalt  }
0x63: {  	_ =	shalt  }
0x64: {  	_ =	shalt  }
0x65: {  	_ =	shalt  }
0x66: {  	_ =	shalt  }
0x67: {  	_ =	shalt  }
0x68: {  	_ =	shalt  }
0x69: {  	_ =	shalt  }
0x6a: {  	_ =	shalt  }
0x6b: {  	_ =	shalt  }
0x6c: {  	_ =	shalt  }
0x6d: {  	_ =	shalt  }
0x6e: {  	_ =	shalt  }
0x6f: {  	_ =	shalt  }
0x70: {  	_ =	shalt  }
0x71: {  	_ =	shalt  }
0x72: {  	_ =	shalt  }
0x73: {  	_ =	shalt  }
0x74: {  	_ =	shalt  }
0x75: {  	_ =	shalt  }
0x76: {  	_ =	shalt  }
0x77: {  	_ =	shalt  }
0x78: {  	_ =	shalt  }
0x79: {  	_ =	shalt  }
0x7a: {  	_ =	shalt  }
0x7b: {  	_ =	shalt  }
0x7c: {  	_ =	shalt  }
0x7d: {  	_ =	shalt  }
0x7e: {  	_ =	shalt  }
0x7f: {  	_ =	shalt  }
0x80: {  	_ =	shalt  }
0x81: {  	_ =	shalt  }
0x82: {  	_ =	shalt  }
0x83: {  	_ =	shalt  }
0x84: {  	_ =	shalt  }
0x85: {  	_ =	shalt  }
0x86: {  	_ =	shalt  }
0x87: {  	_ =	shalt  }
.Lfunc_end0:
.L_simem_size_0:
called_computation_lowered:
.L_overlay_start_0:
0x88: {  	s2 =	sld [smem:$0x3FD9]  }
0x89: {  	s3 =	sld [smem:$0x3FFE];
	_ =	sdelay $0x1  }
0x8a: {  	s1 =	srdreg.scid  }
0x8b: {  	s0 =	sand.u32 $0x1, s1  }
0x8c: {  	s14 =	sshll.u32 s0, $0xA;
	s2 =	sadd.s32 s3, s2  }
0x8d: {  	s2 =	sadd.s32 s2, s14  }
0x8e: {  	[smem:$0x3FBA] =	sst s2  }
0x8f: {  	_ = 	snop  }
0x90: {  	s2 =	sld [smem:$0x3FD0];
	_ =	sdelay $0x2  }
0x91: {  	s4 =	simm.s32 $0xC;
	s5 =	simm.s32 $0x10;
	s15 =	sld [smem:$0x3FC9]  }
0x92: {  	[smem:s5], [sflag:s4] =	dma.local [hbm:s2], $0x1  }
0x93: {  	_ =	swait.eq [sflag:s4], $0x1  }
0x94: {  	[sflag:s4] =	ssyncset.done $0x0  }
0x95: {  	[sflag:s4] =	ssyncadd.s32 $0xFFFFFFFF  }
0x96: {  	s16 =	sld [smem:$0x12];
	(tm) =	ssettm $0x1  }
0x97: {  	s17 =	sld [smem:$0x3FFB];
	_ =	sdelay $0x3  }
0x98: {  	_ =	strace s17  }
0x99: {  	s4 =	sld [smem:$0x3FFC];
	_ =	sdelay $0x3  }
0x9a: {  	_ =	strace s4  }
0x9b: {  	s4 =	sld [smem:$0x3FFD];
	_ =	sdelay $0x3  }
0x9c: {  	_ =	strace s4  }
0x9d: {  	_ =	strace $0x8FFFFFFF  }
0x9e: {  	s18 =	sld [smem:$0x3FDB];
	_ =	sdelay $0x1  }
0x9f: {  	s19 =	simm.s32 $_scs_section_size  }
0xa0: {  	s6 =	simm.s32 $_size__tile_overlayer_lowered;
	s7 =	simm.s32 $_tile_overlayer_lowered  }
0xa1: {  	s22 =	simm.s32 $0x1BFF;
	s21 =	sshll.u32 s7, $0x1;
	s4 =	sadd.s32 s19, s18  }
0xa2: {  	s8 =	simm.s32 $0x0;
	s20 =	sshll.u32 s6, $0x1;
	s6 =	sadd.s32 s21, s4  }
0xa3: {  	[timem:s8], [sflag:s22] =	dma.local [hbm:s6], s20  }
0xa4: {  	_ =	swait.ge [sflag:s22], s20  }
0xa5: {  	s5 =	ssub.s32 $0x0, s20;
	[sflag:s22] =	ssyncset.done $0x0  }
0xa6: {  	[sflag:s22] =	ssyncadd.s32 s5;
	_ =	sdelay $0x1  }
0xa7: {  	s23 =	simm.s32 $0x1B8B  }
0xa8: {  	_ =	swait.ge [sflag:s23], $0x1  }
0xa9: {  	[sflag:s23] =	ssyncset.done $0x0  }
0xaa: {  	s25 =	simm.s32 $0x1B8E;
	s24 =	sld [smem:$0x3FFE];
	[sflag:s23] =	ssyncadd.s32 $0xFFFFFFFF  }
0xab: {  	s26 =	simm.s32 $execute0_lowered;
	[smem:$0x3FD2] =	sst s25  }
0xac: {  	s6 =	sshll.u32 s26, $0x1;
	_ =	strace $0x80000046;
	[dreg:$0x1] =	wrdreg $0xFFFFFFFF  }
0xad: {  	s28 =	simm.s32 $_size_execute0_lowered;
	s4 =	sadd.s32 s4, s6;
	[dreg:$0x0] =	wrdreg $0x0  }
0xae: {  	s6 =	sshll.u32 s28, $0x1;
	[dreg:$0x2] =	wrdreg s4  }
0xaf: {  	[dreg:$0x3] =	wrdreg s6  }
0xb0: {  	[dreg:$0x4] =	wrdreg $0xC0  }
0xb1: {  	_ =	task [dreg:s8], $0x5FFFF  }
0xb2: {  	[dreg:$0x1] =	wrdreg $0xFFFFFFFF  }
0xb3: {  	[dreg:$0x0] =	wrdreg $0x60  }
0xb4: {  	[dreg:$0x2] =	wrdreg s15  }
0xb5: {  	[dreg:$0x3] =	wrdreg s24  }
0xb6: {  	[dreg:$0x4] =	wrdreg s16  }
0xb7: {  	[dreg:$0x5] =	wrdreg $0x82000  }
0xb8: {  	[dreg:$0x6] =	wrdreg $0x9  }
0xb9: {  	_ =	task.clear_ibuf [dreg:s8], $0x7FFFF;
	_ =	strace $0x90000046  }
0xba: {  	s29 =	simm.s32 $0x9;
	_ =	strace $0x80000048  }
0xbb: {  	_ =	swait.ge [sflag:s29], $0x1  }
0xbc: {  	[sflag:s29] =	ssyncadd.s32 $0xFFFFFFFF  }
0xbd: {  	_ =	strace $0x90000048  }
0xbe: {  	_ =	sfence  }
0xbf: {  	s30 =	sld [smem:$0x0];
	_ =	sdelay $0x2  }
0xc0: {  	s31 =	sshll.u32 s1, $0xD;
	s1 =	sshrl.u32 s1, $0x2  }
0xc1: {  	s3 =	sand.u32 $0x4000, s31;
	s1 =	sadd.s32 s1, s30  }
0xc2: {  	s0 =	sor.u32 s3, s0;
	s1 =	sshll.u32 s1, $0x11  }
0xc3: {  	s0 =	sor.u32 s1, s0  }
0xc4: {  	s0 =	sadd.s32 $0x8F2B, s0  }
0xc5: {  	[sflag:s0] =	ssyncadd.remote.s32 $0x1  }
0xc6: {  	_ =	sfence.sel $0xFFFF  }
0xc7: {  	[dreg:$0x0] =	wrdreg $0xFFFFFFFF;
	(pc) =	sbr.abs _section_cstart, $3  }
0xc8: {  	[dreg:$0x1] =	wrdreg $0xFFFFFFFF  }
0xc9: {  	_ =	task.clear_ibuf [dreg:s8], $0x2FFFF;
	_ =	strace $0x9FFFFFFF  }
0xca: {  	(tm) =	ssettm $0x7FFFFFFF  }
0xcb: {  	_ =	shalt  }
tec
execute0_lowered:
.L_overlay_start_1:
0x0: {  	(tag) =	ssettag $0x1  }
0x1: {  	s1 =	rddreg [dreg:$0x0]  }
0x2: {  	s0 =	rddreg [dreg:$0x1]  }
0x3: {  	s2 =	rddreg [dreg:$0x2]  }
0x4: {  	s3 =	rddreg [dreg:$0x3]  }
0x5: {  	s4 =	srdreg.scid;
	s5 =	simm.s32 $0x0;
	s22 =	stileid.u32  }
0x6: {  	s17 =	simm.s32 $0x5;
	s18 =	simm.s32 $0x100;
	s19 =	simm.s32 $0x3  }
0x7: {  	s20 =	simm.s32 $0x7D;
	s21 =	simm.s32 $0x200;
	s28 =	simm.s32 $0x180  }
0x8: {  	s29 =	simm.s32 $0x0;
	s8 =	sand.u32 $0x1, s4;
	s10 =	smul.u32 $0x14000, s22  }
0x9: {  	[smem:$0x7FF] =	sst s5;
	s6 =	sadd.s32 $0xE400, s0;
	s25 =	smul.u32 $0x50000, s22  }
0xa: {  	s7 =	sadd.s32 $0x4400, s0;
	s30 =	sshll.u32 s22, $0x6;
	s9 =	smul.u32 $0x140000, s8  }
0xb: {  	_ =	strace $0x80000047;
	s23 =	sshll.u32 s8, $0x4;
	s11 =	ssub.s32 $0x2, s8  }
0xc: {  	s24 =	sor.u32 s22, s23;
	s12 =	sshrl.u32 s11, $0x1;
	s26 =	sshrl.u32 s25, $0x2  }
0xd: {  	s22 =	simm.s32 $0x80;
	s23 =	simm.s32 $0x4;
	s25 =	simm.s32 $0x1  }
0xe: {  	s9 =	sadd.s32 s10, s9;
	s8 =	smul.u32 $0x2800, s24;
	s15 =	ssub.s32 s11, s12  }
0xf: {  	s16 =	sadd.s32 s26, s3;
	s24 =	simm.s32 $0x4200;
	s26 =	simm.s32 $0x2  }
0x10: {  	s9 =	sshrl.u32 s9, $0x3;
	s15 =	smax.u32 s15, $0x1;
	s16 =	sshrl.u32 s16, $0x3  }
0x11: {  	s0 =	sadd.s32 s9, s0;
	s31 =	sshrl.u32 s8, $0x3;
	s9 =	sor.u32 $0x1C05, s30  }
0x12: {  	s10 =	sadd.s32 s6, s31;
	s13 =	sor.u32 $0x10, s31;
	s11 =	sadd.s32 s7, s31  }
0x13: {  	s14 =	sadd.s32 $0x18400, s0;
	s12 =	sadd.s32 s6, s13;
	s13 =	sadd.s32 s7, s13  }
.LBB2_1:
0x14: {  	[spmem:s16], [sflag:s9] =	dma.local [hbm:s2], $0x2800  }
0x15: {  	_ =	swait.ge [sflag:s17], $0x2800  }
0x16: {  	[sflag:s17] =	ssyncset.done $0x0  }
0x17: {  	[sflag:s17] =	ssyncadd.s32 $0xFFFFD800  }
0x18: {  	[bflag:$0x0] =	sbarrier.arrive $0xFFFF  }
0x19: {  	[tilespmem:s5], [sflag:$0x3] =	stream.linear.gather [hbm4b:s10+s5], $0x80, $0x38;
	[tilespmem:$0x1C200] =	vst v63  }
0x1a: {  	_ = 	snop  }
0x1b: {  	[tilespmem:s18], [sflag:$0x3] =	stream.linear.gather [hbm4b:s11+s5], $0x80, $0x38;
	[tilespmem:$0x1C200] =	vst v63  }
0x1c: {  	_ =	swait.ge [sflag:s19], $0x80  }
0x1d: {  	[sflag:s19] =	ssyncset.done $0x0  }
0x1e: {  	[sflag:s19] =	ssyncadd.s32 $0xFFFFFF80  }
0x1f: {  	_ =	swait.ge [sflag:s19], $0x80  }
0x20: {  	[sflag:s19] =	ssyncset.done $0x0  }
0x21: {  	[sflag:s19] =	ssyncadd.s32 $0xFFFFFF80  }
0x22: {  	[tilespmem:s21], [sflag:$0x1] =	stream.indirect.gather [hbm4b:s1+s20], $0x80, s5, s20, $0xb8;
	[tilespmem:$0x1C200] =	vst v63  }
0x23: {  	_ = 	snop  }
0x24: {  	[tilespmem:s22], [sflag:$0x4] =	stream.linear.gather [hbm4b:s12+s5], $0x80, $0x38;
	[tilespmem:$0x1C200] =	vst v63  }
0x25: {  	_ = 	snop  }
0x26: {  	[tilespmem:s28], [sflag:$0x4] =	stream.linear.gather [hbm4b:s13+s5], $0x80, $0x38;
	[tilespmem:$0x1C200] =	vst v63  }
0x27: {  	_ =	swait.ge [sflag:s23], $0x80  }
0x28: {  	[sflag:s23] =	ssyncset.done $0x0  }
0x29: {  	[sflag:s23] =	ssyncadd.s32 $0xFFFFFF80  }
0x2a: {  	_ =	swait.ge [sflag:s23], $0x80  }
0x2b: {  	[sflag:s23] =	ssyncset.done $0x0  }
0x2c: {  	[sflag:s23] =	ssyncadd.s32 $0xFFFFFF80  }
0x2d: {  	[tilespmem:s24], [sflag:$0x2] =	stream.indirect.gather [hbm4b:s1+s20], $0x80, s22, s20, $0xb8;
	[tilespmem:$0x1C200] =	vst v63  }
0x2e: {  	s0 =	simm.s32 $0x100;
	_ =	swait.ge [sflag:s25], $0x3E80  }
0x2f: {  	s30 =	sand.u32 $0x7C00, s0;
	[sflag:s25] =	ssyncset.done $0x0  }
0x30: {  	s0 =	sand.u32 $0x300, s0;
	s30 =	sadd.s32 s8, s30;
	[sflag:s25] =	ssyncadd.s32 $0xFFFFC180  }
0x31: {  	[spmem:s3] =	stream.indirect.scatter.add.f32 [tilespmem:s21], [sflag:$0x5], $0x80, s18, s20, $0xb8;
	[tilespmem:$0x1C200] =	vst v63  }
0x32: {  	s0 =	sor.u32 s0, s30;
	_ =	swait.ge [sflag:s17], $0x3E80  }
0x33: {  	s0 =	sshrl.u32 s0, $0x3;
	[sflag:s17] =	ssyncset.done $0x0  }
0x34: {  	s30 =	sadd.s32 s6, s0;
	[sflag:s17] =	ssyncadd.s32 $0xFFFFC180  }
0x35: {  	[tilespmem:s5], [sflag:$0x3] =	stream.linear.gather [hbm4b:s30+s5], $0x80, $0x38;
	[tilespmem:$0x1C200] =	vst v63  }
0x36: {  	s0 =	sadd.s32 s7, s0  }
0x37: {  	[tilespmem:s18], [sflag:$0x3] =	stream.linear.gather [hbm4b:s0+s5], $0x80, $0x38;
	[tilespmem:$0x1C200] =	vst v63  }
0x38: {  	_ =	swait.ge [sflag:s19], $0x80  }
0x39: {  	[sflag:s19] =	ssyncset.done $0x0  }
0x3a: {  	[sflag:s19] =	ssyncadd.s32 $0xFFFFFF80  }
0x3b: {  	_ =	swait.ge [sflag:s19], $0x80  }
0x3c: {  	[sflag:s19] =	ssyncset.done $0x0  }
0x3d: {  	[sflag:s19] =	ssyncadd.s32 $0xFFFFFF80  }
0x3e: {  	[tilespmem:s21], [sflag:$0x1] =	stream.indirect.gather [hbm4b:s1+s20], $0x80, s5, s20, $0xb8;
	[tilespmem:$0x1C200] =	vst v63  }
0x3f: {  	_ =	swait.ge [sflag:s26], $0x3E80  }
0x40: {  	s31 =	sand.u32 $0x7C00, s28;
	[sflag:s26] =	ssyncset.done $0x0  }
0x41: {  	s30 =	sand.u32 $0x380, s28;
	s0 =	sadd.s32 s8, s31;
	[sflag:s26] =	ssyncadd.s32 $0xFFFFC180  }
0x42: {  	[spmem:s3] =	stream.indirect.scatter.add.f32 [tilespmem:s24], [sflag:$0x5], $0x80, s28, s20, $0xb8;
	[tilespmem:$0x1C200] =	vst v63  }
0x43: {  	s0 =	sor.u32 s30, s0;
	_ =	swait.ge [sflag:s17], $0x3E80  }
0x44: {  	s0 =	sshrl.u32 s0, $0x3;
	[sflag:s17] =	ssyncset.done $0x0  }
0x45: {  	s30 =	sadd.s32 s6, s0;
	[sflag:s17] =	ssyncadd.s32 $0xFFFFC180  }
0x46: {  	[tilespmem:s22], [sflag:$0x4] =	stream.linear.gather [hbm4b:s30+s5], $0x80, $0x38;
	[tilespmem:$0x1C200] =	vst v63  }
0x47: {  	s0 =	sadd.s32 s7, s0;
	s30 =	simm.s32 $0x280  }
.LBB2_2:
0x48: {  	p0 =	sne.s32 s30, $0x2780;
	s31 =	smov.u32 s30;
	s30 =	sadd.s32 $0x100, s30  }
0x49: {  	[tilespmem:s28], [sflag:$0x4] =	stream.linear.gather [hbm4b:s0+s5], $0x80, $0x38;
	[tilespmem:$0x1C200] =	vst v63  }
0x4a: {  	_ =	swait.ge [sflag:s23], $0x80  }
0x4b: {  	[sflag:s23] =	ssyncset.done $0x0  }
0x4c: {  	[sflag:s23] =	ssyncadd.s32 $0xFFFFFF80  }
0x4d: {  	_ =	swait.ge [sflag:s23], $0x80  }
0x4e: {  	[sflag:s23] =	ssyncset.done $0x0  }
0x4f: {  	[sflag:s23] =	ssyncadd.s32 $0xFFFFFF80  }
0x50: {  	[tilespmem:s24], [sflag:$0x2] =	stream.indirect.gather [hbm4b:s1+s20], $0x80, s22, s20, $0xb8;
	[tilespmem:$0x1C200] =	vst v63  }
0x51: {  	_ =	swait.ge [sflag:s25], $0x3E80  }
0x52: {  	s0 =	sadd.s32 $0xFFFFFF80, s31;
	[sflag:s25] =	ssyncset.done $0x0  }
0x53: {  	s4 =	sand.u32 $0x7C00, s0;
	s0 =	sand.u32 $0x300, s0;
	[sflag:s25] =	ssyncadd.s32 $0xFFFFC180  }
0x54: {  	[spmem:s3] =	stream.indirect.scatter.add.f32 [tilespmem:s21], [sflag:$0x5], $0x80, s18, s20, $0xb8;
	[tilespmem:$0x1C200] =	vst v63  }
0x55: {  	s4 =	sadd.s32 s8, s4;
	_ =	swait.ge [sflag:s17], $0x3E80  }
0x56: {  	s0 =	sor.u32 s0, s4;
	[sflag:s17] =	ssyncset.done $0x0  }
0x57: {  	s0 =	sshrl.u32 s0, $0x3;
	[sflag:s17] =	ssyncadd.s32 $0xFFFFC180  }
0x58: {  	s4 =	sadd.s32 s6, s0;
	s0 =	sadd.s32 s7, s0  }
0x59: {  	[tilespmem:s5], [sflag:$0x3] =	stream.linear.gather [hbm4b:s4+s5], $0x80, $0x38;
	[tilespmem:$0x1C200] =	vst v63  }
0x5a: {  	_ = 	snop  }
0x5b: {  	[tilespmem:s18], [sflag:$0x3] =	stream.linear.gather [hbm4b:s0+s5], $0x80, $0x38;
	[tilespmem:$0x1C200] =	vst v63  }
0x5c: {  	_ =	swait.ge [sflag:s19], $0x80  }
0x5d: {  	[sflag:s19] =	ssyncset.done $0x0  }
0x5e: {  	[sflag:s19] =	ssyncadd.s32 $0xFFFFFF80  }
0x5f: {  	_ =	swait.ge [sflag:s19], $0x80  }
0x60: {  	[sflag:s19] =	ssyncset.done $0x0  }
0x61: {  	[sflag:s19] =	ssyncadd.s32 $0xFFFFFF80  }
0x62: {  	[tilespmem:s21], [sflag:$0x1] =	stream.indirect.gather [hbm4b:s1+s20], $0x80, s5, s20, $0xb8;
	[tilespmem:$0x1C200] =	vst v63  }
0x63: {  	_ =	swait.ge [sflag:s26], $0x3E80  }
0x64: {  	s0 =	sand.u32 $0x7C00, s31;
	[sflag:s26] =	ssyncset.done $0x0  }
0x65: {  	s4 =	sand.u32 $0x380, s31;
	s0 =	sadd.s32 s8, s0;
	[sflag:s26] =	ssyncadd.s32 $0xFFFFC180  }
0x66: {  	[spmem:s3] =	stream.indirect.scatter.add.f32 [tilespmem:s24], [sflag:$0x5], $0x80, s28, s20, $0xb8;
	[tilespmem:$0x1C200] =	vst v63  }
.Ltmp0:
0x67: {  	_ = 	snop;
	(pc) =	sbr.rel @p0 .LBB2_2-.Ltmp0, $4  }
0x68: {  	s0 =	sor.u32 s4, s0;
	_ =	swait.ge [sflag:s17], $0x3E80  }
0x69: {  	s0 =	sshrl.u32 s0, $0x3;
	[sflag:s17] =	ssyncset.done $0x0  }
0x6a: {  	s4 =	sadd.s32 s6, s0;
	s0 =	sadd.s32 s7, s0;
	[sflag:s17] =	ssyncadd.s32 $0xFFFFC180  }
0x6b: {  	[tilespmem:s22], [sflag:$0x4] =	stream.linear.gather [hbm4b:s4+s5], $0x80, $0x38;
	[tilespmem:$0x1C200] =	vst v63  }
0x6c: {  	[tilespmem:s28], [sflag:$0x4] =	stream.linear.gather [hbm4b:s0+s5], $0x80, $0x38;
	[tilespmem:$0x1C200] =	vst v63  }
0x6d: {  	_ =	swait.ge [sflag:s23], $0x80  }
0x6e: {  	[sflag:s23] =	ssyncset.done $0x0  }
0x6f: {  	[sflag:s23] =	ssyncadd.s32 $0xFFFFFF80  }
0x70: {  	_ =	swait.ge [sflag:s23], $0x80  }
0x71: {  	[sflag:s23] =	ssyncset.done $0x0  }
0x72: {  	[sflag:s23] =	ssyncadd.s32 $0xFFFFFF80  }
0x73: {  	[tilespmem:s24], [sflag:$0x2] =	stream.indirect.gather [hbm4b:s1+s20], $0x80, s22, s20, $0xb8;
	[tilespmem:$0x1C200] =	vst v63  }
0x74: {  	_ =	swait.ge [sflag:s25], $0x3E80  }
0x75: {  	[sflag:s25] =	ssyncset.done $0x0  }
0x76: {  	[sflag:s25] =	ssyncadd.s32 $0xFFFFC180  }
0x77: {  	[spmem:s3] =	stream.indirect.scatter.add.f32 [tilespmem:s21], [sflag:$0x5], $0x80, s18, s20, $0xb8;
	[tilespmem:$0x1C200] =	vst v63  }
0x78: {  	_ =	swait.ge [sflag:s17], $0x3E80  }
0x79: {  	[sflag:s17] =	ssyncset.done $0x0  }
0x7a: {  	[sflag:s17] =	ssyncadd.s32 $0xFFFFC180  }
0x7b: {  	_ =	swait.ge [sflag:s26], $0x3E80  }
0x7c: {  	[sflag:s26] =	ssyncset.done $0x0  }
0x7d: {  	[sflag:s26] =	ssyncadd.s32 $0xFFFFC180  }
0x7e: {  	[spmem:s3] =	stream.indirect.scatter.add.f32 [tilespmem:s24], [sflag:$0x5], $0x80, s28, s20, $0xb8;
	[tilespmem:$0x1C200] =	vst v63  }
0x7f: {  	_ =	swait.ge [sflag:s17], $0x3E80  }
0x80: {  	s29 =	sadd.s32 $0x1, s29;
	[sflag:s17] =	ssyncset.done $0x0  }
0x81: {  	p0 =	sne.s32 s29, s15;
	[sflag:s17] =	ssyncadd.s32 $0xFFFFC180  }
.Ltmp1:
0x82: {  	[bflag:$0x0] =	sbarrier.arrive $0xFFFF;
	(pc) =	sbr.rel @p0 .LBB2_1-.Ltmp1, $4  }
0x83: {  	[hbm:s14], [sflag:s9] =	dma.local [spmem:s16], $0x2800  }
0x84: {  	_ =	swait.ge [sflag:s17], $0x2800  }
0x85: {  	[sflag:s17] =	ssyncset.done $0x0  }
0x86: {  	[sflag:s17] =	ssyncadd.s32 $0xFFFFD800  }
0x87: {  	_ =	sfence.sel $0x180000  }
0x88: {  	[bflag:$0x0] =	sbarrier.arrive $0xFFFF  }
0x89: {  	_ =	strace $0x90000047  }
0x8a: {  	s0 =	stileid.u32;
	[bflag:$0x2] =	sbarrier.arrive $0xFFFF  }
0x8b: {  	p0 =	sne.s32 s0, $0x0;
	s0 =	rddreg [dreg:$0x4]  }
0x8c: {  	s0 =	sadd.s32 @!p0 $0x100000, s0  }
0x8d: {  	[sflag:s0] =	ssyncadd.tile.s32 @!p0 $0x1;
	_ =	shalt  }
.Lfunc_end2:
_tile_overlayer_lowered:
.L_overlay_start_2:
0x8e: {  	(tag) =	ssettag $0x2  }
0x8f: {  	s0 =	rddreg [dreg:$0x0];
	s2 =	stileid.u32  }
0x90: {  	s1 =	rddreg [dreg:$0x1];
	p0 =	sne.s32 s2, $0x0  }
0x91: {  	s3 =	rddreg [dreg:$0x2];
	[bflag:$0x3] =	sbarrier.arrive $0xFFFF;
	s2 =	simm.s32 @!p0 $0x1C05  }
0x92: {  	[timem:s3], [sflag:s2] =	dma.local @!p0 [hbm:s0], s1  }
0x93: {  	s0 =	simm.s32 @!p0 $0x5  }
0x94: {  	_ =	swait.ge @!p0 [sflag:s0], s1  }
0x95: {  	s1 =	ssub.s32 @!p0 $0x0, s1;
	[sflag:s0] =	ssyncset.done @!p0 $0x0  }
0x96: {  	[sflag:s0] =	ssyncadd.s32 @!p0 s1  }
0x97: {  	[bflag:$0x3] =	sbarrier.arrive $0xFFFF  }
0x98: {  	_ =	shalt  }

// kernel: kernel.19.cloned.1.call-start
scs
__scs_entry_jumppad:
0x0: {  	(pc) =	sbr.rel $0x88, $3  }
0x1: {  	(tag) =	ssettag $0x0;
	lr =	simm.s32 $0x1  }
0x2: {  	[smem:$0x3F93] =	sst lr;
	_ =	strace $0xD0000000  }
0x3: {  	_ = 	snop  }
0x4: {  	_ = 	snop  }
0x5: {  	_ = 	snop  }
0x6: {  	_ = 	snop  }
0x7: {  	_ = 	snop  }
__scs_overlays_trampoline_lowered:
0x8: {  	[smem:$0x3FA2] =	sst s0  }
0x9: {  	[smem:$0x3FA3] =	sst s1  }
0xa: {  	[smem:$0x3FA4] =	sst s2  }
0xb: {  	[smem:$0x3FA5] =	sst s3  }
0xc: {  	[smem:$0x3FA6] =	sst s4  }
0xd: {  	[smem:$0x3FA7] =	sst s5  }
0xe: {  	[smem:$0x3FA8] =	sst s6  }
0xf: {  	[smem:$0x3FA9] =	sst s7  }
0x10: {  	[smem:$0x3FAA] =	sst s8  }
0x11: {  	[smem:$0x3FAB] =	sst s9;
	s0 =	simm.s32 @!p0 $0x0  }
0x12: {  	s1 =	sld [smem:$0x3F91];
	s0 =	simm.s32 @p0 $0x1  }
0x13: {  	[smem:$0x3FAC] =	sst s0;
	s0 =	simm.s32 @!p1 $0x0  }
0x14: {  	s2 =	sld [smem:$0x3F90];
	s0 =	simm.s32 @p1 $0x1  }
0x15: {  	[smem:$0x3FAD] =	sst s0;
	s0 =	simm.s32 @!p2 $0x0  }
0x16: {  	s3 =	sld [smem:$0x3FDB];
	s0 =	simm.s32 @p2 $0x1  }
0x17: {  	s4 =	simm.s32 $0x1BF5;
	[smem:$0x3FAF] =	sst s0  }
0x18: {  	s0 =	sld [smem:$0x3F92];
	_ =	swait.ge [sflag:s4], $0x0  }
0x19: {  	s7 =	sld [smem:$0x3F93]  }
0x1a: {  	s8 =	sadd.s32 $0xFFFFE003, lr  }
0x1b: {  	s9 =	sadd.s32 $0xFFFFFEF7, lr;
	s5 =	simm.s32 $0xFFFFFFFF;
	p2 =	slt.u32 s8, $0xFFFFF086  }
0x1c: {  	p1 =	slt.u32 s9, $0xF7A;
	s5 =	simm.s32 @!p2 $0x0  }
0x1d: {  	s5 =	simm.s32 @p1 $0x1;
	p0 =	seq.s32 s7, s2  }
0x1e: {  	s7 =	smul.u32 @!p0 $0xF7A, s2;
	p2 =	seq.s32 @!p0 s5, $0x0  }
0x1f: {  	s9 =	smul.u32 $0xF7A, s1;
	s8 =	simm.s32 @!p0 $0x1BF5;
	p2 =	por !p2, p0  }
0x20: {  	[sflag:s8] =	ssyncset.s32 @!p0 $0xFFFFF086;
	s6 =	sadd.s32 @!p0 s3, s7;
	s7 =	simm.s32 @!p0 $0x108  }
0x21: {  	s3 =	sadd.s32 s3, s9;
	s6 =	sadd.s32 @!p0 $0x88, s6;
	s7 =	simm.s32 @p2 $0x1082  }
0x22: {  	[simem:s7], [sflag:s8] =	dma.local @!p0 [hbm:s6], $0xF7A  }
0x23: {  	s9 =	sor.u32 $0xD0000000, s2;
	s6 =	simm.s32 $0x108;
	_ =	swait.ge @!p0 [sflag:s8], $0x0  }
0x24: {  	s3 =	sadd.s32 $0x88, s3;
	s6 =	simm.s32 @!p1 $0x1082;
	[sflag:s4] =	ssyncset.s32 $0xFFFFF086  }
0x25: {  	[simem:s6], [sflag:s4] =	dma.local [hbm:s3], $0xF7A  }
0x26: {  	[smem:$0x3F93] =	sst s1;
	(tag) =	ssettag s2;
	_ =	strace s9  }
0x27: {  	s1 =	sld [smem:$0x3FA3]  }
0x28: {  	s2 =	sld [smem:$0x3FA4]  }
0x29: {  	s4 =	sld [smem:$0x3FA6]  }
0x2a: {  	p0 =	seq.s32 s5, $0x0;
	s5 =	sld [smem:$0x3FA7]  }
0x2b: {  	s6 =	sld [smem:$0x3FA8]  }
0x2c: {  	s7 =	sld [smem:$0x3FA9]  }
0x2d: {  	s3 =	simm.s32 $0x108;
	s8 =	sld [smem:$0x3FAA]  }
0x2e: {  	s3 =	simm.s32 @!p0 $0x1082;
	s9 =	sld [smem:$0x3FAB]  }
0x2f: {  	lr =	sadd.s32 s0, s3;
	s0 =	sld [smem:$0x3FA2]  }
0x30: {  	s3 =	sld [smem:$0x3FA5]  }
0x31: {  	[smem:$0x3FAE] =	sst s10  }
0x32: {  	s10 =	sld [smem:$0x3FAC];
	_ =	sdelay $0x3  }
0x33: {  	p0 =	seq.s32 s10, $0x1;
	s10 =	sld [smem:$0x3FAE];
	_ =	sdelay $0x3  }
0x34: {  	[smem:$0x3FAE] =	sst s10  }
0x35: {  	s10 =	sld [smem:$0x3FAD];
	_ =	sdelay $0x3  }
0x36: {  	p1 =	seq.s32 s10, $0x1;
	s10 =	sld [smem:$0x3FAE];
	_ =	sdelay $0x3  }
0x37: {  	[smem:$0x3FAE] =	sst s10  }
0x38: {  	s10 =	sld [smem:$0x3FAF]  }
0x39: {  	_ = 	snop;
	(pc) =	sbr.ind lr, $3  }
0x3a: {  	_ = 	snop  }
0x3b: {  	_ = 	snop  }
0x3c: {  	p2 =	seq.s32 s10, $0x1;
	s10 =	sld [smem:$0x3FAE]  }
0x3d: {  	_ =	shalt  }
0x3e: {  	_ =	shalt  }
0x3f: {  	_ =	shalt  }
0x40: {  	_ =	shalt  }
0x41: {  	_ =	shalt  }
0x42: {  	_ =	shalt  }
0x43: {  	_ =	shalt  }
0x44: {  	_ =	shalt  }
0x45: {  	_ =	shalt  }
0x46: {  	_ =	shalt  }
0x47: {  	_ =	shalt  }
0x48: {  	_ =	shalt  }
0x49: {  	_ =	shalt  }
0x4a: {  	_ =	shalt  }
0x4b: {  	_ =	shalt  }
0x4c: {  	_ =	shalt  }
0x4d: {  	_ =	shalt  }
0x4e: {  	_ =	shalt  }
0x4f: {  	_ =	shalt  }
0x50: {  	_ =	shalt  }
0x51: {  	_ =	shalt  }
0x52: {  	_ =	shalt  }
0x53: {  	_ =	shalt  }
0x54: {  	_ =	shalt  }
0x55: {  	_ =	shalt  }
0x56: {  	_ =	shalt  }
0x57: {  	_ =	shalt  }
0x58: {  	_ =	shalt  }
0x59: {  	_ =	shalt  }
0x5a: {  	_ =	shalt  }
0x5b: {  	_ =	shalt  }
0x5c: {  	_ =	shalt  }
0x5d: {  	_ =	shalt  }
0x5e: {  	_ =	shalt  }
0x5f: {  	_ =	shalt  }
0x60: {  	_ =	shalt  }
0x61: {  	_ =	shalt  }
0x62: {  	_ =	shalt  }
0x63: {  	_ =	shalt  }
0x64: {  	_ =	shalt  }
0x65: {  	_ =	shalt  }
0x66: {  	_ =	shalt  }
0x67: {  	_ =	shalt  }
0x68: {  	_ =	shalt  }
0x69: {  	_ =	shalt  }
0x6a: {  	_ =	shalt  }
0x6b: {  	_ =	shalt  }
0x6c: {  	_ =	shalt  }
0x6d: {  	_ =	shalt  }
0x6e: {  	_ =	shalt  }
0x6f: {  	_ =	shalt  }
0x70: {  	_ =	shalt  }
0x71: {  	_ =	shalt  }
0x72: {  	_ =	shalt  }
0x73: {  	_ =	shalt  }
0x74: {  	_ =	shalt  }
0x75: {  	_ =	shalt  }
0x76: {  	_ =	shalt  }
0x77: {  	_ =	shalt  }
0x78: {  	_ =	shalt  }
0x79: {  	_ =	shalt  }
0x7a: {  	_ =	shalt  }
0x7b: {  	_ =	shalt  }
0x7c: {  	_ =	shalt  }
0x7d: {  	_ =	shalt  }
0x7e: {  	_ =	shalt  }
0x7f: {  	_ =	shalt  }
0x80: {  	_ =	shalt  }
0x81: {  	_ =	shalt  }
0x82: {  	_ =	shalt  }
0x83: {  	_ =	shalt  }
0x84: {  	_ =	shalt  }
0x85: {  	_ =	shalt  }
0x86: {  	_ =	shalt  }
0x87: {  	_ =	shalt  }
.Lfunc_end0:
.L_simem_size_0:
called_computation.1_lowered:
.L_overlay_start_0:
0x88: {  	s2 =	sld [smem:$0x3FD9]  }
0x89: {  	s3 =	sld [smem:$0x3FFE];
	_ =	sdelay $0x1  }
0x8a: {  	s1 =	srdreg.scid  }
0x8b: {  	s0 =	sand.u32 $0x1, s1  }
0x8c: {  	s15 =	sshll.u32 s0, $0xA;
	s2 =	sadd.s32 s3, s2  }
0x8d: {  	s2 =	sadd.s32 s2, s15  }
0x8e: {  	[smem:$0x3FBA] =	sst s2  }
0x8f: {  	_ = 	snop  }
0x90: {  	s2 =	sld [smem:$0x3FD0];
	_ =	sdelay $0x2  }
0x91: {  	s4 =	simm.s32 $0xC;
	s16 =	simm.s32 $0x10  }
0x92: {  	[smem:s16], [sflag:s4] =	dma.local [hbm:s2], $0x1  }
0x93: {  	_ =	swait.eq [sflag:s4], $0x1  }
0x94: {  	[sflag:s4] =	ssyncset.done $0x0  }
0x95: {  	s17 =	sld [smem:$0x11];
	[sflag:s4] =	ssyncadd.s32 $0xFFFFFFFF  }
0x96: {  	s18 =	sld [smem:$0x12];
	(tm) =	ssettm $0x1  }
0x97: {  	s19 =	sld [smem:$0x3FFB];
	_ =	sdelay $0x3  }
0x98: {  	_ =	strace s19  }
0x99: {  	s2 =	sld [smem:$0x3FFC];
	_ =	sdelay $0x3  }
0x9a: {  	_ =	strace s2  }
0x9b: {  	s2 =	sld [smem:$0x3FFD];
	_ =	sdelay $0x3  }
0x9c: {  	_ =	strace s2  }
0x9d: {  	_ =	strace $0x8FFFFFFF  }
0x9e: {  	s20 =	sld [smem:$0x3FDB];
	_ =	sdelay $0x1  }
0x9f: {  	s5 =	simm.s32 $_scs_section_size  }
0xa0: {  	s6 =	simm.s32 $_size__tile_overlayer_lowered;
	s7 =	simm.s32 $_tile_overlayer_lowered  }
0xa1: {  	s8 =	simm.s32 $0x1BFF;
	s21 =	sshll.u32 s7, $0x1;
	s5 =	sadd.s32 s5, s20  }
0xa2: {  	s22 =	simm.s32 $0x0;
	s6 =	sshll.u32 s6, $0x1;
	s7 =	sadd.s32 s21, s5  }
0xa3: {  	[timem:s22], [sflag:s8] =	dma.local [hbm:s7], s6  }
0xa4: {  	_ =	swait.ge [sflag:s8], s6  }
0xa5: {  	s6 =	ssub.s32 $0x0, s6;
	[sflag:s8] =	ssyncset.done $0x0  }
0xa6: {  	[sflag:s8] =	ssyncadd.s32 s6;
	_ =	sdelay $0x1  }
0xa7: {  	s23 =	simm.s32 $0x1B8B  }
0xa8: {  	_ =	swait.ge [sflag:s23], $0x1  }
0xa9: {  	[sflag:s23] =	ssyncset.done $0x0  }
0xaa: {  	[sflag:s23] =	ssyncadd.s32 $0xFFFFFFFF  }
0xab: {  	s6 =	sld [smem:$0x0]  }
0xac: {  	s7 =	sand.u32 $0xFFFFFFFE, s1  }
0xad: {  	p0 =	sne.s32 s1, s7  }
0xae: {  	s7 =	sshll.u32 @p0 s7, $0xE  }
0xaf: {  	s7 =	sadd.s32 @p0 $0x11B8D, s7;
	s8 =	sshll.u32 @p0 s6, $0x11  }
0xb0: {  	s7 =	sor.u32 @p0 s8, s7  }
0xb1: {  	[sflag:s7] =	ssyncadd.remote.s32 @p0 $0x1;
	_ =	sdelay $0x1  }
0xb2: {  	s7 =	simm.s32 @p0 $0x1B8D  }
0xb3: {  	_ =	swait.eq @p0 [sflag:s7], $0x1  }
0xb4: {  	[sflag:s7] =	ssyncadd.s32 @p0 $0xFFFFFFFF  }
0xb5: {  	s8 =	sshll.u32 @!p0 s1, $0xE  }
0xb6: {  	s8 =	sor.u32 @!p0 $0x4000, s8;
	s7 =	simm.s32 @!p0 $0x1B8D  }
0xb7: {  	s6 =	sshll.u32 @!p0 s6, $0x11;
	s8 =	sadd.s32 @!p0 $0x11B8D, s8;
	_ =	swait.eq @!p0 [sflag:s7], $0x1  }
0xb8: {  	s6 =	sor.u32 @!p0 s6, s8;
	[sflag:s7] =	ssyncadd.s32 @!p0 $0xFFFFFFFF  }
0xb9: {  	s25 =	simm.s32 $0x1B8E;
	s24 =	sld [smem:$0x3FFE];
	[sflag:s6] =	ssyncadd.remote.s32 @!p0 $0x1  }
0xba: {  	s26 =	simm.s32 $execute0_lowered;
	[smem:$0x3FD2] =	sst s25  }
0xbb: {  	s7 =	sshll.u32 s26, $0x1;
	_ =	strace $0x80000049;
	[dreg:$0x1] =	wrdreg $0xFFFFFFFF  }
0xbc: {  	s28 =	simm.s32 $_size_execute0_lowered;
	s5 =	sadd.s32 s5, s7;
	[dreg:$0x0] =	wrdreg $0x0  }
0xbd: {  	s7 =	sshll.u32 s28, $0x1;
	[dreg:$0x2] =	wrdreg s5  }
0xbe: {  	[dreg:$0x3] =	wrdreg s7  }
0xbf: {  	[dreg:$0x4] =	wrdreg $0xC0  }
0xc0: {  	_ =	task [dreg:s22], $0x5FFFF  }
0xc1: {  	[dreg:$0x1] =	wrdreg $0xFFFFFFFF  }
0xc2: {  	[dreg:$0x0] =	wrdreg $0x60  }
0xc3: {  	[dreg:$0x2] =	wrdreg s24  }
0xc4: {  	[dreg:$0x3] =	wrdreg s17  }
0xc5: {  	[dreg:$0x4] =	wrdreg s18  }
0xc6: {  	[dreg:$0x5] =	wrdreg $0x82000  }
0xc7: {  	[dreg:$0x6] =	wrdreg $0xA  }
0xc8: {  	_ =	task.clear_ibuf [dreg:s22], $0x7FFFF;
	_ =	strace $0x90000049  }
0xc9: {  	s29 =	simm.s32 $0xA;
	_ =	strace $0x8000004B  }
0xca: {  	_ =	swait.ge [sflag:s29], $0x1  }
0xcb: {  	[sflag:s29] =	ssyncadd.s32 $0xFFFFFFFF  }
0xcc: {  	_ =	strace $0x9000004B  }
0xcd: {  	_ =	sfence  }
0xce: {  	s30 =	sld [smem:$0x0];
	_ =	sdelay $0x2  }
0xcf: {  	s31 =	sshll.u32 s1, $0xD;
	s1 =	sshrl.u32 s1, $0x2  }
0xd0: {  	s4 =	sand.u32 $0x4000, s31;
	s1 =	sadd.s32 s1, s30  }
0xd1: {  	s0 =	sor.u32 s4, s0;
	s1 =	sshll.u32 s1, $0x11  }
0xd2: {  	s0 =	sor.u32 s1, s0  }
0xd3: {  	s0 =	sadd.s32 $0x8F2B, s0  }
0xd4: {  	[sflag:s0] =	ssyncadd.remote.s32 $0x1  }
0xd5: {  	_ =	sfence.sel $0xFFFF  }
0xd6: {  	[dreg:$0x0] =	wrdreg $0xFFFFFFFF;
	(pc) =	sbr.abs _section_cstart, $3  }
0xd7: {  	[dreg:$0x1] =	wrdreg $0xFFFFFFFF  }
0xd8: {  	_ =	task.clear_ibuf [dreg:s22], $0x2FFFF;
	_ =	strace $0x9FFFFFFF  }
0xd9: {  	(tm) =	ssettm $0x7FFFFFFF  }
tec
execute0_lowered:
.L_overlay_start_1:
0x0: {  	(tag) =	ssettag $0x1  }
0x1: {  	s0 =	rddreg [dreg:$0x0]  }
0x2: {  	s1 =	rddreg [dreg:$0x1]  }
0x3: {  	s2 =	rddreg [dreg:$0x2]  }
0x4: {  	s3 =	rddreg [dreg:$0x3]  }
0x5: {  	s4 =	srdreg.scid;
	s5 =	simm.s32 $0x0;
	s22 =	stileid.u32  }
0x6: {  	s17 =	simm.s32 $0x5;
	s18 =	simm.s32 $0x100;
	s19 =	simm.s32 $0x3  }
0x7: {  	s20 =	simm.s32 $0x7D;
	s21 =	simm.s32 $0x200;
	s28 =	simm.s32 $0x180  }
0x8: {  	s29 =	simm.s32 $0x0;
	s8 =	sand.u32 $0x1, s4;
	s10 =	smul.u32 $0x14000, s22  }
0x9: {  	[smem:$0x7FF] =	sst s5;
	s6 =	sadd.s32 $0x54A400, s0;
	s25 =	smul.u32 $0x50000, s22  }
0xa: {  	s7 =	sadd.s32 $0x4400, s0;
	s30 =	sshll.u32 s22, $0x6;
	s9 =	smul.u32 $0x140000, s8  }
0xb: {  	_ =	strace $0x8000004A;
	s23 =	sshll.u32 s8, $0x4;
	s11 =	ssub.s32 $0x2, s8  }
0xc: {  	s24 =	sor.u32 s22, s23;
	s12 =	sshrl.u32 s11, $0x1;
	s26 =	sshrl.u32 s25, $0x2  }
0xd: {  	s22 =	simm.s32 $0x80;
	s23 =	simm.s32 $0x4;
	s25 =	simm.s32 $0x1  }
0xe: {  	s9 =	sadd.s32 s10, s9;
	s8 =	smul.u32 $0x2800, s24;
	s15 =	ssub.s32 s11, s12  }
0xf: {  	s16 =	sadd.s32 s26, s3;
	s24 =	simm.s32 $0x4200;
	s26 =	simm.s32 $0x2  }
0x10: {  	s9 =	sshrl.u32 s9, $0x3;
	s15 =	smax.u32 s15, $0x1;
	s16 =	sshrl.u32 s16, $0x3  }
0x11: {  	s0 =	sadd.s32 s9, s0;
	s31 =	sshrl.u32 s8, $0x3;
	s9 =	sor.u32 $0x1C05, s30  }
0x12: {  	s10 =	sadd.s32 s1, s31;
	s13 =	sor.u32 $0x10, s31;
	s11 =	sadd.s32 s7, s31  }
0x13: {  	s14 =	sadd.s32 $0x68400, s0;
	s12 =	sadd.s32 s1, s13;
	s13 =	sadd.s32 s7, s13  }
.LBB2_1:
0x14: {  	[spmem:s16], [sflag:s9] =	dma.local [hbm:s2], $0x2800  }
0x15: {  	_ =	swait.ge [sflag:s17], $0x2800  }
0x16: {  	[sflag:s17] =	ssyncset.done $0x0  }
0x17: {  	[sflag:s17] =	ssyncadd.s32 $0xFFFFD800  }
0x18: {  	[bflag:$0x0] =	sbarrier.arrive $0xFFFF  }
0x19: {  	[tilespmem:s5], [sflag:$0x3] =	stream.linear.gather [hbm4b:s10+s5], $0x80, $0x38;
	[tilespmem:$0x1C200] =	vst v63  }
0x1a: {  	_ = 	snop  }
0x1b: {  	[tilespmem:s18], [sflag:$0x3] =	stream.linear.gather [hbm4b:s11+s5], $0x80, $0x38;
	[tilespmem:$0x1C200] =	vst v63  }
0x1c: {  	_ =	swait.ge [sflag:s19], $0x80  }
0x1d: {  	[sflag:s19] =	ssyncset.done $0x0  }
0x1e: {  	[sflag:s19] =	ssyncadd.s32 $0xFFFFFF80  }
0x1f: {  	_ =	swait.ge [sflag:s19], $0x80  }
0x20: {  	[sflag:s19] =	ssyncset.done $0x0  }
0x21: {  	[sflag:s19] =	ssyncadd.s32 $0xFFFFFF80  }
0x22: {  	[tilespmem:s21], [sflag:$0x1] =	stream.indirect.gather [hbm4b:s6+s20], $0x80, s5, s20, $0xb8;
	[tilespmem:$0x1C200] =	vst v63  }
0x23: {  	_ = 	snop  }
0x24: {  	[tilespmem:s22], [sflag:$0x4] =	stream.linear.gather [hbm4b:s12+s5], $0x80, $0x38;
	[tilespmem:$0x1C200] =	vst v63  }
0x25: {  	_ = 	snop  }
0x26: {  	[tilespmem:s28], [sflag:$0x4] =	stream.linear.gather [hbm4b:s13+s5], $0x80, $0x38;
	[tilespmem:$0x1C200] =	vst v63  }
0x27: {  	_ =	swait.ge [sflag:s23], $0x80  }
0x28: {  	[sflag:s23] =	ssyncset.done $0x0  }
0x29: {  	[sflag:s23] =	ssyncadd.s32 $0xFFFFFF80  }
0x2a: {  	_ =	swait.ge [sflag:s23], $0x80  }
0x2b: {  	[sflag:s23] =	ssyncset.done $0x0  }
0x2c: {  	[sflag:s23] =	ssyncadd.s32 $0xFFFFFF80  }
0x2d: {  	[tilespmem:s24], [sflag:$0x2] =	stream.indirect.gather [hbm4b:s6+s20], $0x80, s22, s20, $0xb8;
	[tilespmem:$0x1C200] =	vst v63  }
0x2e: {  	s0 =	simm.s32 $0x100;
	_ =	swait.ge [sflag:s25], $0x3E80  }
0x2f: {  	s30 =	sand.u32 $0x7C00, s0;
	[sflag:s25] =	ssyncset.done $0x0  }
0x30: {  	s0 =	sand.u32 $0x300, s0;
	s30 =	sadd.s32 s8, s30;
	[sflag:s25] =	ssyncadd.s32 $0xFFFFC180  }
0x31: {  	[spmem:s3] =	stream.indirect.scatter.add.f32 [tilespmem:s21], [sflag:$0x5], $0x80, s18, s20, $0xb8;
	[tilespmem:$0x1C200] =	vst v63  }
0x32: {  	s0 =	sor.u32 s0, s30;
	_ =	swait.ge [sflag:s17], $0x3E80  }
0x33: {  	s0 =	sshrl.u32 s0, $0x3;
	[sflag:s17] =	ssyncset.done $0x0  }
0x34: {  	s30 =	sadd.s32 s1, s0;
	[sflag:s17] =	ssyncadd.s32 $0xFFFFC180  }
0x35: {  	[tilespmem:s5], [sflag:$0x3] =	stream.linear.gather [hbm4b:s30+s5], $0x80, $0x38;
	[tilespmem:$0x1C200] =	vst v63  }
0x36: {  	s0 =	sadd.s32 s7, s0  }
0x37: {  	[tilespmem:s18], [sflag:$0x3] =	stream.linear.gather [hbm4b:s0+s5], $0x80, $0x38;
	[tilespmem:$0x1C200] =	vst v63  }
0x38: {  	_ =	swait.ge [sflag:s19], $0x80  }
0x39: {  	[sflag:s19] =	ssyncset.done $0x0  }
0x3a: {  	[sflag:s19] =	ssyncadd.s32 $0xFFFFFF80  }
0x3b: {  	_ =	swait.ge [sflag:s19], $0x80  }
0x3c: {  	[sflag:s19] =	ssyncset.done $0x0  }
0x3d: {  	[sflag:s19] =	ssyncadd.s32 $0xFFFFFF80  }
0x3e: {  	[tilespmem:s21], [sflag:$0x1] =	stream.indirect.gather [hbm4b:s6+s20], $0x80, s5, s20, $0xb8;
	[tilespmem:$0x1C200] =	vst v63  }
0x3f: {  	_ =	swait.ge [sflag:s26], $0x3E80  }
0x40: {  	s31 =	sand.u32 $0x7C00, s28;
	[sflag:s26] =	ssyncset.done $0x0  }
0x41: {  	s30 =	sand.u32 $0x380, s28;
	s0 =	sadd.s32 s8, s31;
	[sflag:s26] =	ssyncadd.s32 $0xFFFFC180  }
0x42: {  	[spmem:s3] =	stream.indirect.scatter.add.f32 [tilespmem:s24], [sflag:$0x5], $0x80, s28, s20, $0xb8;
	[tilespmem:$0x1C200] =	vst v63  }
0x43: {  	s0 =	sor.u32 s30, s0;
	_ =	swait.ge [sflag:s17], $0x3E80  }
0x44: {  	s0 =	sshrl.u32 s0, $0x3;
	[sflag:s17] =	ssyncset.done $0x0  }
0x45: {  	s30 =	sadd.s32 s1, s0;
	[sflag:s17] =	ssyncadd.s32 $0xFFFFC180  }
0x46: {  	[tilespmem:s22], [sflag:$0x4] =	stream.linear.gather [hbm4b:s30+s5], $0x80, $0x38;
	[tilespmem:$0x1C200] =	vst v63  }
0x47: {  	s0 =	sadd.s32 s7, s0;
	s30 =	simm.s32 $0x280  }
.LBB2_2:
0x48: {  	p0 =	sne.s32 s30, $0x2780;
	s31 =	smov.u32 s30;
	s30 =	sadd.s32 $0x100, s30  }
0x49: {  	[tilespmem:s28], [sflag:$0x4] =	stream.linear.gather [hbm4b:s0+s5], $0x80, $0x38;
	[tilespmem:$0x1C200] =	vst v63  }
0x4a: {  	_ =	swait.ge [sflag:s23], $0x80  }
0x4b: {  	[sflag:s23] =	ssyncset.done $0x0  }
0x4c: {  	[sflag:s23] =	ssyncadd.s32 $0xFFFFFF80  }
0x4d: {  	_ =	swait.ge [sflag:s23], $0x80  }
0x4e: {  	[sflag:s23] =	ssyncset.done $0x0  }
0x4f: {  	[sflag:s23] =	ssyncadd.s32 $0xFFFFFF80  }
0x50: {  	[tilespmem:s24], [sflag:$0x2] =	stream.indirect.gather [hbm4b:s6+s20], $0x80, s22, s20, $0xb8;
	[tilespmem:$0x1C200] =	vst v63  }
0x51: {  	_ =	swait.ge [sflag:s25], $0x3E80  }
0x52: {  	s0 =	sadd.s32 $0xFFFFFF80, s31;
	[sflag:s25] =	ssyncset.done $0x0  }
0x53: {  	s4 =	sand.u32 $0x7C00, s0;
	s0 =	sand.u32 $0x300, s0;
	[sflag:s25] =	ssyncadd.s32 $0xFFFFC180  }
0x54: {  	[spmem:s3] =	stream.indirect.scatter.add.f32 [tilespmem:s21], [sflag:$0x5], $0x80, s18, s20, $0xb8;
	[tilespmem:$0x1C200] =	vst v63  }
0x55: {  	s4 =	sadd.s32 s8, s4;
	_ =	swait.ge [sflag:s17], $0x3E80  }
0x56: {  	s0 =	sor.u32 s0, s4;
	[sflag:s17] =	ssyncset.done $0x0  }
0x57: {  	s0 =	sshrl.u32 s0, $0x3;
	[sflag:s17] =	ssyncadd.s32 $0xFFFFC180  }
0x58: {  	s4 =	sadd.s32 s1, s0;
	s0 =	sadd.s32 s7, s0  }
0x59: {  	[tilespmem:s5], [sflag:$0x3] =	stream.linear.gather [hbm4b:s4+s5], $0x80, $0x38;
	[tilespmem:$0x1C200] =	vst v63  }
0x5a: {  	_ = 	snop  }
0x5b: {  	[tilespmem:s18], [sflag:$0x3] =	stream.linear.gather [hbm4b:s0+s5], $0x80, $0x38;
	[tilespmem:$0x1C200] =	vst v63  }
0x5c: {  	_ =	swait.ge [sflag:s19], $0x80  }
0x5d: {  	[sflag:s19] =	ssyncset.done $0x0  }
0x5e: {  	[sflag:s19] =	ssyncadd.s32 $0xFFFFFF80  }
0x5f: {  	_ =	swait.ge [sflag:s19], $0x80  }
0x60: {  	[sflag:s19] =	ssyncset.done $0x0  }
0x61: {  	[sflag:s19] =	ssyncadd.s32 $0xFFFFFF80  }
0x62: {  	[tilespmem:s21], [sflag:$0x1] =	stream.indirect.gather [hbm4b:s6+s20], $0x80, s5, s20, $0xb8;
	[tilespmem:$0x1C200] =	vst v63  }
0x63: {  	_ =	swait.ge [sflag:s26], $0x3E80  }
0x64: {  	s0 =	sand.u32 $0x7C00, s31;
	[sflag:s26] =	ssyncset.done $0x0  }
0x65: {  	s4 =	sand.u32 $0x380, s31;
	s0 =	sadd.s32 s8, s0;
	[sflag:s26] =	ssyncadd.s32 $0xFFFFC180  }
0x66: {  	[spmem:s3] =	stream.indirect.scatter.add.f32 [tilespmem:s24], [sflag:$0x5], $0x80, s28, s20, $0xb8;
	[tilespmem:$0x1C200] =	vst v63  }
.Ltmp0:
0x67: {  	_ = 	snop;
	(pc) =	sbr.rel @p0 .LBB2_2-.Ltmp0, $4  }
0x68: {  	s0 =	sor.u32 s4, s0;
	_ =	swait.ge [sflag:s17], $0x3E80  }
0x69: {  	s0 =	sshrl.u32 s0, $0x3;
	[sflag:s17] =	ssyncset.done $0x0  }
0x6a: {  	s4 =	sadd.s32 s1, s0;
	s0 =	sadd.s32 s7, s0;
	[sflag:s17] =	ssyncadd.s32 $0xFFFFC180  }
0x6b: {  	[tilespmem:s22], [sflag:$0x4] =	stream.linear.gather [hbm4b:s4+s5], $0x80, $0x38;
	[tilespmem:$0x1C200] =	vst v63  }
0x6c: {  	[tilespmem:s28], [sflag:$0x4] =	stream.linear.gather [hbm4b:s0+s5], $0x80, $0x38;
	[tilespmem:$0x1C200] =	vst v63  }
0x6d: {  	_ =	swait.ge [sflag:s23], $0x80  }
0x6e: {  	[sflag:s23] =	ssyncset.done $0x0  }
0x6f: {  	[sflag:s23] =	ssyncadd.s32 $0xFFFFFF80  }
0x70: {  	_ =	swait.ge [sflag:s23], $0x80  }
0x71: {  	[sflag:s23] =	ssyncset.done $0x0  }
0x72: {  	[sflag:s23] =	ssyncadd.s32 $0xFFFFFF80  }
0x73: {  	[tilespmem:s24], [sflag:$0x2] =	stream.indirect.gather [hbm4b:s6+s20], $0x80, s22, s20, $0xb8;
	[tilespmem:$0x1C200] =	vst v63  }
0x74: {  	_ =	swait.ge [sflag:s25], $0x3E80  }
0x75: {  	[sflag:s25] =	ssyncset.done $0x0  }
0x76: {  	[sflag:s25] =	ssyncadd.s32 $0xFFFFC180  }
0x77: {  	[spmem:s3] =	stream.indirect.scatter.add.f32 [tilespmem:s21], [sflag:$0x5], $0x80, s18, s20, $0xb8;
	[tilespmem:$0x1C200] =	vst v63  }
0x78: {  	_ =	swait.ge [sflag:s17], $0x3E80  }
0x79: {  	[sflag:s17] =	ssyncset.done $0x0  }
0x7a: {  	[sflag:s17] =	ssyncadd.s32 $0xFFFFC180  }
0x7b: {  	_ =	swait.ge [sflag:s26], $0x3E80  }
0x7c: {  	[sflag:s26] =	ssyncset.done $0x0  }
0x7d: {  	[sflag:s26] =	ssyncadd.s32 $0xFFFFC180  }
0x7e: {  	[spmem:s3] =	stream.indirect.scatter.add.f32 [tilespmem:s24], [sflag:$0x5], $0x80, s28, s20, $0xb8;
	[tilespmem:$0x1C200] =	vst v63  }
0x7f: {  	_ =	swait.ge [sflag:s17], $0x3E80  }
0x80: {  	s29 =	sadd.s32 $0x1, s29;
	[sflag:s17] =	ssyncset.done $0x0  }
0x81: {  	p0 =	sne.s32 s29, s15;
	[sflag:s17] =	ssyncadd.s32 $0xFFFFC180  }
.Ltmp1:
0x82: {  	[bflag:$0x0] =	sbarrier.arrive $0xFFFF;
	(pc) =	sbr.rel @p0 .LBB2_1-.Ltmp1, $4  }
0x83: {  	[hbm:s14], [sflag:s9] =	dma.local [spmem:s16], $0x2800  }
0x84: {  	_ =	swait.ge [sflag:s17], $0x2800  }
0x85: {  	[sflag:s17] =	ssyncset.done $0x0  }
0x86: {  	[sflag:s17] =	ssyncadd.s32 $0xFFFFD800  }
0x87: {  	_ =	sfence.sel $0x180000  }
0x88: {  	[bflag:$0x0] =	sbarrier.arrive $0xFFFF  }
0x89: {  	_ =	strace $0x9000004A  }
0x8a: {  	s0 =	stileid.u32;
	[bflag:$0x2] =	sbarrier.arrive $0xFFFF  }
0x8b: {  	p0 =	sne.s32 s0, $0x0;
	s0 =	rddreg [dreg:$0x4]  }
0x8c: {  	s0 =	sadd.s32 @!p0 $0x100000, s0  }
0x8d: {  	[sflag:s0] =	ssyncadd.tile.s32 @!p0 $0x1;
	_ =	shalt  }
.Lfunc_end2:
_tile_overlayer_lowered:
.L_overlay_start_2:
0x8e: {  	(tag) =	ssettag $0x2  }
0x8f: {  	s0 =	rddreg [dreg:$0x0];
	s2 =	stileid.u32  }
0x90: {  	s1 =	rddreg [dreg:$0x1];
	p0 =	sne.s32 s2, $0x0  }
0x91: {  	s3 =	rddreg [dreg:$0x2];
	[bflag:$0x3] =	sbarrier.arrive $0xFFFF;
	s2 =	simm.s32 @!p0 $0x1C05  }
0x92: {  	[timem:s3], [sflag:s2] =	dma.local @!p0 [hbm:s0], s1  }
0x93: {  	s0 =	simm.s32 @!p0 $0x5  }
0x94: {  	_ =	swait.ge @!p0 [sflag:s0], s1  }
0x95: {  	s1 =	ssub.s32 @!p0 $0x0, s1;
	[sflag:s0] =	ssyncset.done @!p0 $0x0  }
0x96: {  	[sflag:s0] =	ssyncadd.s32 @!p0 s1  }
0x97: {  	[bflag:$0x3] =	sbarrier.arrive $0xFFFF  }
0x98: {  	_ =	shalt  }

// kernel: kernel.22.cloned.1.call-start
scs
__scs_entry_jumppad:
0x0: {  	(pc) =	sbr.rel $0x88, $3  }
0x1: {  	(tag) =	ssettag $0x0;
	lr =	simm.s32 $0x1  }
0x2: {  	[smem:$0x3F93] =	sst lr;
	_ =	strace $0xD0000000  }
0x3: {  	_ = 	snop  }
0x4: {  	_ = 	snop  }
0x5: {  	_ = 	snop  }
0x6: {  	_ = 	snop  }
0x7: {  	_ = 	snop  }
__scs_overlays_trampoline_lowered:
0x8: {  	[smem:$0x3FA2] =	sst s0  }
0x9: {  	[smem:$0x3FA3] =	sst s1  }
0xa: {  	[smem:$0x3FA4] =	sst s2  }
0xb: {  	[smem:$0x3FA5] =	sst s3  }
0xc: {  	[smem:$0x3FA6] =	sst s4  }
0xd: {  	[smem:$0x3FA7] =	sst s5  }
0xe: {  	[smem:$0x3FA8] =	sst s6  }
0xf: {  	[smem:$0x3FA9] =	sst s7  }
0x10: {  	[smem:$0x3FAA] =	sst s8  }
0x11: {  	[smem:$0x3FAB] =	sst s9;
	s0 =	simm.s32 @!p0 $0x0  }
0x12: {  	s1 =	sld [smem:$0x3F91];
	s0 =	simm.s32 @p0 $0x1  }
0x13: {  	[smem:$0x3FAC] =	sst s0;
	s0 =	simm.s32 @!p1 $0x0  }
0x14: {  	s2 =	sld [smem:$0x3F90];
	s0 =	simm.s32 @p1 $0x1  }
0x15: {  	[smem:$0x3FAD] =	sst s0;
	s0 =	simm.s32 @!p2 $0x0  }
0x16: {  	s3 =	sld [smem:$0x3FDB];
	s0 =	simm.s32 @p2 $0x1  }
0x17: {  	s4 =	simm.s32 $0x1BF5;
	[smem:$0x3FAF] =	sst s0  }
0x18: {  	s0 =	sld [smem:$0x3F92];
	_ =	swait.ge [sflag:s4], $0x0  }
0x19: {  	s7 =	sld [smem:$0x3F93]  }
0x1a: {  	s8 =	sadd.s32 $0xFFFFE003, lr  }
0x1b: {  	s9 =	sadd.s32 $0xFFFFFEF7, lr;
	s5 =	simm.s32 $0xFFFFFFFF;
	p2 =	slt.u32 s8, $0xFFFFF086  }
0x1c: {  	p1 =	slt.u32 s9, $0xF7A;
	s5 =	simm.s32 @!p2 $0x0  }
0x1d: {  	s5 =	simm.s32 @p1 $0x1;
	p0 =	seq.s32 s7, s2  }
0x1e: {  	s7 =	smul.u32 @!p0 $0xF7A, s2;
	p2 =	seq.s32 @!p0 s5, $0x0  }
0x1f: {  	s9 =	smul.u32 $0xF7A, s1;
	s8 =	simm.s32 @!p0 $0x1BF5;
	p2 =	por !p2, p0  }
0x20: {  	[sflag:s8] =	ssyncset.s32 @!p0 $0xFFFFF086;
	s6 =	sadd.s32 @!p0 s3, s7;
	s7 =	simm.s32 @!p0 $0x108  }
0x21: {  	s3 =	sadd.s32 s3, s9;
	s6 =	sadd.s32 @!p0 $0x88, s6;
	s7 =	simm.s32 @p2 $0x1082  }
0x22: {  	[simem:s7], [sflag:s8] =	dma.local @!p0 [hbm:s6], $0xF7A  }
0x23: {  	s9 =	sor.u32 $0xD0000000, s2;
	s6 =	simm.s32 $0x108;
	_ =	swait.ge @!p0 [sflag:s8], $0x0  }
0x24: {  	s3 =	sadd.s32 $0x88, s3;
	s6 =	simm.s32 @!p1 $0x1082;
	[sflag:s4] =	ssyncset.s32 $0xFFFFF086  }
0x25: {  	[simem:s6], [sflag:s4] =	dma.local [hbm:s3], $0xF7A  }
0x26: {  	[smem:$0x3F93] =	sst s1;
	(tag) =	ssettag s2;
	_ =	strace s9  }
0x27: {  	s1 =	sld [smem:$0x3FA3]  }
0x28: {  	s2 =	sld [smem:$0x3FA4]  }
0x29: {  	s4 =	sld [smem:$0x3FA6]  }
0x2a: {  	p0 =	seq.s32 s5, $0x0;
	s5 =	sld [smem:$0x3FA7]  }
0x2b: {  	s6 =	sld [smem:$0x3FA8]  }
0x2c: {  	s7 =	sld [smem:$0x3FA9]  }
0x2d: {  	s3 =	simm.s32 $0x108;
	s8 =	sld [smem:$0x3FAA]  }
0x2e: {  	s3 =	simm.s32 @!p0 $0x1082;
	s9 =	sld [smem:$0x3FAB]  }
0x2f: {  	lr =	sadd.s32 s0, s3;
	s0 =	sld [smem:$0x3FA2]  }
0x30: {  	s3 =	sld [smem:$0x3FA5]  }
0x31: {  	[smem:$0x3FAE] =	sst s10  }
0x32: {  	s10 =	sld [smem:$0x3FAC];
	_ =	sdelay $0x3  }
0x33: {  	p0 =	seq.s32 s10, $0x1;
	s10 =	sld [smem:$0x3FAE];
	_ =	sdelay $0x3  }
0x34: {  	[smem:$0x3FAE] =	sst s10  }
0x35: {  	s10 =	sld [smem:$0x3FAD];
	_ =	sdelay $0x3  }
0x36: {  	p1 =	seq.s32 s10, $0x1;
	s10 =	sld [smem:$0x3FAE];
	_ =	sdelay $0x3  }
0x37: {  	[smem:$0x3FAE] =	sst s10  }
0x38: {  	s10 =	sld [smem:$0x3FAF]  }
0x39: {  	_ = 	snop;
	(pc) =	sbr.ind lr, $3  }
0x3a: {  	_ = 	snop  }
0x3b: {  	_ = 	snop  }
0x3c: {  	p2 =	seq.s32 s10, $0x1;
	s10 =	sld [smem:$0x3FAE]  }
0x3d: {  	_ =	shalt  }
0x3e: {  	_ =	shalt  }
0x3f: {  	_ =	shalt  }
0x40: {  	_ =	shalt  }
0x41: {  	_ =	shalt  }
0x42: {  	_ =	shalt  }
0x43: {  	_ =	shalt  }
0x44: {  	_ =	shalt  }
0x45: {  	_ =	shalt  }
0x46: {  	_ =	shalt  }
0x47: {  	_ =	shalt  }
0x48: {  	_ =	shalt  }
0x49: {  	_ =	shalt  }
0x4a: {  	_ =	shalt  }
0x4b: {  	_ =	shalt  }
0x4c: {  	_ =	shalt  }
0x4d: {  	_ =	shalt  }
0x4e: {  	_ =	shalt  }
0x4f: {  	_ =	shalt  }
0x50: {  	_ =	shalt  }
0x51: {  	_ =	shalt  }
0x52: {  	_ =	shalt  }
0x53: {  	_ =	shalt  }
0x54: {  	_ =	shalt  }
0x55: {  	_ =	shalt  }
0x56: {  	_ =	shalt  }
0x57: {  	_ =	shalt  }
0x58: {  	_ =	shalt  }
0x59: {  	_ =	shalt  }
0x5a: {  	_ =	shalt  }
0x5b: {  	_ =	shalt  }
0x5c: {  	_ =	shalt  }
0x5d: {  	_ =	shalt  }
0x5e: {  	_ =	shalt  }
0x5f: {  	_ =	shalt  }
0x60: {  	_ =	shalt  }
0x61: {  	_ =	shalt  }
0x62: {  	_ =	shalt  }
0x63: {  	_ =	shalt  }
0x64: {  	_ =	shalt  }
0x65: {  	_ =	shalt  }
0x66: {  	_ =	shalt  }
0x67: {  	_ =	shalt  }
0x68: {  	_ =	shalt  }
0x69: {  	_ =	shalt  }
0x6a: {  	_ =	shalt  }
0x6b: {  	_ =	shalt  }
0x6c: {  	_ =	shalt  }
0x6d: {  	_ =	shalt  }
0x6e: {  	_ =	shalt  }
0x6f: {  	_ =	shalt  }
0x70: {  	_ =	shalt  }
0x71: {  	_ =	shalt  }
0x72: {  	_ =	shalt  }
0x73: {  	_ =	shalt  }
0x74: {  	_ =	shalt  }
0x75: {  	_ =	shalt  }
0x76: {  	_ =	shalt  }
0x77: {  	_ =	shalt  }
0x78: {  	_ =	shalt  }
0x79: {  	_ =	shalt  }
0x7a: {  	_ =	shalt  }
0x7b: {  	_ =	shalt  }
0x7c: {  	_ =	shalt  }
0x7d: {  	_ =	shalt  }
0x7e: {  	_ =	shalt  }
0x7f: {  	_ =	shalt  }
0x80: {  	_ =	shalt  }
0x81: {  	_ =	shalt  }
0x82: {  	_ =	shalt  }
0x83: {  	_ =	shalt  }
0x84: {  	_ =	shalt  }
0x85: {  	_ =	shalt  }
0x86: {  	_ =	shalt  }
0x87: {  	_ =	shalt  }
.Lfunc_end0:
.L_simem_size_0:
called_computation.2_lowered:
.L_overlay_start_0:
0x88: {  	s2 =	sld [smem:$0x3FD9]  }
0x89: {  	s3 =	sld [smem:$0x3FFE];
	_ =	sdelay $0x1  }
0x8a: {  	s1 =	srdreg.scid  }
0x8b: {  	s0 =	sand.u32 $0x1, s1  }
0x8c: {  	s15 =	sshll.u32 s0, $0xA;
	s2 =	sadd.s32 s3, s2  }
0x8d: {  	s2 =	sadd.s32 s2, s15  }
0x8e: {  	[smem:$0x3FBA] =	sst s2  }
0x8f: {  	_ = 	snop  }
0x90: {  	s2 =	sld [smem:$0x3FD0];
	_ =	sdelay $0x2  }
0x91: {  	s4 =	simm.s32 $0xC;
	s5 =	simm.s32 $0x10;
	s16 =	sld [smem:$0x3FC4]  }
0x92: {  	[smem:s5], [sflag:s4] =	dma.local [hbm:s2], $0x1  }
0x93: {  	_ =	swait.eq [sflag:s4], $0x1  }
0x94: {  	[sflag:s4] =	ssyncset.done $0x0  }
0x95: {  	[sflag:s4] =	ssyncadd.s32 $0xFFFFFFFF  }
0x96: {  	s17 =	sld [smem:$0x12];
	(tm) =	ssettm $0x1  }
0x97: {  	s18 =	sld [smem:$0x3FFB];
	_ =	sdelay $0x3  }
0x98: {  	_ =	strace s18  }
0x99: {  	s2 =	sld [smem:$0x3FFC];
	_ =	sdelay $0x3  }
0x9a: {  	_ =	strace s2  }
0x9b: {  	s2 =	sld [smem:$0x3FFD];
	_ =	sdelay $0x3  }
0x9c: {  	_ =	strace s2  }
0x9d: {  	_ =	strace $0x8FFFFFFF  }
0x9e: {  	s19 =	sld [smem:$0x3FDB];
	_ =	sdelay $0x1  }
0x9f: {  	s20 =	simm.s32 $_scs_section_size  }
0xa0: {  	s6 =	simm.s32 $_size__tile_overlayer_lowered;
	s7 =	simm.s32 $_tile_overlayer_lowered  }
0xa1: {  	s8 =	simm.s32 $0x1BFF;
	s21 =	sshll.u32 s7, $0x1;
	s5 =	sadd.s32 s20, s19  }
0xa2: {  	s22 =	simm.s32 $0x0;
	s6 =	sshll.u32 s6, $0x1;
	s7 =	sadd.s32 s21, s5  }
0xa3: {  	[timem:s22], [sflag:s8] =	dma.local [hbm:s7], s6  }
0xa4: {  	_ =	swait.ge [sflag:s8], s6  }
0xa5: {  	s6 =	ssub.s32 $0x0, s6;
	[sflag:s8] =	ssyncset.done $0x0  }
0xa6: {  	[sflag:s8] =	ssyncadd.s32 s6;
	_ =	sdelay $0x1  }
0xa7: {  	s23 =	simm.s32 $0x1B8B  }
0xa8: {  	_ =	swait.ge [sflag:s23], $0x1  }
0xa9: {  	[sflag:s23] =	ssyncset.done $0x0  }
0xaa: {  	[sflag:s23] =	ssyncadd.s32 $0xFFFFFFFF  }
0xab: {  	s6 =	sld [smem:$0x0]  }
0xac: {  	s7 =	sand.u32 $0xFFFFFFFE, s1  }
0xad: {  	p0 =	sne.s32 s1, s7  }
0xae: {  	s7 =	sshll.u32 @p0 s7, $0xE  }
0xaf: {  	s7 =	sadd.s32 @p0 $0x11B8D, s7;
	s8 =	sshll.u32 @p0 s6, $0x11  }
0xb0: {  	s7 =	sor.u32 @p0 s8, s7  }
0xb1: {  	[sflag:s7] =	ssyncadd.remote.s32 @p0 $0x1;
	_ =	sdelay $0x1  }
0xb2: {  	s7 =	simm.s32 @p0 $0x1B8D  }
0xb3: {  	_ =	swait.eq @p0 [sflag:s7], $0x1  }
0xb4: {  	[sflag:s7] =	ssyncadd.s32 @p0 $0xFFFFFFFF  }
0xb5: {  	s8 =	sshll.u32 @!p0 s1, $0xE  }
0xb6: {  	s8 =	sor.u32 @!p0 $0x4000, s8;
	s7 =	simm.s32 @!p0 $0x1B8D  }
0xb7: {  	s6 =	sshll.u32 @!p0 s6, $0x11;
	s8 =	sadd.s32 @!p0 $0x11B8D, s8;
	_ =	swait.eq @!p0 [sflag:s7], $0x1  }
0xb8: {  	s6 =	sor.u32 @!p0 s6, s8;
	[sflag:s7] =	ssyncadd.s32 @!p0 $0xFFFFFFFF  }
0xb9: {  	s25 =	simm.s32 $0x1B8E;
	s24 =	sld [smem:$0x3FFE];
	[sflag:s6] =	ssyncadd.remote.s32 @!p0 $0x1  }
0xba: {  	s26 =	simm.s32 $execute0_lowered;
	[smem:$0x3FD2] =	sst s25  }
0xbb: {  	s7 =	sshll.u32 s26, $0x1;
	_ =	strace $0x8000004C;
	[dreg:$0x1] =	wrdreg $0xFFFFFFFF  }
0xbc: {  	s28 =	simm.s32 $_size_execute0_lowered;
	s5 =	sadd.s32 s5, s7;
	[dreg:$0x0] =	wrdreg $0x0  }
0xbd: {  	s7 =	sshll.u32 s28, $0x1;
	[dreg:$0x2] =	wrdreg s5  }
0xbe: {  	[dreg:$0x3] =	wrdreg s7  }
0xbf: {  	[dreg:$0x4] =	wrdreg $0xC0  }
0xc0: {  	_ =	task [dreg:s22], $0x5FFFF  }
0xc1: {  	[dreg:$0x1] =	wrdreg $0xFFFFFFFF  }
0xc2: {  	[dreg:$0x0] =	wrdreg $0x60  }
0xc3: {  	[dreg:$0x2] =	wrdreg s16  }
0xc4: {  	[dreg:$0x3] =	wrdreg s24  }
0xc5: {  	[dreg:$0x4] =	wrdreg s17  }
0xc6: {  	[dreg:$0x5] =	wrdreg $0x82000  }
0xc7: {  	[dreg:$0x6] =	wrdreg $0xB  }
0xc8: {  	_ =	task.clear_ibuf [dreg:s22], $0x7FFFF;
	_ =	strace $0x9000004C  }
0xc9: {  	s29 =	simm.s32 $0xB;
	_ =	strace $0x8000004E  }
0xca: {  	_ =	swait.ge [sflag:s29], $0x1  }
0xcb: {  	[sflag:s29] =	ssyncadd.s32 $0xFFFFFFFF  }
0xcc: {  	_ =	strace $0x9000004E  }
0xcd: {  	_ =	sfence  }
0xce: {  	s30 =	sld [smem:$0x0];
	_ =	sdelay $0x2  }
0xcf: {  	s31 =	sshll.u32 s1, $0xD;
	s1 =	sshrl.u32 s1, $0x2  }
0xd0: {  	s4 =	sand.u32 $0x4000, s31;
	s1 =	sadd.s32 s1, s30  }
0xd1: {  	s0 =	sor.u32 s4, s0;
	s1 =	sshll.u32 s1, $0x11  }
0xd2: {  	s0 =	sor.u32 s1, s0  }
0xd3: {  	s0 =	sadd.s32 $0x8F2B, s0  }
0xd4: {  	[sflag:s0] =	ssyncadd.remote.s32 $0x1  }
0xd5: {  	_ =	sfence.sel $0xFFFF  }
0xd6: {  	[dreg:$0x0] =	wrdreg $0xFFFFFFFF;
	(pc) =	sbr.abs _section_cstart, $3  }
0xd7: {  	[dreg:$0x1] =	wrdreg $0xFFFFFFFF  }
0xd8: {  	_ =	task.clear_ibuf [dreg:s22], $0x2FFFF;
	_ =	strace $0x9FFFFFFF  }
0xd9: {  	(tm) =	ssettm $0x7FFFFFFF  }
tec
execute0_lowered:
.L_overlay_start_1:
0x0: {  	(tag) =	ssettag $0x1  }
0x1: {  	s1 =	rddreg [dreg:$0x0]  }
0x2: {  	s0 =	rddreg [dreg:$0x1]  }
0x3: {  	s2 =	rddreg [dreg:$0x2]  }
0x4: {  	s3 =	rddreg [dreg:$0x3]  }
0x5: {  	s4 =	srdreg.scid;
	s5 =	simm.s32 $0x0;
	s22 =	stileid.u32  }
0x6: {  	s17 =	simm.s32 $0x5;
	s18 =	simm.s32 $0x100;
	s19 =	simm.s32 $0x3  }
0x7: {  	s20 =	simm.s32 $0x7D;
	s21 =	simm.s32 $0x200;
	s28 =	simm.s32 $0x180  }
0x8: {  	s29 =	simm.s32 $0x0;
	s8 =	sand.u32 $0x1, s4;
	s10 =	smul.u32 $0x14000, s22  }
0x9: {  	[smem:$0x7FF] =	sst s5;
	s6 =	sadd.s32 $0xE400, s0;
	s25 =	smul.u32 $0x50000, s22  }
0xa: {  	s7 =	sadd.s32 $0x4400, s0;
	s30 =	sshll.u32 s22, $0x6;
	s9 =	smul.u32 $0x140000, s8  }
0xb: {  	_ =	strace $0x8000004D;
	s23 =	sshll.u32 s8, $0x4;
	s11 =	ssub.s32 $0x2, s8  }
0xc: {  	s24 =	sor.u32 s22, s23;
	s12 =	sshrl.u32 s11, $0x1;
	s26 =	sshrl.u32 s25, $0x2  }
0xd: {  	s22 =	simm.s32 $0x80;
	s23 =	simm.s32 $0x4;
	s25 =	simm.s32 $0x1  }
0xe: {  	s9 =	sadd.s32 s10, s9;
	s8 =	smul.u32 $0x2800, s24;
	s15 =	ssub.s32 s11, s12  }
0xf: {  	s16 =	sadd.s32 s26, s3;
	s24 =	simm.s32 $0x4200;
	s26 =	simm.s32 $0x2  }
0x10: {  	s9 =	sshrl.u32 s9, $0x3;
	s15 =	smax.u32 s15, $0x1;
	s16 =	sshrl.u32 s16, $0x3  }
0x11: {  	s0 =	sadd.s32 s9, s0;
	s31 =	sshrl.u32 s8, $0x3;
	s9 =	sor.u32 $0x1C05, s30  }
0x12: {  	s10 =	sadd.s32 s6, s31;
	s13 =	sor.u32 $0x10, s31;
	s11 =	sadd.s32 s7, s31  }
0x13: {  	s14 =	sadd.s32 $0xB8400, s0;
	s12 =	sadd.s32 s6, s13;
	s13 =	sadd.s32 s7, s13  }
.LBB2_1:
0x14: {  	[spmem:s16], [sflag:s9] =	dma.local [hbm:s2], $0x2800  }
0x15: {  	_ =	swait.ge [sflag:s17], $0x2800  }
0x16: {  	[sflag:s17] =	ssyncset.done $0x0  }
0x17: {  	[sflag:s17] =	ssyncadd.s32 $0xFFFFD800  }
0x18: {  	[bflag:$0x0] =	sbarrier.arrive $0xFFFF  }
0x19: {  	[tilespmem:s5], [sflag:$0x3] =	stream.linear.gather [hbm4b:s10+s5], $0x80, $0x38;
	[tilespmem:$0x1C200] =	vst v63  }
0x1a: {  	_ = 	snop  }
0x1b: {  	[tilespmem:s18], [sflag:$0x3] =	stream.linear.gather [hbm4b:s11+s5], $0x80, $0x38;
	[tilespmem:$0x1C200] =	vst v63  }
0x1c: {  	_ =	swait.ge [sflag:s19], $0x80  }
0x1d: {  	[sflag:s19] =	ssyncset.done $0x0  }
0x1e: {  	[sflag:s19] =	ssyncadd.s32 $0xFFFFFF80  }
0x1f: {  	_ =	swait.ge [sflag:s19], $0x80  }
0x20: {  	[sflag:s19] =	ssyncset.done $0x0  }
0x21: {  	[sflag:s19] =	ssyncadd.s32 $0xFFFFFF80  }
0x22: {  	[tilespmem:s21], [sflag:$0x1] =	stream.indirect.gather [hbm4b:s1+s20], $0x80, s5, s20, $0xb8;
	[tilespmem:$0x1C200] =	vst v63  }
0x23: {  	_ = 	snop  }
0x24: {  	[tilespmem:s22], [sflag:$0x4] =	stream.linear.gather [hbm4b:s12+s5], $0x80, $0x38;
	[tilespmem:$0x1C200] =	vst v63  }
0x25: {  	_ = 	snop  }
0x26: {  	[tilespmem:s28], [sflag:$0x4] =	stream.linear.gather [hbm4b:s13+s5], $0x80, $0x38;
	[tilespmem:$0x1C200] =	vst v63  }
0x27: {  	_ =	swait.ge [sflag:s23], $0x80  }
0x28: {  	[sflag:s23] =	ssyncset.done $0x0  }
0x29: {  	[sflag:s23] =	ssyncadd.s32 $0xFFFFFF80  }
0x2a: {  	_ =	swait.ge [sflag:s23], $0x80  }
0x2b: {  	[sflag:s23] =	ssyncset.done $0x0  }
0x2c: {  	[sflag:s23] =	ssyncadd.s32 $0xFFFFFF80  }
0x2d: {  	[tilespmem:s24], [sflag:$0x2] =	stream.indirect.gather [hbm4b:s1+s20], $0x80, s22, s20, $0xb8;
	[tilespmem:$0x1C200] =	vst v63  }
0x2e: {  	s0 =	simm.s32 $0x100;
	_ =	swait.ge [sflag:s25], $0x3E80  }
0x2f: {  	s30 =	sand.u32 $0x7C00, s0;
	[sflag:s25] =	ssyncset.done $0x0  }
0x30: {  	s0 =	sand.u32 $0x300, s0;
	s30 =	sadd.s32 s8, s30;
	[sflag:s25] =	ssyncadd.s32 $0xFFFFC180  }
0x31: {  	[spmem:s3] =	stream.indirect.scatter.add.f32 [tilespmem:s21], [sflag:$0x5], $0x80, s18, s20, $0xb8;
	[tilespmem:$0x1C200] =	vst v63  }
0x32: {  	s0 =	sor.u32 s0, s30;
	_ =	swait.ge [sflag:s17], $0x3E80  }
0x33: {  	s0 =	sshrl.u32 s0, $0x3;
	[sflag:s17] =	ssyncset.done $0x0  }
0x34: {  	s30 =	sadd.s32 s6, s0;
	[sflag:s17] =	ssyncadd.s32 $0xFFFFC180  }
0x35: {  	[tilespmem:s5], [sflag:$0x3] =	stream.linear.gather [hbm4b:s30+s5], $0x80, $0x38;
	[tilespmem:$0x1C200] =	vst v63  }
0x36: {  	s0 =	sadd.s32 s7, s0  }
0x37: {  	[tilespmem:s18], [sflag:$0x3] =	stream.linear.gather [hbm4b:s0+s5], $0x80, $0x38;
	[tilespmem:$0x1C200] =	vst v63  }
0x38: {  	_ =	swait.ge [sflag:s19], $0x80  }
0x39: {  	[sflag:s19] =	ssyncset.done $0x0  }
0x3a: {  	[sflag:s19] =	ssyncadd.s32 $0xFFFFFF80  }
0x3b: {  	_ =	swait.ge [sflag:s19], $0x80  }
0x3c: {  	[sflag:s19] =	ssyncset.done $0x0  }
0x3d: {  	[sflag:s19] =	ssyncadd.s32 $0xFFFFFF80  }
0x3e: {  	[tilespmem:s21], [sflag:$0x1] =	stream.indirect.gather [hbm4b:s1+s20], $0x80, s5, s20, $0xb8;
	[tilespmem:$0x1C200] =	vst v63  }
0x3f: {  	_ =	swait.ge [sflag:s26], $0x3E80  }
0x40: {  	s31 =	sand.u32 $0x7C00, s28;
	[sflag:s26] =	ssyncset.done $0x0  }
0x41: {  	s30 =	sand.u32 $0x380, s28;
	s0 =	sadd.s32 s8, s31;
	[sflag:s26] =	ssyncadd.s32 $0xFFFFC180  }
0x42: {  	[spmem:s3] =	stream.indirect.scatter.add.f32 [tilespmem:s24], [sflag:$0x5], $0x80, s28, s20, $0xb8;
	[tilespmem:$0x1C200] =	vst v63  }
0x43: {  	s0 =	sor.u32 s30, s0;
	_ =	swait.ge [sflag:s17], $0x3E80  }
0x44: {  	s0 =	sshrl.u32 s0, $0x3;
	[sflag:s17] =	ssyncset.done $0x0  }
0x45: {  	s30 =	sadd.s32 s6, s0;
	[sflag:s17] =	ssyncadd.s32 $0xFFFFC180  }
0x46: {  	[tilespmem:s22], [sflag:$0x4] =	stream.linear.gather [hbm4b:s30+s5], $0x80, $0x38;
	[tilespmem:$0x1C200] =	vst v63  }
0x47: {  	s0 =	sadd.s32 s7, s0;
	s30 =	simm.s32 $0x280  }
.LBB2_2:
0x48: {  	p0 =	sne.s32 s30, $0x2780;
	s31 =	smov.u32 s30;
	s30 =	sadd.s32 $0x100, s30  }
0x49: {  	[tilespmem:s28], [sflag:$0x4] =	stream.linear.gather [hbm4b:s0+s5], $0x80, $0x38;
	[tilespmem:$0x1C200] =	vst v63  }
0x4a: {  	_ =	swait.ge [sflag:s23], $0x80  }
0x4b: {  	[sflag:s23] =	ssyncset.done $0x0  }
0x4c: {  	[sflag:s23] =	ssyncadd.s32 $0xFFFFFF80  }
0x4d: {  	_ =	swait.ge [sflag:s23], $0x80  }
0x4e: {  	[sflag:s23] =	ssyncset.done $0x0  }
0x4f: {  	[sflag:s23] =	ssyncadd.s32 $0xFFFFFF80  }
0x50: {  	[tilespmem:s24], [sflag:$0x2] =	stream.indirect.gather [hbm4b:s1+s20], $0x80, s22, s20, $0xb8;
	[tilespmem:$0x1C200] =	vst v63  }
0x51: {  	_ =	swait.ge [sflag:s25], $0x3E80  }
0x52: {  	s0 =	sadd.s32 $0xFFFFFF80, s31;
	[sflag:s25] =	ssyncset.done $0x0  }
0x53: {  	s4 =	sand.u32 $0x7C00, s0;
	s0 =	sand.u32 $0x300, s0;
	[sflag:s25] =	ssyncadd.s32 $0xFFFFC180  }
0x54: {  	[spmem:s3] =	stream.indirect.scatter.add.f32 [tilespmem:s21], [sflag:$0x5], $0x80, s18, s20, $0xb8;
	[tilespmem:$0x1C200] =	vst v63  }
0x55: {  	s4 =	sadd.s32 s8, s4;
	_ =	swait.ge [sflag:s17], $0x3E80  }
0x56: {  	s0 =	sor.u32 s0, s4;
	[sflag:s17] =	ssyncset.done $0x0  }
0x57: {  	s0 =	sshrl.u32 s0, $0x3;
	[sflag:s17] =	ssyncadd.s32 $0xFFFFC180  }
0x58: {  	s4 =	sadd.s32 s6, s0;
	s0 =	sadd.s32 s7, s0  }
0x59: {  	[tilespmem:s5], [sflag:$0x3] =	stream.linear.gather [hbm4b:s4+s5], $0x80, $0x38;
	[tilespmem:$0x1C200] =	vst v63  }
0x5a: {  	_ = 	snop  }
0x5b: {  	[tilespmem:s18], [sflag:$0x3] =	stream.linear.gather [hbm4b:s0+s5], $0x80, $0x38;
	[tilespmem:$0x1C200] =	vst v63  }
0x5c: {  	_ =	swait.ge [sflag:s19], $0x80  }
0x5d: {  	[sflag:s19] =	ssyncset.done $0x0  }
0x5e: {  	[sflag:s19] =	ssyncadd.s32 $0xFFFFFF80  }
0x5f: {  	_ =	swait.ge [sflag:s19], $0x80  }
0x60: {  	[sflag:s19] =	ssyncset.done $0x0  }
0x61: {  	[sflag:s19] =	ssyncadd.s32 $0xFFFFFF80  }
0x62: {  	[tilespmem:s21], [sflag:$0x1] =	stream.indirect.gather [hbm4b:s1+s20], $0x80, s5, s20, $0xb8;
	[tilespmem:$0x1C200] =	vst v63  }
0x63: {  	_ =	swait.ge [sflag:s26], $0x3E80  }
0x64: {  	s0 =	sand.u32 $0x7C00, s31;
	[sflag:s26] =	ssyncset.done $0x0  }
0x65: {  	s4 =	sand.u32 $0x380, s31;
	s0 =	sadd.s32 s8, s0;
	[sflag:s26] =	ssyncadd.s32 $0xFFFFC180  }
0x66: {  	[spmem:s3] =	stream.indirect.scatter.add.f32 [tilespmem:s24], [sflag:$0x5], $0x80, s28, s20, $0xb8;
	[tilespmem:$0x1C200] =	vst v63  }
.Ltmp0:
0x67: {  	_ = 	snop;
	(pc) =	sbr.rel @p0 .LBB2_2-.Ltmp0, $4  }
0x68: {  	s0 =	sor.u32 s4, s0;
	_ =	swait.ge [sflag:s17], $0x3E80  }
0x69: {  	s0 =	sshrl.u32 s0, $0x3;
	[sflag:s17] =	ssyncset.done $0x0  }
0x6a: {  	s4 =	sadd.s32 s6, s0;
	s0 =	sadd.s32 s7, s0;
	[sflag:s17] =	ssyncadd.s32 $0xFFFFC180  }
0x6b: {  	[tilespmem:s22], [sflag:$0x4] =	stream.linear.gather [hbm4b:s4+s5], $0x80, $0x38;
	[tilespmem:$0x1C200] =	vst v63  }
0x6c: {  	[tilespmem:s28], [sflag:$0x4] =	stream.linear.gather [hbm4b:s0+s5], $0x80, $0x38;
	[tilespmem:$0x1C200] =	vst v63  }
0x6d: {  	_ =	swait.ge [sflag:s23], $0x80  }
0x6e: {  	[sflag:s23] =	ssyncset.done $0x0  }
0x6f: {  	[sflag:s23] =	ssyncadd.s32 $0xFFFFFF80  }
0x70: {  	_ =	swait.ge [sflag:s23], $0x80  }
0x71: {  	[sflag:s23] =	ssyncset.done $0x0  }
0x72: {  	[sflag:s23] =	ssyncadd.s32 $0xFFFFFF80  }
0x73: {  	[tilespmem:s24], [sflag:$0x2] =	stream.indirect.gather [hbm4b:s1+s20], $0x80, s22, s20, $0xb8;
	[tilespmem:$0x1C200] =	vst v63  }
0x74: {  	_ =	swait.ge [sflag:s25], $0x3E80  }
0x75: {  	[sflag:s25] =	ssyncset.done $0x0  }
0x76: {  	[sflag:s25] =	ssyncadd.s32 $0xFFFFC180  }
0x77: {  	[spmem:s3] =	stream.indirect.scatter.add.f32 [tilespmem:s21], [sflag:$0x5], $0x80, s18, s20, $0xb8;
	[tilespmem:$0x1C200] =	vst v63  }
0x78: {  	_ =	swait.ge [sflag:s17], $0x3E80  }
0x79: {  	[sflag:s17] =	ssyncset.done $0x0  }
0x7a: {  	[sflag:s17] =	ssyncadd.s32 $0xFFFFC180  }
0x7b: {  	_ =	swait.ge [sflag:s26], $0x3E80  }
0x7c: {  	[sflag:s26] =	ssyncset.done $0x0  }
0x7d: {  	[sflag:s26] =	ssyncadd.s32 $0xFFFFC180  }
0x7e: {  	[spmem:s3] =	stream.indirect.scatter.add.f32 [tilespmem:s24], [sflag:$0x5], $0x80, s28, s20, $0xb8;
	[tilespmem:$0x1C200] =	vst v63  }
0x7f: {  	_ =	swait.ge [sflag:s17], $0x3E80  }
0x80: {  	s29 =	sadd.s32 $0x1, s29;
	[sflag:s17] =	ssyncset.done $0x0  }
0x81: {  	p0 =	sne.s32 s29, s15;
	[sflag:s17] =	ssyncadd.s32 $0xFFFFC180  }
.Ltmp1:
0x82: {  	[bflag:$0x0] =	sbarrier.arrive $0xFFFF;
	(pc) =	sbr.rel @p0 .LBB2_1-.Ltmp1, $4  }
0x83: {  	[hbm:s14], [sflag:s9] =	dma.local [spmem:s16], $0x2800  }
0x84: {  	_ =	swait.ge [sflag:s17], $0x2800  }
0x85: {  	[sflag:s17] =	ssyncset.done $0x0  }
0x86: {  	[sflag:s17] =	ssyncadd.s32 $0xFFFFD800  }
0x87: {  	_ =	sfence.sel $0x180000  }
0x88: {  	[bflag:$0x0] =	sbarrier.arrive $0xFFFF  }
0x89: {  	_ =	strace $0x9000004D  }
0x8a: {  	s0 =	stileid.u32;
	[bflag:$0x2] =	sbarrier.arrive $0xFFFF  }
0x8b: {  	p0 =	sne.s32 s0, $0x0;
	s0 =	rddreg [dreg:$0x4]  }
0x8c: {  	s0 =	sadd.s32 @!p0 $0x100000, s0  }
0x8d: {  	[sflag:s0] =	ssyncadd.tile.s32 @!p0 $0x1;
	_ =	shalt  }
.Lfunc_end2:
_tile_overlayer_lowered:
.L_overlay_start_2:
0x8e: {  	(tag) =	ssettag $0x2  }
0x8f: {  	s0 =	rddreg [dreg:$0x0];
	s2 =	stileid.u32  }
0x90: {  	s1 =	rddreg [dreg:$0x1];
	p0 =	sne.s32 s2, $0x0  }
0x91: {  	s3 =	rddreg [dreg:$0x2];
	[bflag:$0x3] =	sbarrier.arrive $0xFFFF;
	s2 =	simm.s32 @!p0 $0x1C05  }
0x92: {  	[timem:s3], [sflag:s2] =	dma.local @!p0 [hbm:s0], s1  }
0x93: {  	s0 =	simm.s32 @!p0 $0x5  }
0x94: {  	_ =	swait.ge @!p0 [sflag:s0], s1  }
0x95: {  	s1 =	ssub.s32 @!p0 $0x0, s1;
	[sflag:s0] =	ssyncset.done @!p0 $0x0  }
0x96: {  	[sflag:s0] =	ssyncadd.s32 @!p0 s1  }
0x97: {  	[bflag:$0x3] =	sbarrier.arrive $0xFFFF  }
0x98: {  	_ =	shalt  }

// kernel: kernel.25.cloned.1.call-start
scs
__scs_entry_jumppad:
0x0: {  	(pc) =	sbr.rel $0x88, $3  }
0x1: {  	(tag) =	ssettag $0x0;
	lr =	simm.s32 $0x1  }
0x2: {  	[smem:$0x3F93] =	sst lr;
	_ =	strace $0xD0000000  }
0x3: {  	_ = 	snop  }
0x4: {  	_ = 	snop  }
0x5: {  	_ = 	snop  }
0x6: {  	_ = 	snop  }
0x7: {  	_ = 	snop  }
__scs_overlays_trampoline_lowered:
0x8: {  	[smem:$0x3FA2] =	sst s0  }
0x9: {  	[smem:$0x3FA3] =	sst s1  }
0xa: {  	[smem:$0x3FA4] =	sst s2  }
0xb: {  	[smem:$0x3FA5] =	sst s3  }
0xc: {  	[smem:$0x3FA6] =	sst s4  }
0xd: {  	[smem:$0x3FA7] =	sst s5  }
0xe: {  	[smem:$0x3FA8] =	sst s6  }
0xf: {  	[smem:$0x3FA9] =	sst s7  }
0x10: {  	[smem:$0x3FAA] =	sst s8  }
0x11: {  	[smem:$0x3FAB] =	sst s9;
	s0 =	simm.s32 @!p0 $0x0  }
0x12: {  	s1 =	sld [smem:$0x3F91];
	s0 =	simm.s32 @p0 $0x1  }
0x13: {  	[smem:$0x3FAC] =	sst s0;
	s0 =	simm.s32 @!p1 $0x0  }
0x14: {  	s2 =	sld [smem:$0x3F90];
	s0 =	simm.s32 @p1 $0x1  }
0x15: {  	[smem:$0x3FAD] =	sst s0;
	s0 =	simm.s32 @!p2 $0x0  }
0x16: {  	s3 =	sld [smem:$0x3FDB];
	s0 =	simm.s32 @p2 $0x1  }
0x17: {  	s4 =	simm.s32 $0x1BF5;
	[smem:$0x3FAF] =	sst s0  }
0x18: {  	s0 =	sld [smem:$0x3F92];
	_ =	swait.ge [sflag:s4], $0x0  }
0x19: {  	s7 =	sld [smem:$0x3F93]  }
0x1a: {  	s8 =	sadd.s32 $0xFFFFE003, lr  }
0x1b: {  	s9 =	sadd.s32 $0xFFFFFEF7, lr;
	s5 =	simm.s32 $0xFFFFFFFF;
	p2 =	slt.u32 s8, $0xFFFFF086  }
0x1c: {  	p1 =	slt.u32 s9, $0xF7A;
	s5 =	simm.s32 @!p2 $0x0  }
0x1d: {  	s5 =	simm.s32 @p1 $0x1;
	p0 =	seq.s32 s7, s2  }
0x1e: {  	s7 =	smul.u32 @!p0 $0xF7A, s2;
	p2 =	seq.s32 @!p0 s5, $0x0  }
0x1f: {  	s9 =	smul.u32 $0xF7A, s1;
	s8 =	simm.s32 @!p0 $0x1BF5;
	p2 =	por !p2, p0  }
0x20: {  	[sflag:s8] =	ssyncset.s32 @!p0 $0xFFFFF086;
	s6 =	sadd.s32 @!p0 s3, s7;
	s7 =	simm.s32 @!p0 $0x108  }
0x21: {  	s3 =	sadd.s32 s3, s9;
	s6 =	sadd.s32 @!p0 $0x88, s6;
	s7 =	simm.s32 @p2 $0x1082  }
0x22: {  	[simem:s7], [sflag:s8] =	dma.local @!p0 [hbm:s6], $0xF7A  }
0x23: {  	s9 =	sor.u32 $0xD0000000, s2;
	s6 =	simm.s32 $0x108;
	_ =	swait.ge @!p0 [sflag:s8], $0x0  }
0x24: {  	s3 =	sadd.s32 $0x88, s3;
	s6 =	simm.s32 @!p1 $0x1082;
	[sflag:s4] =	ssyncset.s32 $0xFFFFF086  }
0x25: {  	[simem:s6], [sflag:s4] =	dma.local [hbm:s3], $0xF7A  }
0x26: {  	[smem:$0x3F93] =	sst s1;
	(tag) =	ssettag s2;
	_ =	strace s9  }
0x27: {  	s1 =	sld [smem:$0x3FA3]  }
0x28: {  	s2 =	sld [smem:$0x3FA4]  }
0x29: {  	s4 =	sld [smem:$0x3FA6]  }
0x2a: {  	p0 =	seq.s32 s5, $0x0;
	s5 =	sld [smem:$0x3FA7]  }
0x2b: {  	s6 =	sld [smem:$0x3FA8]  }
0x2c: {  	s7 =	sld [smem:$0x3FA9]  }
0x2d: {  	s3 =	simm.s32 $0x108;
	s8 =	sld [smem:$0x3FAA]  }
0x2e: {  	s3 =	simm.s32 @!p0 $0x1082;
	s9 =	sld [smem:$0x3FAB]  }
0x2f: {  	lr =	sadd.s32 s0, s3;
	s0 =	sld [smem:$0x3FA2]  }
0x30: {  	s3 =	sld [smem:$0x3FA5]  }
0x31: {  	[smem:$0x3FAE] =	sst s10  }
0x32: {  	s10 =	sld [smem:$0x3FAC];
	_ =	sdelay $0x3  }
0x33: {  	p0 =	seq.s32 s10, $0x1;
	s10 =	sld [smem:$0x3FAE];
	_ =	sdelay $0x3  }
0x34: {  	[smem:$0x3FAE] =	sst s10  }
0x35: {  	s10 =	sld [smem:$0x3FAD];
	_ =	sdelay $0x3  }
0x36: {  	p1 =	seq.s32 s10, $0x1;
	s10 =	sld [smem:$0x3FAE];
	_ =	sdelay $0x3  }
0x37: {  	[smem:$0x3FAE] =	sst s10  }
0x38: {  	s10 =	sld [smem:$0x3FAF]  }
0x39: {  	_ = 	snop;
	(pc) =	sbr.ind lr, $3  }
0x3a: {  	_ = 	snop  }
0x3b: {  	_ = 	snop  }
0x3c: {  	p2 =	seq.s32 s10, $0x1;
	s10 =	sld [smem:$0x3FAE]  }
0x3d: {  	_ =	shalt  }
0x3e: {  	_ =	shalt  }
0x3f: {  	_ =	shalt  }
0x40: {  	_ =	shalt  }
0x41: {  	_ =	shalt  }
0x42: {  	_ =	shalt  }
0x43: {  	_ =	shalt  }
0x44: {  	_ =	shalt  }
0x45: {  	_ =	shalt  }
0x46: {  	_ =	shalt  }
0x47: {  	_ =	shalt  }
0x48: {  	_ =	shalt  }
0x49: {  	_ =	shalt  }
0x4a: {  	_ =	shalt  }
0x4b: {  	_ =	shalt  }
0x4c: {  	_ =	shalt  }
0x4d: {  	_ =	shalt  }
0x4e: {  	_ =	shalt  }
0x4f: {  	_ =	shalt  }
0x50: {  	_ =	shalt  }
0x51: {  	_ =	shalt  }
0x52: {  	_ =	shalt  }
0x53: {  	_ =	shalt  }
0x54: {  	_ =	shalt  }
0x55: {  	_ =	shalt  }
0x56: {  	_ =	shalt  }
0x57: {  	_ =	shalt  }
0x58: {  	_ =	shalt  }
0x59: {  	_ =	shalt  }
0x5a: {  	_ =	shalt  }
0x5b: {  	_ =	shalt  }
0x5c: {  	_ =	shalt  }
0x5d: {  	_ =	shalt  }
0x5e: {  	_ =	shalt  }
0x5f: {  	_ =	shalt  }
0x60: {  	_ =	shalt  }
0x61: {  	_ =	shalt  }
0x62: {  	_ =	shalt  }
0x63: {  	_ =	shalt  }
0x64: {  	_ =	shalt  }
0x65: {  	_ =	shalt  }
0x66: {  	_ =	shalt  }
0x67: {  	_ =	shalt  }
0x68: {  	_ =	shalt  }
0x69: {  	_ =	shalt  }
0x6a: {  	_ =	shalt  }
0x6b: {  	_ =	shalt  }
0x6c: {  	_ =	shalt  }
0x6d: {  	_ =	shalt  }
0x6e: {  	_ =	shalt  }
0x6f: {  	_ =	shalt  }
0x70: {  	_ =	shalt  }
0x71: {  	_ =	shalt  }
0x72: {  	_ =	shalt  }
0x73: {  	_ =	shalt  }
0x74: {  	_ =	shalt  }
0x75: {  	_ =	shalt  }
0x76: {  	_ =	shalt  }
0x77: {  	_ =	shalt  }
0x78: {  	_ =	shalt  }
0x79: {  	_ =	shalt  }
0x7a: {  	_ =	shalt  }
0x7b: {  	_ =	shalt  }
0x7c: {  	_ =	shalt  }
0x7d: {  	_ =	shalt  }
0x7e: {  	_ =	shalt  }
0x7f: {  	_ =	shalt  }
0x80: {  	_ =	shalt  }
0x81: {  	_ =	shalt  }
0x82: {  	_ =	shalt  }
0x83: {  	_ =	shalt  }
0x84: {  	_ =	shalt  }
0x85: {  	_ =	shalt  }
0x86: {  	_ =	shalt  }
0x87: {  	_ =	shalt  }
.Lfunc_end0:
.L_simem_size_0:
called_computation.3_lowered:
.L_overlay_start_0:
0x88: {  	s2 =	sld [smem:$0x3FD9]  }
0x89: {  	s3 =	sld [smem:$0x3FFE];
	_ =	sdelay $0x1  }
0x8a: {  	s1 =	srdreg.scid  }
0x8b: {  	s0 =	sand.u32 $0x1, s1  }
0x8c: {  	s14 =	sshll.u32 s0, $0xA;
	s2 =	sadd.s32 s3, s2  }
0x8d: {  	s2 =	sadd.s32 s2, s14  }
0x8e: {  	[smem:$0x3FBA] =	sst s2  }
0x8f: {  	_ = 	snop  }
0x90: {  	s2 =	sld [smem:$0x3FD0];
	_ =	sdelay $0x2  }
0x91: {  	s15 =	simm.s32 $0xC;
	s4 =	simm.s32 $0x10  }
0x92: {  	[smem:s4], [sflag:s15] =	dma.local [hbm:s2], $0x1  }
0x93: {  	_ =	swait.eq [sflag:s15], $0x1  }
0x94: {  	[sflag:s15] =	ssyncset.done $0x0  }
0x95: {  	s16 =	sld [smem:$0x11];
	[sflag:s15] =	ssyncadd.s32 $0xFFFFFFFF  }
0x96: {  	s17 =	sld [smem:$0x12];
	(tm) =	ssettm $0x1  }
0x97: {  	s18 =	sld [smem:$0x3FFB];
	_ =	sdelay $0x3  }
0x98: {  	_ =	strace s18  }
0x99: {  	s4 =	sld [smem:$0x3FFC];
	_ =	sdelay $0x3  }
0x9a: {  	_ =	strace s4  }
0x9b: {  	s4 =	sld [smem:$0x3FFD];
	_ =	sdelay $0x3  }
0x9c: {  	_ =	strace s4  }
0x9d: {  	_ =	strace $0x8FFFFFFF  }
0x9e: {  	s19 =	sld [smem:$0x3FDB];
	_ =	sdelay $0x1  }
0x9f: {  	s5 =	simm.s32 $_scs_section_size  }
0xa0: {  	s6 =	simm.s32 $_size__tile_overlayer_lowered;
	s7 =	simm.s32 $_tile_overlayer_lowered  }
0xa1: {  	s22 =	simm.s32 $0x1BFF;
	s21 =	sshll.u32 s7, $0x1;
	s4 =	sadd.s32 s5, s19  }
0xa2: {  	s8 =	simm.s32 $0x0;
	s20 =	sshll.u32 s6, $0x1;
	s6 =	sadd.s32 s21, s4  }
0xa3: {  	[timem:s8], [sflag:s22] =	dma.local [hbm:s6], s20  }
0xa4: {  	_ =	swait.ge [sflag:s22], s20  }
0xa5: {  	s5 =	ssub.s32 $0x0, s20;
	[sflag:s22] =	ssyncset.done $0x0  }
0xa6: {  	[sflag:s22] =	ssyncadd.s32 s5;
	_ =	sdelay $0x1  }
0xa7: {  	s23 =	simm.s32 $0x1B8B  }
0xa8: {  	_ =	swait.ge [sflag:s23], $0x1  }
0xa9: {  	[sflag:s23] =	ssyncset.done $0x0  }
0xaa: {  	s25 =	simm.s32 $0x1B8E;
	s24 =	sld [smem:$0x3FFE];
	[sflag:s23] =	ssyncadd.s32 $0xFFFFFFFF  }
0xab: {  	s26 =	simm.s32 $execute0_lowered;
	[smem:$0x3FD2] =	sst s25  }
0xac: {  	s6 =	sshll.u32 s26, $0x1;
	_ =	strace $0x8000004F;
	[dreg:$0x1] =	wrdreg $0xFFFFFFFF  }
0xad: {  	s28 =	simm.s32 $_size_execute0_lowered;
	s4 =	sadd.s32 s4, s6;
	[dreg:$0x0] =	wrdreg $0x0  }
0xae: {  	s6 =	sshll.u32 s28, $0x1;
	[dreg:$0x2] =	wrdreg s4  }
0xaf: {  	[dreg:$0x3] =	wrdreg s6  }
0xb0: {  	[dreg:$0x4] =	wrdreg $0xC0  }
0xb1: {  	_ =	task [dreg:s8], $0x5FFFF  }
0xb2: {  	[dreg:$0x1] =	wrdreg $0xFFFFFFFF  }
0xb3: {  	[dreg:$0x0] =	wrdreg $0x60  }
0xb4: {  	[dreg:$0x2] =	wrdreg s16  }
0xb5: {  	[dreg:$0x3] =	wrdreg s24  }
0xb6: {  	[dreg:$0x4] =	wrdreg s17  }
0xb7: {  	[dreg:$0x5] =	wrdreg $0x82000  }
0xb8: {  	[dreg:$0x6] =	wrdreg $0x9  }
0xb9: {  	_ =	task.clear_ibuf [dreg:s8], $0x7FFFF;
	_ =	strace $0x9000004F  }
0xba: {  	s29 =	simm.s32 $0x9;
	_ =	strace $0x80000051  }
0xbb: {  	_ =	swait.ge [sflag:s29], $0x1  }
0xbc: {  	[sflag:s29] =	ssyncadd.s32 $0xFFFFFFFF  }
0xbd: {  	_ =	strace $0x90000051  }
0xbe: {  	_ =	sfence  }
0xbf: {  	s30 =	sld [smem:$0x0];
	_ =	sdelay $0x2  }
0xc0: {  	s31 =	sshll.u32 s1, $0xD;
	s1 =	sshrl.u32 s1, $0x2  }
0xc1: {  	s3 =	sand.u32 $0x4000, s31;
	s1 =	sadd.s32 s1, s30  }
0xc2: {  	s0 =	sor.u32 s3, s0;
	s1 =	sshll.u32 s1, $0x11  }
0xc3: {  	s0 =	sor.u32 s1, s0  }
0xc4: {  	s0 =	sadd.s32 $0x8F2B, s0  }
0xc5: {  	[sflag:s0] =	ssyncadd.remote.s32 $0x1  }
0xc6: {  	_ =	sfence.sel $0xFFFF  }
0xc7: {  	[dreg:$0x0] =	wrdreg $0xFFFFFFFF;
	(pc) =	sbr.abs _section_cstart, $3  }
0xc8: {  	[dreg:$0x1] =	wrdreg $0xFFFFFFFF  }
0xc9: {  	_ =	task.clear_ibuf [dreg:s8], $0x2FFFF;
	_ =	strace $0x9FFFFFFF  }
0xca: {  	(tm) =	ssettm $0x7FFFFFFF  }
0xcb: {  	_ =	shalt  }
tec
execute0_lowered:
.L_overlay_start_1:
0x0: {  	(tag) =	ssettag $0x1  }
0x1: {  	s1 =	rddreg [dreg:$0x0]  }
0x2: {  	s0 =	rddreg [dreg:$0x1]  }
0x3: {  	s2 =	rddreg [dreg:$0x2]  }
0x4: {  	s3 =	rddreg [dreg:$0x3]  }
0x5: {  	s4 =	srdreg.scid;
	s5 =	simm.s32 $0x0;
	s22 =	stileid.u32  }
0x6: {  	s17 =	simm.s32 $0x5;
	s18 =	simm.s32 $0x100;
	s19 =	simm.s32 $0x3  }
0x7: {  	s20 =	simm.s32 $0x7D;
	s21 =	simm.s32 $0x200;
	s28 =	simm.s32 $0x180  }
0x8: {  	s29 =	simm.s32 $0x0;
	s8 =	sand.u32 $0x1, s4;
	s10 =	smul.u32 $0x14000, s22  }
0x9: {  	[smem:$0x7FF] =	sst s5;
	s6 =	sadd.s32 $0xE400, s0;
	s25 =	smul.u32 $0x50000, s22  }
0xa: {  	s7 =	sadd.s32 $0x4400, s0;
	s30 =	sshll.u32 s22, $0x6;
	s9 =	smul.u32 $0x140000, s8  }
0xb: {  	_ =	strace $0x80000050;
	s23 =	sshll.u32 s8, $0x4;
	s11 =	ssub.s32 $0x2, s8  }
0xc: {  	s24 =	sor.u32 s22, s23;
	s12 =	sshrl.u32 s11, $0x1;
	s26 =	sshrl.u32 s25, $0x2  }
0xd: {  	s22 =	simm.s32 $0x80;
	s23 =	simm.s32 $0x4;
	s25 =	simm.s32 $0x1  }
0xe: {  	s9 =	sadd.s32 s10, s9;
	s8 =	smul.u32 $0x2800, s24;
	s15 =	ssub.s32 s11, s12  }
0xf: {  	s16 =	sadd.s32 s26, s3;
	s24 =	simm.s32 $0x4200;
	s26 =	simm.s32 $0x2  }
0x10: {  	s9 =	sshrl.u32 s9, $0x3;
	s15 =	smax.u32 s15, $0x1;
	s16 =	sshrl.u32 s16, $0x3  }
0x11: {  	s0 =	sadd.s32 s9, s0;
	s31 =	sshrl.u32 s8, $0x3;
	s9 =	sor.u32 $0x1C05, s30  }
0x12: {  	s10 =	sadd.s32 s6, s31;
	s13 =	sor.u32 $0x10, s31;
	s11 =	sadd.s32 s7, s31  }
0x13: {  	s14 =	sadd.s32 $0x66600, s0;
	s12 =	sadd.s32 s6, s13;
	s13 =	sadd.s32 s7, s13  }
.LBB2_1:
0x14: {  	[spmem:s16], [sflag:s9] =	dma.local [hbm:s2], $0x2800  }
0x15: {  	_ =	swait.ge [sflag:s17], $0x2800  }
0x16: {  	[sflag:s17] =	ssyncset.done $0x0  }
0x17: {  	[sflag:s17] =	ssyncadd.s32 $0xFFFFD800  }
0x18: {  	[bflag:$0x0] =	sbarrier.arrive $0xFFFF  }
0x19: {  	[tilespmem:s5], [sflag:$0x3] =	stream.linear.gather [hbm4b:s10+s5], $0x80, $0x38;
	[tilespmem:$0x1C200] =	vst v63  }
0x1a: {  	_ = 	snop  }
0x1b: {  	[tilespmem:s18], [sflag:$0x3] =	stream.linear.gather [hbm4b:s11+s5], $0x80, $0x38;
	[tilespmem:$0x1C200] =	vst v63  }
0x1c: {  	_ =	swait.ge [sflag:s19], $0x80  }
0x1d: {  	[sflag:s19] =	ssyncset.done $0x0  }
0x1e: {  	[sflag:s19] =	ssyncadd.s32 $0xFFFFFF80  }
0x1f: {  	_ =	swait.ge [sflag:s19], $0x80  }
0x20: {  	[sflag:s19] =	ssyncset.done $0x0  }
0x21: {  	[sflag:s19] =	ssyncadd.s32 $0xFFFFFF80  }
0x22: {  	[tilespmem:s21], [sflag:$0x1] =	stream.indirect.gather [hbm4b:s1+s20], $0x80, s5, s20, $0xb8;
	[tilespmem:$0x1C200] =	vst v63  }
0x23: {  	_ = 	snop  }
0x24: {  	[tilespmem:s22], [sflag:$0x4] =	stream.linear.gather [hbm4b:s12+s5], $0x80, $0x38;
	[tilespmem:$0x1C200] =	vst v63  }
0x25: {  	_ = 	snop  }
0x26: {  	[tilespmem:s28], [sflag:$0x4] =	stream.linear.gather [hbm4b:s13+s5], $0x80, $0x38;
	[tilespmem:$0x1C200] =	vst v63  }
0x27: {  	_ =	swait.ge [sflag:s23], $0x80  }
0x28: {  	[sflag:s23] =	ssyncset.done $0x0  }
0x29: {  	[sflag:s23] =	ssyncadd.s32 $0xFFFFFF80  }
0x2a: {  	_ =	swait.ge [sflag:s23], $0x80  }
0x2b: {  	[sflag:s23] =	ssyncset.done $0x0  }
0x2c: {  	[sflag:s23] =	ssyncadd.s32 $0xFFFFFF80  }
0x2d: {  	[tilespmem:s24], [sflag:$0x2] =	stream.indirect.gather [hbm4b:s1+s20], $0x80, s22, s20, $0xb8;
	[tilespmem:$0x1C200] =	vst v63  }
0x2e: {  	s0 =	simm.s32 $0x100;
	_ =	swait.ge [sflag:s25], $0x3E80  }
0x2f: {  	s30 =	sand.u32 $0x7C00, s0;
	[sflag:s25] =	ssyncset.done $0x0  }
0x30: {  	s0 =	sand.u32 $0x300, s0;
	s30 =	sadd.s32 s8, s30;
	[sflag:s25] =	ssyncadd.s32 $0xFFFFC180  }
0x31: {  	[spmem:s3] =	stream.indirect.scatter.add.f32 [tilespmem:s21], [sflag:$0x5], $0x80, s18, s20, $0xb8;
	[tilespmem:$0x1C200] =	vst v63  }
0x32: {  	s0 =	sor.u32 s0, s30;
	_ =	swait.ge [sflag:s17], $0x3E80  }
0x33: {  	s0 =	sshrl.u32 s0, $0x3;
	[sflag:s17] =	ssyncset.done $0x0  }
0x34: {  	s30 =	sadd.s32 s6, s0;
	[sflag:s17] =	ssyncadd.s32 $0xFFFFC180  }
0x35: {  	[tilespmem:s5], [sflag:$0x3] =	stream.linear.gather [hbm4b:s30+s5], $0x80, $0x38;
	[tilespmem:$0x1C200] =	vst v63  }
0x36: {  	s0 =	sadd.s32 s7, s0  }
0x37: {  	[tilespmem:s18], [sflag:$0x3] =	stream.linear.gather [hbm4b:s0+s5], $0x80, $0x38;
	[tilespmem:$0x1C200] =	vst v63  }
0x38: {  	_ =	swait.ge [sflag:s19], $0x80  }
0x39: {  	[sflag:s19] =	ssyncset.done $0x0  }
0x3a: {  	[sflag:s19] =	ssyncadd.s32 $0xFFFFFF80  }
0x3b: {  	_ =	swait.ge [sflag:s19], $0x80  }
0x3c: {  	[sflag:s19] =	ssyncset.done $0x0  }
0x3d: {  	[sflag:s19] =	ssyncadd.s32 $0xFFFFFF80  }
0x3e: {  	[tilespmem:s21], [sflag:$0x1] =	stream.indirect.gather [hbm4b:s1+s20], $0x80, s5, s20, $0xb8;
	[tilespmem:$0x1C200] =	vst v63  }
0x3f: {  	_ =	swait.ge [sflag:s26], $0x3E80  }
0x40: {  	s31 =	sand.u32 $0x7C00, s28;
	[sflag:s26] =	ssyncset.done $0x0  }
0x41: {  	s30 =	sand.u32 $0x380, s28;
	s0 =	sadd.s32 s8, s31;
	[sflag:s26] =	ssyncadd.s32 $0xFFFFC180  }
0x42: {  	[spmem:s3] =	stream.indirect.scatter.add.f32 [tilespmem:s24], [sflag:$0x5], $0x80, s28, s20, $0xb8;
	[tilespmem:$0x1C200] =	vst v63  }
0x43: {  	s0 =	sor.u32 s30, s0;
	_ =	swait.ge [sflag:s17], $0x3E80  }
0x44: {  	s0 =	sshrl.u32 s0, $0x3;
	[sflag:s17] =	ssyncset.done $0x0  }
0x45: {  	s30 =	sadd.s32 s6, s0;
	[sflag:s17] =	ssyncadd.s32 $0xFFFFC180  }
0x46: {  	[tilespmem:s22], [sflag:$0x4] =	stream.linear.gather [hbm4b:s30+s5], $0x80, $0x38;
	[tilespmem:$0x1C200] =	vst v63  }
0x47: {  	s0 =	sadd.s32 s7, s0;
	s30 =	simm.s32 $0x280  }
.LBB2_2:
0x48: {  	p0 =	sne.s32 s30, $0x2780;
	s31 =	smov.u32 s30;
	s30 =	sadd.s32 $0x100, s30  }
0x49: {  	[tilespmem:s28], [sflag:$0x4] =	stream.linear.gather [hbm4b:s0+s5], $0x80, $0x38;
	[tilespmem:$0x1C200] =	vst v63  }
0x4a: {  	_ =	swait.ge [sflag:s23], $0x80  }
0x4b: {  	[sflag:s23] =	ssyncset.done $0x0  }
0x4c: {  	[sflag:s23] =	ssyncadd.s32 $0xFFFFFF80  }
0x4d: {  	_ =	swait.ge [sflag:s23], $0x80  }
0x4e: {  	[sflag:s23] =	ssyncset.done $0x0  }
0x4f: {  	[sflag:s23] =	ssyncadd.s32 $0xFFFFFF80  }
0x50: {  	[tilespmem:s24], [sflag:$0x2] =	stream.indirect.gather [hbm4b:s1+s20], $0x80, s22, s20, $0xb8;
	[tilespmem:$0x1C200] =	vst v63  }
0x51: {  	_ =	swait.ge [sflag:s25], $0x3E80  }
0x52: {  	s0 =	sadd.s32 $0xFFFFFF80, s31;
	[sflag:s25] =	ssyncset.done $0x0  }
0x53: {  	s4 =	sand.u32 $0x7C00, s0;
	s0 =	sand.u32 $0x300, s0;
	[sflag:s25] =	ssyncadd.s32 $0xFFFFC180  }
0x54: {  	[spmem:s3] =	stream.indirect.scatter.add.f32 [tilespmem:s21], [sflag:$0x5], $0x80, s18, s20, $0xb8;
	[tilespmem:$0x1C200] =	vst v63  }
0x55: {  	s4 =	sadd.s32 s8, s4;
	_ =	swait.ge [sflag:s17], $0x3E80  }
0x56: {  	s0 =	sor.u32 s0, s4;
	[sflag:s17] =	ssyncset.done $0x0  }
0x57: {  	s0 =	sshrl.u32 s0, $0x3;
	[sflag:s17] =	ssyncadd.s32 $0xFFFFC180  }
0x58: {  	s4 =	sadd.s32 s6, s0;
	s0 =	sadd.s32 s7, s0  }
0x59: {  	[tilespmem:s5], [sflag:$0x3] =	stream.linear.gather [hbm4b:s4+s5], $0x80, $0x38;
	[tilespmem:$0x1C200] =	vst v63  }
0x5a: {  	_ = 	snop  }
0x5b: {  	[tilespmem:s18], [sflag:$0x3] =	stream.linear.gather [hbm4b:s0+s5], $0x80, $0x38;
	[tilespmem:$0x1C200] =	vst v63  }
0x5c: {  	_ =	swait.ge [sflag:s19], $0x80  }
0x5d: {  	[sflag:s19] =	ssyncset.done $0x0  }
0x5e: {  	[sflag:s19] =	ssyncadd.s32 $0xFFFFFF80  }
0x5f: {  	_ =	swait.ge [sflag:s19], $0x80  }
0x60: {  	[sflag:s19] =	ssyncset.done $0x0  }
0x61: {  	[sflag:s19] =	ssyncadd.s32 $0xFFFFFF80  }
0x62: {  	[tilespmem:s21], [sflag:$0x1] =	stream.indirect.gather [hbm4b:s1+s20], $0x80, s5, s20, $0xb8;
	[tilespmem:$0x1C200] =	vst v63  }
0x63: {  	_ =	swait.ge [sflag:s26], $0x3E80  }
0x64: {  	s0 =	sand.u32 $0x7C00, s31;
	[sflag:s26] =	ssyncset.done $0x0  }
0x65: {  	s4 =	sand.u32 $0x380, s31;
	s0 =	sadd.s32 s8, s0;
	[sflag:s26] =	ssyncadd.s32 $0xFFFFC180  }
0x66: {  	[spmem:s3] =	stream.indirect.scatter.add.f32 [tilespmem:s24], [sflag:$0x5], $0x80, s28, s20, $0xb8;
	[tilespmem:$0x1C200] =	vst v63  }
.Ltmp0:
0x67: {  	_ = 	snop;
	(pc) =	sbr.rel @p0 .LBB2_2-.Ltmp0, $4  }
0x68: {  	s0 =	sor.u32 s4, s0;
	_ =	swait.ge [sflag:s17], $0x3E80  }
0x69: {  	s0 =	sshrl.u32 s0, $0x3;
	[sflag:s17] =	ssyncset.done $0x0  }
0x6a: {  	s4 =	sadd.s32 s6, s0;
	s0 =	sadd.s32 s7, s0;
	[sflag:s17] =	ssyncadd.s32 $0xFFFFC180  }
0x6b: {  	[tilespmem:s22], [sflag:$0x4] =	stream.linear.gather [hbm4b:s4+s5], $0x80, $0x38;
	[tilespmem:$0x1C200] =	vst v63  }
0x6c: {  	[tilespmem:s28], [sflag:$0x4] =	stream.linear.gather [hbm4b:s0+s5], $0x80, $0x38;
	[tilespmem:$0x1C200] =	vst v63  }
0x6d: {  	_ =	swait.ge [sflag:s23], $0x80  }
0x6e: {  	[sflag:s23] =	ssyncset.done $0x0  }
0x6f: {  	[sflag:s23] =	ssyncadd.s32 $0xFFFFFF80  }
0x70: {  	_ =	swait.ge [sflag:s23], $0x80  }
0x71: {  	[sflag:s23] =	ssyncset.done $0x0  }
0x72: {  	[sflag:s23] =	ssyncadd.s32 $0xFFFFFF80  }
0x73: {  	[tilespmem:s24], [sflag:$0x2] =	stream.indirect.gather [hbm4b:s1+s20], $0x80, s22, s20, $0xb8;
	[tilespmem:$0x1C200] =	vst v63  }
0x74: {  	_ =	swait.ge [sflag:s25], $0x3E80  }
0x75: {  	[sflag:s25] =	ssyncset.done $0x0  }
0x76: {  	[sflag:s25] =	ssyncadd.s32 $0xFFFFC180  }
0x77: {  	[spmem:s3] =	stream.indirect.scatter.add.f32 [tilespmem:s21], [sflag:$0x5], $0x80, s18, s20, $0xb8;
	[tilespmem:$0x1C200] =	vst v63  }
0x78: {  	_ =	swait.ge [sflag:s17], $0x3E80  }
0x79: {  	[sflag:s17] =	ssyncset.done $0x0  }
0x7a: {  	[sflag:s17] =	ssyncadd.s32 $0xFFFFC180  }
0x7b: {  	_ =	swait.ge [sflag:s26], $0x3E80  }
0x7c: {  	[sflag:s26] =	ssyncset.done $0x0  }
0x7d: {  	[sflag:s26] =	ssyncadd.s32 $0xFFFFC180  }
0x7e: {  	[spmem:s3] =	stream.indirect.scatter.add.f32 [tilespmem:s24], [sflag:$0x5], $0x80, s28, s20, $0xb8;
	[tilespmem:$0x1C200] =	vst v63  }
0x7f: {  	_ =	swait.ge [sflag:s17], $0x3E80  }
0x80: {  	s29 =	sadd.s32 $0x1, s29;
	[sflag:s17] =	ssyncset.done $0x0  }
0x81: {  	p0 =	sne.s32 s29, s15;
	[sflag:s17] =	ssyncadd.s32 $0xFFFFC180  }
.Ltmp1:
0x82: {  	[bflag:$0x0] =	sbarrier.arrive $0xFFFF;
	(pc) =	sbr.rel @p0 .LBB2_1-.Ltmp1, $4  }
0x83: {  	[hbm:s14], [sflag:s9] =	dma.local [spmem:s16], $0x2800  }
0x84: {  	_ =	swait.ge [sflag:s17], $0x2800  }
0x85: {  	[sflag:s17] =	ssyncset.done $0x0  }
0x86: {  	[sflag:s17] =	ssyncadd.s32 $0xFFFFD800  }
0x87: {  	_ =	sfence.sel $0x180000  }
0x88: {  	[bflag:$0x0] =	sbarrier.arrive $0xFFFF  }
0x89: {  	_ =	strace $0x90000050  }
0x8a: {  	s0 =	stileid.u32;
	[bflag:$0x2] =	sbarrier.arrive $0xFFFF  }
0x8b: {  	p0 =	sne.s32 s0, $0x0;
	s0 =	rddreg [dreg:$0x4]  }
0x8c: {  	s0 =	sadd.s32 @!p0 $0x100000, s0  }
0x8d: {  	[sflag:s0] =	ssyncadd.tile.s32 @!p0 $0x1;
	_ =	shalt  }
.Lfunc_end2:
_tile_overlayer_lowered:
.L_overlay_start_2:
0x8e: {  	(tag) =	ssettag $0x2  }
0x8f: {  	s0 =	rddreg [dreg:$0x0];
	s2 =	stileid.u32  }
0x90: {  	s1 =	rddreg [dreg:$0x1];
	p0 =	sne.s32 s2, $0x0  }
0x91: {  	s3 =	rddreg [dreg:$0x2];
	[bflag:$0x3] =	sbarrier.arrive $0xFFFF;
	s2 =	simm.s32 @!p0 $0x1C05  }
0x92: {  	[timem:s3], [sflag:s2] =	dma.local @!p0 [hbm:s0], s1  }
0x93: {  	s0 =	simm.s32 @!p0 $0x5  }
0x94: {  	_ =	swait.ge @!p0 [sflag:s0], s1  }
0x95: {  	s1 =	ssub.s32 @!p0 $0x0, s1;
	[sflag:s0] =	ssyncset.done @!p0 $0x0  }
0x96: {  	[sflag:s0] =	ssyncadd.s32 @!p0 s1  }
0x97: {  	[bflag:$0x3] =	sbarrier.arrive $0xFFFF  }
0x98: {  	_ =	shalt  }

// kernel: kernel.28.cloned.1.call-start
scs
__scs_entry_jumppad:
0x0: {  	(pc) =	sbr.rel $0x88, $3  }
0x1: {  	(tag) =	ssettag $0x0;
	lr =	simm.s32 $0x1  }
0x2: {  	[smem:$0x3F93] =	sst lr;
	_ =	strace $0xD0000000  }
0x3: {  	_ = 	snop  }
0x4: {  	_ = 	snop  }
0x5: {  	_ = 	snop  }
0x6: {  	_ = 	snop  }
0x7: {  	_ = 	snop  }
__scs_overlays_trampoline_lowered:
0x8: {  	[smem:$0x3FA2] =	sst s0  }
0x9: {  	[smem:$0x3FA3] =	sst s1  }
0xa: {  	[smem:$0x3FA4] =	sst s2  }
0xb: {  	[smem:$0x3FA5] =	sst s3  }
0xc: {  	[smem:$0x3FA6] =	sst s4  }
0xd: {  	[smem:$0x3FA7] =	sst s5  }
0xe: {  	[smem:$0x3FA8] =	sst s6  }
0xf: {  	[smem:$0x3FA9] =	sst s7  }
0x10: {  	[smem:$0x3FAA] =	sst s8  }
0x11: {  	[smem:$0x3FAB] =	sst s9;
	s0 =	simm.s32 @!p0 $0x0  }
0x12: {  	s1 =	sld [smem:$0x3F91];
	s0 =	simm.s32 @p0 $0x1  }
0x13: {  	[smem:$0x3FAC] =	sst s0;
	s0 =	simm.s32 @!p1 $0x0  }
0x14: {  	s2 =	sld [smem:$0x3F90];
	s0 =	simm.s32 @p1 $0x1  }
0x15: {  	[smem:$0x3FAD] =	sst s0;
	s0 =	simm.s32 @!p2 $0x0  }
0x16: {  	s3 =	sld [smem:$0x3FDB];
	s0 =	simm.s32 @p2 $0x1  }
0x17: {  	s4 =	simm.s32 $0x1BF5;
	[smem:$0x3FAF] =	sst s0  }
0x18: {  	s0 =	sld [smem:$0x3F92];
	_ =	swait.ge [sflag:s4], $0x0  }
0x19: {  	s7 =	sld [smem:$0x3F93]  }
0x1a: {  	s8 =	sadd.s32 $0xFFFFE003, lr  }
0x1b: {  	s9 =	sadd.s32 $0xFFFFFEF7, lr;
	s5 =	simm.s32 $0xFFFFFFFF;
	p2 =	slt.u32 s8, $0xFFFFF086  }
0x1c: {  	p1 =	slt.u32 s9, $0xF7A;
	s5 =	simm.s32 @!p2 $0x0  }
0x1d: {  	s5 =	simm.s32 @p1 $0x1;
	p0 =	seq.s32 s7, s2  }
0x1e: {  	s7 =	smul.u32 @!p0 $0xF7A, s2;
	p2 =	seq.s32 @!p0 s5, $0x0  }
0x1f: {  	s9 =	smul.u32 $0xF7A, s1;
	s8 =	simm.s32 @!p0 $0x1BF5;
	p2 =	por !p2, p0  }
0x20: {  	[sflag:s8] =	ssyncset.s32 @!p0 $0xFFFFF086;
	s6 =	sadd.s32 @!p0 s3, s7;
	s7 =	simm.s32 @!p0 $0x108  }
0x21: {  	s3 =	sadd.s32 s3, s9;
	s6 =	sadd.s32 @!p0 $0x88, s6;
	s7 =	simm.s32 @p2 $0x1082  }
0x22: {  	[simem:s7], [sflag:s8] =	dma.local @!p0 [hbm:s6], $0xF7A  }
0x23: {  	s9 =	sor.u32 $0xD0000000, s2;
	s6 =	simm.s32 $0x108;
	_ =	swait.ge @!p0 [sflag:s8], $0x0  }
0x24: {  	s3 =	sadd.s32 $0x88, s3;
	s6 =	simm.s32 @!p1 $0x1082;
	[sflag:s4] =	ssyncset.s32 $0xFFFFF086  }
0x25: {  	[simem:s6], [sflag:s4] =	dma.local [hbm:s3], $0xF7A  }
0x26: {  	[smem:$0x3F93] =	sst s1;
	(tag) =	ssettag s2;
	_ =	strace s9  }
0x27: {  	s1 =	sld [smem:$0x3FA3]  }
0x28: {  	s2 =	sld [smem:$0x3FA4]  }
0x29: {  	s4 =	sld [smem:$0x3FA6]  }
0x2a: {  	p0 =	seq.s32 s5, $0x0;
	s5 =	sld [smem:$0x3FA7]  }
0x2b: {  	s6 =	sld [smem:$0x3FA8]  }
0x2c: {  	s7 =	sld [smem:$0x3FA9]  }
0x2d: {  	s3 =	simm.s32 $0x108;
	s8 =	sld [smem:$0x3FAA]  }
0x2e: {  	s3 =	simm.s32 @!p0 $0x1082;
	s9 =	sld [smem:$0x3FAB]  }
0x2f: {  	lr =	sadd.s32 s0, s3;
	s0 =	sld [smem:$0x3FA2]  }
0x30: {  	s3 =	sld [smem:$0x3FA5]  }
0x31: {  	[smem:$0x3FAE] =	sst s10  }
0x32: {  	s10 =	sld [smem:$0x3FAC];
	_ =	sdelay $0x3  }
0x33: {  	p0 =	seq.s32 s10, $0x1;
	s10 =	sld [smem:$0x3FAE];
	_ =	sdelay $0x3  }
0x34: {  	[smem:$0x3FAE] =	sst s10  }
0x35: {  	s10 =	sld [smem:$0x3FAD];
	_ =	sdelay $0x3  }
0x36: {  	p1 =	seq.s32 s10, $0x1;
	s10 =	sld [smem:$0x3FAE];
	_ =	sdelay $0x3  }
0x37: {  	[smem:$0x3FAE] =	sst s10  }
0x38: {  	s10 =	sld [smem:$0x3FAF]  }
0x39: {  	_ = 	snop;
	(pc) =	sbr.ind lr, $3  }
0x3a: {  	_ = 	snop  }
0x3b: {  	_ = 	snop  }
0x3c: {  	p2 =	seq.s32 s10, $0x1;
	s10 =	sld [smem:$0x3FAE]  }
0x3d: {  	_ =	shalt  }
0x3e: {  	_ =	shalt  }
0x3f: {  	_ =	shalt  }
0x40: {  	_ =	shalt  }
0x41: {  	_ =	shalt  }
0x42: {  	_ =	shalt  }
0x43: {  	_ =	shalt  }
0x44: {  	_ =	shalt  }
0x45: {  	_ =	shalt  }
0x46: {  	_ =	shalt  }
0x47: {  	_ =	shalt  }
0x48: {  	_ =	shalt  }
0x49: {  	_ =	shalt  }
0x4a: {  	_ =	shalt  }
0x4b: {  	_ =	shalt  }
0x4c: {  	_ =	shalt  }
0x4d: {  	_ =	shalt  }
0x4e: {  	_ =	shalt  }
0x4f: {  	_ =	shalt  }
0x50: {  	_ =	shalt  }
0x51: {  	_ =	shalt  }
0x52: {  	_ =	shalt  }
0x53: {  	_ =	shalt  }
0x54: {  	_ =	shalt  }
0x55: {  	_ =	shalt  }
0x56: {  	_ =	shalt  }
0x57: {  	_ =	shalt  }
0x58: {  	_ =	shalt  }
0x59: {  	_ =	shalt  }
0x5a: {  	_ =	shalt  }
0x5b: {  	_ =	shalt  }
0x5c: {  	_ =	shalt  }
0x5d: {  	_ =	shalt  }
0x5e: {  	_ =	shalt  }
0x5f: {  	_ =	shalt  }
0x60: {  	_ =	shalt  }
0x61: {  	_ =	shalt  }
0x62: {  	_ =	shalt  }
0x63: {  	_ =	shalt  }
0x64: {  	_ =	shalt  }
0x65: {  	_ =	shalt  }
0x66: {  	_ =	shalt  }
0x67: {  	_ =	shalt  }
0x68: {  	_ =	shalt  }
0x69: {  	_ =	shalt  }
0x6a: {  	_ =	shalt  }
0x6b: {  	_ =	shalt  }
0x6c: {  	_ =	shalt  }
0x6d: {  	_ =	shalt  }
0x6e: {  	_ =	shalt  }
0x6f: {  	_ =	shalt  }
0x70: {  	_ =	shalt  }
0x71: {  	_ =	shalt  }
0x72: {  	_ =	shalt  }
0x73: {  	_ =	shalt  }
0x74: {  	_ =	shalt  }
0x75: {  	_ =	shalt  }
0x76: {  	_ =	shalt  }
0x77: {  	_ =	shalt  }
0x78: {  	_ =	shalt  }
0x79: {  	_ =	shalt  }
0x7a: {  	_ =	shalt  }
0x7b: {  	_ =	shalt  }
0x7c: {  	_ =	shalt  }
0x7d: {  	_ =	shalt  }
0x7e: {  	_ =	shalt  }
0x7f: {  	_ =	shalt  }
0x80: {  	_ =	shalt  }
0x81: {  	_ =	shalt  }
0x82: {  	_ =	shalt  }
0x83: {  	_ =	shalt  }
0x84: {  	_ =	shalt  }
0x85: {  	_ =	shalt  }
0x86: {  	_ =	shalt  }
0x87: {  	_ =	shalt  }
.Lfunc_end0:
.L_simem_size_0:
called_computation.4_lowered:
.L_overlay_start_0:
0x88: {  	s2 =	sld [smem:$0x3FD9]  }
0x89: {  	s3 =	sld [smem:$0x3FFE];
	_ =	sdelay $0x1  }
0x8a: {  	s1 =	srdreg.scid  }
0x8b: {  	s0 =	sand.u32 $0x1, s1  }
0x8c: {  	s14 =	sshll.u32 s0, $0xA;
	s2 =	sadd.s32 s3, s2  }
0x8d: {  	s2 =	sadd.s32 s2, s14  }
0x8e: {  	[smem:$0x3FBA] =	sst s2  }
0x8f: {  	_ = 	snop  }
0x90: {  	s2 =	sld [smem:$0x3FD0];
	_ =	sdelay $0x2  }
0x91: {  	s15 =	simm.s32 $0xC;
	s4 =	simm.s32 $0x10  }
0x92: {  	[smem:s4], [sflag:s15] =	dma.local [hbm:s2], $0x1  }
0x93: {  	_ =	swait.eq [sflag:s15], $0x1  }
0x94: {  	[sflag:s15] =	ssyncset.done $0x0  }
0x95: {  	s16 =	sld [smem:$0x11];
	[sflag:s15] =	ssyncadd.s32 $0xFFFFFFFF  }
0x96: {  	s17 =	sld [smem:$0x12];
	(tm) =	ssettm $0x1  }
0x97: {  	s18 =	sld [smem:$0x3FFB];
	_ =	sdelay $0x3  }
0x98: {  	_ =	strace s18  }
0x99: {  	s4 =	sld [smem:$0x3FFC];
	_ =	sdelay $0x3  }
0x9a: {  	_ =	strace s4  }
0x9b: {  	s4 =	sld [smem:$0x3FFD];
	_ =	sdelay $0x3  }
0x9c: {  	_ =	strace s4  }
0x9d: {  	_ =	strace $0x8FFFFFFF  }
0x9e: {  	s19 =	sld [smem:$0x3FDB];
	_ =	sdelay $0x1  }
0x9f: {  	s5 =	simm.s32 $_scs_section_size  }
0xa0: {  	s6 =	simm.s32 $_size__tile_overlayer_lowered;
	s7 =	simm.s32 $_tile_overlayer_lowered  }
0xa1: {  	s22 =	simm.s32 $0x1BFF;
	s21 =	sshll.u32 s7, $0x1;
	s4 =	sadd.s32 s5, s19  }
0xa2: {  	s8 =	simm.s32 $0x0;
	s20 =	sshll.u32 s6, $0x1;
	s6 =	sadd.s32 s21, s4  }
0xa3: {  	[timem:s8], [sflag:s22] =	dma.local [hbm:s6], s20  }
0xa4: {  	_ =	swait.ge [sflag:s22], s20  }
0xa5: {  	s5 =	ssub.s32 $0x0, s20;
	[sflag:s22] =	ssyncset.done $0x0  }
0xa6: {  	[sflag:s22] =	ssyncadd.s32 s5;
	_ =	sdelay $0x1  }
0xa7: {  	s23 =	simm.s32 $0x1B8B  }
0xa8: {  	_ =	swait.ge [sflag:s23], $0x1  }
0xa9: {  	[sflag:s23] =	ssyncset.done $0x0  }
0xaa: {  	s25 =	simm.s32 $0x1B8E;
	s24 =	sld [smem:$0x3FFE];
	[sflag:s23] =	ssyncadd.s32 $0xFFFFFFFF  }
0xab: {  	s26 =	simm.s32 $execute0_lowered;
	[smem:$0x3FD2] =	sst s25  }
0xac: {  	s6 =	sshll.u32 s26, $0x1;
	_ =	strace $0x80000052;
	[dreg:$0x1] =	wrdreg $0xFFFFFFFF  }
0xad: {  	s28 =	simm.s32 $_size_execute0_lowered;
	s4 =	sadd.s32 s4, s6;
	[dreg:$0x0] =	wrdreg $0x0  }
0xae: {  	s6 =	sshll.u32 s28, $0x1;
	[dreg:$0x2] =	wrdreg s4  }
0xaf: {  	[dreg:$0x3] =	wrdreg s6  }
0xb0: {  	[dreg:$0x4] =	wrdreg $0xC0  }
0xb1: {  	_ =	task [dreg:s8], $0x5FFFF  }
0xb2: {  	[dreg:$0x1] =	wrdreg $0xFFFFFFFF  }
0xb3: {  	[dreg:$0x0] =	wrdreg $0x60  }
0xb4: {  	[dreg:$0x2] =	wrdreg s16  }
0xb5: {  	[dreg:$0x3] =	wrdreg s24  }
0xb6: {  	[dreg:$0x4] =	wrdreg s17  }
0xb7: {  	[dreg:$0x5] =	wrdreg $0x82000  }
0xb8: {  	[dreg:$0x6] =	wrdreg $0x9  }
0xb9: {  	_ =	task.clear_ibuf [dreg:s8], $0x7FFFF;
	_ =	strace $0x90000052  }
0xba: {  	s29 =	simm.s32 $0x9;
	_ =	strace $0x80000054  }
0xbb: {  	_ =	swait.ge [sflag:s29], $0x1  }
0xbc: {  	[sflag:s29] =	ssyncadd.s32 $0xFFFFFFFF  }
0xbd: {  	_ =	strace $0x90000054  }
0xbe: {  	_ =	sfence  }
0xbf: {  	s30 =	sld [smem:$0x0];
	_ =	sdelay $0x2  }
0xc0: {  	s31 =	sshll.u32 s1, $0xD;
	s1 =	sshrl.u32 s1, $0x2  }
0xc1: {  	s3 =	sand.u32 $0x4000, s31;
	s1 =	sadd.s32 s1, s30  }
0xc2: {  	s0 =	sor.u32 s3, s0;
	s1 =	sshll.u32 s1, $0x11  }
0xc3: {  	s0 =	sor.u32 s1, s0  }
0xc4: {  	s0 =	sadd.s32 $0x8F2B, s0  }
0xc5: {  	[sflag:s0] =	ssyncadd.remote.s32 $0x1  }
0xc6: {  	_ =	sfence.sel $0xFFFF  }
0xc7: {  	[dreg:$0x0] =	wrdreg $0xFFFFFFFF;
	(pc) =	sbr.abs _section_cstart, $3  }
0xc8: {  	[dreg:$0x1] =	wrdreg $0xFFFFFFFF  }
0xc9: {  	_ =	task.clear_ibuf [dreg:s8], $0x2FFFF;
	_ =	strace $0x9FFFFFFF  }
0xca: {  	(tm) =	ssettm $0x7FFFFFFF  }
0xcb: {  	_ =	shalt  }
tec
execute0_lowered:
.L_overlay_start_1:
0x0: {  	(tag) =	ssettag $0x1  }
0x1: {  	s1 =	rddreg [dreg:$0x0]  }
0x2: {  	s0 =	rddreg [dreg:$0x1]  }
0x3: {  	s2 =	rddreg [dreg:$0x2]  }
0x4: {  	s3 =	rddreg [dreg:$0x3]  }
0x5: {  	s4 =	srdreg.scid;
	s5 =	simm.s32 $0x0;
	s22 =	stileid.u32  }
0x6: {  	s17 =	simm.s32 $0x5;
	s18 =	simm.s32 $0x100;
	s19 =	simm.s32 $0x3  }
0x7: {  	s20 =	simm.s32 $0x7D;
	s21 =	simm.s32 $0x200;
	s28 =	simm.s32 $0x180  }
0x8: {  	s29 =	simm.s32 $0x0;
	s8 =	sand.u32 $0x1, s4;
	s10 =	smul.u32 $0x14000, s22  }
0x9: {  	[smem:$0x7FF] =	sst s5;
	s6 =	sadd.s32 $0xE400, s0;
	s25 =	smul.u32 $0x50000, s22  }
0xa: {  	s7 =	sadd.s32 $0x4400, s0;
	s30 =	sshll.u32 s22, $0x6;
	s9 =	smul.u32 $0x140000, s8  }
0xb: {  	_ =	strace $0x80000053;
	s23 =	sshll.u32 s8, $0x4;
	s11 =	ssub.s32 $0x2, s8  }
0xc: {  	s24 =	sor.u32 s22, s23;
	s12 =	sshrl.u32 s11, $0x1;
	s26 =	sshrl.u32 s25, $0x2  }
0xd: {  	s22 =	simm.s32 $0x80;
	s23 =	simm.s32 $0x4;
	s25 =	simm.s32 $0x1  }
0xe: {  	s9 =	sadd.s32 s10, s9;
	s8 =	smul.u32 $0x2800, s24;
	s15 =	ssub.s32 s11, s12  }
0xf: {  	s16 =	sadd.s32 s26, s3;
	s24 =	simm.s32 $0x4200;
	s26 =	simm.s32 $0x2  }
0x10: {  	s9 =	sshrl.u32 s9, $0x3;
	s15 =	smax.u32 s15, $0x1;
	s16 =	sshrl.u32 s16, $0x3  }
0x11: {  	s0 =	sadd.s32 s9, s0;
	s31 =	sshrl.u32 s8, $0x3;
	s9 =	sor.u32 $0x1C05, s30  }
0x12: {  	s10 =	sadd.s32 s6, s31;
	s13 =	sor.u32 $0x10, s31;
	s11 =	sadd.s32 s7, s31  }
0x13: {  	s14 =	sadd.s32 $0x66600, s0;
	s12 =	sadd.s32 s6, s13;
	s13 =	sadd.s32 s7, s13  }
.LBB2_1:
0x14: {  	[spmem:s16], [sflag:s9] =	dma.local [hbm:s2], $0x2800  }
0x15: {  	_ =	swait.ge [sflag:s17], $0x2800  }
0x16: {  	[sflag:s17] =	ssyncset.done $0x0  }
0x17: {  	[sflag:s17] =	ssyncadd.s32 $0xFFFFD800  }
0x18: {  	[bflag:$0x0] =	sbarrier.arrive $0xFFFF  }
0x19: {  	[tilespmem:s5], [sflag:$0x3] =	stream.linear.gather [hbm4b:s10+s5], $0x80, $0x38;
	[tilespmem:$0x1C200] =	vst v63  }
0x1a: {  	_ = 	snop  }
0x1b: {  	[tilespmem:s18], [sflag:$0x3] =	stream.linear.gather [hbm4b:s11+s5], $0x80, $0x38;
	[tilespmem:$0x1C200] =	vst v63  }
0x1c: {  	_ =	swait.ge [sflag:s19], $0x80  }
0x1d: {  	[sflag:s19] =	ssyncset.done $0x0  }
0x1e: {  	[sflag:s19] =	ssyncadd.s32 $0xFFFFFF80  }
0x1f: {  	_ =	swait.ge [sflag:s19], $0x80  }
0x20: {  	[sflag:s19] =	ssyncset.done $0x0  }
0x21: {  	[sflag:s19] =	ssyncadd.s32 $0xFFFFFF80  }
0x22: {  	[tilespmem:s21], [sflag:$0x1] =	stream.indirect.gather [hbm4b:s1+s20], $0x80, s5, s20, $0xb8;
	[tilespmem:$0x1C200] =	vst v63  }
0x23: {  	_ = 	snop  }
0x24: {  	[tilespmem:s22], [sflag:$0x4] =	stream.linear.gather [hbm4b:s12+s5], $0x80, $0x38;
	[tilespmem:$0x1C200] =	vst v63  }
0x25: {  	_ = 	snop  }
0x26: {  	[tilespmem:s28], [sflag:$0x4] =	stream.linear.gather [hbm4b:s13+s5], $0x80, $0x38;
	[tilespmem:$0x1C200] =	vst v63  }
0x27: {  	_ =	swait.ge [sflag:s23], $0x80  }
0x28: {  	[sflag:s23] =	ssyncset.done $0x0  }
0x29: {  	[sflag:s23] =	ssyncadd.s32 $0xFFFFFF80  }
0x2a: {  	_ =	swait.ge [sflag:s23], $0x80  }
0x2b: {  	[sflag:s23] =	ssyncset.done $0x0  }
0x2c: {  	[sflag:s23] =	ssyncadd.s32 $0xFFFFFF80  }
0x2d: {  	[tilespmem:s24], [sflag:$0x2] =	stream.indirect.gather [hbm4b:s1+s20], $0x80, s22, s20, $0xb8;
	[tilespmem:$0x1C200] =	vst v63  }
0x2e: {  	s0 =	simm.s32 $0x100;
	_ =	swait.ge [sflag:s25], $0x3E80  }
0x2f: {  	s30 =	sand.u32 $0x7C00, s0;
	[sflag:s25] =	ssyncset.done $0x0  }
0x30: {  	s0 =	sand.u32 $0x300, s0;
	s30 =	sadd.s32 s8, s30;
	[sflag:s25] =	ssyncadd.s32 $0xFFFFC180  }
0x31: {  	[spmem:s3] =	stream.indirect.scatter.add.f32 [tilespmem:s21], [sflag:$0x5], $0x80, s18, s20, $0xb8;
	[tilespmem:$0x1C200] =	vst v63  }
0x32: {  	s0 =	sor.u32 s0, s30;
	_ =	swait.ge [sflag:s17], $0x3E80  }
0x33: {  	s0 =	sshrl.u32 s0, $0x3;
	[sflag:s17] =	ssyncset.done $0x0  }
0x34: {  	s30 =	sadd.s32 s6, s0;
	[sflag:s17] =	ssyncadd.s32 $0xFFFFC180  }
0x35: {  	[tilespmem:s5], [sflag:$0x3] =	stream.linear.gather [hbm4b:s30+s5], $0x80, $0x38;
	[tilespmem:$0x1C200] =	vst v63  }
0x36: {  	s0 =	sadd.s32 s7, s0  }
0x37: {  	[tilespmem:s18], [sflag:$0x3] =	stream.linear.gather [hbm4b:s0+s5], $0x80, $0x38;
	[tilespmem:$0x1C200] =	vst v63  }
0x38: {  	_ =	swait.ge [sflag:s19], $0x80  }
0x39: {  	[sflag:s19] =	ssyncset.done $0x0  }
0x3a: {  	[sflag:s19] =	ssyncadd.s32 $0xFFFFFF80  }
0x3b: {  	_ =	swait.ge [sflag:s19], $0x80  }
0x3c: {  	[sflag:s19] =	ssyncset.done $0x0  }
0x3d: {  	[sflag:s19] =	ssyncadd.s32 $0xFFFFFF80  }
0x3e: {  	[tilespmem:s21], [sflag:$0x1] =	stream.indirect.gather [hbm4b:s1+s20], $0x80, s5, s20, $0xb8;
	[tilespmem:$0x1C200] =	vst v63  }
0x3f: {  	_ =	swait.ge [sflag:s26], $0x3E80  }
0x40: {  	s31 =	sand.u32 $0x7C00, s28;
	[sflag:s26] =	ssyncset.done $0x0  }
0x41: {  	s30 =	sand.u32 $0x380, s28;
	s0 =	sadd.s32 s8, s31;
	[sflag:s26] =	ssyncadd.s32 $0xFFFFC180  }
0x42: {  	[spmem:s3] =	stream.indirect.scatter.add.f32 [tilespmem:s24], [sflag:$0x5], $0x80, s28, s20, $0xb8;
	[tilespmem:$0x1C200] =	vst v63  }
0x43: {  	s0 =	sor.u32 s30, s0;
	_ =	swait.ge [sflag:s17], $0x3E80  }
0x44: {  	s0 =	sshrl.u32 s0, $0x3;
	[sflag:s17] =	ssyncset.done $0x0  }
0x45: {  	s30 =	sadd.s32 s6, s0;
	[sflag:s17] =	ssyncadd.s32 $0xFFFFC180  }
0x46: {  	[tilespmem:s22], [sflag:$0x4] =	stream.linear.gather [hbm4b:s30+s5], $0x80, $0x38;
	[tilespmem:$0x1C200] =	vst v63  }
0x47: {  	s0 =	sadd.s32 s7, s0;
	s30 =	simm.s32 $0x280  }
.LBB2_2:
0x48: {  	p0 =	sne.s32 s30, $0x2780;
	s31 =	smov.u32 s30;
	s30 =	sadd.s32 $0x100, s30  }
0x49: {  	[tilespmem:s28], [sflag:$0x4] =	stream.linear.gather [hbm4b:s0+s5], $0x80, $0x38;
	[tilespmem:$0x1C200] =	vst v63  }
0x4a: {  	_ =	swait.ge [sflag:s23], $0x80  }
0x4b: {  	[sflag:s23] =	ssyncset.done $0x0  }
0x4c: {  	[sflag:s23] =	ssyncadd.s32 $0xFFFFFF80  }
0x4d: {  	_ =	swait.ge [sflag:s23], $0x80  }
0x4e: {  	[sflag:s23] =	ssyncset.done $0x0  }
0x4f: {  	[sflag:s23] =	ssyncadd.s32 $0xFFFFFF80  }
0x50: {  	[tilespmem:s24], [sflag:$0x2] =	stream.indirect.gather [hbm4b:s1+s20], $0x80, s22, s20, $0xb8;
	[tilespmem:$0x1C200] =	vst v63  }
0x51: {  	_ =	swait.ge [sflag:s25], $0x3E80  }
0x52: {  	s0 =	sadd.s32 $0xFFFFFF80, s31;
	[sflag:s25] =	ssyncset.done $0x0  }
0x53: {  	s4 =	sand.u32 $0x7C00, s0;
	s0 =	sand.u32 $0x300, s0;
	[sflag:s25] =	ssyncadd.s32 $0xFFFFC180  }
0x54: {  	[spmem:s3] =	stream.indirect.scatter.add.f32 [tilespmem:s21], [sflag:$0x5], $0x80, s18, s20, $0xb8;
	[tilespmem:$0x1C200] =	vst v63  }
0x55: {  	s4 =	sadd.s32 s8, s4;
	_ =	swait.ge [sflag:s17], $0x3E80  }
0x56: {  	s0 =	sor.u32 s0, s4;
	[sflag:s17] =	ssyncset.done $0x0  }
0x57: {  	s0 =	sshrl.u32 s0, $0x3;
	[sflag:s17] =	ssyncadd.s32 $0xFFFFC180  }
0x58: {  	s4 =	sadd.s32 s6, s0;
	s0 =	sadd.s32 s7, s0  }
0x59: {  	[tilespmem:s5], [sflag:$0x3] =	stream.linear.gather [hbm4b:s4+s5], $0x80, $0x38;
	[tilespmem:$0x1C200] =	vst v63  }
0x5a: {  	_ = 	snop  }
0x5b: {  	[tilespmem:s18], [sflag:$0x3] =	stream.linear.gather [hbm4b:s0+s5], $0x80, $0x38;
	[tilespmem:$0x1C200] =	vst v63  }
0x5c: {  	_ =	swait.ge [sflag:s19], $0x80  }
0x5d: {  	[sflag:s19] =	ssyncset.done $0x0  }
0x5e: {  	[sflag:s19] =	ssyncadd.s32 $0xFFFFFF80  }
0x5f: {  	_ =	swait.ge [sflag:s19], $0x80  }
0x60: {  	[sflag:s19] =	ssyncset.done $0x0  }
0x61: {  	[sflag:s19] =	ssyncadd.s32 $0xFFFFFF80  }
0x62: {  	[tilespmem:s21], [sflag:$0x1] =	stream.indirect.gather [hbm4b:s1+s20], $0x80, s5, s20, $0xb8;
	[tilespmem:$0x1C200] =	vst v63  }
0x63: {  	_ =	swait.ge [sflag:s26], $0x3E80  }
0x64: {  	s0 =	sand.u32 $0x7C00, s31;
	[sflag:s26] =	ssyncset.done $0x0  }
0x65: {  	s4 =	sand.u32 $0x380, s31;
	s0 =	sadd.s32 s8, s0;
	[sflag:s26] =	ssyncadd.s32 $0xFFFFC180  }
0x66: {  	[spmem:s3] =	stream.indirect.scatter.add.f32 [tilespmem:s24], [sflag:$0x5], $0x80, s28, s20, $0xb8;
	[tilespmem:$0x1C200] =	vst v63  }
.Ltmp0:
0x67: {  	_ = 	snop;
	(pc) =	sbr.rel @p0 .LBB2_2-.Ltmp0, $4  }
0x68: {  	s0 =	sor.u32 s4, s0;
	_ =	swait.ge [sflag:s17], $0x3E80  }
0x69: {  	s0 =	sshrl.u32 s0, $0x3;
	[sflag:s17] =	ssyncset.done $0x0  }
0x6a: {  	s4 =	sadd.s32 s6, s0;
	s0 =	sadd.s32 s7, s0;
	[sflag:s17] =	ssyncadd.s32 $0xFFFFC180  }
0x6b: {  	[tilespmem:s22], [sflag:$0x4] =	stream.linear.gather [hbm4b:s4+s5], $0x80, $0x38;
	[tilespmem:$0x1C200] =	vst v63  }
0x6c: {  	[tilespmem:s28], [sflag:$0x4] =	stream.linear.gather [hbm4b:s0+s5], $0x80, $0x38;
	[tilespmem:$0x1C200] =	vst v63  }
0x6d: {  	_ =	swait.ge [sflag:s23], $0x80  }
0x6e: {  	[sflag:s23] =	ssyncset.done $0x0  }
0x6f: {  	[sflag:s23] =	ssyncadd.s32 $0xFFFFFF80  }
0x70: {  	_ =	swait.ge [sflag:s23], $0x80  }
0x71: {  	[sflag:s23] =	ssyncset.done $0x0  }
0x72: {  	[sflag:s23] =	ssyncadd.s32 $0xFFFFFF80  }
0x73: {  	[tilespmem:s24], [sflag:$0x2] =	stream.indirect.gather [hbm4b:s1+s20], $0x80, s22, s20, $0xb8;
	[tilespmem:$0x1C200] =	vst v63  }
0x74: {  	_ =	swait.ge [sflag:s25], $0x3E80  }
0x75: {  	[sflag:s25] =	ssyncset.done $0x0  }
0x76: {  	[sflag:s25] =	ssyncadd.s32 $0xFFFFC180  }
0x77: {  	[spmem:s3] =	stream.indirect.scatter.add.f32 [tilespmem:s21], [sflag:$0x5], $0x80, s18, s20, $0xb8;
	[tilespmem:$0x1C200] =	vst v63  }
0x78: {  	_ =	swait.ge [sflag:s17], $0x3E80  }
0x79: {  	[sflag:s17] =	ssyncset.done $0x0  }
0x7a: {  	[sflag:s17] =	ssyncadd.s32 $0xFFFFC180  }
0x7b: {  	_ =	swait.ge [sflag:s26], $0x3E80  }
0x7c: {  	[sflag:s26] =	ssyncset.done $0x0  }
0x7d: {  	[sflag:s26] =	ssyncadd.s32 $0xFFFFC180  }
0x7e: {  	[spmem:s3] =	stream.indirect.scatter.add.f32 [tilespmem:s24], [sflag:$0x5], $0x80, s28, s20, $0xb8;
	[tilespmem:$0x1C200] =	vst v63  }
0x7f: {  	_ =	swait.ge [sflag:s17], $0x3E80  }
0x80: {  	s29 =	sadd.s32 $0x1, s29;
	[sflag:s17] =	ssyncset.done $0x0  }
0x81: {  	p0 =	sne.s32 s29, s15;
	[sflag:s17] =	ssyncadd.s32 $0xFFFFC180  }
.Ltmp1:
0x82: {  	[bflag:$0x0] =	sbarrier.arrive $0xFFFF;
	(pc) =	sbr.rel @p0 .LBB2_1-.Ltmp1, $4  }
0x83: {  	[hbm:s14], [sflag:s9] =	dma.local [spmem:s16], $0x2800  }
0x84: {  	_ =	swait.ge [sflag:s17], $0x2800  }
0x85: {  	[sflag:s17] =	ssyncset.done $0x0  }
0x86: {  	[sflag:s17] =	ssyncadd.s32 $0xFFFFD800  }
0x87: {  	_ =	sfence.sel $0x180000  }
0x88: {  	[bflag:$0x0] =	sbarrier.arrive $0xFFFF  }
0x89: {  	_ =	strace $0x90000053  }
0x8a: {  	s0 =	stileid.u32;
	[bflag:$0x2] =	sbarrier.arrive $0xFFFF  }
0x8b: {  	p0 =	sne.s32 s0, $0x0;
	s0 =	rddreg [dreg:$0x4]  }
0x8c: {  	s0 =	sadd.s32 @!p0 $0x100000, s0  }
0x8d: {  	[sflag:s0] =	ssyncadd.tile.s32 @!p0 $0x1;
	_ =	shalt  }
.Lfunc_end2:
_tile_overlayer_lowered:
.L_overlay_start_2:
0x8e: {  	(tag) =	ssettag $0x2  }
0x8f: {  	s0 =	rddreg [dreg:$0x0];
	s2 =	stileid.u32  }
0x90: {  	s1 =	rddreg [dreg:$0x1];
	p0 =	sne.s32 s2, $0x0  }
0x91: {  	s3 =	rddreg [dreg:$0x2];
	[bflag:$0x3] =	sbarrier.arrive $0xFFFF;
	s2 =	simm.s32 @!p0 $0x1C05  }
0x92: {  	[timem:s3], [sflag:s2] =	dma.local @!p0 [hbm:s0], s1  }
0x93: {  	s0 =	simm.s32 @!p0 $0x5  }
0x94: {  	_ =	swait.ge @!p0 [sflag:s0], s1  }
0x95: {  	s1 =	ssub.s32 @!p0 $0x0, s1;
	[sflag:s0] =	ssyncset.done @!p0 $0x0  }
0x96: {  	[sflag:s0] =	ssyncadd.s32 @!p0 s1  }
0x97: {  	[bflag:$0x3] =	sbarrier.arrive $0xFFFF  }
0x98: {  	_ =	shalt  }

// kernel: kernel.31.cloned.1.call-start
scs
__scs_entry_jumppad:
0x0: {  	(pc) =	sbr.rel $0x88, $3  }
0x1: {  	(tag) =	ssettag $0x0;
	lr =	simm.s32 $0x1  }
0x2: {  	[smem:$0x3F93] =	sst lr;
	_ =	strace $0xD0000000  }
0x3: {  	_ = 	snop  }
0x4: {  	_ = 	snop  }
0x5: {  	_ = 	snop  }
0x6: {  	_ = 	snop  }
0x7: {  	_ = 	snop  }
__scs_overlays_trampoline_lowered:
0x8: {  	[smem:$0x3FA2] =	sst s0  }
0x9: {  	[smem:$0x3FA3] =	sst s1  }
0xa: {  	[smem:$0x3FA4] =	sst s2  }
0xb: {  	[smem:$0x3FA5] =	sst s3  }
0xc: {  	[smem:$0x3FA6] =	sst s4  }
0xd: {  	[smem:$0x3FA7] =	sst s5  }
0xe: {  	[smem:$0x3FA8] =	sst s6  }
0xf: {  	[smem:$0x3FA9] =	sst s7  }
0x10: {  	[smem:$0x3FAA] =	sst s8  }
0x11: {  	[smem:$0x3FAB] =	sst s9;
	s0 =	simm.s32 @!p0 $0x0  }
0x12: {  	s1 =	sld [smem:$0x3F91];
	s0 =	simm.s32 @p0 $0x1  }
0x13: {  	[smem:$0x3FAC] =	sst s0;
	s0 =	simm.s32 @!p1 $0x0  }
0x14: {  	s2 =	sld [smem:$0x3F90];
	s0 =	simm.s32 @p1 $0x1  }
0x15: {  	[smem:$0x3FAD] =	sst s0;
	s0 =	simm.s32 @!p2 $0x0  }
0x16: {  	s3 =	sld [smem:$0x3FDB];
	s0 =	simm.s32 @p2 $0x1  }
0x17: {  	s4 =	simm.s32 $0x1BF5;
	[smem:$0x3FAF] =	sst s0  }
0x18: {  	s0 =	sld [smem:$0x3F92];
	_ =	swait.ge [sflag:s4], $0x0  }
0x19: {  	s7 =	sld [smem:$0x3F93]  }
0x1a: {  	s8 =	sadd.s32 $0xFFFFE003, lr  }
0x1b: {  	s9 =	sadd.s32 $0xFFFFFEF7, lr;
	s5 =	simm.s32 $0xFFFFFFFF;
	p2 =	slt.u32 s8, $0xFFFFF086  }
0x1c: {  	p1 =	slt.u32 s9, $0xF7A;
	s5 =	simm.s32 @!p2 $0x0  }
0x1d: {  	s5 =	simm.s32 @p1 $0x1;
	p0 =	seq.s32 s7, s2  }
0x1e: {  	s7 =	smul.u32 @!p0 $0xF7A, s2;
	p2 =	seq.s32 @!p0 s5, $0x0  }
0x1f: {  	s9 =	smul.u32 $0xF7A, s1;
	s8 =	simm.s32 @!p0 $0x1BF5;
	p2 =	por !p2, p0  }
0x20: {  	[sflag:s8] =	ssyncset.s32 @!p0 $0xFFFFF086;
	s6 =	sadd.s32 @!p0 s3, s7;
	s7 =	simm.s32 @!p0 $0x108  }
0x21: {  	s3 =	sadd.s32 s3, s9;
	s6 =	sadd.s32 @!p0 $0x88, s6;
	s7 =	simm.s32 @p2 $0x1082  }
0x22: {  	[simem:s7], [sflag:s8] =	dma.local @!p0 [hbm:s6], $0xF7A  }
0x23: {  	s9 =	sor.u32 $0xD0000000, s2;
	s6 =	simm.s32 $0x108;
	_ =	swait.ge @!p0 [sflag:s8], $0x0  }
0x24: {  	s3 =	sadd.s32 $0x88, s3;
	s6 =	simm.s32 @!p1 $0x1082;
	[sflag:s4] =	ssyncset.s32 $0xFFFFF086  }
0x25: {  	[simem:s6], [sflag:s4] =	dma.local [hbm:s3], $0xF7A  }
0x26: {  	[smem:$0x3F93] =	sst s1;
	(tag) =	ssettag s2;
	_ =	strace s9  }
0x27: {  	s1 =	sld [smem:$0x3FA3]  }
0x28: {  	s2 =	sld [smem:$0x3FA4]  }
0x29: {  	s4 =	sld [smem:$0x3FA6]  }
0x2a: {  	p0 =	seq.s32 s5, $0x0;
	s5 =	sld [smem:$0x3FA7]  }
0x2b: {  	s6 =	sld [smem:$0x3FA8]  }
0x2c: {  	s7 =	sld [smem:$0x3FA9]  }
0x2d: {  	s3 =	simm.s32 $0x108;
	s8 =	sld [smem:$0x3FAA]  }
0x2e: {  	s3 =	simm.s32 @!p0 $0x1082;
	s9 =	sld [smem:$0x3FAB]  }
0x2f: {  	lr =	sadd.s32 s0, s3;
	s0 =	sld [smem:$0x3FA2]  }
0x30: {  	s3 =	sld [smem:$0x3FA5]  }
0x31: {  	[smem:$0x3FAE] =	sst s10  }
0x32: {  	s10 =	sld [smem:$0x3FAC];
	_ =	sdelay $0x3  }
0x33: {  	p0 =	seq.s32 s10, $0x1;
	s10 =	sld [smem:$0x3FAE];
	_ =	sdelay $0x3  }
0x34: {  	[smem:$0x3FAE] =	sst s10  }
0x35: {  	s10 =	sld [smem:$0x3FAD];
	_ =	sdelay $0x3  }
0x36: {  	p1 =	seq.s32 s10, $0x1;
	s10 =	sld [smem:$0x3FAE];
	_ =	sdelay $0x3  }
0x37: {  	[smem:$0x3FAE] =	sst s10  }
0x38: {  	s10 =	sld [smem:$0x3FAF]  }
0x39: {  	_ = 	snop;
	(pc) =	sbr.ind lr, $3  }
0x3a: {  	_ = 	snop  }
0x3b: {  	_ = 	snop  }
0x3c: {  	p2 =	seq.s32 s10, $0x1;
	s10 =	sld [smem:$0x3FAE]  }
0x3d: {  	_ =	shalt  }
0x3e: {  	_ =	shalt  }
0x3f: {  	_ =	shalt  }
0x40: {  	_ =	shalt  }
0x41: {  	_ =	shalt  }
0x42: {  	_ =	shalt  }
0x43: {  	_ =	shalt  }
0x44: {  	_ =	shalt  }
0x45: {  	_ =	shalt  }
0x46: {  	_ =	shalt  }
0x47: {  	_ =	shalt  }
0x48: {  	_ =	shalt  }
0x49: {  	_ =	shalt  }
0x4a: {  	_ =	shalt  }
0x4b: {  	_ =	shalt  }
0x4c: {  	_ =	shalt  }
0x4d: {  	_ =	shalt  }
0x4e: {  	_ =	shalt  }
0x4f: {  	_ =	shalt  }
0x50: {  	_ =	shalt  }
0x51: {  	_ =	shalt  }
0x52: {  	_ =	shalt  }
0x53: {  	_ =	shalt  }
0x54: {  	_ =	shalt  }
0x55: {  	_ =	shalt  }
0x56: {  	_ =	shalt  }
0x57: {  	_ =	shalt  }
0x58: {  	_ =	shalt  }
0x59: {  	_ =	shalt  }
0x5a: {  	_ =	shalt  }
0x5b: {  	_ =	shalt  }
0x5c: {  	_ =	shalt  }
0x5d: {  	_ =	shalt  }
0x5e: {  	_ =	shalt  }
0x5f: {  	_ =	shalt  }
0x60: {  	_ =	shalt  }
0x61: {  	_ =	shalt  }
0x62: {  	_ =	shalt  }
0x63: {  	_ =	shalt  }
0x64: {  	_ =	shalt  }
0x65: {  	_ =	shalt  }
0x66: {  	_ =	shalt  }
0x67: {  	_ =	shalt  }
0x68: {  	_ =	shalt  }
0x69: {  	_ =	shalt  }
0x6a: {  	_ =	shalt  }
0x6b: {  	_ =	shalt  }
0x6c: {  	_ =	shalt  }
0x6d: {  	_ =	shalt  }
0x6e: {  	_ =	shalt  }
0x6f: {  	_ =	shalt  }
0x70: {  	_ =	shalt  }
0x71: {  	_ =	shalt  }
0x72: {  	_ =	shalt  }
0x73: {  	_ =	shalt  }
0x74: {  	_ =	shalt  }
0x75: {  	_ =	shalt  }
0x76: {  	_ =	shalt  }
0x77: {  	_ =	shalt  }
0x78: {  	_ =	shalt  }
0x79: {  	_ =	shalt  }
0x7a: {  	_ =	shalt  }
0x7b: {  	_ =	shalt  }
0x7c: {  	_ =	shalt  }
0x7d: {  	_ =	shalt  }
0x7e: {  	_ =	shalt  }
0x7f: {  	_ =	shalt  }
0x80: {  	_ =	shalt  }
0x81: {  	_ =	shalt  }
0x82: {  	_ =	shalt  }
0x83: {  	_ =	shalt  }
0x84: {  	_ =	shalt  }
0x85: {  	_ =	shalt  }
0x86: {  	_ =	shalt  }
0x87: {  	_ =	shalt  }
.Lfunc_end0:
.L_simem_size_0:
called_computation.5_lowered:
.L_overlay_start_0:
0x88: {  	s2 =	sld [smem:$0x3FD9]  }
0x89: {  	s3 =	sld [smem:$0x3FFE];
	_ =	sdelay $0x1  }
0x8a: {  	s1 =	srdreg.scid  }
0x8b: {  	s0 =	sand.u32 $0x1, s1  }
0x8c: {  	s14 =	sshll.u32 s0, $0xA;
	s2 =	sadd.s32 s3, s2  }
0x8d: {  	s2 =	sadd.s32 s2, s14  }
0x8e: {  	[smem:$0x3FBA] =	sst s2  }
0x8f: {  	_ = 	snop  }
0x90: {  	s2 =	sld [smem:$0x3FD0];
	_ =	sdelay $0x2  }
0x91: {  	s15 =	simm.s32 $0xC;
	s4 =	simm.s32 $0x10  }
0x92: {  	[smem:s4], [sflag:s15] =	dma.local [hbm:s2], $0x1  }
0x93: {  	_ =	swait.eq [sflag:s15], $0x1  }
0x94: {  	[sflag:s15] =	ssyncset.done $0x0  }
0x95: {  	s16 =	sld [smem:$0x11];
	[sflag:s15] =	ssyncadd.s32 $0xFFFFFFFF  }
0x96: {  	s17 =	sld [smem:$0x12];
	(tm) =	ssettm $0x1  }
0x97: {  	s18 =	sld [smem:$0x3FFB];
	_ =	sdelay $0x3  }
0x98: {  	_ =	strace s18  }
0x99: {  	s4 =	sld [smem:$0x3FFC];
	_ =	sdelay $0x3  }
0x9a: {  	_ =	strace s4  }
0x9b: {  	s4 =	sld [smem:$0x3FFD];
	_ =	sdelay $0x3  }
0x9c: {  	_ =	strace s4  }
0x9d: {  	_ =	strace $0x8FFFFFFF  }
0x9e: {  	s19 =	sld [smem:$0x3FDB];
	_ =	sdelay $0x1  }
0x9f: {  	s5 =	simm.s32 $_scs_section_size  }
0xa0: {  	s6 =	simm.s32 $_size__tile_overlayer_lowered;
	s7 =	simm.s32 $_tile_overlayer_lowered  }
0xa1: {  	s22 =	simm.s32 $0x1BFF;
	s21 =	sshll.u32 s7, $0x1;
	s4 =	sadd.s32 s5, s19  }
0xa2: {  	s8 =	simm.s32 $0x0;
	s20 =	sshll.u32 s6, $0x1;
	s6 =	sadd.s32 s21, s4  }
0xa3: {  	[timem:s8], [sflag:s22] =	dma.local [hbm:s6], s20  }
0xa4: {  	_ =	swait.ge [sflag:s22], s20  }
0xa5: {  	s5 =	ssub.s32 $0x0, s20;
	[sflag:s22] =	ssyncset.done $0x0  }
0xa6: {  	[sflag:s22] =	ssyncadd.s32 s5;
	_ =	sdelay $0x1  }
0xa7: {  	s23 =	simm.s32 $0x1B8B  }
0xa8: {  	_ =	swait.ge [sflag:s23], $0x1  }
0xa9: {  	[sflag:s23] =	ssyncset.done $0x0  }
0xaa: {  	s25 =	simm.s32 $0x1B8E;
	s24 =	sld [smem:$0x3FFE];
	[sflag:s23] =	ssyncadd.s32 $0xFFFFFFFF  }
0xab: {  	s26 =	simm.s32 $execute0_lowered;
	[smem:$0x3FD2] =	sst s25  }
0xac: {  	s6 =	sshll.u32 s26, $0x1;
	_ =	strace $0x80000055;
	[dreg:$0x1] =	wrdreg $0xFFFFFFFF  }
0xad: {  	s28 =	simm.s32 $_size_execute0_lowered;
	s4 =	sadd.s32 s4, s6;
	[dreg:$0x0] =	wrdreg $0x0  }
0xae: {  	s6 =	sshll.u32 s28, $0x1;
	[dreg:$0x2] =	wrdreg s4  }
0xaf: {  	[dreg:$0x3] =	wrdreg s6  }
0xb0: {  	[dreg:$0x4] =	wrdreg $0xC0  }
0xb1: {  	_ =	task [dreg:s8], $0x5FFFF  }
0xb2: {  	[dreg:$0x1] =	wrdreg $0xFFFFFFFF  }
0xb3: {  	[dreg:$0x0] =	wrdreg $0x60  }
0xb4: {  	[dreg:$0x2] =	wrdreg s16  }
0xb5: {  	[dreg:$0x3] =	wrdreg s24  }
0xb6: {  	[dreg:$0x4] =	wrdreg s17  }
0xb7: {  	[dreg:$0x5] =	wrdreg $0x82000  }
0xb8: {  	[dreg:$0x6] =	wrdreg $0x9  }
0xb9: {  	_ =	task.clear_ibuf [dreg:s8], $0x7FFFF;
	_ =	strace $0x90000055  }
0xba: {  	s29 =	simm.s32 $0x9;
	_ =	strace $0x80000057  }
0xbb: {  	_ =	swait.ge [sflag:s29], $0x1  }
0xbc: {  	[sflag:s29] =	ssyncadd.s32 $0xFFFFFFFF  }
0xbd: {  	_ =	strace $0x90000057  }
0xbe: {  	_ =	sfence  }
0xbf: {  	s30 =	sld [smem:$0x0];
	_ =	sdelay $0x2  }
0xc0: {  	s31 =	sshll.u32 s1, $0xD;
	s1 =	sshrl.u32 s1, $0x2  }
0xc1: {  	s3 =	sand.u32 $0x4000, s31;
	s1 =	sadd.s32 s1, s30  }
0xc2: {  	s0 =	sor.u32 s3, s0;
	s1 =	sshll.u32 s1, $0x11  }
0xc3: {  	s0 =	sor.u32 s1, s0  }
0xc4: {  	s0 =	sadd.s32 $0x8F2B, s0  }
0xc5: {  	[sflag:s0] =	ssyncadd.remote.s32 $0x1  }
0xc6: {  	_ =	sfence.sel $0xFFFF  }
0xc7: {  	[dreg:$0x0] =	wrdreg $0xFFFFFFFF;
	(pc) =	sbr.abs _section_cstart, $3  }
0xc8: {  	[dreg:$0x1] =	wrdreg $0xFFFFFFFF  }
0xc9: {  	_ =	task.clear_ibuf [dreg:s8], $0x2FFFF;
	_ =	strace $0x9FFFFFFF  }
0xca: {  	(tm) =	ssettm $0x7FFFFFFF  }
0xcb: {  	_ =	shalt  }
tec
execute0_lowered:
.L_overlay_start_1:
0x0: {  	(tag) =	ssettag $0x1  }
0x1: {  	s1 =	rddreg [dreg:$0x0]  }
0x2: {  	s0 =	rddreg [dreg:$0x1]  }
0x3: {  	s2 =	rddreg [dreg:$0x2]  }
0x4: {  	s3 =	rddreg [dreg:$0x3]  }
0x5: {  	s4 =	srdreg.scid;
	s5 =	simm.s32 $0x0;
	s22 =	stileid.u32  }
0x6: {  	s17 =	simm.s32 $0x5;
	s18 =	simm.s32 $0x100;
	s19 =	simm.s32 $0x3  }
0x7: {  	s20 =	simm.s32 $0x7D;
	s21 =	simm.s32 $0x200;
	s28 =	simm.s32 $0x180  }
0x8: {  	s29 =	simm.s32 $0x0;
	s8 =	sand.u32 $0x1, s4;
	s10 =	smul.u32 $0x14000, s22  }
0x9: {  	[smem:$0x7FF] =	sst s5;
	s6 =	sadd.s32 $0xE400, s0;
	s25 =	smul.u32 $0x50000, s22  }
0xa: {  	s7 =	sadd.s32 $0x4400, s0;
	s30 =	sshll.u32 s22, $0x6;
	s9 =	smul.u32 $0x140000, s8  }
0xb: {  	_ =	strace $0x80000056;
	s23 =	sshll.u32 s8, $0x4;
	s11 =	ssub.s32 $0x2, s8  }
0xc: {  	s24 =	sor.u32 s22, s23;
	s12 =	sshrl.u32 s11, $0x1;
	s26 =	sshrl.u32 s25, $0x2  }
0xd: {  	s22 =	simm.s32 $0x80;
	s23 =	simm.s32 $0x4;
	s25 =	simm.s32 $0x1  }
0xe: {  	s9 =	sadd.s32 s10, s9;
	s8 =	smul.u32 $0x2800, s24;
	s15 =	ssub.s32 s11, s12  }
0xf: {  	s16 =	sadd.s32 s26, s3;
	s24 =	simm.s32 $0x4200;
	s26 =	simm.s32 $0x2  }
0x10: {  	s9 =	sshrl.u32 s9, $0x3;
	s15 =	smax.u32 s15, $0x1;
	s16 =	sshrl.u32 s16, $0x3  }
0x11: {  	s0 =	sadd.s32 s9, s0;
	s31 =	sshrl.u32 s8, $0x3;
	s9 =	sor.u32 $0x1C05, s30  }
0x12: {  	s10 =	sadd.s32 s6, s31;
	s13 =	sor.u32 $0x10, s31;
	s11 =	sadd.s32 s7, s31  }
0x13: {  	s14 =	sadd.s32 $0x66600, s0;
	s12 =	sadd.s32 s6, s13;
	s13 =	sadd.s32 s7, s13  }
.LBB2_1:
0x14: {  	[spmem:s16], [sflag:s9] =	dma.local [hbm:s2], $0x2800  }
0x15: {  	_ =	swait.ge [sflag:s17], $0x2800  }
0x16: {  	[sflag:s17] =	ssyncset.done $0x0  }
0x17: {  	[sflag:s17] =	ssyncadd.s32 $0xFFFFD800  }
0x18: {  	[bflag:$0x0] =	sbarrier.arrive $0xFFFF  }
0x19: {  	[tilespmem:s5], [sflag:$0x3] =	stream.linear.gather [hbm4b:s10+s5], $0x80, $0x38;
	[tilespmem:$0x1C200] =	vst v63  }
0x1a: {  	_ = 	snop  }
0x1b: {  	[tilespmem:s18], [sflag:$0x3] =	stream.linear.gather [hbm4b:s11+s5], $0x80, $0x38;
	[tilespmem:$0x1C200] =	vst v63  }
0x1c: {  	_ =	swait.ge [sflag:s19], $0x80  }
0x1d: {  	[sflag:s19] =	ssyncset.done $0x0  }
0x1e: {  	[sflag:s19] =	ssyncadd.s32 $0xFFFFFF80  }
0x1f: {  	_ =	swait.ge [sflag:s19], $0x80  }
0x20: {  	[sflag:s19] =	ssyncset.done $0x0  }
0x21: {  	[sflag:s19] =	ssyncadd.s32 $0xFFFFFF80  }
0x22: {  	[tilespmem:s21], [sflag:$0x1] =	stream.indirect.gather [hbm4b:s1+s20], $0x80, s5, s20, $0xb8;
	[tilespmem:$0x1C200] =	vst v63  }
0x23: {  	_ = 	snop  }
0x24: {  	[tilespmem:s22], [sflag:$0x4] =	stream.linear.gather [hbm4b:s12+s5], $0x80, $0x38;
	[tilespmem:$0x1C200] =	vst v63  }
0x25: {  	_ = 	snop  }
0x26: {  	[tilespmem:s28], [sflag:$0x4] =	stream.linear.gather [hbm4b:s13+s5], $0x80, $0x38;
	[tilespmem:$0x1C200] =	vst v63  }
0x27: {  	_ =	swait.ge [sflag:s23], $0x80  }
0x28: {  	[sflag:s23] =	ssyncset.done $0x0  }
0x29: {  	[sflag:s23] =	ssyncadd.s32 $0xFFFFFF80  }
0x2a: {  	_ =	swait.ge [sflag:s23], $0x80  }
0x2b: {  	[sflag:s23] =	ssyncset.done $0x0  }
0x2c: {  	[sflag:s23] =	ssyncadd.s32 $0xFFFFFF80  }
0x2d: {  	[tilespmem:s24], [sflag:$0x2] =	stream.indirect.gather [hbm4b:s1+s20], $0x80, s22, s20, $0xb8;
	[tilespmem:$0x1C200] =	vst v63  }
0x2e: {  	s0 =	simm.s32 $0x100;
	_ =	swait.ge [sflag:s25], $0x3E80  }
0x2f: {  	s30 =	sand.u32 $0x7C00, s0;
	[sflag:s25] =	ssyncset.done $0x0  }
0x30: {  	s0 =	sand.u32 $0x300, s0;
	s30 =	sadd.s32 s8, s30;
	[sflag:s25] =	ssyncadd.s32 $0xFFFFC180  }
0x31: {  	[spmem:s3] =	stream.indirect.scatter.add.f32 [tilespmem:s21], [sflag:$0x5], $0x80, s18, s20, $0xb8;
	[tilespmem:$0x1C200] =	vst v63  }
0x32: {  	s0 =	sor.u32 s0, s30;
	_ =	swait.ge [sflag:s17], $0x3E80  }
0x33: {  	s0 =	sshrl.u32 s0, $0x3;
	[sflag:s17] =	ssyncset.done $0x0  }
0x34: {  	s30 =	sadd.s32 s6, s0;
	[sflag:s17] =	ssyncadd.s32 $0xFFFFC180  }
0x35: {  	[tilespmem:s5], [sflag:$0x3] =	stream.linear.gather [hbm4b:s30+s5], $0x80, $0x38;
	[tilespmem:$0x1C200] =	vst v63  }
0x36: {  	s0 =	sadd.s32 s7, s0  }
0x37: {  	[tilespmem:s18], [sflag:$0x3] =	stream.linear.gather [hbm4b:s0+s5], $0x80, $0x38;
	[tilespmem:$0x1C200] =	vst v63  }
0x38: {  	_ =	swait.ge [sflag:s19], $0x80  }
0x39: {  	[sflag:s19] =	ssyncset.done $0x0  }
0x3a: {  	[sflag:s19] =	ssyncadd.s32 $0xFFFFFF80  }
0x3b: {  	_ =	swait.ge [sflag:s19], $0x80  }
0x3c: {  	[sflag:s19] =	ssyncset.done $0x0  }
0x3d: {  	[sflag:s19] =	ssyncadd.s32 $0xFFFFFF80  }
0x3e: {  	[tilespmem:s21], [sflag:$0x1] =	stream.indirect.gather [hbm4b:s1+s20], $0x80, s5, s20, $0xb8;
	[tilespmem:$0x1C200] =	vst v63  }
0x3f: {  	_ =	swait.ge [sflag:s26], $0x3E80  }
0x40: {  	s31 =	sand.u32 $0x7C00, s28;
	[sflag:s26] =	ssyncset.done $0x0  }
0x41: {  	s30 =	sand.u32 $0x380, s28;
	s0 =	sadd.s32 s8, s31;
	[sflag:s26] =	ssyncadd.s32 $0xFFFFC180  }
0x42: {  	[spmem:s3] =	stream.indirect.scatter.add.f32 [tilespmem:s24], [sflag:$0x5], $0x80, s28, s20, $0xb8;
	[tilespmem:$0x1C200] =	vst v63  }
0x43: {  	s0 =	sor.u32 s30, s0;
	_ =	swait.ge [sflag:s17], $0x3E80  }
0x44: {  	s0 =	sshrl.u32 s0, $0x3;
	[sflag:s17] =	ssyncset.done $0x0  }
0x45: {  	s30 =	sadd.s32 s6, s0;
	[sflag:s17] =	ssyncadd.s32 $0xFFFFC180  }
0x46: {  	[tilespmem:s22], [sflag:$0x4] =	stream.linear.gather [hbm4b:s30+s5], $0x80, $0x38;
	[tilespmem:$0x1C200] =	vst v63  }
0x47: {  	s0 =	sadd.s32 s7, s0;
	s30 =	simm.s32 $0x280  }
.LBB2_2:
0x48: {  	p0 =	sne.s32 s30, $0x2780;
	s31 =	smov.u32 s30;
	s30 =	sadd.s32 $0x100, s30  }
0x49: {  	[tilespmem:s28], [sflag:$0x4] =	stream.linear.gather [hbm4b:s0+s5], $0x80, $0x38;
	[tilespmem:$0x1C200] =	vst v63  }
0x4a: {  	_ =	swait.ge [sflag:s23], $0x80  }
0x4b: {  	[sflag:s23] =	ssyncset.done $0x0  }
0x4c: {  	[sflag:s23] =	ssyncadd.s32 $0xFFFFFF80  }
0x4d: {  	_ =	swait.ge [sflag:s23], $0x80  }
0x4e: {  	[sflag:s23] =	ssyncset.done $0x0  }
0x4f: {  	[sflag:s23] =	ssyncadd.s32 $0xFFFFFF80  }
0x50: {  	[tilespmem:s24], [sflag:$0x2] =	stream.indirect.gather [hbm4b:s1+s20], $0x80, s22, s20, $0xb8;
	[tilespmem:$0x1C200] =	vst v63  }
0x51: {  	_ =	swait.ge [sflag:s25], $0x3E80  }
0x52: {  	s0 =	sadd.s32 $0xFFFFFF80, s31;
	[sflag:s25] =	ssyncset.done $0x0  }
0x53: {  	s4 =	sand.u32 $0x7C00, s0;
	s0 =	sand.u32 $0x300, s0;
	[sflag:s25] =	ssyncadd.s32 $0xFFFFC180  }
0x54: {  	[spmem:s3] =	stream.indirect.scatter.add.f32 [tilespmem:s21], [sflag:$0x5], $0x80, s18, s20, $0xb8;
	[tilespmem:$0x1C200] =	vst v63  }
0x55: {  	s4 =	sadd.s32 s8, s4;
	_ =	swait.ge [sflag:s17], $0x3E80  }
0x56: {  	s0 =	sor.u32 s0, s4;
	[sflag:s17] =	ssyncset.done $0x0  }
0x57: {  	s0 =	sshrl.u32 s0, $0x3;
	[sflag:s17] =	ssyncadd.s32 $0xFFFFC180  }
0x58: {  	s4 =	sadd.s32 s6, s0;
	s0 =	sadd.s32 s7, s0  }
0x59: {  	[tilespmem:s5], [sflag:$0x3] =	stream.linear.gather [hbm4b:s4+s5], $0x80, $0x38;
	[tilespmem:$0x1C200] =	vst v63  }
0x5a: {  	_ = 	snop  }
0x5b: {  	[tilespmem:s18], [sflag:$0x3] =	stream.linear.gather [hbm4b:s0+s5], $0x80, $0x38;
	[tilespmem:$0x1C200] =	vst v63  }
0x5c: {  	_ =	swait.ge [sflag:s19], $0x80  }
0x5d: {  	[sflag:s19] =	ssyncset.done $0x0  }
0x5e: {  	[sflag:s19] =	ssyncadd.s32 $0xFFFFFF80  }
0x5f: {  	_ =	swait.ge [sflag:s19], $0x80  }
0x60: {  	[sflag:s19] =	ssyncset.done $0x0  }
0x61: {  	[sflag:s19] =	ssyncadd.s32 $0xFFFFFF80  }
0x62: {  	[tilespmem:s21], [sflag:$0x1] =	stream.indirect.gather [hbm4b:s1+s20], $0x80, s5, s20, $0xb8;
	[tilespmem:$0x1C200] =	vst v63  }
0x63: {  	_ =	swait.ge [sflag:s26], $0x3E80  }
0x64: {  	s0 =	sand.u32 $0x7C00, s31;
	[sflag:s26] =	ssyncset.done $0x0  }
0x65: {  	s4 =	sand.u32 $0x380, s31;
	s0 =	sadd.s32 s8, s0;
	[sflag:s26] =	ssyncadd.s32 $0xFFFFC180  }
0x66: {  	[spmem:s3] =	stream.indirect.scatter.add.f32 [tilespmem:s24], [sflag:$0x5], $0x80, s28, s20, $0xb8;
	[tilespmem:$0x1C200] =	vst v63  }
.Ltmp0:
0x67: {  	_ = 	snop;
	(pc) =	sbr.rel @p0 .LBB2_2-.Ltmp0, $4  }
0x68: {  	s0 =	sor.u32 s4, s0;
	_ =	swait.ge [sflag:s17], $0x3E80  }
0x69: {  	s0 =	sshrl.u32 s0, $0x3;
	[sflag:s17] =	ssyncset.done $0x0  }
0x6a: {  	s4 =	sadd.s32 s6, s0;
	s0 =	sadd.s32 s7, s0;
	[sflag:s17] =	ssyncadd.s32 $0xFFFFC180  }
0x6b: {  	[tilespmem:s22], [sflag:$0x4] =	stream.linear.gather [hbm4b:s4+s5], $0x80, $0x38;
	[tilespmem:$0x1C200] =	vst v63  }
0x6c: {  	[tilespmem:s28], [sflag:$0x4] =	stream.linear.gather [hbm4b:s0+s5], $0x80, $0x38;
	[tilespmem:$0x1C200] =	vst v63  }
0x6d: {  	_ =	swait.ge [sflag:s23], $0x80  }
0x6e: {  	[sflag:s23] =	ssyncset.done $0x0  }
0x6f: {  	[sflag:s23] =	ssyncadd.s32 $0xFFFFFF80  }
0x70: {  	_ =	swait.ge [sflag:s23], $0x80  }
0x71: {  	[sflag:s23] =	ssyncset.done $0x0  }
0x72: {  	[sflag:s23] =	ssyncadd.s32 $0xFFFFFF80  }
0x73: {  	[tilespmem:s24], [sflag:$0x2] =	stream.indirect.gather [hbm4b:s1+s20], $0x80, s22, s20, $0xb8;
	[tilespmem:$0x1C200] =	vst v63  }
0x74: {  	_ =	swait.ge [sflag:s25], $0x3E80  }
0x75: {  	[sflag:s25] =	ssyncset.done $0x0  }
0x76: {  	[sflag:s25] =	ssyncadd.s32 $0xFFFFC180  }
0x77: {  	[spmem:s3] =	stream.indirect.scatter.add.f32 [tilespmem:s21], [sflag:$0x5], $0x80, s18, s20, $0xb8;
	[tilespmem:$0x1C200] =	vst v63  }
0x78: {  	_ =	swait.ge [sflag:s17], $0x3E80  }
0x79: {  	[sflag:s17] =	ssyncset.done $0x0  }
0x7a: {  	[sflag:s17] =	ssyncadd.s32 $0xFFFFC180  }
0x7b: {  	_ =	swait.ge [sflag:s26], $0x3E80  }
0x7c: {  	[sflag:s26] =	ssyncset.done $0x0  }
0x7d: {  	[sflag:s26] =	ssyncadd.s32 $0xFFFFC180  }
0x7e: {  	[spmem:s3] =	stream.indirect.scatter.add.f32 [tilespmem:s24], [sflag:$0x5], $0x80, s28, s20, $0xb8;
	[tilespmem:$0x1C200] =	vst v63  }
0x7f: {  	_ =	swait.ge [sflag:s17], $0x3E80  }
0x80: {  	s29 =	sadd.s32 $0x1, s29;
	[sflag:s17] =	ssyncset.done $0x0  }
0x81: {  	p0 =	sne.s32 s29, s15;
	[sflag:s17] =	ssyncadd.s32 $0xFFFFC180  }
.Ltmp1:
0x82: {  	[bflag:$0x0] =	sbarrier.arrive $0xFFFF;
	(pc) =	sbr.rel @p0 .LBB2_1-.Ltmp1, $4  }
0x83: {  	[hbm:s14], [sflag:s9] =	dma.local [spmem:s16], $0x2800  }
0x84: {  	_ =	swait.ge [sflag:s17], $0x2800  }
0x85: {  	[sflag:s17] =	ssyncset.done $0x0  }
0x86: {  	[sflag:s17] =	ssyncadd.s32 $0xFFFFD800  }
0x87: {  	_ =	sfence.sel $0x180000  }
0x88: {  	[bflag:$0x0] =	sbarrier.arrive $0xFFFF  }
0x89: {  	_ =	strace $0x90000056  }
0x8a: {  	s0 =	stileid.u32;
	[bflag:$0x2] =	sbarrier.arrive $0xFFFF  }
0x8b: {  	p0 =	sne.s32 s0, $0x0;
	s0 =	rddreg [dreg:$0x4]  }
0x8c: {  	s0 =	sadd.s32 @!p0 $0x100000, s0  }
0x8d: {  	[sflag:s0] =	ssyncadd.tile.s32 @!p0 $0x1;
	_ =	shalt  }
.Lfunc_end2:
_tile_overlayer_lowered:
.L_overlay_start_2:
0x8e: {  	(tag) =	ssettag $0x2  }
0x8f: {  	s0 =	rddreg [dreg:$0x0];
	s2 =	stileid.u32  }
0x90: {  	s1 =	rddreg [dreg:$0x1];
	p0 =	sne.s32 s2, $0x0  }
0x91: {  	s3 =	rddreg [dreg:$0x2];
	[bflag:$0x3] =	sbarrier.arrive $0xFFFF;
	s2 =	simm.s32 @!p0 $0x1C05  }
0x92: {  	[timem:s3], [sflag:s2] =	dma.local @!p0 [hbm:s0], s1  }
0x93: {  	s0 =	simm.s32 @!p0 $0x5  }
0x94: {  	_ =	swait.ge @!p0 [sflag:s0], s1  }
0x95: {  	s1 =	ssub.s32 @!p0 $0x0, s1;
	[sflag:s0] =	ssyncset.done @!p0 $0x0  }
0x96: {  	[sflag:s0] =	ssyncadd.s32 @!p0 s1  }
0x97: {  	[bflag:$0x3] =	sbarrier.arrive $0xFFFF  }
0x98: {  	_ =	shalt  }

// kernel: kernel.34.cloned.1.call-start
scs
__scs_entry_jumppad:
0x0: {  	(pc) =	sbr.rel $0x88, $3  }
0x1: {  	(tag) =	ssettag $0x0;
	lr =	simm.s32 $0x1  }
0x2: {  	[smem:$0x3F93] =	sst lr;
	_ =	strace $0xD0000000  }
0x3: {  	_ = 	snop  }
0x4: {  	_ = 	snop  }
0x5: {  	_ = 	snop  }
0x6: {  	_ = 	snop  }
0x7: {  	_ = 	snop  }
__scs_overlays_trampoline_lowered:
0x8: {  	[smem:$0x3FA2] =	sst s0  }
0x9: {  	[smem:$0x3FA3] =	sst s1  }
0xa: {  	[smem:$0x3FA4] =	sst s2  }
0xb: {  	[smem:$0x3FA5] =	sst s3  }
0xc: {  	[smem:$0x3FA6] =	sst s4  }
0xd: {  	[smem:$0x3FA7] =	sst s5  }
0xe: {  	[smem:$0x3FA8] =	sst s6  }
0xf: {  	[smem:$0x3FA9] =	sst s7  }
0x10: {  	[smem:$0x3FAA] =	sst s8  }
0x11: {  	[smem:$0x3FAB] =	sst s9;
	s0 =	simm.s32 @!p0 $0x0  }
0x12: {  	s1 =	sld [smem:$0x3F91];
	s0 =	simm.s32 @p0 $0x1  }
0x13: {  	[smem:$0x3FAC] =	sst s0;
	s0 =	simm.s32 @!p1 $0x0  }
0x14: {  	s2 =	sld [smem:$0x3F90];
	s0 =	simm.s32 @p1 $0x1  }
0x15: {  	[smem:$0x3FAD] =	sst s0;
	s0 =	simm.s32 @!p2 $0x0  }
0x16: {  	s3 =	sld [smem:$0x3FDB];
	s0 =	simm.s32 @p2 $0x1  }
0x17: {  	s4 =	simm.s32 $0x1BF5;
	[smem:$0x3FAF] =	sst s0  }
0x18: {  	s0 =	sld [smem:$0x3F92];
	_ =	swait.ge [sflag:s4], $0x0  }
0x19: {  	s7 =	sld [smem:$0x3F93]  }
0x1a: {  	s8 =	sadd.s32 $0xFFFFE003, lr  }
0x1b: {  	s9 =	sadd.s32 $0xFFFFFEF7, lr;
	s5 =	simm.s32 $0xFFFFFFFF;
	p2 =	slt.u32 s8, $0xFFFFF086  }
0x1c: {  	p1 =	slt.u32 s9, $0xF7A;
	s5 =	simm.s32 @!p2 $0x0  }
0x1d: {  	s5 =	simm.s32 @p1 $0x1;
	p0 =	seq.s32 s7, s2  }
0x1e: {  	s7 =	smul.u32 @!p0 $0xF7A, s2;
	p2 =	seq.s32 @!p0 s5, $0x0  }
0x1f: {  	s9 =	smul.u32 $0xF7A, s1;
	s8 =	simm.s32 @!p0 $0x1BF5;
	p2 =	por !p2, p0  }
0x20: {  	[sflag:s8] =	ssyncset.s32 @!p0 $0xFFFFF086;
	s6 =	sadd.s32 @!p0 s3, s7;
	s7 =	simm.s32 @!p0 $0x108  }
0x21: {  	s3 =	sadd.s32 s3, s9;
	s6 =	sadd.s32 @!p0 $0x88, s6;
	s7 =	simm.s32 @p2 $0x1082  }
0x22: {  	[simem:s7], [sflag:s8] =	dma.local @!p0 [hbm:s6], $0xF7A  }
0x23: {  	s9 =	sor.u32 $0xD0000000, s2;
	s6 =	simm.s32 $0x108;
	_ =	swait.ge @!p0 [sflag:s8], $0x0  }
0x24: {  	s3 =	sadd.s32 $0x88, s3;
	s6 =	simm.s32 @!p1 $0x1082;
	[sflag:s4] =	ssyncset.s32 $0xFFFFF086  }
0x25: {  	[simem:s6], [sflag:s4] =	dma.local [hbm:s3], $0xF7A  }
0x26: {  	[smem:$0x3F93] =	sst s1;
	(tag) =	ssettag s2;
	_ =	strace s9  }
0x27: {  	s1 =	sld [smem:$0x3FA3]  }
0x28: {  	s2 =	sld [smem:$0x3FA4]  }
0x29: {  	s4 =	sld [smem:$0x3FA6]  }
0x2a: {  	p0 =	seq.s32 s5, $0x0;
	s5 =	sld [smem:$0x3FA7]  }
0x2b: {  	s6 =	sld [smem:$0x3FA8]  }
0x2c: {  	s7 =	sld [smem:$0x3FA9]  }
0x2d: {  	s3 =	simm.s32 $0x108;
	s8 =	sld [smem:$0x3FAA]  }
0x2e: {  	s3 =	simm.s32 @!p0 $0x1082;
	s9 =	sld [smem:$0x3FAB]  }
0x2f: {  	lr =	sadd.s32 s0, s3;
	s0 =	sld [smem:$0x3FA2]  }
0x30: {  	s3 =	sld [smem:$0x3FA5]  }
0x31: {  	[smem:$0x3FAE] =	sst s10  }
0x32: {  	s10 =	sld [smem:$0x3FAC];
	_ =	sdelay $0x3  }
0x33: {  	p0 =	seq.s32 s10, $0x1;
	s10 =	sld [smem:$0x3FAE];
	_ =	sdelay $0x3  }
0x34: {  	[smem:$0x3FAE] =	sst s10  }
0x35: {  	s10 =	sld [smem:$0x3FAD];
	_ =	sdelay $0x3  }
0x36: {  	p1 =	seq.s32 s10, $0x1;
	s10 =	sld [smem:$0x3FAE];
	_ =	sdelay $0x3  }
0x37: {  	[smem:$0x3FAE] =	sst s10  }
0x38: {  	s10 =	sld [smem:$0x3FAF]  }
0x39: {  	_ = 	snop;
	(pc) =	sbr.ind lr, $3  }
0x3a: {  	_ = 	snop  }
0x3b: {  	_ = 	snop  }
0x3c: {  	p2 =	seq.s32 s10, $0x1;
	s10 =	sld [smem:$0x3FAE]  }
0x3d: {  	_ =	shalt  }
0x3e: {  	_ =	shalt  }
0x3f: {  	_ =	shalt  }
0x40: {  	_ =	shalt  }
0x41: {  	_ =	shalt  }
0x42: {  	_ =	shalt  }
0x43: {  	_ =	shalt  }
0x44: {  	_ =	shalt  }
0x45: {  	_ =	shalt  }
0x46: {  	_ =	shalt  }
0x47: {  	_ =	shalt  }
0x48: {  	_ =	shalt  }
0x49: {  	_ =	shalt  }
0x4a: {  	_ =	shalt  }
0x4b: {  	_ =	shalt  }
0x4c: {  	_ =	shalt  }
0x4d: {  	_ =	shalt  }
0x4e: {  	_ =	shalt  }
0x4f: {  	_ =	shalt  }
0x50: {  	_ =	shalt  }
0x51: {  	_ =	shalt  }
0x52: {  	_ =	shalt  }
0x53: {  	_ =	shalt  }
0x54: {  	_ =	shalt  }
0x55: {  	_ =	shalt  }
0x56: {  	_ =	shalt  }
0x57: {  	_ =	shalt  }
0x58: {  	_ =	shalt  }
0x59: {  	_ =	shalt  }
0x5a: {  	_ =	shalt  }
0x5b: {  	_ =	shalt  }
0x5c: {  	_ =	shalt  }
0x5d: {  	_ =	shalt  }
0x5e: {  	_ =	shalt  }
0x5f: {  	_ =	shalt  }
0x60: {  	_ =	shalt  }
0x61: {  	_ =	shalt  }
0x62: {  	_ =	shalt  }
0x63: {  	_ =	shalt  }
0x64: {  	_ =	shalt  }
0x65: {  	_ =	shalt  }
0x66: {  	_ =	shalt  }
0x67: {  	_ =	shalt  }
0x68: {  	_ =	shalt  }
0x69: {  	_ =	shalt  }
0x6a: {  	_ =	shalt  }
0x6b: {  	_ =	shalt  }
0x6c: {  	_ =	shalt  }
0x6d: {  	_ =	shalt  }
0x6e: {  	_ =	shalt  }
0x6f: {  	_ =	shalt  }
0x70: {  	_ =	shalt  }
0x71: {  	_ =	shalt  }
0x72: {  	_ =	shalt  }
0x73: {  	_ =	shalt  }
0x74: {  	_ =	shalt  }
0x75: {  	_ =	shalt  }
0x76: {  	_ =	shalt  }
0x77: {  	_ =	shalt  }
0x78: {  	_ =	shalt  }
0x79: {  	_ =	shalt  }
0x7a: {  	_ =	shalt  }
0x7b: {  	_ =	shalt  }
0x7c: {  	_ =	shalt  }
0x7d: {  	_ =	shalt  }
0x7e: {  	_ =	shalt  }
0x7f: {  	_ =	shalt  }
0x80: {  	_ =	shalt  }
0x81: {  	_ =	shalt  }
0x82: {  	_ =	shalt  }
0x83: {  	_ =	shalt  }
0x84: {  	_ =	shalt  }
0x85: {  	_ =	shalt  }
0x86: {  	_ =	shalt  }
0x87: {  	_ =	shalt  }
.Lfunc_end0:
.L_simem_size_0:
called_computation.6_lowered:
.L_overlay_start_0:
0x88: {  	s2 =	sld [smem:$0x3FD9]  }
0x89: {  	s3 =	sld [smem:$0x3FFE];
	_ =	sdelay $0x1  }
0x8a: {  	s1 =	srdreg.scid  }
0x8b: {  	s0 =	sand.u32 $0x1, s1  }
0x8c: {  	s14 =	sshll.u32 s0, $0xA;
	s2 =	sadd.s32 s3, s2  }
0x8d: {  	s2 =	sadd.s32 s2, s14  }
0x8e: {  	[smem:$0x3FBA] =	sst s2  }
0x8f: {  	_ = 	snop  }
0x90: {  	s2 =	sld [smem:$0x3FD0];
	_ =	sdelay $0x2  }
0x91: {  	s15 =	simm.s32 $0xC;
	s4 =	simm.s32 $0x10  }
0x92: {  	[smem:s4], [sflag:s15] =	dma.local [hbm:s2], $0x1  }
0x93: {  	_ =	swait.eq [sflag:s15], $0x1  }
0x94: {  	[sflag:s15] =	ssyncset.done $0x0  }
0x95: {  	s16 =	sld [smem:$0x11];
	[sflag:s15] =	ssyncadd.s32 $0xFFFFFFFF  }
0x96: {  	s17 =	sld [smem:$0x12];
	(tm) =	ssettm $0x1  }
0x97: {  	s18 =	sld [smem:$0x3FFB];
	_ =	sdelay $0x3  }
0x98: {  	_ =	strace s18  }
0x99: {  	s4 =	sld [smem:$0x3FFC];
	_ =	sdelay $0x3  }
0x9a: {  	_ =	strace s4  }
0x9b: {  	s4 =	sld [smem:$0x3FFD];
	_ =	sdelay $0x3  }
0x9c: {  	_ =	strace s4  }
0x9d: {  	_ =	strace $0x8FFFFFFF  }
0x9e: {  	s19 =	sld [smem:$0x3FDB];
	_ =	sdelay $0x1  }
0x9f: {  	s5 =	simm.s32 $_scs_section_size  }
0xa0: {  	s6 =	simm.s32 $_size__tile_overlayer_lowered;
	s7 =	simm.s32 $_tile_overlayer_lowered  }
0xa1: {  	s22 =	simm.s32 $0x1BFF;
	s21 =	sshll.u32 s7, $0x1;
	s4 =	sadd.s32 s5, s19  }
0xa2: {  	s8 =	simm.s32 $0x0;
	s20 =	sshll.u32 s6, $0x1;
	s6 =	sadd.s32 s21, s4  }
0xa3: {  	[timem:s8], [sflag:s22] =	dma.local [hbm:s6], s20  }
0xa4: {  	_ =	swait.ge [sflag:s22], s20  }
0xa5: {  	s5 =	ssub.s32 $0x0, s20;
	[sflag:s22] =	ssyncset.done $0x0  }
0xa6: {  	[sflag:s22] =	ssyncadd.s32 s5;
	_ =	sdelay $0x1  }
0xa7: {  	s23 =	simm.s32 $0x1B8B  }
0xa8: {  	_ =	swait.ge [sflag:s23], $0x1  }
0xa9: {  	[sflag:s23] =	ssyncset.done $0x0  }
0xaa: {  	s25 =	simm.s32 $0x1B8E;
	s24 =	sld [smem:$0x3FFE];
	[sflag:s23] =	ssyncadd.s32 $0xFFFFFFFF  }
0xab: {  	s26 =	simm.s32 $execute0_lowered;
	[smem:$0x3FD2] =	sst s25  }
0xac: {  	s6 =	sshll.u32 s26, $0x1;
	_ =	strace $0x80000058;
	[dreg:$0x1] =	wrdreg $0xFFFFFFFF  }
0xad: {  	s28 =	simm.s32 $_size_execute0_lowered;
	s4 =	sadd.s32 s4, s6;
	[dreg:$0x0] =	wrdreg $0x0  }
0xae: {  	s6 =	sshll.u32 s28, $0x1;
	[dreg:$0x2] =	wrdreg s4  }
0xaf: {  	[dreg:$0x3] =	wrdreg s6  }
0xb0: {  	[dreg:$0x4] =	wrdreg $0xC0  }
0xb1: {  	_ =	task [dreg:s8], $0x5FFFF  }
0xb2: {  	[dreg:$0x1] =	wrdreg $0xFFFFFFFF  }
0xb3: {  	[dreg:$0x0] =	wrdreg $0x60  }
0xb4: {  	[dreg:$0x2] =	wrdreg s16  }
0xb5: {  	[dreg:$0x3] =	wrdreg s24  }
0xb6: {  	[dreg:$0x4] =	wrdreg s17  }
0xb7: {  	[dreg:$0x5] =	wrdreg $0x82000  }
0xb8: {  	[dreg:$0x6] =	wrdreg $0x9  }
0xb9: {  	_ =	task.clear_ibuf [dreg:s8], $0x7FFFF;
	_ =	strace $0x90000058  }
0xba: {  	s29 =	simm.s32 $0x9;
	_ =	strace $0x8000005A  }
0xbb: {  	_ =	swait.ge [sflag:s29], $0x1  }
0xbc: {  	[sflag:s29] =	ssyncadd.s32 $0xFFFFFFFF  }
0xbd: {  	_ =	strace $0x9000005A  }
0xbe: {  	_ =	sfence  }
0xbf: {  	s30 =	sld [smem:$0x0];
	_ =	sdelay $0x2  }
0xc0: {  	s31 =	sshll.u32 s1, $0xD;
	s1 =	sshrl.u32 s1, $0x2  }
0xc1: {  	s3 =	sand.u32 $0x4000, s31;
	s1 =	sadd.s32 s1, s30  }
0xc2: {  	s0 =	sor.u32 s3, s0;
	s1 =	sshll.u32 s1, $0x11  }
0xc3: {  	s0 =	sor.u32 s1, s0  }
0xc4: {  	s0 =	sadd.s32 $0x8F2B, s0  }
0xc5: {  	[sflag:s0] =	ssyncadd.remote.s32 $0x1  }
0xc6: {  	_ =	sfence.sel $0xFFFF  }
0xc7: {  	[dreg:$0x0] =	wrdreg $0xFFFFFFFF;
	(pc) =	sbr.abs _section_cstart, $3  }
0xc8: {  	[dreg:$0x1] =	wrdreg $0xFFFFFFFF  }
0xc9: {  	_ =	task.clear_ibuf [dreg:s8], $0x2FFFF;
	_ =	strace $0x9FFFFFFF  }
0xca: {  	(tm) =	ssettm $0x7FFFFFFF  }
0xcb: {  	_ =	shalt  }
tec
execute0_lowered:
.L_overlay_start_1:
0x0: {  	(tag) =	ssettag $0x1  }
0x1: {  	s1 =	rddreg [dreg:$0x0]  }
0x2: {  	s0 =	rddreg [dreg:$0x1]  }
0x3: {  	s2 =	rddreg [dreg:$0x2]  }
0x4: {  	s3 =	rddreg [dreg:$0x3]  }
0x5: {  	s4 =	srdreg.scid;
	s5 =	simm.s32 $0x0;
	s22 =	stileid.u32  }
0x6: {  	s17 =	simm.s32 $0x5;
	s18 =	simm.s32 $0x100;
	s19 =	simm.s32 $0x3  }
0x7: {  	s20 =	simm.s32 $0x7D;
	s21 =	simm.s32 $0x200;
	s28 =	simm.s32 $0x180  }
0x8: {  	s29 =	simm.s32 $0x0;
	s8 =	sand.u32 $0x1, s4;
	s10 =	smul.u32 $0x14000, s22  }
0x9: {  	[smem:$0x7FF] =	sst s5;
	s6 =	sadd.s32 $0xE400, s0;
	s25 =	smul.u32 $0x50000, s22  }
0xa: {  	s7 =	sadd.s32 $0x4400, s0;
	s30 =	sshll.u32 s22, $0x6;
	s9 =	smul.u32 $0x140000, s8  }
0xb: {  	_ =	strace $0x80000059;
	s23 =	sshll.u32 s8, $0x4;
	s11 =	ssub.s32 $0x2, s8  }
0xc: {  	s24 =	sor.u32 s22, s23;
	s12 =	sshrl.u32 s11, $0x1;
	s26 =	sshrl.u32 s25, $0x2  }
0xd: {  	s22 =	simm.s32 $0x80;
	s23 =	simm.s32 $0x4;
	s25 =	simm.s32 $0x1  }
0xe: {  	s9 =	sadd.s32 s10, s9;
	s8 =	smul.u32 $0x2800, s24;
	s15 =	ssub.s32 s11, s12  }
0xf: {  	s16 =	sadd.s32 s26, s3;
	s24 =	simm.s32 $0x4200;
	s26 =	simm.s32 $0x2  }
0x10: {  	s9 =	sshrl.u32 s9, $0x3;
	s15 =	smax.u32 s15, $0x1;
	s16 =	sshrl.u32 s16, $0x3  }
0x11: {  	s0 =	sadd.s32 s9, s0;
	s31 =	sshrl.u32 s8, $0x3;
	s9 =	sor.u32 $0x1C05, s30  }
0x12: {  	s10 =	sadd.s32 s6, s31;
	s13 =	sor.u32 $0x10, s31;
	s11 =	sadd.s32 s7, s31  }
0x13: {  	s14 =	sadd.s32 $0x66600, s0;
	s12 =	sadd.s32 s6, s13;
	s13 =	sadd.s32 s7, s13  }
.LBB2_1:
0x14: {  	[spmem:s16], [sflag:s9] =	dma.local [hbm:s2], $0x2800  }
0x15: {  	_ =	swait.ge [sflag:s17], $0x2800  }
0x16: {  	[sflag:s17] =	ssyncset.done $0x0  }
0x17: {  	[sflag:s17] =	ssyncadd.s32 $0xFFFFD800  }
0x18: {  	[bflag:$0x0] =	sbarrier.arrive $0xFFFF  }
0x19: {  	[tilespmem:s5], [sflag:$0x3] =	stream.linear.gather [hbm4b:s10+s5], $0x80, $0x38;
	[tilespmem:$0x1C200] =	vst v63  }
0x1a: {  	_ = 	snop  }
0x1b: {  	[tilespmem:s18], [sflag:$0x3] =	stream.linear.gather [hbm4b:s11+s5], $0x80, $0x38;
	[tilespmem:$0x1C200] =	vst v63  }
0x1c: {  	_ =	swait.ge [sflag:s19], $0x80  }
0x1d: {  	[sflag:s19] =	ssyncset.done $0x0  }
0x1e: {  	[sflag:s19] =	ssyncadd.s32 $0xFFFFFF80  }
0x1f: {  	_ =	swait.ge [sflag:s19], $0x80  }
0x20: {  	[sflag:s19] =	ssyncset.done $0x0  }
0x21: {  	[sflag:s19] =	ssyncadd.s32 $0xFFFFFF80  }
0x22: {  	[tilespmem:s21], [sflag:$0x1] =	stream.indirect.gather [hbm4b:s1+s20], $0x80, s5, s20, $0xb8;
	[tilespmem:$0x1C200] =	vst v63  }
0x23: {  	_ = 	snop  }
0x24: {  	[tilespmem:s22], [sflag:$0x4] =	stream.linear.gather [hbm4b:s12+s5], $0x80, $0x38;
	[tilespmem:$0x1C200] =	vst v63  }
0x25: {  	_ = 	snop  }
0x26: {  	[tilespmem:s28], [sflag:$0x4] =	stream.linear.gather [hbm4b:s13+s5], $0x80, $0x38;
	[tilespmem:$0x1C200] =	vst v63  }
0x27: {  	_ =	swait.ge [sflag:s23], $0x80  }
0x28: {  	[sflag:s23] =	ssyncset.done $0x0  }
0x29: {  	[sflag:s23] =	ssyncadd.s32 $0xFFFFFF80  }
0x2a: {  	_ =	swait.ge [sflag:s23], $0x80  }
0x2b: {  	[sflag:s23] =	ssyncset.done $0x0  }
0x2c: {  	[sflag:s23] =	ssyncadd.s32 $0xFFFFFF80  }
0x2d: {  	[tilespmem:s24], [sflag:$0x2] =	stream.indirect.gather [hbm4b:s1+s20], $0x80, s22, s20, $0xb8;
	[tilespmem:$0x1C200] =	vst v63  }
0x2e: {  	s0 =	simm.s32 $0x100;
	_ =	swait.ge [sflag:s25], $0x3E80  }
0x2f: {  	s30 =	sand.u32 $0x7C00, s0;
	[sflag:s25] =	ssyncset.done $0x0  }
0x30: {  	s0 =	sand.u32 $0x300, s0;
	s30 =	sadd.s32 s8, s30;
	[sflag:s25] =	ssyncadd.s32 $0xFFFFC180  }
0x31: {  	[spmem:s3] =	stream.indirect.scatter.add.f32 [tilespmem:s21], [sflag:$0x5], $0x80, s18, s20, $0xb8;
	[tilespmem:$0x1C200] =	vst v63  }
0x32: {  	s0 =	sor.u32 s0, s30;
	_ =	swait.ge [sflag:s17], $0x3E80  }
0x33: {  	s0 =	sshrl.u32 s0, $0x3;
	[sflag:s17] =	ssyncset.done $0x0  }
0x34: {  	s30 =	sadd.s32 s6, s0;
	[sflag:s17] =	ssyncadd.s32 $0xFFFFC180  }
0x35: {  	[tilespmem:s5], [sflag:$0x3] =	stream.linear.gather [hbm4b:s30+s5], $0x80, $0x38;
	[tilespmem:$0x1C200] =	vst v63  }
0x36: {  	s0 =	sadd.s32 s7, s0  }
0x37: {  	[tilespmem:s18], [sflag:$0x3] =	stream.linear.gather [hbm4b:s0+s5], $0x80, $0x38;
	[tilespmem:$0x1C200] =	vst v63  }
0x38: {  	_ =	swait.ge [sflag:s19], $0x80  }
0x39: {  	[sflag:s19] =	ssyncset.done $0x0  }
0x3a: {  	[sflag:s19] =	ssyncadd.s32 $0xFFFFFF80  }
0x3b: {  	_ =	swait.ge [sflag:s19], $0x80  }
0x3c: {  	[sflag:s19] =	ssyncset.done $0x0  }
0x3d: {  	[sflag:s19] =	ssyncadd.s32 $0xFFFFFF80  }
0x3e: {  	[tilespmem:s21], [sflag:$0x1] =	stream.indirect.gather [hbm4b:s1+s20], $0x80, s5, s20, $0xb8;
	[tilespmem:$0x1C200] =	vst v63  }
0x3f: {  	_ =	swait.ge [sflag:s26], $0x3E80  }
0x40: {  	s31 =	sand.u32 $0x7C00, s28;
	[sflag:s26] =	ssyncset.done $0x0  }
0x41: {  	s30 =	sand.u32 $0x380, s28;
	s0 =	sadd.s32 s8, s31;
	[sflag:s26] =	ssyncadd.s32 $0xFFFFC180  }
0x42: {  	[spmem:s3] =	stream.indirect.scatter.add.f32 [tilespmem:s24], [sflag:$0x5], $0x80, s28, s20, $0xb8;
	[tilespmem:$0x1C200] =	vst v63  }
0x43: {  	s0 =	sor.u32 s30, s0;
	_ =	swait.ge [sflag:s17], $0x3E80  }
0x44: {  	s0 =	sshrl.u32 s0, $0x3;
	[sflag:s17] =	ssyncset.done $0x0  }
0x45: {  	s30 =	sadd.s32 s6, s0;
	[sflag:s17] =	ssyncadd.s32 $0xFFFFC180  }
0x46: {  	[tilespmem:s22], [sflag:$0x4] =	stream.linear.gather [hbm4b:s30+s5], $0x80, $0x38;
	[tilespmem:$0x1C200] =	vst v63  }
0x47: {  	s0 =	sadd.s32 s7, s0;
	s30 =	simm.s32 $0x280  }
.LBB2_2:
0x48: {  	p0 =	sne.s32 s30, $0x2780;
	s31 =	smov.u32 s30;
	s30 =	sadd.s32 $0x100, s30  }
0x49: {  	[tilespmem:s28], [sflag:$0x4] =	stream.linear.gather [hbm4b:s0+s5], $0x80, $0x38;
	[tilespmem:$0x1C200] =	vst v63  }
0x4a: {  	_ =	swait.ge [sflag:s23], $0x80  }
0x4b: {  	[sflag:s23] =	ssyncset.done $0x0  }
0x4c: {  	[sflag:s23] =	ssyncadd.s32 $0xFFFFFF80  }
0x4d: {  	_ =	swait.ge [sflag:s23], $0x80  }
0x4e: {  	[sflag:s23] =	ssyncset.done $0x0  }
0x4f: {  	[sflag:s23] =	ssyncadd.s32 $0xFFFFFF80  }
0x50: {  	[tilespmem:s24], [sflag:$0x2] =	stream.indirect.gather [hbm4b:s1+s20], $0x80, s22, s20, $0xb8;
	[tilespmem:$0x1C200] =	vst v63  }
0x51: {  	_ =	swait.ge [sflag:s25], $0x3E80  }
0x52: {  	s0 =	sadd.s32 $0xFFFFFF80, s31;
	[sflag:s25] =	ssyncset.done $0x0  }
0x53: {  	s4 =	sand.u32 $0x7C00, s0;
	s0 =	sand.u32 $0x300, s0;
	[sflag:s25] =	ssyncadd.s32 $0xFFFFC180  }
0x54: {  	[spmem:s3] =	stream.indirect.scatter.add.f32 [tilespmem:s21], [sflag:$0x5], $0x80, s18, s20, $0xb8;
	[tilespmem:$0x1C200] =	vst v63  }
0x55: {  	s4 =	sadd.s32 s8, s4;
	_ =	swait.ge [sflag:s17], $0x3E80  }
0x56: {  	s0 =	sor.u32 s0, s4;
	[sflag:s17] =	ssyncset.done $0x0  }
0x57: {  	s0 =	sshrl.u32 s0, $0x3;
	[sflag:s17] =	ssyncadd.s32 $0xFFFFC180  }
0x58: {  	s4 =	sadd.s32 s6, s0;
	s0 =	sadd.s32 s7, s0  }
0x59: {  	[tilespmem:s5], [sflag:$0x3] =	stream.linear.gather [hbm4b:s4+s5], $0x80, $0x38;
	[tilespmem:$0x1C200] =	vst v63  }
0x5a: {  	_ = 	snop  }
0x5b: {  	[tilespmem:s18], [sflag:$0x3] =	stream.linear.gather [hbm4b:s0+s5], $0x80, $0x38;
	[tilespmem:$0x1C200] =	vst v63  }
0x5c: {  	_ =	swait.ge [sflag:s19], $0x80  }
0x5d: {  	[sflag:s19] =	ssyncset.done $0x0  }
0x5e: {  	[sflag:s19] =	ssyncadd.s32 $0xFFFFFF80  }
0x5f: {  	_ =	swait.ge [sflag:s19], $0x80  }
0x60: {  	[sflag:s19] =	ssyncset.done $0x0  }
0x61: {  	[sflag:s19] =	ssyncadd.s32 $0xFFFFFF80  }
0x62: {  	[tilespmem:s21], [sflag:$0x1] =	stream.indirect.gather [hbm4b:s1+s20], $0x80, s5, s20, $0xb8;
	[tilespmem:$0x1C200] =	vst v63  }
0x63: {  	_ =	swait.ge [sflag:s26], $0x3E80  }
0x64: {  	s0 =	sand.u32 $0x7C00, s31;
	[sflag:s26] =	ssyncset.done $0x0  }
0x65: {  	s4 =	sand.u32 $0x380, s31;
	s0 =	sadd.s32 s8, s0;
	[sflag:s26] =	ssyncadd.s32 $0xFFFFC180  }
0x66: {  	[spmem:s3] =	stream.indirect.scatter.add.f32 [tilespmem:s24], [sflag:$0x5], $0x80, s28, s20, $0xb8;
	[tilespmem:$0x1C200] =	vst v63  }
.Ltmp0:
0x67: {  	_ = 	snop;
	(pc) =	sbr.rel @p0 .LBB2_2-.Ltmp0, $4  }
0x68: {  	s0 =	sor.u32 s4, s0;
	_ =	swait.ge [sflag:s17], $0x3E80  }
0x69: {  	s0 =	sshrl.u32 s0, $0x3;
	[sflag:s17] =	ssyncset.done $0x0  }
0x6a: {  	s4 =	sadd.s32 s6, s0;
	s0 =	sadd.s32 s7, s0;
	[sflag:s17] =	ssyncadd.s32 $0xFFFFC180  }
0x6b: {  	[tilespmem:s22], [sflag:$0x4] =	stream.linear.gather [hbm4b:s4+s5], $0x80, $0x38;
	[tilespmem:$0x1C200] =	vst v63  }
0x6c: {  	[tilespmem:s28], [sflag:$0x4] =	stream.linear.gather [hbm4b:s0+s5], $0x80, $0x38;
	[tilespmem:$0x1C200] =	vst v63  }
0x6d: {  	_ =	swait.ge [sflag:s23], $0x80  }
0x6e: {  	[sflag:s23] =	ssyncset.done $0x0  }
0x6f: {  	[sflag:s23] =	ssyncadd.s32 $0xFFFFFF80  }
0x70: {  	_ =	swait.ge [sflag:s23], $0x80  }
0x71: {  	[sflag:s23] =	ssyncset.done $0x0  }
0x72: {  	[sflag:s23] =	ssyncadd.s32 $0xFFFFFF80  }
0x73: {  	[tilespmem:s24], [sflag:$0x2] =	stream.indirect.gather [hbm4b:s1+s20], $0x80, s22, s20, $0xb8;
	[tilespmem:$0x1C200] =	vst v63  }
0x74: {  	_ =	swait.ge [sflag:s25], $0x3E80  }
0x75: {  	[sflag:s25] =	ssyncset.done $0x0  }
0x76: {  	[sflag:s25] =	ssyncadd.s32 $0xFFFFC180  }
0x77: {  	[spmem:s3] =	stream.indirect.scatter.add.f32 [tilespmem:s21], [sflag:$0x5], $0x80, s18, s20, $0xb8;
	[tilespmem:$0x1C200] =	vst v63  }
0x78: {  	_ =	swait.ge [sflag:s17], $0x3E80  }
0x79: {  	[sflag:s17] =	ssyncset.done $0x0  }
0x7a: {  	[sflag:s17] =	ssyncadd.s32 $0xFFFFC180  }
0x7b: {  	_ =	swait.ge [sflag:s26], $0x3E80  }
0x7c: {  	[sflag:s26] =	ssyncset.done $0x0  }
0x7d: {  	[sflag:s26] =	ssyncadd.s32 $0xFFFFC180  }
0x7e: {  	[spmem:s3] =	stream.indirect.scatter.add.f32 [tilespmem:s24], [sflag:$0x5], $0x80, s28, s20, $0xb8;
	[tilespmem:$0x1C200] =	vst v63  }
0x7f: {  	_ =	swait.ge [sflag:s17], $0x3E80  }
0x80: {  	s29 =	sadd.s32 $0x1, s29;
	[sflag:s17] =	ssyncset.done $0x0  }
0x81: {  	p0 =	sne.s32 s29, s15;
	[sflag:s17] =	ssyncadd.s32 $0xFFFFC180  }
.Ltmp1:
0x82: {  	[bflag:$0x0] =	sbarrier.arrive $0xFFFF;
	(pc) =	sbr.rel @p0 .LBB2_1-.Ltmp1, $4  }
0x83: {  	[hbm:s14], [sflag:s9] =	dma.local [spmem:s16], $0x2800  }
0x84: {  	_ =	swait.ge [sflag:s17], $0x2800  }
0x85: {  	[sflag:s17] =	ssyncset.done $0x0  }
0x86: {  	[sflag:s17] =	ssyncadd.s32 $0xFFFFD800  }
0x87: {  	_ =	sfence.sel $0x180000  }
0x88: {  	[bflag:$0x0] =	sbarrier.arrive $0xFFFF  }
0x89: {  	_ =	strace $0x90000059  }
0x8a: {  	s0 =	stileid.u32;
	[bflag:$0x2] =	sbarrier.arrive $0xFFFF  }
0x8b: {  	p0 =	sne.s32 s0, $0x0;
	s0 =	rddreg [dreg:$0x4]  }
0x8c: {  	s0 =	sadd.s32 @!p0 $0x100000, s0  }
0x8d: {  	[sflag:s0] =	ssyncadd.tile.s32 @!p0 $0x1;
	_ =	shalt  }
.Lfunc_end2:
_tile_overlayer_lowered:
.L_overlay_start_2:
0x8e: {  	(tag) =	ssettag $0x2  }
0x8f: {  	s0 =	rddreg [dreg:$0x0];
	s2 =	stileid.u32  }
0x90: {  	s1 =	rddreg [dreg:$0x1];
	p0 =	sne.s32 s2, $0x0  }
0x91: {  	s3 =	rddreg [dreg:$0x2];
	[bflag:$0x3] =	sbarrier.arrive $0xFFFF;
	s2 =	simm.s32 @!p0 $0x1C05  }
0x92: {  	[timem:s3], [sflag:s2] =	dma.local @!p0 [hbm:s0], s1  }
0x93: {  	s0 =	simm.s32 @!p0 $0x5  }
0x94: {  	_ =	swait.ge @!p0 [sflag:s0], s1  }
0x95: {  	s1 =	ssub.s32 @!p0 $0x0, s1;
	[sflag:s0] =	ssyncset.done @!p0 $0x0  }
0x96: {  	[sflag:s0] =	ssyncadd.s32 @!p0 s1  }
0x97: {  	[bflag:$0x3] =	sbarrier.arrive $0xFFFF  }
0x98: {  	_ =	shalt  }

</sc_bundles>
